<compile_context>
chip_gen: v7x
topology: tpu7x:2x2x1
jax: 0.10.2.dev20260603
libtpu: 0.0.44.dev20260713+nightly
codegen_flags: <defaults>
</compile_context>

<pallas_src>
import dataclasses

import jax
import jax.numpy as jnp
from jax import lax
from jax.experimental import pallas as pl
from jax.experimental.pallas import tpu as pltpu
from jax.experimental.pallas import tpu_sc as plsc

N = 10000
F = 256
B = 256
U = 128
HIDDEN = 2048
OUT = 512

NC = 2
NS = 16
NW = NC * NS
L = 16
NP = 10240
NT = NP // L
NTR = N // L
TPW = NT // NW
FV = F // L
HL = F // 2
BPR = 272


def _sc_segment_sums(x, batch_pad):
    mesh = plsc.VectorSubcoreMesh(core_axis_name="c", subcore_axis_name="s")
    cp = pltpu.CompilerParams()
    if "needs_layout_passes" in pltpu.CompilerParams.__dataclass_fields__:
        cp = dataclasses.replace(cp, needs_layout_passes=False)

    @pl.kernel(
        compiler_params=cp,
        out_type=[
            jax.ShapeDtypeStruct((NW, BPR, HL), jnp.float32),
            jax.ShapeDtypeStruct((NW, BPR, HL), jnp.float32),
        ],
        mesh=mesh,
        scratch_types=[
            pltpu.VMEM((TPW * L,), jnp.int32),
            pltpu.VMEM((L, F), jnp.float32),
            pltpu.VMEM((L, F), jnp.float32),
            pltpu.VMEM((L, F), jnp.float32),
            pltpu.VMEM((L, F), jnp.float32),
            pltpu.VMEM((BPR, HL), jnp.float32),
            pltpu.VMEM((BPR, HL), jnp.float32),
            pltpu.SemaphoreType.DMA,
            pltpu.SemaphoreType.DMA,
            pltpu.SemaphoreType.DMA,
            pltpu.SemaphoreType.DMA,
            pltpu.SemaphoreType.DMA,
        ],
    )
    def seg(x_hbm, bat_hbm, lo_hbm, hi_hbm, idx_v, tile0_v, tile1_v, tile2_v,
            tile3_v, acc_lo, acc_hi, sem0, sem1, sem2, sem3, semi):
        c = lax.axis_index("c")
        s = lax.axis_index("s")
        w = c * NS + s
        t0 = w * TPW
        bufs = (tile0_v, tile1_v, tile2_v, tile3_v)
        sems = (sem0, sem1, sem2, sem3)
        NB = len(bufs)

        idx_cp = pltpu.async_copy(bat_hbm.at[pl.ds(t0 * L, TPW * L)], idx_v,
                                  semi)
        cps = [pltpu.async_copy(
            x_hbm.at[pl.ds(jnp.minimum(t0 + jj, NTR - 1) * L, L)],
            bufs[jj], sems[jj]) for jj in range(NB)]

        zeros16 = jnp.zeros((L,), jnp.float32)
        iota16 = lax.iota(jnp.int32, L)
        offs = [iota16 + d * L for d in range(FV // 2)]

        @pl.loop(0, BPR)
        def _(i):
            for d in range(FV // 2):
                acc_lo[i, pl.ds(d * L, L)] = zeros16
                acc_hi[i, pl.ds(d * L, L)] = zeros16

        idx_cp.wait()
        for j in range(TPW):
            if j + NB < TPW:
                cps.append(pltpu.async_copy(
                    x_hbm.at[pl.ds(jnp.minimum(t0 + j + NB, NTR - 1) * L, L)],
                    bufs[(j + NB) % NB], sems[(j + NB) % NB]))
            cps[j].wait()
            buf = bufs[j % NB]
            ids = idx_v[pl.ds(j * L, L)]

            @pl.loop(0, L)
            def _(r):
                row = lax.gather(
                    ids, jnp.full((L, 1), r, jnp.int32),
                    lax.GatherDimensionNumbers(
                        offset_dims=(), collapsed_slice_dims=(0,),
                        start_index_map=(0,)),
                    (1,), mode=lax.GatherScatterMode.PROMISE_IN_BOUNDS)
                vals = [buf[r, pl.ds(t * L, L)] for t in range(FV)]
                for t in range(FV):
                    acc = acc_lo if t < FV // 2 else acc_hi
                    plsc.addupdate_scatter(acc, [row, offs[t % (FV // 2)]],
                                           vals[t])

        pltpu.sync_copy(acc_lo, lo_hbm.at[w])
        pltpu.sync_copy(acc_hi, hi_hbm.at[w])

    return seg(x, batch_pad)


def _nt_dot(a, b):
    return lax.dot_general(a.astype(jnp.bfloat16), b.astype(jnp.bfloat16),
                           (((1,), (1,)), ((), ())),
                           preferred_element_type=jnp.float32)


def _pre_body(bat_ref, u_ref, w1_ref, b1_ref, pre_ref, inv_ref):
    segs = lax.broadcasted_iota(jnp.int32, (B, 1), 0).astype(jnp.float32)
    cnt = jnp.sum(jnp.where(bat_ref[...] == segs, 1.0, 0.0), axis=1,
                  keepdims=True)
    inv_ref[...] = 1.0 / jnp.maximum(cnt, 1.0)
    pre_ref[...] = _nt_dot(u_ref[...], w1_ref[:, :U]) + b1_ref[...]


def _mlp_body(lo_ref, hi_ref, inv_ref, pre_ref, w1_ref, w2_ref, b2_ref,
              o_ref):
    sums_lo = jnp.sum(lo_ref[...], axis=0)[:B]
    sums_hi = jnp.sum(hi_ref[...], axis=0)[:B]
    inv = inv_ref[...]
    h = (pre_ref[...]
         + _nt_dot(sums_lo * inv, w1_ref[:, U:U + HL])
         + _nt_dot(sums_hi * inv, w1_ref[:, U + HL:]))
    h = jnp.maximum(h, 0.0)
    o_ref[...] = _nt_dot(h, w2_ref[...]) + b2_ref[...]


def kernel(x, edge_index, u, batch, W1, b1, W2, b2):
    del edge_index
    x = x.astype(jnp.float32)
    bat_pad = jnp.concatenate(
        [batch.astype(jnp.int32), jnp.full((NP - N,), B, jnp.int32)])
    part_lo, part_hi = _sc_segment_sums(x, bat_pad)
    bat_row = bat_pad.astype(jnp.float32).reshape(1, NP)
    pre, inv = pl.pallas_call(
        _pre_body,
        out_shape=[jax.ShapeDtypeStruct((B, HIDDEN), jnp.float32),
                   jax.ShapeDtypeStruct((B, 1), jnp.float32)],
    )(bat_row, u, W1, b1.reshape(1, HIDDEN))
    return pl.pallas_call(
        _mlp_body,
        out_shape=jax.ShapeDtypeStruct((B, OUT), jnp.float32),
    )(part_lo, part_hi, inv, pre, W1, W2, b2.reshape(1, OUT))

# --- scband reference (transcript-rebuilt; emitter-appended) ---
"""Pipeline reference for scband-global-model-7138235646190 (READ-ONLY COPY).

The authoritative reference and input builder live on the scoring server;
editing this copy changes nothing except your own understanding.
"""

import jax, jax.numpy as jnp
import numpy as np

N = 10000
E = 160000
B = 256
NUM_FEATURES = 256
U_SIZE = 128
HIDDEN = 2048
OUT = 512


def setup_inputs(seed: int = 0) -> dict:
    key = jax.random.key(seed)
    k = jax.random.split(key, 8)
    x = jax.random.normal(k[0], (N, NUM_FEATURES), dtype=jnp.float32)
    edge_index = jax.random.randint(k[1], (2, E), 0, N, dtype=jnp.int64)
    u = jax.random.normal(k[2], (B, U_SIZE), dtype=jnp.float32)
    batch = jnp.sort(jax.random.randint(k[3], (N,), 0, B, dtype=jnp.int64))
    W1 = jax.random.normal(k[4], (HIDDEN, NUM_FEATURES + U_SIZE), dtype=jnp.float32) * 0.02
    b1 = jnp.zeros((HIDDEN,), dtype=jnp.float32)
    W2 = jax.random.normal(k[5], (OUT, HIDDEN), dtype=jnp.float32) * 0.02
    b2 = jnp.zeros((OUT,), dtype=jnp.float32)
    return {"x": x, "edge_index": edge_index, "u": u, "batch": batch,
            "W1": W1, "b1": b1, "W2": W2, "b2": b2}


def reference(x, edge_index, u, batch, W1, b1, W2, b2):
    # scatter_mean(x, batch, dim=0) -> per-graph mean node features
    num_segments = u.shape[0]
    sums = jax.ops.segment_sum(x, batch, num_segments=num_segments)
    counts = jax.ops.segment_sum(jnp.ones((x.shape[0],), dtype=x.dtype), batch,
                                 num_segments=num_segments)
    mean = sums / jnp.clip(counts, 1.0, None)[:, None]
    out = jnp.concatenate([u, mean], axis=1)
    h = jax.nn.relu(out @ W1.T + b1)
    return h @ W2.T + b2

if __name__ == "__main__":
    import jax
    _d = setup_inputs()
    print(jax.jit(kernel)(*tuple(_d.values())))

</pallas_src>

<mosaic_0001>
#map = affine_map<(d0, d1) -> (0, 0)>
#map1 = affine_map<(d0, d1) -> (0)>
#map2 = affine_map<(d0, d1) -> (0, 0, 0)>
module attributes {stable_mosaic.version = 14 : i64} {
  func.func @seg(%arg0: i32, %arg1: i32, %arg2: memref<10000x256xf32, #tpu.memory_space<hbm>>, %arg3: memref<10240xi32, #tpu.memory_space<hbm>>, %arg4: memref<32x272x128xf32, #tpu.memory_space<hbm>>, %arg5: memref<32x272x128xf32, #tpu.memory_space<hbm>>, %arg6: memref<320xi32, #tpu.memory_space<vmem>>, %arg7: memref<16x256xf32, #tpu.memory_space<vmem>>, %arg8: memref<16x256xf32, #tpu.memory_space<vmem>>, %arg9: memref<16x256xf32, #tpu.memory_space<vmem>>, %arg10: memref<16x256xf32, #tpu.memory_space<vmem>>, %arg11: memref<272x128xf32, #tpu.memory_space<vmem>>, %arg12: memref<272x128xf32, #tpu.memory_space<vmem>>, %arg13: memref<!tpu.dma_semaphore, #tpu.memory_space<semaphore_mem>>, %arg14: memref<!tpu.dma_semaphore, #tpu.memory_space<semaphore_mem>>, %arg15: memref<!tpu.dma_semaphore, #tpu.memory_space<semaphore_mem>>, %arg16: memref<!tpu.dma_semaphore, #tpu.memory_space<semaphore_mem>>, %arg17: memref<!tpu.dma_semaphore, #tpu.memory_space<semaphore_mem>>) attributes {dimension_semantics = [#tpu.dimension_semantics<core_parallel>, #tpu.dimension_semantics<subcore_parallel>], iteration_bounds = array<i64: 2, 16>, scalar_prefetch = 0 : i64, scratch_operands = 12 : i64, tpu.core_type = #tpu.core_type<sc_vector_subcore>, window_params = [{transform_indices = #map}, {transform_indices = #map1}, {transform_indices = #map2}, {transform_indices = #map2}]} {
    %mul3A = arith.constant 16 : i32
    %mul3A_0 = arith.muli %arg0, %mul3A : i32
    %add3A = arith.addi %mul3A_0, %arg1 : i32
    %mul3A_1 = arith.constant 20 : i32
    %mul3A_2 = arith.muli %add3A, %mul3A_1 : i32
    %mul3A_3 = arith.constant 16 : i32
    %mul3A_4 = arith.muli %mul3A_2, %mul3A_3 : i32
    %dma_start3A = tpu.memref_slice %arg3[%mul3A_4] : memref<10240xi32, #tpu.memory_space<hbm>> -> memref<320xi32, #tpu.memory_space<hbm>>
    %dma_start3A_5 = tpu.memref_slice %arg3[%mul3A_4] : memref<10240xi32, #tpu.memory_space<hbm>> -> memref<320xi32, #tpu.memory_space<hbm>>
    tpu.enqueue_dma source(%dma_start3A_5 : memref<320xi32, #tpu.memory_space<hbm>>) target(%arg6 : memref<320xi32, #tpu.memory_space<vmem>>) target_semaphore(%arg17 : memref<!tpu.dma_semaphore, #tpu.memory_space<semaphore_mem>>)
    %add3A_6 = arith.constant 0 : i32
    %add3A_7 = arith.addi %mul3A_2, %add3A_6 : i32
    %min3A = arith.constant 624 : i32
    %min3A_8 = arith.minsi %add3A_7, %min3A : i32
    %mul3A_9 = arith.constant 16 : i32
    %mul3A_10 = arith.muli %min3A_8, %mul3A_9 : i32
    %dma_start3A_11 = arith.constant 0 : i32
    %dma_start3A_12 = tpu.memref_slice %arg2[%mul3A_10, %dma_start3A_11] : memref<10000x256xf32, #tpu.memory_space<hbm>> -> memref<16x256xf32, #tpu.memory_space<hbm>>
    %dma_start3A_13 = arith.constant 0 : i32
    %dma_start3A_14 = tpu.memref_slice %arg2[%mul3A_10, %dma_start3A_13] : memref<10000x256xf32, #tpu.memory_space<hbm>> -> memref<16x256xf32, #tpu.memory_space<hbm>>
    tpu.enqueue_dma source(%dma_start3A_14 : memref<16x256xf32, #tpu.memory_space<hbm>>) target(%arg7 : memref<16x256xf32, #tpu.memory_space<vmem>>) target_semaphore(%arg13 : memref<!tpu.dma_semaphore, #tpu.memory_space<semaphore_mem>>)
    %add3A_15 = arith.constant 1 : i32
    %add3A_16 = arith.addi %mul3A_2, %add3A_15 : i32
    %min3A_17 = arith.constant 624 : i32
    %min3A_18 = arith.minsi %add3A_16, %min3A_17 : i32
    %mul3A_19 = arith.constant 16 : i32
    %mul3A_20 = arith.muli %min3A_18, %mul3A_19 : i32
    %dma_start3A_21 = arith.constant 0 : i32
    %dma_start3A_22 = tpu.memref_slice %arg2[%mul3A_20, %dma_start3A_21] : memref<10000x256xf32, #tpu.memory_space<hbm>> -> memref<16x256xf32, #tpu.memory_space<hbm>>
    %dma_start3A_23 = arith.constant 0 : i32
    %dma_start3A_24 = tpu.memref_slice %arg2[%mul3A_20, %dma_start3A_23] : memref<10000x256xf32, #tpu.memory_space<hbm>> -> memref<16x256xf32, #tpu.memory_space<hbm>>
    tpu.enqueue_dma source(%dma_start3A_24 : memref<16x256xf32, #tpu.memory_space<hbm>>) target(%arg8 : memref<16x256xf32, #tpu.memory_space<vmem>>) target_semaphore(%arg14 : memref<!tpu.dma_semaphore, #tpu.memory_space<semaphore_mem>>)
    %add3A_25 = arith.constant 2 : i32
    %add3A_26 = arith.addi %mul3A_2, %add3A_25 : i32
    %min3A_27 = arith.constant 624 : i32
    %min3A_28 = arith.minsi %add3A_26, %min3A_27 : i32
    %mul3A_29 = arith.constant 16 : i32
    %mul3A_30 = arith.muli %min3A_28, %mul3A_29 : i32
    %dma_start3A_31 = arith.constant 0 : i32
    %dma_start3A_32 = tpu.memref_slice %arg2[%mul3A_30, %dma_start3A_31] : memref<10000x256xf32, #tpu.memory_space<hbm>> -> memref<16x256xf32, #tpu.memory_space<hbm>>
    %dma_start3A_33 = arith.constant 0 : i32
    %dma_start3A_34 = tpu.memref_slice %arg2[%mul3A_30, %dma_start3A_33] : memref<10000x256xf32, #tpu.memory_space<hbm>> -> memref<16x256xf32, #tpu.memory_space<hbm>>
    tpu.enqueue_dma source(%dma_start3A_34 : memref<16x256xf32, #tpu.memory_space<hbm>>) target(%arg9 : memref<16x256xf32, #tpu.memory_space<vmem>>) target_semaphore(%arg15 : memref<!tpu.dma_semaphore, #tpu.memory_space<semaphore_mem>>)
    %add3A_35 = arith.constant 3 : i32
    %add3A_36 = arith.addi %mul3A_2, %add3A_35 : i32
    %min3A_37 = arith.constant 624 : i32
    %min3A_38 = arith.minsi %add3A_36, %min3A_37 : i32
    %mul3A_39 = arith.constant 16 : i32
    %mul3A_40 = arith.muli %min3A_38, %mul3A_39 : i32
    %dma_start3A_41 = arith.constant 0 : i32
    %dma_start3A_42 = tpu.memref_slice %arg2[%mul3A_40, %dma_start3A_41] : memref<10000x256xf32, #tpu.memory_space<hbm>> -> memref<16x256xf32, #tpu.memory_space<hbm>>
    %dma_start3A_43 = arith.constant 0 : i32
    %dma_start3A_44 = tpu.memref_slice %arg2[%mul3A_40, %dma_start3A_43] : memref<10000x256xf32, #tpu.memory_space<hbm>> -> memref<16x256xf32, #tpu.memory_space<hbm>>
    tpu.enqueue_dma source(%dma_start3A_44 : memref<16x256xf32, #tpu.memory_space<hbm>>) target(%arg10 : memref<16x256xf32, #tpu.memory_space<vmem>>) target_semaphore(%arg16 : memref<!tpu.dma_semaphore, #tpu.memory_space<semaphore_mem>>)
    %broadcast_in_dim3A = arith.constant 0.000000e+00 : f32
    %broadcast_in_dim3A_45 = vector.broadcast %broadcast_in_dim3A : f32 to vector<16xf32>
    %iota3A = tpu.iota {dimensions = array<i32: 0>} : vector<16xi32>
    %add3A_46 = arith.constant 0 : i32
    %add3A_47 = vector.broadcast %add3A_46 : i32 to vector<16xi32>
    %add3A_48 = arith.addi %iota3A, %add3A_47 : vector<16xi32>
    %add3A_49 = arith.constant 16 : i32
    %add3A_50 = vector.broadcast %add3A_49 : i32 to vector<16xi32>
    %add3A_51 = arith.addi %iota3A, %add3A_50 : vector<16xi32>
    %add3A_52 = arith.constant 32 : i32
    %add3A_53 = vector.broadcast %add3A_52 : i32 to vector<16xi32>
    %add3A_54 = arith.addi %iota3A, %add3A_53 : vector<16xi32>
    %add3A_55 = arith.constant 48 : i32
    %add3A_56 = vector.broadcast %add3A_55 : i32 to vector<16xi32>
    %add3A_57 = arith.addi %iota3A, %add3A_56 : vector<16xi32>
    %add3A_58 = arith.constant 64 : i32
    %add3A_59 = vector.broadcast %add3A_58 : i32 to vector<16xi32>
    %add3A_60 = arith.addi %iota3A, %add3A_59 : vector<16xi32>
    %add3A_61 = arith.constant 80 : i32
    %add3A_62 = vector.broadcast %add3A_61 : i32 to vector<16xi32>
    %add3A_63 = arith.addi %iota3A, %add3A_62 : vector<16xi32>
    %add3A_64 = arith.constant 96 : i32
    %add3A_65 = vector.broadcast %add3A_64 : i32 to vector<16xi32>
    %add3A_66 = arith.addi %iota3A, %add3A_65 : vector<16xi32>
    %add3A_67 = arith.constant 112 : i32
    %add3A_68 = vector.broadcast %add3A_67 : i32 to vector<16xi32>
    %add3A_69 = arith.addi %iota3A, %add3A_68 : vector<16xi32>
    %scan3A = arith.constant 0 : i32
    %scan3A_70 = arith.constant 272 : i32
    %scan3A_71 = arith.addi %scan3A, %scan3A_70 : i32
    %scan3A_72 = arith.constant 1 : i32
    scf.for %scan3A_486 = %scan3A to %scan3A_71 step %scan3A_72  : i32 {
      %mul3A_487 = arith.constant 1 : i32
      %mul3A_488 = arith.muli %scan3A_486, %mul3A_487 : i32
      %add3A_489 = arith.constant 0 : i32
      %add3A_490 = arith.addi %add3A_489, %mul3A_488 : i32
      %swap3A = arith.index_cast %add3A_490 : i32 to index
      %swap3A_491 = arith.constant 0 : index
      %swap3A_492 = tpu.vector_load %arg11[%swap3A, %swap3A_491] {strides = array<i32>} : memref<272x128xf32, #tpu.memory_space<vmem>>, vector<16xf32>,
      tpu.vector_store %arg11[%swap3A, %swap3A_491], %broadcast_in_dim3A_45 {strides = array<i32>} : memref<272x128xf32, #tpu.memory_space<vmem>>, vector<16xf32>,
      %swap3A_493 = arith.index_cast %add3A_490 : i32 to index
      %swap3A_494 = arith.constant 0 : index
      %swap3A_495 = tpu.vector_load %arg12[%swap3A_493, %swap3A_494] {strides = array<i32>} : memref<272x128xf32, #tpu.memory_space<vmem>>, vector<16xf32>,
      tpu.vector_store %arg12[%swap3A_493, %swap3A_494], %broadcast_in_dim3A_45 {strides = array<i32>} : memref<272x128xf32, #tpu.memory_space<vmem>>, vector<16xf32>,
      %swap3A_496 = arith.index_cast %add3A_490 : i32 to index
      %swap3A_497 = arith.constant 16 : index
      %swap3A_498 = tpu.vector_load %arg11[%swap3A_496, %swap3A_497] {strides = array<i32>} : memref<272x128xf32, #tpu.memory_space<vmem>>, vector<16xf32>,
      tpu.vector_store %arg11[%swap3A_496, %swap3A_497], %broadcast_in_dim3A_45 {strides = array<i32>} : memref<272x128xf32, #tpu.memory_space<vmem>>, vector<16xf32>,
      %swap3A_499 = arith.index_cast %add3A_490 : i32 to index
      %swap3A_500 = arith.constant 16 : index
      %swap3A_501 = tpu.vector_load %arg12[%swap3A_499, %swap3A_500] {strides = array<i32>} : memref<272x128xf32, #tpu.memory_space<vmem>>, vector<16xf32>,
      tpu.vector_store %arg12[%swap3A_499, %swap3A_500], %broadcast_in_dim3A_45 {strides = array<i32>} : memref<272x128xf32, #tpu.memory_space<vmem>>, vector<16xf32>,
      %swap3A_502 = arith.index_cast %add3A_490 : i32 to index
      %swap3A_503 = arith.constant 32 : index
      %swap3A_504 = tpu.vector_load %arg11[%swap3A_502, %swap3A_503] {strides = array<i32>} : memref<272x128xf32, #tpu.memory_space<vmem>>, vector<16xf32>,
      tpu.vector_store %arg11[%swap3A_502, %swap3A_503], %broadcast_in_dim3A_45 {strides = array<i32>} : memref<272x128xf32, #tpu.memory_space<vmem>>, vector<16xf32>,
      %swap3A_505 = arith.index_cast %add3A_490 : i32 to index
      %swap3A_506 = arith.constant 32 : index
      %swap3A_507 = tpu.vector_load %arg12[%swap3A_505, %swap3A_506] {strides = array<i32>} : memref<272x128xf32, #tpu.memory_space<vmem>>, vector<16xf32>,
      tpu.vector_store %arg12[%swap3A_505, %swap3A_506], %broadcast_in_dim3A_45 {strides = array<i32>} : memref<272x128xf32, #tpu.memory_space<vmem>>, vector<16xf32>,
      %swap3A_508 = arith.index_cast %add3A_490 : i32 to index
      %swap3A_509 = arith.constant 48 : index
      %swap3A_510 = tpu.vector_load %arg11[%swap3A_508, %swap3A_509] {strides = array<i32>} : memref<272x128xf32, #tpu.memory_space<vmem>>, vector<16xf32>,
      tpu.vector_store %arg11[%swap3A_508, %swap3A_509], %broadcast_in_dim3A_45 {strides = array<i32>} : memref<272x128xf32, #tpu.memory_space<vmem>>, vector<16xf32>,
      %swap3A_511 = arith.index_cast %add3A_490 : i32 to index
      %swap3A_512 = arith.constant 48 : index
      %swap3A_513 = tpu.vector_load %arg12[%swap3A_511, %swap3A_512] {strides = array<i32>} : memref<272x128xf32, #tpu.memory_space<vmem>>, vector<16xf32>,
      tpu.vector_store %arg12[%swap3A_511, %swap3A_512], %broadcast_in_dim3A_45 {strides = array<i32>} : memref<272x128xf32, #tpu.memory_space<vmem>>, vector<16xf32>,
      %swap3A_514 = arith.index_cast %add3A_490 : i32 to index
      %swap3A_515 = arith.constant 64 : index
      %swap3A_516 = tpu.vector_load %arg11[%swap3A_514, %swap3A_515] {strides = array<i32>} : memref<272x128xf32, #tpu.memory_space<vmem>>, vector<16xf32>,
      tpu.vector_store %arg11[%swap3A_514, %swap3A_515], %broadcast_in_dim3A_45 {strides = array<i32>} : memref<272x128xf32, #tpu.memory_space<vmem>>, vector<16xf32>,
      %swap3A_517 = arith.index_cast %add3A_490 : i32 to index
      %swap3A_518 = arith.constant 64 : index
      %swap3A_519 = tpu.vector_load %arg12[%swap3A_517, %swap3A_518] {strides = array<i32>} : memref<272x128xf32, #tpu.memory_space<vmem>>, vector<16xf32>,
      tpu.vector_store %arg12[%swap3A_517, %swap3A_518], %broadcast_in_dim3A_45 {strides = array<i32>} : memref<272x128xf32, #tpu.memory_space<vmem>>, vector<16xf32>,
      %swap3A_520 = arith.index_cast %add3A_490 : i32 to index
      %swap3A_521 = arith.constant 80 : index
      %swap3A_522 = tpu.vector_load %arg11[%swap3A_520, %swap3A_521] {strides = array<i32>} : memref<272x128xf32, #tpu.memory_space<vmem>>, vector<16xf32>,
      tpu.vector_store %arg11[%swap3A_520, %swap3A_521], %broadcast_in_dim3A_45 {strides = array<i32>} : memref<272x128xf32, #tpu.memory_space<vmem>>, vector<16xf32>,
      %swap3A_523 = arith.index_cast %add3A_490 : i32 to index
      %swap3A_524 = arith.constant 80 : index
      %swap3A_525 = tpu.vector_load %arg12[%swap3A_523, %swap3A_524] {strides = array<i32>} : memref<272x128xf32, #tpu.memory_space<vmem>>, vector<16xf32>,
      tpu.vector_store %arg12[%swap3A_523, %swap3A_524], %broadcast_in_dim3A_45 {strides = array<i32>} : memref<272x128xf32, #tpu.memory_space<vmem>>, vector<16xf32>,
      %swap3A_526 = arith.index_cast %add3A_490 : i32 to index
      %swap3A_527 = arith.constant 96 : index
      %swap3A_528 = tpu.vector_load %arg11[%swap3A_526, %swap3A_527] {strides = array<i32>} : memref<272x128xf32, #tpu.memory_space<vmem>>, vector<16xf32>,
      tpu.vector_store %arg11[%swap3A_526, %swap3A_527], %broadcast_in_dim3A_45 {strides = array<i32>} : memref<272x128xf32, #tpu.memory_space<vmem>>, vector<16xf32>,
      %swap3A_529 = arith.index_cast %add3A_490 : i32 to index
      %swap3A_530 = arith.constant 96 : index
      %swap3A_531 = tpu.vector_load %arg12[%swap3A_529, %swap3A_530] {strides = array<i32>} : memref<272x128xf32, #tpu.memory_space<vmem>>, vector<16xf32>,
      tpu.vector_store %arg12[%swap3A_529, %swap3A_530], %broadcast_in_dim3A_45 {strides = array<i32>} : memref<272x128xf32, #tpu.memory_space<vmem>>, vector<16xf32>,
      %swap3A_532 = arith.index_cast %add3A_490 : i32 to index
      %swap3A_533 = arith.constant 112 : index
      %swap3A_534 = tpu.vector_load %arg11[%swap3A_532, %swap3A_533] {strides = array<i32>} : memref<272x128xf32, #tpu.memory_space<vmem>>, vector<16xf32>,
      tpu.vector_store %arg11[%swap3A_532, %swap3A_533], %broadcast_in_dim3A_45 {strides = array<i32>} : memref<272x128xf32, #tpu.memory_space<vmem>>, vector<16xf32>,
      %swap3A_535 = arith.index_cast %add3A_490 : i32 to index
      %swap3A_536 = arith.constant 112 : index
      %swap3A_537 = tpu.vector_load %arg12[%swap3A_535, %swap3A_536] {strides = array<i32>} : memref<272x128xf32, #tpu.memory_space<vmem>>, vector<16xf32>,
      tpu.vector_store %arg12[%swap3A_535, %swap3A_536], %broadcast_in_dim3A_45 {strides = array<i32>} : memref<272x128xf32, #tpu.memory_space<vmem>>, vector<16xf32>,
    }
    %scan3A_73 = arith.constant 272 : i32
    %dma_wait3A = tpu.memref_slice %arg3[%mul3A_4] : memref<10240xi32, #tpu.memory_space<hbm>> -> memref<320xi32, #tpu.memory_space<hbm>>
    %dma_wait3A_74 = tpu.memref_slice %arg3[%mul3A_4] : memref<10240xi32, #tpu.memory_space<hbm>> -> memref<320xi32, #tpu.memory_space<hbm>>
    tpu.wait_dma2 semaphore(%arg17 : memref<!tpu.dma_semaphore, #tpu.memory_space<semaphore_mem>>) src(%dma_wait3A_74 : memref<320xi32, #tpu.memory_space<hbm>>) dst(%arg6 : memref<320xi32, #tpu.memory_space<vmem>>)
    %add3A_75 = arith.constant 0 : i32
    %add3A_76 = arith.addi %mul3A_2, %add3A_75 : i32
    %add3A_77 = arith.constant 4 : i32
    %add3A_78 = arith.addi %add3A_76, %add3A_77 : i32
    %min3A_79 = arith.constant 624 : i32
    %min3A_80 = arith.minsi %add3A_78, %min3A_79 : i32
    %mul3A_81 = arith.constant 16 : i32
    %mul3A_82 = arith.muli %min3A_80, %mul3A_81 : i32
    %dma_start3A_83 = arith.constant 0 : i32
    %dma_start3A_84 = tpu.memref_slice %arg2[%mul3A_82, %dma_start3A_83] : memref<10000x256xf32, #tpu.memory_space<hbm>> -> memref<16x256xf32, #tpu.memory_space<hbm>>
    %dma_start3A_85 = arith.constant 0 : i32
    %dma_start3A_86 = tpu.memref_slice %arg2[%mul3A_82, %dma_start3A_85] : memref<10000x256xf32, #tpu.memory_space<hbm>> -> memref<16x256xf32, #tpu.memory_space<hbm>>
    tpu.enqueue_dma source(%dma_start3A_86 : memref<16x256xf32, #tpu.memory_space<hbm>>) target(%arg7 : memref<16x256xf32, #tpu.memory_space<vmem>>) target_semaphore(%arg13 : memref<!tpu.dma_semaphore, #tpu.memory_space<semaphore_mem>>)
    %dma_wait3A_87 = arith.constant 0 : i32
    %dma_wait3A_88 = tpu.memref_slice %arg2[%mul3A_10, %dma_wait3A_87] : memref<10000x256xf32, #tpu.memory_space<hbm>> -> memref<16x256xf32, #tpu.memory_space<hbm>>
    %dma_wait3A_89 = arith.constant 0 : i32
    %dma_wait3A_90 = tpu.memref_slice %arg2[%mul3A_10, %dma_wait3A_89] : memref<10000x256xf32, #tpu.memory_space<hbm>> -> memref<16x256xf32, #tpu.memory_space<hbm>>
    tpu.wait_dma2 semaphore(%arg13 : memref<!tpu.dma_semaphore, #tpu.memory_space<semaphore_mem>>) src(%dma_wait3A_90 : memref<16x256xf32, #tpu.memory_space<hbm>>) dst(%arg7 : memref<16x256xf32, #tpu.memory_space<vmem>>)
    %get3A = arith.constant 0 : index
    %get3A_91 = tpu.vector_load %arg6[%get3A] {strides = array<i32>} : memref<320xi32, #tpu.memory_space<vmem>>, vector<16xi32>,
    %scan3A_92 = arith.constant 0 : i32
    %scan3A_93 = arith.constant 16 : i32
    %scan3A_94 = arith.addi %scan3A_92, %scan3A_93 : i32
    %scan3A_95 = arith.constant 1 : i32
    scf.for %scan3A_486 = %scan3A_92 to %scan3A_94 step %scan3A_95  : i32 {
      %mul3A_487 = arith.constant 1 : i32
      %mul3A_488 = arith.muli %scan3A_486, %mul3A_487 : i32
      %add3A_489 = arith.constant 0 : i32
      %add3A_490 = arith.addi %add3A_489, %mul3A_488 : i32
      %broadcast_in_dim3A_491 = vector.broadcast %add3A_490 : i32 to vector<16x1xi32>
      %gather3A = vector.shape_cast %broadcast_in_dim3A_491 : vector<16x1xi32> to vector<16xi32>
      %gather3A_492 = tpu.dynamic_gather %get3A_91[%gather3A] in [0] : vector<16xi32>, vector<16xi32> -> vector<16xi32>
      %get3A_493 = arith.index_cast %add3A_490 : i32 to index
      %get3A_494 = arith.constant 0 : index
      %get3A_495 = tpu.vector_load %arg7[%get3A_493, %get3A_494] {strides = array<i32>} : memref<16x256xf32, #tpu.memory_space<vmem>>, vector<16xf32>,
      %get3A_496 = arith.index_cast %add3A_490 : i32 to index
      %get3A_497 = arith.constant 16 : index
      %get3A_498 = tpu.vector_load %arg7[%get3A_496, %get3A_497] {strides = array<i32>} : memref<16x256xf32, #tpu.memory_space<vmem>>, vector<16xf32>,
      %get3A_499 = arith.index_cast %add3A_490 : i32 to index
      %get3A_500 = arith.constant 32 : index
      %get3A_501 = tpu.vector_load %arg7[%get3A_499, %get3A_500] {strides = array<i32>} : memref<16x256xf32, #tpu.memory_space<vmem>>, vector<16xf32>,
      %get3A_502 = arith.index_cast %add3A_490 : i32 to index
      %get3A_503 = arith.constant 48 : index
      %get3A_504 = tpu.vector_load %arg7[%get3A_502, %get3A_503] {strides = array<i32>} : memref<16x256xf32, #tpu.memory_space<vmem>>, vector<16xf32>,
      %get3A_505 = arith.index_cast %add3A_490 : i32 to index
      %get3A_506 = arith.constant 64 : index
      %get3A_507 = tpu.vector_load %arg7[%get3A_505, %get3A_506] {strides = array<i32>} : memref<16x256xf32, #tpu.memory_space<vmem>>, vector<16xf32>,
      %get3A_508 = arith.index_cast %add3A_490 : i32 to index
      %get3A_509 = arith.constant 80 : index
      %get3A_510 = tpu.vector_load %arg7[%get3A_508, %get3A_509] {strides = array<i32>} : memref<16x256xf32, #tpu.memory_space<vmem>>, vector<16xf32>,
      %get3A_511 = arith.index_cast %add3A_490 : i32 to index
      %get3A_512 = arith.constant 96 : index
      %get3A_513 = tpu.vector_load %arg7[%get3A_511, %get3A_512] {strides = array<i32>} : memref<16x256xf32, #tpu.memory_space<vmem>>, vector<16xf32>,
      %get3A_514 = arith.index_cast %add3A_490 : i32 to index
      %get3A_515 = arith.constant 112 : index
      %get3A_516 = tpu.vector_load %arg7[%get3A_514, %get3A_515] {strides = array<i32>} : memref<16x256xf32, #tpu.memory_space<vmem>>, vector<16xf32>,
      %get3A_517 = arith.index_cast %add3A_490 : i32 to index
      %get3A_518 = arith.constant 128 : index
      %get3A_519 = tpu.vector_load %arg7[%get3A_517, %get3A_518] {strides = array<i32>} : memref<16x256xf32, #tpu.memory_space<vmem>>, vector<16xf32>,
      %get3A_520 = arith.index_cast %add3A_490 : i32 to index
      %get3A_521 = arith.constant 144 : index
      %get3A_522 = tpu.vector_load %arg7[%get3A_520, %get3A_521] {strides = array<i32>} : memref<16x256xf32, #tpu.memory_space<vmem>>, vector<16xf32>,
      %get3A_523 = arith.index_cast %add3A_490 : i32 to index
      %get3A_524 = arith.constant 160 : index
      %get3A_525 = tpu.vector_load %arg7[%get3A_523, %get3A_524] {strides = array<i32>} : memref<16x256xf32, #tpu.memory_space<vmem>>, vector<16xf32>,
      %get3A_526 = arith.index_cast %add3A_490 : i32 to index
      %get3A_527 = arith.constant 176 : index
      %get3A_528 = tpu.vector_load %arg7[%get3A_526, %get3A_527] {strides = array<i32>} : memref<16x256xf32, #tpu.memory_space<vmem>>, vector<16xf32>,
      %get3A_529 = arith.index_cast %add3A_490 : i32 to index
      %get3A_530 = arith.constant 192 : index
      %get3A_531 = tpu.vector_load %arg7[%get3A_529, %get3A_530] {strides = array<i32>} : memref<16x256xf32, #tpu.memory_space<vmem>>, vector<16xf32>,
      %get3A_532 = arith.index_cast %add3A_490 : i32 to index
      %get3A_533 = arith.constant 208 : index
      %get3A_534 = tpu.vector_load %arg7[%get3A_532, %get3A_533] {strides = array<i32>} : memref<16x256xf32, #tpu.memory_space<vmem>>, vector<16xf32>,
      %get3A_535 = arith.index_cast %add3A_490 : i32 to index
      %get3A_536 = arith.constant 224 : index
      %get3A_537 = tpu.vector_load %arg7[%get3A_535, %get3A_536] {strides = array<i32>} : memref<16x256xf32, #tpu.memory_space<vmem>>, vector<16xf32>,
      %get3A_538 = arith.index_cast %add3A_490 : i32 to index
      %get3A_539 = arith.constant 240 : index
      %get3A_540 = tpu.vector_load %arg7[%get3A_538, %get3A_539] {strides = array<i32>} : memref<16x256xf32, #tpu.memory_space<vmem>>, vector<16xf32>,
      tpu.vector_store_idx %arg11[%gather3A_492, %add3A_48], %get3A_495 {add = true} : memref<272x128xf32, #tpu.memory_space<vmem>>[vector<16xi32>, vector<16xi32>], vector<16xf32>,
      tpu.vector_store_idx %arg11[%gather3A_492, %add3A_51], %get3A_498 {add = true} : memref<272x128xf32, #tpu.memory_space<vmem>>[vector<16xi32>, vector<16xi32>], vector<16xf32>,
      tpu.vector_store_idx %arg11[%gather3A_492, %add3A_54], %get3A_501 {add = true} : memref<272x128xf32, #tpu.memory_space<vmem>>[vector<16xi32>, vector<16xi32>], vector<16xf32>,
      tpu.vector_store_idx %arg11[%gather3A_492, %add3A_57], %get3A_504 {add = true} : memref<272x128xf32, #tpu.memory_space<vmem>>[vector<16xi32>, vector<16xi32>], vector<16xf32>,
      tpu.vector_store_idx %arg11[%gather3A_492, %add3A_60], %get3A_507 {add = true} : memref<272x128xf32, #tpu.memory_space<vmem>>[vector<16xi32>, vector<16xi32>], vector<16xf32>,
      tpu.vector_store_idx %arg11[%gather3A_492, %add3A_63], %get3A_510 {add = true} : memref<272x128xf32, #tpu.memory_space<vmem>>[vector<16xi32>, vector<16xi32>], vector<16xf32>,
      tpu.vector_store_idx %arg11[%gather3A_492, %add3A_66], %get3A_513 {add = true} : memref<272x128xf32, #tpu.memory_space<vmem>>[vector<16xi32>, vector<16xi32>], vector<16xf32>,
      tpu.vector_store_idx %arg11[%gather3A_492, %add3A_69], %get3A_516 {add = true} : memref<272x128xf32, #tpu.memory_space<vmem>>[vector<16xi32>, vector<16xi32>], vector<16xf32>,
      tpu.vector_store_idx %arg12[%gather3A_492, %add3A_48], %get3A_519 {add = true} : memref<272x128xf32, #tpu.memory_space<vmem>>[vector<16xi32>, vector<16xi32>], vector<16xf32>,
      tpu.vector_store_idx %arg12[%gather3A_492, %add3A_51], %get3A_522 {add = true} : memref<272x128xf32, #tpu.memory_space<vmem>>[vector<16xi32>, vector<16xi32>], vector<16xf32>,
      tpu.vector_store_idx %arg12[%gather3A_492, %add3A_54], %get3A_525 {add = true} : memref<272x128xf32, #tpu.memory_space<vmem>>[vector<16xi32>, vector<16xi32>], vector<16xf32>,
      tpu.vector_store_idx %arg12[%gather3A_492, %add3A_57], %get3A_528 {add = true} : memref<272x128xf32, #tpu.memory_space<vmem>>[vector<16xi32>, vector<16xi32>], vector<16xf32>,
      tpu.vector_store_idx %arg12[%gather3A_492, %add3A_60], %get3A_531 {add = true} : memref<272x128xf32, #tpu.memory_space<vmem>>[vector<16xi32>, vector<16xi32>], vector<16xf32>,
      tpu.vector_store_idx %arg12[%gather3A_492, %add3A_63], %get3A_534 {add = true} : memref<272x128xf32, #tpu.memory_space<vmem>>[vector<16xi32>, vector<16xi32>], vector<16xf32>,
      tpu.vector_store_idx %arg12[%gather3A_492, %add3A_66], %get3A_537 {add = true} : memref<272x128xf32, #tpu.memory_space<vmem>>[vector<16xi32>, vector<16xi32>], vector<16xf32>,
      tpu.vector_store_idx %arg12[%gather3A_492, %add3A_69], %get3A_540 {add = true} : memref<272x128xf32, #tpu.memory_space<vmem>>[vector<16xi32>, vector<16xi32>], vector<16xf32>,
    }
    %scan3A_96 = arith.constant 16 : i32
    %add3A_97 = arith.constant 1 : i32
    %add3A_98 = arith.addi %mul3A_2, %add3A_97 : i32
    %add3A_99 = arith.constant 4 : i32
    %add3A_100 = arith.addi %add3A_98, %add3A_99 : i32
    %min3A_101 = arith.constant 624 : i32
    %min3A_102 = arith.minsi %add3A_100, %min3A_101 : i32
    %mul3A_103 = arith.constant 16 : i32
    %mul3A_104 = arith.muli %min3A_102, %mul3A_103 : i32
    %dma_start3A_105 = arith.constant 0 : i32
    %dma_start3A_106 = tpu.memref_slice %arg2[%mul3A_104, %dma_start3A_105] : memref<10000x256xf32, #tpu.memory_space<hbm>> -> memref<16x256xf32, #tpu.memory_space<hbm>>
    %dma_start3A_107 = arith.constant 0 : i32
    %dma_start3A_108 = tpu.memref_slice %arg2[%mul3A_104, %dma_start3A_107] : memref<10000x256xf32, #tpu.memory_space<hbm>> -> memref<16x256xf32, #tpu.memory_space<hbm>>
    tpu.enqueue_dma source(%dma_start3A_108 : memref<16x256xf32, #tpu.memory_space<hbm>>) target(%arg8 : memref<16x256xf32, #tpu.memory_space<vmem>>) target_semaphore(%arg14 : memref<!tpu.dma_semaphore, #tpu.memory_space<semaphore_mem>>)
    %dma_wait3A_109 = arith.constant 0 : i32
    %dma_wait3A_110 = tpu.memref_slice %arg2[%mul3A_20, %dma_wait3A_109] : memref<10000x256xf32, #tpu.memory_space<hbm>> -> memref<16x256xf32, #tpu.memory_space<hbm>>
    %dma_wait3A_111 = arith.constant 0 : i32
    %dma_wait3A_112 = tpu.memref_slice %arg2[%mul3A_20, %dma_wait3A_111] : memref<10000x256xf32, #tpu.memory_space<hbm>> -> memref<16x256xf32, #tpu.memory_space<hbm>>
    tpu.wait_dma2 semaphore(%arg14 : memref<!tpu.dma_semaphore, #tpu.memory_space<semaphore_mem>>) src(%dma_wait3A_112 : memref<16x256xf32, #tpu.memory_space<hbm>>) dst(%arg8 : memref<16x256xf32, #tpu.memory_space<vmem>>)
    %get3A_113 = arith.constant 16 : index
    %get3A_114 = tpu.vector_load %arg6[%get3A_113] {strides = array<i32>} : memref<320xi32, #tpu.memory_space<vmem>>, vector<16xi32>,
    %scan3A_115 = arith.constant 0 : i32
    %scan3A_116 = arith.constant 16 : i32
    %scan3A_117 = arith.addi %scan3A_115, %scan3A_116 : i32
    %scan3A_118 = arith.constant 1 : i32
    scf.for %scan3A_486 = %scan3A_115 to %scan3A_117 step %scan3A_118  : i32 {
      %mul3A_487 = arith.constant 1 : i32
      %mul3A_488 = arith.muli %scan3A_486, %mul3A_487 : i32
      %add3A_489 = arith.constant 0 : i32
      %add3A_490 = arith.addi %add3A_489, %mul3A_488 : i32
      %broadcast_in_dim3A_491 = vector.broadcast %add3A_490 : i32 to vector<16x1xi32>
      %gather3A = vector.shape_cast %broadcast_in_dim3A_491 : vector<16x1xi32> to vector<16xi32>
      %gather3A_492 = tpu.dynamic_gather %get3A_114[%gather3A] in [0] : vector<16xi32>, vector<16xi32> -> vector<16xi32>
      %get3A_493 = arith.index_cast %add3A_490 : i32 to index
      %get3A_494 = arith.constant 0 : index
      %get3A_495 = tpu.vector_load %arg8[%get3A_493, %get3A_494] {strides = array<i32>} : memref<16x256xf32, #tpu.memory_space<vmem>>, vector<16xf32>,
      %get3A_496 = arith.index_cast %add3A_490 : i32 to index
      %get3A_497 = arith.constant 16 : index
      %get3A_498 = tpu.vector_load %arg8[%get3A_496, %get3A_497] {strides = array<i32>} : memref<16x256xf32, #tpu.memory_space<vmem>>, vector<16xf32>,
      %get3A_499 = arith.index_cast %add3A_490 : i32 to index
      %get3A_500 = arith.constant 32 : index
      %get3A_501 = tpu.vector_load %arg8[%get3A_499, %get3A_500] {strides = array<i32>} : memref<16x256xf32, #tpu.memory_space<vmem>>, vector<16xf32>,
      %get3A_502 = arith.index_cast %add3A_490 : i32 to index
      %get3A_503 = arith.constant 48 : index
      %get3A_504 = tpu.vector_load %arg8[%get3A_502, %get3A_503] {strides = array<i32>} : memref<16x256xf32, #tpu.memory_space<vmem>>, vector<16xf32>,
      %get3A_505 = arith.index_cast %add3A_490 : i32 to index
      %get3A_506 = arith.constant 64 : index
      %get3A_507 = tpu.vector_load %arg8[%get3A_505, %get3A_506] {strides = array<i32>} : memref<16x256xf32, #tpu.memory_space<vmem>>, vector<16xf32>,
      %get3A_508 = arith.index_cast %add3A_490 : i32 to index
      %get3A_509 = arith.constant 80 : index
      %get3A_510 = tpu.vector_load %arg8[%get3A_508, %get3A_509] {strides = array<i32>} : memref<16x256xf32, #tpu.memory_space<vmem>>, vector<16xf32>,
      %get3A_511 = arith.index_cast %add3A_490 : i32 to index
      %get3A_512 = arith.constant 96 : index
      %get3A_513 = tpu.vector_load %arg8[%get3A_511, %get3A_512] {strides = array<i32>} : memref<16x256xf32, #tpu.memory_space<vmem>>, vector<16xf32>,
      %get3A_514 = arith.index_cast %add3A_490 : i32 to index
      %get3A_515 = arith.constant 112 : index
      %get3A_516 = tpu.vector_load %arg8[%get3A_514, %get3A_515] {strides = array<i32>} : memref<16x256xf32, #tpu.memory_space<vmem>>, vector<16xf32>,
      %get3A_517 = arith.index_cast %add3A_490 : i32 to index
      %get3A_518 = arith.constant 128 : index
      %get3A_519 = tpu.vector_load %arg8[%get3A_517, %get3A_518] {strides = array<i32>} : memref<16x256xf32, #tpu.memory_space<vmem>>, vector<16xf32>,
      %get3A_520 = arith.index_cast %add3A_490 : i32 to index
      %get3A_521 = arith.constant 144 : index
      %get3A_522 = tpu.vector_load %arg8[%get3A_520, %get3A_521] {strides = array<i32>} : memref<16x256xf32, #tpu.memory_space<vmem>>, vector<16xf32>,
      %get3A_523 = arith.index_cast %add3A_490 : i32 to index
      %get3A_524 = arith.constant 160 : index
      %get3A_525 = tpu.vector_load %arg8[%get3A_523, %get3A_524] {strides = array<i32>} : memref<16x256xf32, #tpu.memory_space<vmem>>, vector<16xf32>,
      %get3A_526 = arith.index_cast %add3A_490 : i32 to index
      %get3A_527 = arith.constant 176 : index
      %get3A_528 = tpu.vector_load %arg8[%get3A_526, %get3A_527] {strides = array<i32>} : memref<16x256xf32, #tpu.memory_space<vmem>>, vector<16xf32>,
      %get3A_529 = arith.index_cast %add3A_490 : i32 to index
      %get3A_530 = arith.constant 192 : index
      %get3A_531 = tpu.vector_load %arg8[%get3A_529, %get3A_530] {strides = array<i32>} : memref<16x256xf32, #tpu.memory_space<vmem>>, vector<16xf32>,
      %get3A_532 = arith.index_cast %add3A_490 : i32 to index
      %get3A_533 = arith.constant 208 : index
      %get3A_534 = tpu.vector_load %arg8[%get3A_532, %get3A_533] {strides = array<i32>} : memref<16x256xf32, #tpu.memory_space<vmem>>, vector<16xf32>,
      %get3A_535 = arith.index_cast %add3A_490 : i32 to index
      %get3A_536 = arith.constant 224 : index
      %get3A_537 = tpu.vector_load %arg8[%get3A_535, %get3A_536] {strides = array<i32>} : memref<16x256xf32, #tpu.memory_space<vmem>>, vector<16xf32>,
      %get3A_538 = arith.index_cast %add3A_490 : i32 to index
      %get3A_539 = arith.constant 240 : index
      %get3A_540 = tpu.vector_load %arg8[%get3A_538, %get3A_539] {strides = array<i32>} : memref<16x256xf32, #tpu.memory_space<vmem>>, vector<16xf32>,
      tpu.vector_store_idx %arg11[%gather3A_492, %add3A_48], %get3A_495 {add = true} : memref<272x128xf32, #tpu.memory_space<vmem>>[vector<16xi32>, vector<16xi32>], vector<16xf32>,
      tpu.vector_store_idx %arg11[%gather3A_492, %add3A_51], %get3A_498 {add = true} : memref<272x128xf32, #tpu.memory_space<vmem>>[vector<16xi32>, vector<16xi32>], vector<16xf32>,
      tpu.vector_store_idx %arg11[%gather3A_492, %add3A_54], %get3A_501 {add = true} : memref<272x128xf32, #tpu.memory_space<vmem>>[vector<16xi32>, vector<16xi32>], vector<16xf32>,
      tpu.vector_store_idx %arg11[%gather3A_492, %add3A_57], %get3A_504 {add = true} : memref<272x128xf32, #tpu.memory_space<vmem>>[vector<16xi32>, vector<16xi32>], vector<16xf32>,
      tpu.vector_store_idx %arg11[%gather3A_492, %add3A_60], %get3A_507 {add = true} : memref<272x128xf32, #tpu.memory_space<vmem>>[vector<16xi32>, vector<16xi32>], vector<16xf32>,
      tpu.vector_store_idx %arg11[%gather3A_492, %add3A_63], %get3A_510 {add = true} : memref<272x128xf32, #tpu.memory_space<vmem>>[vector<16xi32>, vector<16xi32>], vector<16xf32>,
      tpu.vector_store_idx %arg11[%gather3A_492, %add3A_66], %get3A_513 {add = true} : memref<272x128xf32, #tpu.memory_space<vmem>>[vector<16xi32>, vector<16xi32>], vector<16xf32>,
      tpu.vector_store_idx %arg11[%gather3A_492, %add3A_69], %get3A_516 {add = true} : memref<272x128xf32, #tpu.memory_space<vmem>>[vector<16xi32>, vector<16xi32>], vector<16xf32>,
      tpu.vector_store_idx %arg12[%gather3A_492, %add3A_48], %get3A_519 {add = true} : memref<272x128xf32, #tpu.memory_space<vmem>>[vector<16xi32>, vector<16xi32>], vector<16xf32>,
      tpu.vector_store_idx %arg12[%gather3A_492, %add3A_51], %get3A_522 {add = true} : memref<272x128xf32, #tpu.memory_space<vmem>>[vector<16xi32>, vector<16xi32>], vector<16xf32>,
      tpu.vector_store_idx %arg12[%gather3A_492, %add3A_54], %get3A_525 {add = true} : memref<272x128xf32, #tpu.memory_space<vmem>>[vector<16xi32>, vector<16xi32>], vector<16xf32>,
      tpu.vector_store_idx %arg12[%gather3A_492, %add3A_57], %get3A_528 {add = true} : memref<272x128xf32, #tpu.memory_space<vmem>>[vector<16xi32>, vector<16xi32>], vector<16xf32>,
      tpu.vector_store_idx %arg12[%gather3A_492, %add3A_60], %get3A_531 {add = true} : memref<272x128xf32, #tpu.memory_space<vmem>>[vector<16xi32>, vector<16xi32>], vector<16xf32>,
      tpu.vector_store_idx %arg12[%gather3A_492, %add3A_63], %get3A_534 {add = true} : memref<272x128xf32, #tpu.memory_space<vmem>>[vector<16xi32>, vector<16xi32>], vector<16xf32>,
      tpu.vector_store_idx %arg12[%gather3A_492, %add3A_66], %get3A_537 {add = true} : memref<272x128xf32, #tpu.memory_space<vmem>>[vector<16xi32>, vector<16xi32>], vector<16xf32>,
      tpu.vector_store_idx %arg12[%gather3A_492, %add3A_69], %get3A_540 {add = true} : memref<272x128xf32, #tpu.memory_space<vmem>>[vector<16xi32>, vector<16xi32>], vector<16xf32>,
    }
    %scan3A_119 = arith.constant 16 : i32
    %add3A_120 = arith.constant 2 : i32
    %add3A_121 = arith.addi %mul3A_2, %add3A_120 : i32
    %add3A_122 = arith.constant 4 : i32
    %add3A_123 = arith.addi %add3A_121, %add3A_122 : i32
    %min3A_124 = arith.constant 624 : i32
    %min3A_125 = arith.minsi %add3A_123, %min3A_124 : i32
    %mul3A_126 = arith.constant 16 : i32
    %mul3A_127 = arith.muli %min3A_125, %mul3A_126 : i32
    %dma_start3A_128 = arith.constant 0 : i32
    %dma_start3A_129 = tpu.memref_slice %arg2[%mul3A_127, %dma_start3A_128] : memref<10000x256xf32, #tpu.memory_space<hbm>> -> memref<16x256xf32, #tpu.memory_space<hbm>>
    %dma_start3A_130 = arith.constant 0 : i32
    %dma_start3A_131 = tpu.memref_slice %arg2[%mul3A_127, %dma_start3A_130] : memref<10000x256xf32, #tpu.memory_space<hbm>> -> memref<16x256xf32, #tpu.memory_space<hbm>>
    tpu.enqueue_dma source(%dma_start3A_131 : memref<16x256xf32, #tpu.memory_space<hbm>>) target(%arg9 : memref<16x256xf32, #tpu.memory_space<vmem>>) target_semaphore(%arg15 : memref<!tpu.dma_semaphore, #tpu.memory_space<semaphore_mem>>)
    %dma_wait3A_132 = arith.constant 0 : i32
    %dma_wait3A_133 = tpu.memref_slice %arg2[%mul3A_30, %dma_wait3A_132] : memref<10000x256xf32, #tpu.memory_space<hbm>> -> memref<16x256xf32, #tpu.memory_space<hbm>>
    %dma_wait3A_134 = arith.constant 0 : i32
    %dma_wait3A_135 = tpu.memref_slice %arg2[%mul3A_30, %dma_wait3A_134] : memref<10000x256xf32, #tpu.memory_space<hbm>> -> memref<16x256xf32, #tpu.memory_space<hbm>>
    tpu.wait_dma2 semaphore(%arg15 : memref<!tpu.dma_semaphore, #tpu.memory_space<semaphore_mem>>) src(%dma_wait3A_135 : memref<16x256xf32, #tpu.memory_space<hbm>>) dst(%arg9 : memref<16x256xf32, #tpu.memory_space<vmem>>)
    %get3A_136 = arith.constant 32 : index
    %get3A_137 = tpu.vector_load %arg6[%get3A_136] {strides = array<i32>} : memref<320xi32, #tpu.memory_space<vmem>>, vector<16xi32>,
    %scan3A_138 = arith.constant 0 : i32
    %scan3A_139 = arith.constant 16 : i32
    %scan3A_140 = arith.addi %scan3A_138, %scan3A_139 : i32
    %scan3A_141 = arith.constant 1 : i32
    scf.for %scan3A_486 = %scan3A_138 to %scan3A_140 step %scan3A_141  : i32 {
      %mul3A_487 = arith.constant 1 : i32
      %mul3A_488 = arith.muli %scan3A_486, %mul3A_487 : i32
      %add3A_489 = arith.constant 0 : i32
      %add3A_490 = arith.addi %add3A_489, %mul3A_488 : i32
      %broadcast_in_dim3A_491 = vector.broadcast %add3A_490 : i32 to vector<16x1xi32>
      %gather3A = vector.shape_cast %broadcast_in_dim3A_491 : vector<16x1xi32> to vector<16xi32>
      %gather3A_492 = tpu.dynamic_gather %get3A_137[%gather3A] in [0] : vector<16xi32>, vector<16xi32> -> vector<16xi32>
      %get3A_493 = arith.index_cast %add3A_490 : i32 to index
      %get3A_494 = arith.constant 0 : index
      %get3A_495 = tpu.vector_load %arg9[%get3A_493, %get3A_494] {strides = array<i32>} : memref<16x256xf32, #tpu.memory_space<vmem>>, vector<16xf32>,
      %get3A_496 = arith.index_cast %add3A_490 : i32 to index
      %get3A_497 = arith.constant 16 : index
      %get3A_498 = tpu.vector_load %arg9[%get3A_496, %get3A_497] {strides = array<i32>} : memref<16x256xf32, #tpu.memory_space<vmem>>, vector<16xf32>,
      %get3A_499 = arith.index_cast %add3A_490 : i32 to index
      %get3A_500 = arith.constant 32 : index
      %get3A_501 = tpu.vector_load %arg9[%get3A_499, %get3A_500] {strides = array<i32>} : memref<16x256xf32, #tpu.memory_space<vmem>>, vector<16xf32>,
      %get3A_502 = arith.index_cast %add3A_490 : i32 to index
      %get3A_503 = arith.constant 48 : index
      %get3A_504 = tpu.vector_load %arg9[%get3A_502, %get3A_503] {strides = array<i32>} : memref<16x256xf32, #tpu.memory_space<vmem>>, vector<16xf32>,
      %get3A_505 = arith.index_cast %add3A_490 : i32 to index
      %get3A_506 = arith.constant 64 : index
      %get3A_507 = tpu.vector_load %arg9[%get3A_505, %get3A_506] {strides = array<i32>} : memref<16x256xf32, #tpu.memory_space<vmem>>, vector<16xf32>,
      %get3A_508 = arith.index_cast %add3A_490 : i32 to index
      %get3A_509 = arith.constant 80 : index
      %get3A_510 = tpu.vector_load %arg9[%get3A_508, %get3A_509] {strides = array<i32>} : memref<16x256xf32, #tpu.memory_space<vmem>>, vector<16xf32>,
      %get3A_511 = arith.index_cast %add3A_490 : i32 to index
      %get3A_512 = arith.constant 96 : index
      %get3A_513 = tpu.vector_load %arg9[%get3A_511, %get3A_512] {strides = array<i32>} : memref<16x256xf32, #tpu.memory_space<vmem>>, vector<16xf32>,
      %get3A_514 = arith.index_cast %add3A_490 : i32 to index
      %get3A_515 = arith.constant 112 : index
      %get3A_516 = tpu.vector_load %arg9[%get3A_514, %get3A_515] {strides = array<i32>} : memref<16x256xf32, #tpu.memory_space<vmem>>, vector<16xf32>,
      %get3A_517 = arith.index_cast %add3A_490 : i32 to index
      %get3A_518 = arith.constant 128 : index
      %get3A_519 = tpu.vector_load %arg9[%get3A_517, %get3A_518] {strides = array<i32>} : memref<16x256xf32, #tpu.memory_space<vmem>>, vector<16xf32>,
      %get3A_520 = arith.index_cast %add3A_490 : i32 to index
      %get3A_521 = arith.constant 144 : index
      %get3A_522 = tpu.vector_load %arg9[%get3A_520, %get3A_521] {strides = array<i32>} : memref<16x256xf32, #tpu.memory_space<vmem>>, vector<16xf32>,
      %get3A_523 = arith.index_cast %add3A_490 : i32 to index
      %get3A_524 = arith.constant 160 : index
      %get3A_525 = tpu.vector_load %arg9[%get3A_523, %get3A_524] {strides = array<i32>} : memref<16x256xf32, #tpu.memory_space<vmem>>, vector<16xf32>,
      %get3A_526 = arith.index_cast %add3A_490 : i32 to index
      %get3A_527 = arith.constant 176 : index
      %get3A_528 = tpu.vector_load %arg9[%get3A_526, %get3A_527] {strides = array<i32>} : memref<16x256xf32, #tpu.memory_space<vmem>>, vector<16xf32>,
      %get3A_529 = arith.index_cast %add3A_490 : i32 to index
      %get3A_530 = arith.constant 192 : index
      %get3A_531 = tpu.vector_load %arg9[%get3A_529, %get3A_530] {strides = array<i32>} : memref<16x256xf32, #tpu.memory_space<vmem>>, vector<16xf32>,
      %get3A_532 = arith.index_cast %add3A_490 : i32 to index
      %get3A_533 = arith.constant 208 : index
      %get3A_534 = tpu.vector_load %arg9[%get3A_532, %get3A_533] {strides = array<i32>} : memref<16x256xf32, #tpu.memory_space<vmem>>, vector<16xf32>,
      %get3A_535 = arith.index_cast %add3A_490 : i32 to index
      %get3A_536 = arith.constant 224 : index
      %get3A_537 = tpu.vector_load %arg9[%get3A_535, %get3A_536] {strides = array<i32>} : memref<16x256xf32, #tpu.memory_space<vmem>>, vector<16xf32>,
      %get3A_538 = arith.index_cast %add3A_490 : i32 to index
      %get3A_539 = arith.constant 240 : index
      %get3A_540 = tpu.vector_load %arg9[%get3A_538, %get3A_539] {strides = array<i32>} : memref<16x256xf32, #tpu.memory_space<vmem>>, vector<16xf32>,
      tpu.vector_store_idx %arg11[%gather3A_492, %add3A_48], %get3A_495 {add = true} : memref<272x128xf32, #tpu.memory_space<vmem>>[vector<16xi32>, vector<16xi32>], vector<16xf32>,
      tpu.vector_store_idx %arg11[%gather3A_492, %add3A_51], %get3A_498 {add = true} : memref<272x128xf32, #tpu.memory_space<vmem>>[vector<16xi32>, vector<16xi32>], vector<16xf32>,
      tpu.vector_store_idx %arg11[%gather3A_492, %add3A_54], %get3A_501 {add = true} : memref<272x128xf32, #tpu.memory_space<vmem>>[vector<16xi32>, vector<16xi32>], vector<16xf32>,
      tpu.vector_store_idx %arg11[%gather3A_492, %add3A_57], %get3A_504 {add = true} : memref<272x128xf32, #tpu.memory_space<vmem>>[vector<16xi32>, vector<16xi32>], vector<16xf32>,
      tpu.vector_store_idx %arg11[%gather3A_492, %add3A_60], %get3A_507 {add = true} : memref<272x128xf32, #tpu.memory_space<vmem>>[vector<16xi32>, vector<16xi32>], vector<16xf32>,
      tpu.vector_store_idx %arg11[%gather3A_492, %add3A_63], %get3A_510 {add = true} : memref<272x128xf32, #tpu.memory_space<vmem>>[vector<16xi32>, vector<16xi32>], vector<16xf32>,
      tpu.vector_store_idx %arg11[%gather3A_492, %add3A_66], %get3A_513 {add = true} : memref<272x128xf32, #tpu.memory_space<vmem>>[vector<16xi32>, vector<16xi32>], vector<16xf32>,
      tpu.vector_store_idx %arg11[%gather3A_492, %add3A_69], %get3A_516 {add = true} : memref<272x128xf32, #tpu.memory_space<vmem>>[vector<16xi32>, vector<16xi32>], vector<16xf32>,
      tpu.vector_store_idx %arg12[%gather3A_492, %add3A_48], %get3A_519 {add = true} : memref<272x128xf32, #tpu.memory_space<vmem>>[vector<16xi32>, vector<16xi32>], vector<16xf32>,
      tpu.vector_store_idx %arg12[%gather3A_492, %add3A_51], %get3A_522 {add = true} : memref<272x128xf32, #tpu.memory_space<vmem>>[vector<16xi32>, vector<16xi32>], vector<16xf32>,
      tpu.vector_store_idx %arg12[%gather3A_492, %add3A_54], %get3A_525 {add = true} : memref<272x128xf32, #tpu.memory_space<vmem>>[vector<16xi32>, vector<16xi32>], vector<16xf32>,
      tpu.vector_store_idx %arg12[%gather3A_492, %add3A_57], %get3A_528 {add = true} : memref<272x128xf32, #tpu.memory_space<vmem>>[vector<16xi32>, vector<16xi32>], vector<16xf32>,
      tpu.vector_store_idx %arg12[%gather3A_492, %add3A_60], %get3A_531 {add = true} : memref<272x128xf32, #tpu.memory_space<vmem>>[vector<16xi32>, vector<16xi32>], vector<16xf32>,
      tpu.vector_store_idx %arg12[%gather3A_492, %add3A_63], %get3A_534 {add = true} : memref<272x128xf32, #tpu.memory_space<vmem>>[vector<16xi32>, vector<16xi32>], vector<16xf32>,
      tpu.vector_store_idx %arg12[%gather3A_492, %add3A_66], %get3A_537 {add = true} : memref<272x128xf32, #tpu.memory_space<vmem>>[vector<16xi32>, vector<16xi32>], vector<16xf32>,
      tpu.vector_store_idx %arg12[%gather3A_492, %add3A_69], %get3A_540 {add = true} : memref<272x128xf32, #tpu.memory_space<vmem>>[vector<16xi32>, vector<16xi32>], vector<16xf32>,
    }
    %scan3A_142 = arith.constant 16 : i32
    %add3A_143 = arith.constant 3 : i32
    %add3A_144 = arith.addi %mul3A_2, %add3A_143 : i32
    %add3A_145 = arith.constant 4 : i32
    %add3A_146 = arith.addi %add3A_144, %add3A_145 : i32
    %min3A_147 = arith.constant 624 : i32
    %min3A_148 = arith.minsi %add3A_146, %min3A_147 : i32
    %mul3A_149 = arith.constant 16 : i32
    %mul3A_150 = arith.muli %min3A_148, %mul3A_149 : i32
    %dma_start3A_151 = arith.constant 0 : i32
    %dma_start3A_152 = tpu.memref_slice %arg2[%mul3A_150, %dma_start3A_151] : memref<10000x256xf32, #tpu.memory_space<hbm>> -> memref<16x256xf32, #tpu.memory_space<hbm>>
    %dma_start3A_153 = arith.constant 0 : i32
    %dma_start3A_154 = tpu.memref_slice %arg2[%mul3A_150, %dma_start3A_153] : memref<10000x256xf32, #tpu.memory_space<hbm>> -> memref<16x256xf32, #tpu.memory_space<hbm>>
    tpu.enqueue_dma source(%dma_start3A_154 : memref<16x256xf32, #tpu.memory_space<hbm>>) target(%arg10 : memref<16x256xf32, #tpu.memory_space<vmem>>) target_semaphore(%arg16 : memref<!tpu.dma_semaphore, #tpu.memory_space<semaphore_mem>>)
    %dma_wait3A_155 = arith.constant 0 : i32
    %dma_wait3A_156 = tpu.memref_slice %arg2[%mul3A_40, %dma_wait3A_155] : memref<10000x256xf32, #tpu.memory_space<hbm>> -> memref<16x256xf32, #tpu.memory_space<hbm>>
    %dma_wait3A_157 = arith.constant 0 : i32
    %dma_wait3A_158 = tpu.memref_slice %arg2[%mul3A_40, %dma_wait3A_157] : memref<10000x256xf32, #tpu.memory_space<hbm>> -> memref<16x256xf32, #tpu.memory_space<hbm>>
    tpu.wait_dma2 semaphore(%arg16 : memref<!tpu.dma_semaphore, #tpu.memory_space<semaphore_mem>>) src(%dma_wait3A_158 : memref<16x256xf32, #tpu.memory_space<hbm>>) dst(%arg10 : memref<16x256xf32, #tpu.memory_space<vmem>>)
    %get3A_159 = arith.constant 48 : index
    %get3A_160 = tpu.vector_load %arg6[%get3A_159] {strides = array<i32>} : memref<320xi32, #tpu.memory_space<vmem>>, vector<16xi32>,
    %scan3A_161 = arith.constant 0 : i32
    %scan3A_162 = arith.constant 16 : i32
    %scan3A_163 = arith.addi %scan3A_161, %scan3A_162 : i32
    %scan3A_164 = arith.constant 1 : i32
    scf.for %scan3A_486 = %scan3A_161 to %scan3A_163 step %scan3A_164  : i32 {
      %mul3A_487 = arith.constant 1 : i32
      %mul3A_488 = arith.muli %scan3A_486, %mul3A_487 : i32
      %add3A_489 = arith.constant 0 : i32
      %add3A_490 = arith.addi %add3A_489, %mul3A_488 : i32
      %broadcast_in_dim3A_491 = vector.broadcast %add3A_490 : i32 to vector<16x1xi32>
      %gather3A = vector.shape_cast %broadcast_in_dim3A_491 : vector<16x1xi32> to vector<16xi32>
      %gather3A_492 = tpu.dynamic_gather %get3A_160[%gather3A] in [0] : vector<16xi32>, vector<16xi32> -> vector<16xi32>
      %get3A_493 = arith.index_cast %add3A_490 : i32 to index
      %get3A_494 = arith.constant 0 : index
      %get3A_495 = tpu.vector_load %arg10[%get3A_493, %get3A_494] {strides = array<i32>} : memref<16x256xf32, #tpu.memory_space<vmem>>, vector<16xf32>,
      %get3A_496 = arith.index_cast %add3A_490 : i32 to index
      %get3A_497 = arith.constant 16 : index
      %get3A_498 = tpu.vector_load %arg10[%get3A_496, %get3A_497] {strides = array<i32>} : memref<16x256xf32, #tpu.memory_space<vmem>>, vector<16xf32>,
      %get3A_499 = arith.index_cast %add3A_490 : i32 to index
      %get3A_500 = arith.constant 32 : index
      %get3A_501 = tpu.vector_load %arg10[%get3A_499, %get3A_500] {strides = array<i32>} : memref<16x256xf32, #tpu.memory_space<vmem>>, vector<16xf32>,
      %get3A_502 = arith.index_cast %add3A_490 : i32 to index
      %get3A_503 = arith.constant 48 : index
      %get3A_504 = tpu.vector_load %arg10[%get3A_502, %get3A_503] {strides = array<i32>} : memref<16x256xf32, #tpu.memory_space<vmem>>, vector<16xf32>,
      %get3A_505 = arith.index_cast %add3A_490 : i32 to index
      %get3A_506 = arith.constant 64 : index
      %get3A_507 = tpu.vector_load %arg10[%get3A_505, %get3A_506] {strides = array<i32>} : memref<16x256xf32, #tpu.memory_space<vmem>>, vector<16xf32>,
      %get3A_508 = arith.index_cast %add3A_490 : i32 to index
      %get3A_509 = arith.constant 80 : index
      %get3A_510 = tpu.vector_load %arg10[%get3A_508, %get3A_509] {strides = array<i32>} : memref<16x256xf32, #tpu.memory_space<vmem>>, vector<16xf32>,
      %get3A_511 = arith.index_cast %add3A_490 : i32 to index
      %get3A_512 = arith.constant 96 : index
      %get3A_513 = tpu.vector_load %arg10[%get3A_511, %get3A_512] {strides = array<i32>} : memref<16x256xf32, #tpu.memory_space<vmem>>, vector<16xf32>,
      %get3A_514 = arith.index_cast %add3A_490 : i32 to index
      %get3A_515 = arith.constant 112 : index
      %get3A_516 = tpu.vector_load %arg10[%get3A_514, %get3A_515] {strides = array<i32>} : memref<16x256xf32, #tpu.memory_space<vmem>>, vector<16xf32>,
      %get3A_517 = arith.index_cast %add3A_490 : i32 to index
      %get3A_518 = arith.constant 128 : index
      %get3A_519 = tpu.vector_load %arg10[%get3A_517, %get3A_518] {strides = array<i32>} : memref<16x256xf32, #tpu.memory_space<vmem>>, vector<16xf32>,
      %get3A_520 = arith.index_cast %add3A_490 : i32 to index
      %get3A_521 = arith.constant 144 : index
      %get3A_522 = tpu.vector_load %arg10[%get3A_520, %get3A_521] {strides = array<i32>} : memref<16x256xf32, #tpu.memory_space<vmem>>, vector<16xf32>,
      %get3A_523 = arith.index_cast %add3A_490 : i32 to index
      %get3A_524 = arith.constant 160 : index
      %get3A_525 = tpu.vector_load %arg10[%get3A_523, %get3A_524] {strides = array<i32>} : memref<16x256xf32, #tpu.memory_space<vmem>>, vector<16xf32>,
      %get3A_526 = arith.index_cast %add3A_490 : i32 to index
      %get3A_527 = arith.constant 176 : index
      %get3A_528 = tpu.vector_load %arg10[%get3A_526, %get3A_527] {strides = array<i32>} : memref<16x256xf32, #tpu.memory_space<vmem>>, vector<16xf32>,
      %get3A_529 = arith.index_cast %add3A_490 : i32 to index
      %get3A_530 = arith.constant 192 : index
      %get3A_531 = tpu.vector_load %arg10[%get3A_529, %get3A_530] {strides = array<i32>} : memref<16x256xf32, #tpu.memory_space<vmem>>, vector<16xf32>,
      %get3A_532 = arith.index_cast %add3A_490 : i32 to index
      %get3A_533 = arith.constant 208 : index
      %get3A_534 = tpu.vector_load %arg10[%get3A_532, %get3A_533] {strides = array<i32>} : memref<16x256xf32, #tpu.memory_space<vmem>>, vector<16xf32>,
      %get3A_535 = arith.index_cast %add3A_490 : i32 to index
      %get3A_536 = arith.constant 224 : index
      %get3A_537 = tpu.vector_load %arg10[%get3A_535, %get3A_536] {strides = array<i32>} : memref<16x256xf32, #tpu.memory_space<vmem>>, vector<16xf32>,
      %get3A_538 = arith.index_cast %add3A_490 : i32 to index
      %get3A_539 = arith.constant 240 : index
      %get3A_540 = tpu.vector_load %arg10[%get3A_538, %get3A_539] {strides = array<i32>} : memref<16x256xf32, #tpu.memory_space<vmem>>, vector<16xf32>,
      tpu.vector_store_idx %arg11[%gather3A_492, %add3A_48], %get3A_495 {add = true} : memref<272x128xf32, #tpu.memory_space<vmem>>[vector<16xi32>, vector<16xi32>], vector<16xf32>,
      tpu.vector_store_idx %arg11[%gather3A_492, %add3A_51], %get3A_498 {add = true} : memref<272x128xf32, #tpu.memory_space<vmem>>[vector<16xi32>, vector<16xi32>], vector<16xf32>,
      tpu.vector_store_idx %arg11[%gather3A_492, %add3A_54], %get3A_501 {add = true} : memref<272x128xf32, #tpu.memory_space<vmem>>[vector<16xi32>, vector<16xi32>], vector<16xf32>,
      tpu.vector_store_idx %arg11[%gather3A_492, %add3A_57], %get3A_504 {add = true} : memref<272x128xf32, #tpu.memory_space<vmem>>[vector<16xi32>, vector<16xi32>], vector<16xf32>,
      tpu.vector_store_idx %arg11[%gather3A_492, %add3A_60], %get3A_507 {add = true} : memref<272x128xf32, #tpu.memory_space<vmem>>[vector<16xi32>, vector<16xi32>], vector<16xf32>,
      tpu.vector_store_idx %arg11[%gather3A_492, %add3A_63], %get3A_510 {add = true} : memref<272x128xf32, #tpu.memory_space<vmem>>[vector<16xi32>, vector<16xi32>], vector<16xf32>,
      tpu.vector_store_idx %arg11[%gather3A_492, %add3A_66], %get3A_513 {add = true} : memref<272x128xf32, #tpu.memory_space<vmem>>[vector<16xi32>, vector<16xi32>], vector<16xf32>,
      tpu.vector_store_idx %arg11[%gather3A_492, %add3A_69], %get3A_516 {add = true} : memref<272x128xf32, #tpu.memory_space<vmem>>[vector<16xi32>, vector<16xi32>], vector<16xf32>,
      tpu.vector_store_idx %arg12[%gather3A_492, %add3A_48], %get3A_519 {add = true} : memref<272x128xf32, #tpu.memory_space<vmem>>[vector<16xi32>, vector<16xi32>], vector<16xf32>,
      tpu.vector_store_idx %arg12[%gather3A_492, %add3A_51], %get3A_522 {add = true} : memref<272x128xf32, #tpu.memory_space<vmem>>[vector<16xi32>, vector<16xi32>], vector<16xf32>,
      tpu.vector_store_idx %arg12[%gather3A_492, %add3A_54], %get3A_525 {add = true} : memref<272x128xf32, #tpu.memory_space<vmem>>[vector<16xi32>, vector<16xi32>], vector<16xf32>,
      tpu.vector_store_idx %arg12[%gather3A_492, %add3A_57], %get3A_528 {add = true} : memref<272x128xf32, #tpu.memory_space<vmem>>[vector<16xi32>, vector<16xi32>], vector<16xf32>,
      tpu.vector_store_idx %arg12[%gather3A_492, %add3A_60], %get3A_531 {add = true} : memref<272x128xf32, #tpu.memory_space<vmem>>[vector<16xi32>, vector<16xi32>], vector<16xf32>,
      tpu.vector_store_idx %arg12[%gather3A_492, %add3A_63], %get3A_534 {add = true} : memref<272x128xf32, #tpu.memory_space<vmem>>[vector<16xi32>, vector<16xi32>], vector<16xf32>,
      tpu.vector_store_idx %arg12[%gather3A_492, %add3A_66], %get3A_537 {add = true} : memref<272x128xf32, #tpu.memory_space<vmem>>[vector<16xi32>, vector<16xi32>], vector<16xf32>,
      tpu.vector_store_idx %arg12[%gather3A_492, %add3A_69], %get3A_540 {add = true} : memref<272x128xf32, #tpu.memory_space<vmem>>[vector<16xi32>, vector<16xi32>], vector<16xf32>,
    }
    %scan3A_165 = arith.constant 16 : i32
    %add3A_166 = arith.constant 4 : i32
    %add3A_167 = arith.addi %mul3A_2, %add3A_166 : i32
    %add3A_168 = arith.constant 4 : i32
    %add3A_169 = arith.addi %add3A_167, %add3A_168 : i32
    %min3A_170 = arith.constant 624 : i32
    %min3A_171 = arith.minsi %add3A_169, %min3A_170 : i32
    %mul3A_172 = arith.constant 16 : i32
    %mul3A_173 = arith.muli %min3A_171, %mul3A_172 : i32
    %dma_start3A_174 = arith.constant 0 : i32
    %dma_start3A_175 = tpu.memref_slice %arg2[%mul3A_173, %dma_start3A_174] : memref<10000x256xf32, #tpu.memory_space<hbm>> -> memref<16x256xf32, #tpu.memory_space<hbm>>
    %dma_start3A_176 = arith.constant 0 : i32
    %dma_start3A_177 = tpu.memref_slice %arg2[%mul3A_173, %dma_start3A_176] : memref<10000x256xf32, #tpu.memory_space<hbm>> -> memref<16x256xf32, #tpu.memory_space<hbm>>
    tpu.enqueue_dma source(%dma_start3A_177 : memref<16x256xf32, #tpu.memory_space<hbm>>) target(%arg7 : memref<16x256xf32, #tpu.memory_space<vmem>>) target_semaphore(%arg13 : memref<!tpu.dma_semaphore, #tpu.memory_space<semaphore_mem>>)
    %dma_wait3A_178 = arith.constant 0 : i32
    %dma_wait3A_179 = tpu.memref_slice %arg2[%mul3A_82, %dma_wait3A_178] : memref<10000x256xf32, #tpu.memory_space<hbm>> -> memref<16x256xf32, #tpu.memory_space<hbm>>
    %dma_wait3A_180 = arith.constant 0 : i32
    %dma_wait3A_181 = tpu.memref_slice %arg2[%mul3A_82, %dma_wait3A_180] : memref<10000x256xf32, #tpu.memory_space<hbm>> -> memref<16x256xf32, #tpu.memory_space<hbm>>
    tpu.wait_dma2 semaphore(%arg13 : memref<!tpu.dma_semaphore, #tpu.memory_space<semaphore_mem>>) src(%dma_wait3A_181 : memref<16x256xf32, #tpu.memory_space<hbm>>) dst(%arg7 : memref<16x256xf32, #tpu.memory_space<vmem>>)
    %get3A_182 = arith.constant 64 : index
    %get3A_183 = tpu.vector_load %arg6[%get3A_182] {strides = array<i32>} : memref<320xi32, #tpu.memory_space<vmem>>, vector<16xi32>,
    %scan3A_184 = arith.constant 0 : i32
    %scan3A_185 = arith.constant 16 : i32
    %scan3A_186 = arith.addi %scan3A_184, %scan3A_185 : i32
    %scan3A_187 = arith.constant 1 : i32
    scf.for %scan3A_486 = %scan3A_184 to %scan3A_186 step %scan3A_187  : i32 {
      %mul3A_487 = arith.constant 1 : i32
      %mul3A_488 = arith.muli %scan3A_486, %mul3A_487 : i32
      %add3A_489 = arith.constant 0 : i32
      %add3A_490 = arith.addi %add3A_489, %mul3A_488 : i32
      %broadcast_in_dim3A_491 = vector.broadcast %add3A_490 : i32 to vector<16x1xi32>
      %gather3A = vector.shape_cast %broadcast_in_dim3A_491 : vector<16x1xi32> to vector<16xi32>
      %gather3A_492 = tpu.dynamic_gather %get3A_183[%gather3A] in [0] : vector<16xi32>, vector<16xi32> -> vector<16xi32>
      %get3A_493 = arith.index_cast %add3A_490 : i32 to index
      %get3A_494 = arith.constant 0 : index
      %get3A_495 = tpu.vector_load %arg7[%get3A_493, %get3A_494] {strides = array<i32>} : memref<16x256xf32, #tpu.memory_space<vmem>>, vector<16xf32>,
      %get3A_496 = arith.index_cast %add3A_490 : i32 to index
      %get3A_497 = arith.constant 16 : index
      %get3A_498 = tpu.vector_load %arg7[%get3A_496, %get3A_497] {strides = array<i32>} : memref<16x256xf32, #tpu.memory_space<vmem>>, vector<16xf32>,
      %get3A_499 = arith.index_cast %add3A_490 : i32 to index
      %get3A_500 = arith.constant 32 : index
      %get3A_501 = tpu.vector_load %arg7[%get3A_499, %get3A_500] {strides = array<i32>} : memref<16x256xf32, #tpu.memory_space<vmem>>, vector<16xf32>,
      %get3A_502 = arith.index_cast %add3A_490 : i32 to index
      %get3A_503 = arith.constant 48 : index
      %get3A_504 = tpu.vector_load %arg7[%get3A_502, %get3A_503] {strides = array<i32>} : memref<16x256xf32, #tpu.memory_space<vmem>>, vector<16xf32>,
      %get3A_505 = arith.index_cast %add3A_490 : i32 to index
      %get3A_506 = arith.constant 64 : index
      %get3A_507 = tpu.vector_load %arg7[%get3A_505, %get3A_506] {strides = array<i32>} : memref<16x256xf32, #tpu.memory_space<vmem>>, vector<16xf32>,
      %get3A_508 = arith.index_cast %add3A_490 : i32 to index
      %get3A_509 = arith.constant 80 : index
      %get3A_510 = tpu.vector_load %arg7[%get3A_508, %get3A_509] {strides = array<i32>} : memref<16x256xf32, #tpu.memory_space<vmem>>, vector<16xf32>,
      %get3A_511 = arith.index_cast %add3A_490 : i32 to index
      %get3A_512 = arith.constant 96 : index
      %get3A_513 = tpu.vector_load %arg7[%get3A_511, %get3A_512] {strides = array<i32>} : memref<16x256xf32, #tpu.memory_space<vmem>>, vector<16xf32>,
      %get3A_514 = arith.index_cast %add3A_490 : i32 to index
      %get3A_515 = arith.constant 112 : index
      %get3A_516 = tpu.vector_load %arg7[%get3A_514, %get3A_515] {strides = array<i32>} : memref<16x256xf32, #tpu.memory_space<vmem>>, vector<16xf32>,
      %get3A_517 = arith.index_cast %add3A_490 : i32 to index
      %get3A_518 = arith.constant 128 : index
      %get3A_519 = tpu.vector_load %arg7[%get3A_517, %get3A_518] {strides = array<i32>} : memref<16x256xf32, #tpu.memory_space<vmem>>, vector<16xf32>,
      %get3A_520 = arith.index_cast %add3A_490 : i32 to index
      %get3A_521 = arith.constant 144 : index
      %get3A_522 = tpu.vector_load %arg7[%get3A_520, %get3A_521] {strides = array<i32>} : memref<16x256xf32, #tpu.memory_space<vmem>>, vector<16xf32>,
      %get3A_523 = arith.index_cast %add3A_490 : i32 to index
      %get3A_524 = arith.constant 160 : index
      %get3A_525 = tpu.vector_load %arg7[%get3A_523, %get3A_524] {strides = array<i32>} : memref<16x256xf32, #tpu.memory_space<vmem>>, vector<16xf32>,
      %get3A_526 = arith.index_cast %add3A_490 : i32 to index
      %get3A_527 = arith.constant 176 : index
      %get3A_528 = tpu.vector_load %arg7[%get3A_526, %get3A_527] {strides = array<i32>} : memref<16x256xf32, #tpu.memory_space<vmem>>, vector<16xf32>,
      %get3A_529 = arith.index_cast %add3A_490 : i32 to index
      %get3A_530 = arith.constant 192 : index
      %get3A_531 = tpu.vector_load %arg7[%get3A_529, %get3A_530] {strides = array<i32>} : memref<16x256xf32, #tpu.memory_space<vmem>>, vector<16xf32>,
      %get3A_532 = arith.index_cast %add3A_490 : i32 to index
      %get3A_533 = arith.constant 208 : index
      %get3A_534 = tpu.vector_load %arg7[%get3A_532, %get3A_533] {strides = array<i32>} : memref<16x256xf32, #tpu.memory_space<vmem>>, vector<16xf32>,
      %get3A_535 = arith.index_cast %add3A_490 : i32 to index
      %get3A_536 = arith.constant 224 : index
      %get3A_537 = tpu.vector_load %arg7[%get3A_535, %get3A_536] {strides = array<i32>} : memref<16x256xf32, #tpu.memory_space<vmem>>, vector<16xf32>,
      %get3A_538 = arith.index_cast %add3A_490 : i32 to index
      %get3A_539 = arith.constant 240 : index
      %get3A_540 = tpu.vector_load %arg7[%get3A_538, %get3A_539] {strides = array<i32>} : memref<16x256xf32, #tpu.memory_space<vmem>>, vector<16xf32>,
      tpu.vector_store_idx %arg11[%gather3A_492, %add3A_48], %get3A_495 {add = true} : memref<272x128xf32, #tpu.memory_space<vmem>>[vector<16xi32>, vector<16xi32>], vector<16xf32>,
      tpu.vector_store_idx %arg11[%gather3A_492, %add3A_51], %get3A_498 {add = true} : memref<272x128xf32, #tpu.memory_space<vmem>>[vector<16xi32>, vector<16xi32>], vector<16xf32>,
      tpu.vector_store_idx %arg11[%gather3A_492, %add3A_54], %get3A_501 {add = true} : memref<272x128xf32, #tpu.memory_space<vmem>>[vector<16xi32>, vector<16xi32>], vector<16xf32>,
      tpu.vector_store_idx %arg11[%gather3A_492, %add3A_57], %get3A_504 {add = true} : memref<272x128xf32, #tpu.memory_space<vmem>>[vector<16xi32>, vector<16xi32>], vector<16xf32>,
      tpu.vector_store_idx %arg11[%gather3A_492, %add3A_60], %get3A_507 {add = true} : memref<272x128xf32, #tpu.memory_space<vmem>>[vector<16xi32>, vector<16xi32>], vector<16xf32>,
      tpu.vector_store_idx %arg11[%gather3A_492, %add3A_63], %get3A_510 {add = true} : memref<272x128xf32, #tpu.memory_space<vmem>>[vector<16xi32>, vector<16xi32>], vector<16xf32>,
      tpu.vector_store_idx %arg11[%gather3A_492, %add3A_66], %get3A_513 {add = true} : memref<272x128xf32, #tpu.memory_space<vmem>>[vector<16xi32>, vector<16xi32>], vector<16xf32>,
      tpu.vector_store_idx %arg11[%gather3A_492, %add3A_69], %get3A_516 {add = true} : memref<272x128xf32, #tpu.memory_space<vmem>>[vector<16xi32>, vector<16xi32>], vector<16xf32>,
      tpu.vector_store_idx %arg12[%gather3A_492, %add3A_48], %get3A_519 {add = true} : memref<272x128xf32, #tpu.memory_space<vmem>>[vector<16xi32>, vector<16xi32>], vector<16xf32>,
      tpu.vector_store_idx %arg12[%gather3A_492, %add3A_51], %get3A_522 {add = true} : memref<272x128xf32, #tpu.memory_space<vmem>>[vector<16xi32>, vector<16xi32>], vector<16xf32>,
      tpu.vector_store_idx %arg12[%gather3A_492, %add3A_54], %get3A_525 {add = true} : memref<272x128xf32, #tpu.memory_space<vmem>>[vector<16xi32>, vector<16xi32>], vector<16xf32>,
      tpu.vector_store_idx %arg12[%gather3A_492, %add3A_57], %get3A_528 {add = true} : memref<272x128xf32, #tpu.memory_space<vmem>>[vector<16xi32>, vector<16xi32>], vector<16xf32>,
      tpu.vector_store_idx %arg12[%gather3A_492, %add3A_60], %get3A_531 {add = true} : memref<272x128xf32, #tpu.memory_space<vmem>>[vector<16xi32>, vector<16xi32>], vector<16xf32>,
      tpu.vector_store_idx %arg12[%gather3A_492, %add3A_63], %get3A_534 {add = true} : memref<272x128xf32, #tpu.memory_space<vmem>>[vector<16xi32>, vector<16xi32>], vector<16xf32>,
      tpu.vector_store_idx %arg12[%gather3A_492, %add3A_66], %get3A_537 {add = true} : memref<272x128xf32, #tpu.memory_space<vmem>>[vector<16xi32>, vector<16xi32>], vector<16xf32>,
      tpu.vector_store_idx %arg12[%gather3A_492, %add3A_69], %get3A_540 {add = true} : memref<272x128xf32, #tpu.memory_space<vmem>>[vector<16xi32>, vector<16xi32>], vector<16xf32>,
    }
    %scan3A_188 = arith.constant 16 : i32
    %add3A_189 = arith.constant 5 : i32
    %add3A_190 = arith.addi %mul3A_2, %add3A_189 : i32
    %add3A_191 = arith.constant 4 : i32
    %add3A_192 = arith.addi %add3A_190, %add3A_191 : i32
    %min3A_193 = arith.constant 624 : i32
    %min3A_194 = arith.minsi %add3A_192, %min3A_193 : i32
    %mul3A_195 = arith.constant 16 : i32
    %mul3A_196 = arith.muli %min3A_194, %mul3A_195 : i32
    %dma_start3A_197 = arith.constant 0 : i32
    %dma_start3A_198 = tpu.memref_slice %arg2[%mul3A_196, %dma_start3A_197] : memref<10000x256xf32, #tpu.memory_space<hbm>> -> memref<16x256xf32, #tpu.memory_space<hbm>>
    %dma_start3A_199 = arith.constant 0 : i32
    %dma_start3A_200 = tpu.memref_slice %arg2[%mul3A_196, %dma_start3A_199] : memref<10000x256xf32, #tpu.memory_space<hbm>> -> memref<16x256xf32, #tpu.memory_space<hbm>>
    tpu.enqueue_dma source(%dma_start3A_200 : memref<16x256xf32, #tpu.memory_space<hbm>>) target(%arg8 : memref<16x256xf32, #tpu.memory_space<vmem>>) target_semaphore(%arg14 : memref<!tpu.dma_semaphore, #tpu.memory_space<semaphore_mem>>)
    %dma_wait3A_201 = arith.constant 0 : i32
    %dma_wait3A_202 = tpu.memref_slice %arg2[%mul3A_104, %dma_wait3A_201] : memref<10000x256xf32, #tpu.memory_space<hbm>> -> memref<16x256xf32, #tpu.memory_space<hbm>>
    %dma_wait3A_203 = arith.constant 0 : i32
    %dma_wait3A_204 = tpu.memref_slice %arg2[%mul3A_104, %dma_wait3A_203] : memref<10000x256xf32, #tpu.memory_space<hbm>> -> memref<16x256xf32, #tpu.memory_space<hbm>>
    tpu.wait_dma2 semaphore(%arg14 : memref<!tpu.dma_semaphore, #tpu.memory_space<semaphore_mem>>) src(%dma_wait3A_204 : memref<16x256xf32, #tpu.memory_space<hbm>>) dst(%arg8 : memref<16x256xf32, #tpu.memory_space<vmem>>)
    %get3A_205 = arith.constant 80 : index
    %get3A_206 = tpu.vector_load %arg6[%get3A_205] {strides = array<i32>} : memref<320xi32, #tpu.memory_space<vmem>>, vector<16xi32>,
    %scan3A_207 = arith.constant 0 : i32
    %scan3A_208 = arith.constant 16 : i32
    %scan3A_209 = arith.addi %scan3A_207, %scan3A_208 : i32
    %scan3A_210 = arith.constant 1 : i32
    scf.for %scan3A_486 = %scan3A_207 to %scan3A_209 step %scan3A_210  : i32 {
      %mul3A_487 = arith.constant 1 : i32
      %mul3A_488 = arith.muli %scan3A_486, %mul3A_487 : i32
      %add3A_489 = arith.constant 0 : i32
      %add3A_490 = arith.addi %add3A_489, %mul3A_488 : i32
      %broadcast_in_dim3A_491 = vector.broadcast %add3A_490 : i32 to vector<16x1xi32>
      %gather3A = vector.shape_cast %broadcast_in_dim3A_491 : vector<16x1xi32> to vector<16xi32>
      %gather3A_492 = tpu.dynamic_gather %get3A_206[%gather3A] in [0] : vector<16xi32>, vector<16xi32> -> vector<16xi32>
      %get3A_493 = arith.index_cast %add3A_490 : i32 to index
      %get3A_494 = arith.constant 0 : index
      %get3A_495 = tpu.vector_load %arg8[%get3A_493, %get3A_494] {strides = array<i32>} : memref<16x256xf32, #tpu.memory_space<vmem>>, vector<16xf32>,
      %get3A_496 = arith.index_cast %add3A_490 : i32 to index
      %get3A_497 = arith.constant 16 : index
      %get3A_498 = tpu.vector_load %arg8[%get3A_496, %get3A_497] {strides = array<i32>} : memref<16x256xf32, #tpu.memory_space<vmem>>, vector<16xf32>,
      %get3A_499 = arith.index_cast %add3A_490 : i32 to index
      %get3A_500 = arith.constant 32 : index
      %get3A_501 = tpu.vector_load %arg8[%get3A_499, %get3A_500] {strides = array<i32>} : memref<16x256xf32, #tpu.memory_space<vmem>>, vector<16xf32>,
      %get3A_502 = arith.index_cast %add3A_490 : i32 to index
      %get3A_503 = arith.constant 48 : index
      %get3A_504 = tpu.vector_load %arg8[%get3A_502, %get3A_503] {strides = array<i32>} : memref<16x256xf32, #tpu.memory_space<vmem>>, vector<16xf32>,
      %get3A_505 = arith.index_cast %add3A_490 : i32 to index
      %get3A_506 = arith.constant 64 : index
      %get3A_507 = tpu.vector_load %arg8[%get3A_505, %get3A_506] {strides = array<i32>} : memref<16x256xf32, #tpu.memory_space<vmem>>, vector<16xf32>,
      %get3A_508 = arith.index_cast %add3A_490 : i32 to index
      %get3A_509 = arith.constant 80 : index
      %get3A_510 = tpu.vector_load %arg8[%get3A_508, %get3A_509] {strides = array<i32>} : memref<16x256xf32, #tpu.memory_space<vmem>>, vector<16xf32>,
      %get3A_511 = arith.index_cast %add3A_490 : i32 to index
      %get3A_512 = arith.constant 96 : index
      %get3A_513 = tpu.vector_load %arg8[%get3A_511, %get3A_512] {strides = array<i32>} : memref<16x256xf32, #tpu.memory_space<vmem>>, vector<16xf32>,
      %get3A_514 = arith.index_cast %add3A_490 : i32 to index
      %get3A_515 = arith.constant 112 : index
      %get3A_516 = tpu.vector_load %arg8[%get3A_514, %get3A_515] {strides = array<i32>} : memref<16x256xf32, #tpu.memory_space<vmem>>, vector<16xf32>,
      %get3A_517 = arith.index_cast %add3A_490 : i32 to index
      %get3A_518 = arith.constant 128 : index
      %get3A_519 = tpu.vector_load %arg8[%get3A_517, %get3A_518] {strides = array<i32>} : memref<16x256xf32, #tpu.memory_space<vmem>>, vector<16xf32>,
      %get3A_520 = arith.index_cast %add3A_490 : i32 to index
      %get3A_521 = arith.constant 144 : index
      %get3A_522 = tpu.vector_load %arg8[%get3A_520, %get3A_521] {strides = array<i32>} : memref<16x256xf32, #tpu.memory_space<vmem>>, vector<16xf32>,
      %get3A_523 = arith.index_cast %add3A_490 : i32 to index
      %get3A_524 = arith.constant 160 : index
      %get3A_525 = tpu.vector_load %arg8[%get3A_523, %get3A_524] {strides = array<i32>} : memref<16x256xf32, #tpu.memory_space<vmem>>, vector<16xf32>,
      %get3A_526 = arith.index_cast %add3A_490 : i32 to index
      %get3A_527 = arith.constant 176 : index
      %get3A_528 = tpu.vector_load %arg8[%get3A_526, %get3A_527] {strides = array<i32>} : memref<16x256xf32, #tpu.memory_space<vmem>>, vector<16xf32>,
      %get3A_529 = arith.index_cast %add3A_490 : i32 to index
      %get3A_530 = arith.constant 192 : index
      %get3A_531 = tpu.vector_load %arg8[%get3A_529, %get3A_530] {strides = array<i32>} : memref<16x256xf32, #tpu.memory_space<vmem>>, vector<16xf32>,
      %get3A_532 = arith.index_cast %add3A_490 : i32 to index
      %get3A_533 = arith.constant 208 : index
      %get3A_534 = tpu.vector_load %arg8[%get3A_532, %get3A_533] {strides = array<i32>} : memref<16x256xf32, #tpu.memory_space<vmem>>, vector<16xf32>,
      %get3A_535 = arith.index_cast %add3A_490 : i32 to index
      %get3A_536 = arith.constant 224 : index
      %get3A_537 = tpu.vector_load %arg8[%get3A_535, %get3A_536] {strides = array<i32>} : memref<16x256xf32, #tpu.memory_space<vmem>>, vector<16xf32>,
      %get3A_538 = arith.index_cast %add3A_490 : i32 to index
      %get3A_539 = arith.constant 240 : index
      %get3A_540 = tpu.vector_load %arg8[%get3A_538, %get3A_539] {strides = array<i32>} : memref<16x256xf32, #tpu.memory_space<vmem>>, vector<16xf32>,
      tpu.vector_store_idx %arg11[%gather3A_492, %add3A_48], %get3A_495 {add = true} : memref<272x128xf32, #tpu.memory_space<vmem>>[vector<16xi32>, vector<16xi32>], vector<16xf32>,
      tpu.vector_store_idx %arg11[%gather3A_492, %add3A_51], %get3A_498 {add = true} : memref<272x128xf32, #tpu.memory_space<vmem>>[vector<16xi32>, vector<16xi32>], vector<16xf32>,
      tpu.vector_store_idx %arg11[%gather3A_492, %add3A_54], %get3A_501 {add = true} : memref<272x128xf32, #tpu.memory_space<vmem>>[vector<16xi32>, vector<16xi32>], vector<16xf32>,
      tpu.vector_store_idx %arg11[%gather3A_492, %add3A_57], %get3A_504 {add = true} : memref<272x128xf32, #tpu.memory_space<vmem>>[vector<16xi32>, vector<16xi32>], vector<16xf32>,
      tpu.vector_store_idx %arg11[%gather3A_492, %add3A_60], %get3A_507 {add = true} : memref<272x128xf32, #tpu.memory_space<vmem>>[vector<16xi32>, vector<16xi32>], vector<16xf32>,
      tpu.vector_store_idx %arg11[%gather3A_492, %add3A_63], %get3A_510 {add = true} : memref<272x128xf32, #tpu.memory_space<vmem>>[vector<16xi32>, vector<16xi32>], vector<16xf32>,
      tpu.vector_store_idx %arg11[%gather3A_492, %add3A_66], %get3A_513 {add = true} : memref<272x128xf32, #tpu.memory_space<vmem>>[vector<16xi32>, vector<16xi32>], vector<16xf32>,
      tpu.vector_store_idx %arg11[%gather3A_492, %add3A_69], %get3A_516 {add = true} : memref<272x128xf32, #tpu.memory_space<vmem>>[vector<16xi32>, vector<16xi32>], vector<16xf32>,
      tpu.vector_store_idx %arg12[%gather3A_492, %add3A_48], %get3A_519 {add = true} : memref<272x128xf32, #tpu.memory_space<vmem>>[vector<16xi32>, vector<16xi32>], vector<16xf32>,
      tpu.vector_store_idx %arg12[%gather3A_492, %add3A_51], %get3A_522 {add = true} : memref<272x128xf32, #tpu.memory_space<vmem>>[vector<16xi32>, vector<16xi32>], vector<16xf32>,
      tpu.vector_store_idx %arg12[%gather3A_492, %add3A_54], %get3A_525 {add = true} : memref<272x128xf32, #tpu.memory_space<vmem>>[vector<16xi32>, vector<16xi32>], vector<16xf32>,
      tpu.vector_store_idx %arg12[%gather3A_492, %add3A_57], %get3A_528 {add = true} : memref<272x128xf32, #tpu.memory_space<vmem>>[vector<16xi32>, vector<16xi32>], vector<16xf32>,
      tpu.vector_store_idx %arg12[%gather3A_492, %add3A_60], %get3A_531 {add = true} : memref<272x128xf32, #tpu.memory_space<vmem>>[vector<16xi32>, vector<16xi32>], vector<16xf32>,
      tpu.vector_store_idx %arg12[%gather3A_492, %add3A_63], %get3A_534 {add = true} : memref<272x128xf32, #tpu.memory_space<vmem>>[vector<16xi32>, vector<16xi32>], vector<16xf32>,
      tpu.vector_store_idx %arg12[%gather3A_492, %add3A_66], %get3A_537 {add = true} : memref<272x128xf32, #tpu.memory_space<vmem>>[vector<16xi32>, vector<16xi32>], vector<16xf32>,
      tpu.vector_store_idx %arg12[%gather3A_492, %add3A_69], %get3A_540 {add = true} : memref<272x128xf32, #tpu.memory_space<vmem>>[vector<16xi32>, vector<16xi32>], vector<16xf32>,
    }
    %scan3A_211 = arith.constant 16 : i32
    %add3A_212 = arith.constant 6 : i32
    %add3A_213 = arith.addi %mul3A_2, %add3A_212 : i32
    %add3A_214 = arith.constant 4 : i32
    %add3A_215 = arith.addi %add3A_213, %add3A_214 : i32
    %min3A_216 = arith.constant 624 : i32
    %min3A_217 = arith.minsi %add3A_215, %min3A_216 : i32
    %mul3A_218 = arith.constant 16 : i32
    %mul3A_219 = arith.muli %min3A_217, %mul3A_218 : i32
    %dma_start3A_220 = arith.constant 0 : i32
    %dma_start3A_221 = tpu.memref_slice %arg2[%mul3A_219, %dma_start3A_220] : memref<10000x256xf32, #tpu.memory_space<hbm>> -> memref<16x256xf32, #tpu.memory_space<hbm>>
    %dma_start3A_222 = arith.constant 0 : i32
    %dma_start3A_223 = tpu.memref_slice %arg2[%mul3A_219, %dma_start3A_222] : memref<10000x256xf32, #tpu.memory_space<hbm>> -> memref<16x256xf32, #tpu.memory_space<hbm>>
    tpu.enqueue_dma source(%dma_start3A_223 : memref<16x256xf32, #tpu.memory_space<hbm>>) target(%arg9 : memref<16x256xf32, #tpu.memory_space<vmem>>) target_semaphore(%arg15 : memref<!tpu.dma_semaphore, #tpu.memory_space<semaphore_mem>>)
    %dma_wait3A_224 = arith.constant 0 : i32
    %dma_wait3A_225 = tpu.memref_slice %arg2[%mul3A_127, %dma_wait3A_224] : memref<10000x256xf32, #tpu.memory_space<hbm>> -> memref<16x256xf32, #tpu.memory_space<hbm>>
    %dma_wait3A_226 = arith.constant 0 : i32
    %dma_wait3A_227 = tpu.memref_slice %arg2[%mul3A_127, %dma_wait3A_226] : memref<10000x256xf32, #tpu.memory_space<hbm>> -> memref<16x256xf32, #tpu.memory_space<hbm>>
    tpu.wait_dma2 semaphore(%arg15 : memref<!tpu.dma_semaphore, #tpu.memory_space<semaphore_mem>>) src(%dma_wait3A_227 : memref<16x256xf32, #tpu.memory_space<hbm>>) dst(%arg9 : memref<16x256xf32, #tpu.memory_space<vmem>>)
    %get3A_228 = arith.constant 96 : index
    %get3A_229 = tpu.vector_load %arg6[%get3A_228] {strides = array<i32>} : memref<320xi32, #tpu.memory_space<vmem>>, vector<16xi32>,
    %scan3A_230 = arith.constant 0 : i32
    %scan3A_231 = arith.constant 16 : i32
    %scan3A_232 = arith.addi %scan3A_230, %scan3A_231 : i32
    %scan3A_233 = arith.constant 1 : i32
    scf.for %scan3A_486 = %scan3A_230 to %scan3A_232 step %scan3A_233  : i32 {
      %mul3A_487 = arith.constant 1 : i32
      %mul3A_488 = arith.muli %scan3A_486, %mul3A_487 : i32
      %add3A_489 = arith.constant 0 : i32
      %add3A_490 = arith.addi %add3A_489, %mul3A_488 : i32
      %broadcast_in_dim3A_491 = vector.broadcast %add3A_490 : i32 to vector<16x1xi32>
      %gather3A = vector.shape_cast %broadcast_in_dim3A_491 : vector<16x1xi32> to vector<16xi32>
      %gather3A_492 = tpu.dynamic_gather %get3A_229[%gather3A] in [0] : vector<16xi32>, vector<16xi32> -> vector<16xi32>
      %get3A_493 = arith.index_cast %add3A_490 : i32 to index
      %get3A_494 = arith.constant 0 : index
      %get3A_495 = tpu.vector_load %arg9[%get3A_493, %get3A_494] {strides = array<i32>} : memref<16x256xf32, #tpu.memory_space<vmem>>, vector<16xf32>,
      %get3A_496 = arith.index_cast %add3A_490 : i32 to index
      %get3A_497 = arith.constant 16 : index
      %get3A_498 = tpu.vector_load %arg9[%get3A_496, %get3A_497] {strides = array<i32>} : memref<16x256xf32, #tpu.memory_space<vmem>>, vector<16xf32>,
      %get3A_499 = arith.index_cast %add3A_490 : i32 to index
      %get3A_500 = arith.constant 32 : index
      %get3A_501 = tpu.vector_load %arg9[%get3A_499, %get3A_500] {strides = array<i32>} : memref<16x256xf32, #tpu.memory_space<vmem>>, vector<16xf32>,
      %get3A_502 = arith.index_cast %add3A_490 : i32 to index
      %get3A_503 = arith.constant 48 : index
      %get3A_504 = tpu.vector_load %arg9[%get3A_502, %get3A_503] {strides = array<i32>} : memref<16x256xf32, #tpu.memory_space<vmem>>, vector<16xf32>,
      %get3A_505 = arith.index_cast %add3A_490 : i32 to index
      %get3A_506 = arith.constant 64 : index
      %get3A_507 = tpu.vector_load %arg9[%get3A_505, %get3A_506] {strides = array<i32>} : memref<16x256xf32, #tpu.memory_space<vmem>>, vector<16xf32>,
      %get3A_508 = arith.index_cast %add3A_490 : i32 to index
      %get3A_509 = arith.constant 80 : index
      %get3A_510 = tpu.vector_load %arg9[%get3A_508, %get3A_509] {strides = array<i32>} : memref<16x256xf32, #tpu.memory_space<vmem>>, vector<16xf32>,
      %get3A_511 = arith.index_cast %add3A_490 : i32 to index
      %get3A_512 = arith.constant 96 : index
      %get3A_513 = tpu.vector_load %arg9[%get3A_511, %get3A_512] {strides = array<i32>} : memref<16x256xf32, #tpu.memory_space<vmem>>, vector<16xf32>,
      %get3A_514 = arith.index_cast %add3A_490 : i32 to index
      %get3A_515 = arith.constant 112 : index
      %get3A_516 = tpu.vector_load %arg9[%get3A_514, %get3A_515] {strides = array<i32>} : memref<16x256xf32, #tpu.memory_space<vmem>>, vector<16xf32>,
      %get3A_517 = arith.index_cast %add3A_490 : i32 to index
      %get3A_518 = arith.constant 128 : index
      %get3A_519 = tpu.vector_load %arg9[%get3A_517, %get3A_518] {strides = array<i32>} : memref<16x256xf32, #tpu.memory_space<vmem>>, vector<16xf32>,
      %get3A_520 = arith.index_cast %add3A_490 : i32 to index
      %get3A_521 = arith.constant 144 : index
      %get3A_522 = tpu.vector_load %arg9[%get3A_520, %get3A_521] {strides = array<i32>} : memref<16x256xf32, #tpu.memory_space<vmem>>, vector<16xf32>,
      %get3A_523 = arith.index_cast %add3A_490 : i32 to index
      %get3A_524 = arith.constant 160 : index
      %get3A_525 = tpu.vector_load %arg9[%get3A_523, %get3A_524] {strides = array<i32>} : memref<16x256xf32, #tpu.memory_space<vmem>>, vector<16xf32>,
      %get3A_526 = arith.index_cast %add3A_490 : i32 to index
      %get3A_527 = arith.constant 176 : index
      %get3A_528 = tpu.vector_load %arg9[%get3A_526, %get3A_527] {strides = array<i32>} : memref<16x256xf32, #tpu.memory_space<vmem>>, vector<16xf32>,
      %get3A_529 = arith.index_cast %add3A_490 : i32 to index
      %get3A_530 = arith.constant 192 : index
      %get3A_531 = tpu.vector_load %arg9[%get3A_529, %get3A_530] {strides = array<i32>} : memref<16x256xf32, #tpu.memory_space<vmem>>, vector<16xf32>,
      %get3A_532 = arith.index_cast %add3A_490 : i32 to index
      %get3A_533 = arith.constant 208 : index
      %get3A_534 = tpu.vector_load %arg9[%get3A_532, %get3A_533] {strides = array<i32>} : memref<16x256xf32, #tpu.memory_space<vmem>>, vector<16xf32>,
      %get3A_535 = arith.index_cast %add3A_490 : i32 to index
      %get3A_536 = arith.constant 224 : index
      %get3A_537 = tpu.vector_load %arg9[%get3A_535, %get3A_536] {strides = array<i32>} : memref<16x256xf32, #tpu.memory_space<vmem>>, vector<16xf32>,
      %get3A_538 = arith.index_cast %add3A_490 : i32 to index
      %get3A_539 = arith.constant 240 : index
      %get3A_540 = tpu.vector_load %arg9[%get3A_538, %get3A_539] {strides = array<i32>} : memref<16x256xf32, #tpu.memory_space<vmem>>, vector<16xf32>,
      tpu.vector_store_idx %arg11[%gather3A_492, %add3A_48], %get3A_495 {add = true} : memref<272x128xf32, #tpu.memory_space<vmem>>[vector<16xi32>, vector<16xi32>], vector<16xf32>,
      tpu.vector_store_idx %arg11[%gather3A_492, %add3A_51], %get3A_498 {add = true} : memref<272x128xf32, #tpu.memory_space<vmem>>[vector<16xi32>, vector<16xi32>], vector<16xf32>,
      tpu.vector_store_idx %arg11[%gather3A_492, %add3A_54], %get3A_501 {add = true} : memref<272x128xf32, #tpu.memory_space<vmem>>[vector<16xi32>, vector<16xi32>], vector<16xf32>,
      tpu.vector_store_idx %arg11[%gather3A_492, %add3A_57], %get3A_504 {add = true} : memref<272x128xf32, #tpu.memory_space<vmem>>[vector<16xi32>, vector<16xi32>], vector<16xf32>,
      tpu.vector_store_idx %arg11[%gather3A_492, %add3A_60], %get3A_507 {add = true} : memref<272x128xf32, #tpu.memory_space<vmem>>[vector<16xi32>, vector<16xi32>], vector<16xf32>,
      tpu.vector_store_idx %arg11[%gather3A_492, %add3A_63], %get3A_510 {add = true} : memref<272x128xf32, #tpu.memory_space<vmem>>[vector<16xi32>, vector<16xi32>], vector<16xf32>,
      tpu.vector_store_idx %arg11[%gather3A_492, %add3A_66], %get3A_513 {add = true} : memref<272x128xf32, #tpu.memory_space<vmem>>[vector<16xi32>, vector<16xi32>], vector<16xf32>,
      tpu.vector_store_idx %arg11[%gather3A_492, %add3A_69], %get3A_516 {add = true} : memref<272x128xf32, #tpu.memory_space<vmem>>[vector<16xi32>, vector<16xi32>], vector<16xf32>,
      tpu.vector_store_idx %arg12[%gather3A_492, %add3A_48], %get3A_519 {add = true} : memref<272x128xf32, #tpu.memory_space<vmem>>[vector<16xi32>, vector<16xi32>], vector<16xf32>,
      tpu.vector_store_idx %arg12[%gather3A_492, %add3A_51], %get3A_522 {add = true} : memref<272x128xf32, #tpu.memory_space<vmem>>[vector<16xi32>, vector<16xi32>], vector<16xf32>,
      tpu.vector_store_idx %arg12[%gather3A_492, %add3A_54], %get3A_525 {add = true} : memref<272x128xf32, #tpu.memory_space<vmem>>[vector<16xi32>, vector<16xi32>], vector<16xf32>,
      tpu.vector_store_idx %arg12[%gather3A_492, %add3A_57], %get3A_528 {add = true} : memref<272x128xf32, #tpu.memory_space<vmem>>[vector<16xi32>, vector<16xi32>], vector<16xf32>,
      tpu.vector_store_idx %arg12[%gather3A_492, %add3A_60], %get3A_531 {add = true} : memref<272x128xf32, #tpu.memory_space<vmem>>[vector<16xi32>, vector<16xi32>], vector<16xf32>,
      tpu.vector_store_idx %arg12[%gather3A_492, %add3A_63], %get3A_534 {add = true} : memref<272x128xf32, #tpu.memory_space<vmem>>[vector<16xi32>, vector<16xi32>], vector<16xf32>,
      tpu.vector_store_idx %arg12[%gather3A_492, %add3A_66], %get3A_537 {add = true} : memref<272x128xf32, #tpu.memory_space<vmem>>[vector<16xi32>, vector<16xi32>], vector<16xf32>,
      tpu.vector_store_idx %arg12[%gather3A_492, %add3A_69], %get3A_540 {add = true} : memref<272x128xf32, #tpu.memory_space<vmem>>[vector<16xi32>, vector<16xi32>], vector<16xf32>,
    }
    %scan3A_234 = arith.constant 16 : i32
    %add3A_235 = arith.constant 7 : i32
    %add3A_236 = arith.addi %mul3A_2, %add3A_235 : i32
    %add3A_237 = arith.constant 4 : i32
    %add3A_238 = arith.addi %add3A_236, %add3A_237 : i32
    %min3A_239 = arith.constant 624 : i32
    %min3A_240 = arith.minsi %add3A_238, %min3A_239 : i32
    %mul3A_241 = arith.constant 16 : i32
    %mul3A_242 = arith.muli %min3A_240, %mul3A_241 : i32
    %dma_start3A_243 = arith.constant 0 : i32
    %dma_start3A_244 = tpu.memref_slice %arg2[%mul3A_242, %dma_start3A_243] : memref<10000x256xf32, #tpu.memory_space<hbm>> -> memref<16x256xf32, #tpu.memory_space<hbm>>
    %dma_start3A_245 = arith.constant 0 : i32
    %dma_start3A_246 = tpu.memref_slice %arg2[%mul3A_242, %dma_start3A_245] : memref<10000x256xf32, #tpu.memory_space<hbm>> -> memref<16x256xf32, #tpu.memory_space<hbm>>
    tpu.enqueue_dma source(%dma_start3A_246 : memref<16x256xf32, #tpu.memory_space<hbm>>) target(%arg10 : memref<16x256xf32, #tpu.memory_space<vmem>>) target_semaphore(%arg16 : memref<!tpu.dma_semaphore, #tpu.memory_space<semaphore_mem>>)
    %dma_wait3A_247 = arith.constant 0 : i32
    %dma_wait3A_248 = tpu.memref_slice %arg2[%mul3A_150, %dma_wait3A_247] : memref<10000x256xf32, #tpu.memory_space<hbm>> -> memref<16x256xf32, #tpu.memory_space<hbm>>
    %dma_wait3A_249 = arith.constant 0 : i32
    %dma_wait3A_250 = tpu.memref_slice %arg2[%mul3A_150, %dma_wait3A_249] : memref<10000x256xf32, #tpu.memory_space<hbm>> -> memref<16x256xf32, #tpu.memory_space<hbm>>
    tpu.wait_dma2 semaphore(%arg16 : memref<!tpu.dma_semaphore, #tpu.memory_space<semaphore_mem>>) src(%dma_wait3A_250 : memref<16x256xf32, #tpu.memory_space<hbm>>) dst(%arg10 : memref<16x256xf32, #tpu.memory_space<vmem>>)
    %get3A_251 = arith.constant 112 : index
    %get3A_252 = tpu.vector_load %arg6[%get3A_251] {strides = array<i32>} : memref<320xi32, #tpu.memory_space<vmem>>, vector<16xi32>,
    %scan3A_253 = arith.constant 0 : i32
    %scan3A_254 = arith.constant 16 : i32
    %scan3A_255 = arith.addi %scan3A_253, %scan3A_254 : i32
    %scan3A_256 = arith.constant 1 : i32
    scf.for %scan3A_486 = %scan3A_253 to %scan3A_255 step %scan3A_256  : i32 {
      %mul3A_487 = arith.constant 1 : i32
      %mul3A_488 = arith.muli %scan3A_486, %mul3A_487 : i32
      %add3A_489 = arith.constant 0 : i32
      %add3A_490 = arith.addi %add3A_489, %mul3A_488 : i32
      %broadcast_in_dim3A_491 = vector.broadcast %add3A_490 : i32 to vector<16x1xi32>
      %gather3A = vector.shape_cast %broadcast_in_dim3A_491 : vector<16x1xi32> to vector<16xi32>
      %gather3A_492 = tpu.dynamic_gather %get3A_252[%gather3A] in [0] : vector<16xi32>, vector<16xi32> -> vector<16xi32>
      %get3A_493 = arith.index_cast %add3A_490 : i32 to index
      %get3A_494 = arith.constant 0 : index
      %get3A_495 = tpu.vector_load %arg10[%get3A_493, %get3A_494] {strides = array<i32>} : memref<16x256xf32, #tpu.memory_space<vmem>>, vector<16xf32>,
      %get3A_496 = arith.index_cast %add3A_490 : i32 to index
      %get3A_497 = arith.constant 16 : index
      %get3A_498 = tpu.vector_load %arg10[%get3A_496, %get3A_497] {strides = array<i32>} : memref<16x256xf32, #tpu.memory_space<vmem>>, vector<16xf32>,
      %get3A_499 = arith.index_cast %add3A_490 : i32 to index
      %get3A_500 = arith.constant 32 : index
      %get3A_501 = tpu.vector_load %arg10[%get3A_499, %get3A_500] {strides = array<i32>} : memref<16x256xf32, #tpu.memory_space<vmem>>, vector<16xf32>,
      %get3A_502 = arith.index_cast %add3A_490 : i32 to index
      %get3A_503 = arith.constant 48 : index
      %get3A_504 = tpu.vector_load %arg10[%get3A_502, %get3A_503] {strides = array<i32>} : memref<16x256xf32, #tpu.memory_space<vmem>>, vector<16xf32>,
      %get3A_505 = arith.index_cast %add3A_490 : i32 to index
      %get3A_506 = arith.constant 64 : index
      %get3A_507 = tpu.vector_load %arg10[%get3A_505, %get3A_506] {strides = array<i32>} : memref<16x256xf32, #tpu.memory_space<vmem>>, vector<16xf32>,
      %get3A_508 = arith.index_cast %add3A_490 : i32 to index
      %get3A_509 = arith.constant 80 : index
      %get3A_510 = tpu.vector_load %arg10[%get3A_508, %get3A_509] {strides = array<i32>} : memref<16x256xf32, #tpu.memory_space<vmem>>, vector<16xf32>,
      %get3A_511 = arith.index_cast %add3A_490 : i32 to index
      %get3A_512 = arith.constant 96 : index
      %get3A_513 = tpu.vector_load %arg10[%get3A_511, %get3A_512] {strides = array<i32>} : memref<16x256xf32, #tpu.memory_space<vmem>>, vector<16xf32>,
      %get3A_514 = arith.index_cast %add3A_490 : i32 to index
      %get3A_515 = arith.constant 112 : index
      %get3A_516 = tpu.vector_load %arg10[%get3A_514, %get3A_515] {strides = array<i32>} : memref<16x256xf32, #tpu.memory_space<vmem>>, vector<16xf32>,
      %get3A_517 = arith.index_cast %add3A_490 : i32 to index
      %get3A_518 = arith.constant 128 : index
      %get3A_519 = tpu.vector_load %arg10[%get3A_517, %get3A_518] {strides = array<i32>} : memref<16x256xf32, #tpu.memory_space<vmem>>, vector<16xf32>,
      %get3A_520 = arith.index_cast %add3A_490 : i32 to index
      %get3A_521 = arith.constant 144 : index
      %get3A_522 = tpu.vector_load %arg10[%get3A_520, %get3A_521] {strides = array<i32>} : memref<16x256xf32, #tpu.memory_space<vmem>>, vector<16xf32>,
      %get3A_523 = arith.index_cast %add3A_490 : i32 to index
      %get3A_524 = arith.constant 160 : index
      %get3A_525 = tpu.vector_load %arg10[%get3A_523, %get3A_524] {strides = array<i32>} : memref<16x256xf32, #tpu.memory_space<vmem>>, vector<16xf32>,
      %get3A_526 = arith.index_cast %add3A_490 : i32 to index
      %get3A_527 = arith.constant 176 : index
      %get3A_528 = tpu.vector_load %arg10[%get3A_526, %get3A_527] {strides = array<i32>} : memref<16x256xf32, #tpu.memory_space<vmem>>, vector<16xf32>,
      %get3A_529 = arith.index_cast %add3A_490 : i32 to index
      %get3A_530 = arith.constant 192 : index
      %get3A_531 = tpu.vector_load %arg10[%get3A_529, %get3A_530] {strides = array<i32>} : memref<16x256xf32, #tpu.memory_space<vmem>>, vector<16xf32>,
      %get3A_532 = arith.index_cast %add3A_490 : i32 to index
      %get3A_533 = arith.constant 208 : index
      %get3A_534 = tpu.vector_load %arg10[%get3A_532, %get3A_533] {strides = array<i32>} : memref<16x256xf32, #tpu.memory_space<vmem>>, vector<16xf32>,
      %get3A_535 = arith.index_cast %add3A_490 : i32 to index
      %get3A_536 = arith.constant 224 : index
      %get3A_537 = tpu.vector_load %arg10[%get3A_535, %get3A_536] {strides = array<i32>} : memref<16x256xf32, #tpu.memory_space<vmem>>, vector<16xf32>,
      %get3A_538 = arith.index_cast %add3A_490 : i32 to index
      %get3A_539 = arith.constant 240 : index
      %get3A_540 = tpu.vector_load %arg10[%get3A_538, %get3A_539] {strides = array<i32>} : memref<16x256xf32, #tpu.memory_space<vmem>>, vector<16xf32>,
      tpu.vector_store_idx %arg11[%gather3A_492, %add3A_48], %get3A_495 {add = true} : memref<272x128xf32, #tpu.memory_space<vmem>>[vector<16xi32>, vector<16xi32>], vector<16xf32>,
      tpu.vector_store_idx %arg11[%gather3A_492, %add3A_51], %get3A_498 {add = true} : memref<272x128xf32, #tpu.memory_space<vmem>>[vector<16xi32>, vector<16xi32>], vector<16xf32>,
      tpu.vector_store_idx %arg11[%gather3A_492, %add3A_54], %get3A_501 {add = true} : memref<272x128xf32, #tpu.memory_space<vmem>>[vector<16xi32>, vector<16xi32>], vector<16xf32>,
      tpu.vector_store_idx %arg11[%gather3A_492, %add3A_57], %get3A_504 {add = true} : memref<272x128xf32, #tpu.memory_space<vmem>>[vector<16xi32>, vector<16xi32>], vector<16xf32>,
      tpu.vector_store_idx %arg11[%gather3A_492, %add3A_60], %get3A_507 {add = true} : memref<272x128xf32, #tpu.memory_space<vmem>>[vector<16xi32>, vector<16xi32>], vector<16xf32>,
      tpu.vector_store_idx %arg11[%gather3A_492, %add3A_63], %get3A_510 {add = true} : memref<272x128xf32, #tpu.memory_space<vmem>>[vector<16xi32>, vector<16xi32>], vector<16xf32>,
      tpu.vector_store_idx %arg11[%gather3A_492, %add3A_66], %get3A_513 {add = true} : memref<272x128xf32, #tpu.memory_space<vmem>>[vector<16xi32>, vector<16xi32>], vector<16xf32>,
      tpu.vector_store_idx %arg11[%gather3A_492, %add3A_69], %get3A_516 {add = true} : memref<272x128xf32, #tpu.memory_space<vmem>>[vector<16xi32>, vector<16xi32>], vector<16xf32>,
      tpu.vector_store_idx %arg12[%gather3A_492, %add3A_48], %get3A_519 {add = true} : memref<272x128xf32, #tpu.memory_space<vmem>>[vector<16xi32>, vector<16xi32>], vector<16xf32>,
      tpu.vector_store_idx %arg12[%gather3A_492, %add3A_51], %get3A_522 {add = true} : memref<272x128xf32, #tpu.memory_space<vmem>>[vector<16xi32>, vector<16xi32>], vector<16xf32>,
      tpu.vector_store_idx %arg12[%gather3A_492, %add3A_54], %get3A_525 {add = true} : memref<272x128xf32, #tpu.memory_space<vmem>>[vector<16xi32>, vector<16xi32>], vector<16xf32>,
      tpu.vector_store_idx %arg12[%gather3A_492, %add3A_57], %get3A_528 {add = true} : memref<272x128xf32, #tpu.memory_space<vmem>>[vector<16xi32>, vector<16xi32>], vector<16xf32>,
      tpu.vector_store_idx %arg12[%gather3A_492, %add3A_60], %get3A_531 {add = true} : memref<272x128xf32, #tpu.memory_space<vmem>>[vector<16xi32>, vector<16xi32>], vector<16xf32>,
      tpu.vector_store_idx %arg12[%gather3A_492, %add3A_63], %get3A_534 {add = true} : memref<272x128xf32, #tpu.memory_space<vmem>>[vector<16xi32>, vector<16xi32>], vector<16xf32>,
      tpu.vector_store_idx %arg12[%gather3A_492, %add3A_66], %get3A_537 {add = true} : memref<272x128xf32, #tpu.memory_space<vmem>>[vector<16xi32>, vector<16xi32>], vector<16xf32>,
      tpu.vector_store_idx %arg12[%gather3A_492, %add3A_69], %get3A_540 {add = true} : memref<272x128xf32, #tpu.memory_space<vmem>>[vector<16xi32>, vector<16xi32>], vector<16xf32>,
    }
    %scan3A_257 = arith.constant 16 : i32
    %add3A_258 = arith.constant 8 : i32
    %add3A_259 = arith.addi %mul3A_2, %add3A_258 : i32
    %add3A_260 = arith.constant 4 : i32
    %add3A_261 = arith.addi %add3A_259, %add3A_260 : i32
    %min3A_262 = arith.constant 624 : i32
    %min3A_263 = arith.minsi %add3A_261, %min3A_262 : i32
    %mul3A_264 = arith.constant 16 : i32
    %mul3A_265 = arith.muli %min3A_263, %mul3A_264 : i32
    %dma_start3A_266 = arith.constant 0 : i32
    %dma_start3A_267 = tpu.memref_slice %arg2[%mul3A_265, %dma_start3A_266] : memref<10000x256xf32, #tpu.memory_space<hbm>> -> memref<16x256xf32, #tpu.memory_space<hbm>>
    %dma_start3A_268 = arith.constant 0 : i32
    %dma_start3A_269 = tpu.memref_slice %arg2[%mul3A_265, %dma_start3A_268] : memref<10000x256xf32, #tpu.memory_space<hbm>> -> memref<16x256xf32, #tpu.memory_space<hbm>>
    tpu.enqueue_dma source(%dma_start3A_269 : memref<16x256xf32, #tpu.memory_space<hbm>>) target(%arg7 : memref<16x256xf32, #tpu.memory_space<vmem>>) target_semaphore(%arg13 : memref<!tpu.dma_semaphore, #tpu.memory_space<semaphore_mem>>)
    %dma_wait3A_270 = arith.constant 0 : i32
    %dma_wait3A_271 = tpu.memref_slice %arg2[%mul3A_173, %dma_wait3A_270] : memref<10000x256xf32, #tpu.memory_space<hbm>> -> memref<16x256xf32, #tpu.memory_space<hbm>>
    %dma_wait3A_272 = arith.constant 0 : i32
    %dma_wait3A_273 = tpu.memref_slice %arg2[%mul3A_173, %dma_wait3A_272] : memref<10000x256xf32, #tpu.memory_space<hbm>> -> memref<16x256xf32, #tpu.memory_space<hbm>>
    tpu.wait_dma2 semaphore(%arg13 : memref<!tpu.dma_semaphore, #tpu.memory_space<semaphore_mem>>) src(%dma_wait3A_273 : memref<16x256xf32, #tpu.memory_space<hbm>>) dst(%arg7 : memref<16x256xf32, #tpu.memory_space<vmem>>)
    %get3A_274 = arith.constant 128 : index
    %get3A_275 = tpu.vector_load %arg6[%get3A_274] {strides = array<i32>} : memref<320xi32, #tpu.memory_space<vmem>>, vector<16xi32>,
    %scan3A_276 = arith.constant 0 : i32
    %scan3A_277 = arith.constant 16 : i32
    %scan3A_278 = arith.addi %scan3A_276, %scan3A_277 : i32
    %scan3A_279 = arith.constant 1 : i32
    scf.for %scan3A_486 = %scan3A_276 to %scan3A_278 step %scan3A_279  : i32 {
      %mul3A_487 = arith.constant 1 : i32
      %mul3A_488 = arith.muli %scan3A_486, %mul3A_487 : i32
      %add3A_489 = arith.constant 0 : i32
      %add3A_490 = arith.addi %add3A_489, %mul3A_488 : i32
      %broadcast_in_dim3A_491 = vector.broadcast %add3A_490 : i32 to vector<16x1xi32>
      %gather3A = vector.shape_cast %broadcast_in_dim3A_491 : vector<16x1xi32> to vector<16xi32>
      %gather3A_492 = tpu.dynamic_gather %get3A_275[%gather3A] in [0] : vector<16xi32>, vector<16xi32> -> vector<16xi32>
      %get3A_493 = arith.index_cast %add3A_490 : i32 to index
      %get3A_494 = arith.constant 0 : index
      %get3A_495 = tpu.vector_load %arg7[%get3A_493, %get3A_494] {strides = array<i32>} : memref<16x256xf32, #tpu.memory_space<vmem>>, vector<16xf32>,
      %get3A_496 = arith.index_cast %add3A_490 : i32 to index
      %get3A_497 = arith.constant 16 : index
      %get3A_498 = tpu.vector_load %arg7[%get3A_496, %get3A_497] {strides = array<i32>} : memref<16x256xf32, #tpu.memory_space<vmem>>, vector<16xf32>,
      %get3A_499 = arith.index_cast %add3A_490 : i32 to index
      %get3A_500 = arith.constant 32 : index
      %get3A_501 = tpu.vector_load %arg7[%get3A_499, %get3A_500] {strides = array<i32>} : memref<16x256xf32, #tpu.memory_space<vmem>>, vector<16xf32>,
      %get3A_502 = arith.index_cast %add3A_490 : i32 to index
      %get3A_503 = arith.constant 48 : index
      %get3A_504 = tpu.vector_load %arg7[%get3A_502, %get3A_503] {strides = array<i32>} : memref<16x256xf32, #tpu.memory_space<vmem>>, vector<16xf32>,
      %get3A_505 = arith.index_cast %add3A_490 : i32 to index
      %get3A_506 = arith.constant 64 : index
      %get3A_507 = tpu.vector_load %arg7[%get3A_505, %get3A_506] {strides = array<i32>} : memref<16x256xf32, #tpu.memory_space<vmem>>, vector<16xf32>,
      %get3A_508 = arith.index_cast %add3A_490 : i32 to index
      %get3A_509 = arith.constant 80 : index
      %get3A_510 = tpu.vector_load %arg7[%get3A_508, %get3A_509] {strides = array<i32>} : memref<16x256xf32, #tpu.memory_space<vmem>>, vector<16xf32>,
      %get3A_511 = arith.index_cast %add3A_490 : i32 to index
      %get3A_512 = arith.constant 96 : index
      %get3A_513 = tpu.vector_load %arg7[%get3A_511, %get3A_512] {strides = array<i32>} : memref<16x256xf32, #tpu.memory_space<vmem>>, vector<16xf32>,
      %get3A_514 = arith.index_cast %add3A_490 : i32 to index
      %get3A_515 = arith.constant 112 : index
      %get3A_516 = tpu.vector_load %arg7[%get3A_514, %get3A_515] {strides = array<i32>} : memref<16x256xf32, #tpu.memory_space<vmem>>, vector<16xf32>,
      %get3A_517 = arith.index_cast %add3A_490 : i32 to index
      %get3A_518 = arith.constant 128 : index
      %get3A_519 = tpu.vector_load %arg7[%get3A_517, %get3A_518] {strides = array<i32>} : memref<16x256xf32, #tpu.memory_space<vmem>>, vector<16xf32>,
      %get3A_520 = arith.index_cast %add3A_490 : i32 to index
      %get3A_521 = arith.constant 144 : index
      %get3A_522 = tpu.vector_load %arg7[%get3A_520, %get3A_521] {strides = array<i32>} : memref<16x256xf32, #tpu.memory_space<vmem>>, vector<16xf32>,
      %get3A_523 = arith.index_cast %add3A_490 : i32 to index
      %get3A_524 = arith.constant 160 : index
      %get3A_525 = tpu.vector_load %arg7[%get3A_523, %get3A_524] {strides = array<i32>} : memref<16x256xf32, #tpu.memory_space<vmem>>, vector<16xf32>,
      %get3A_526 = arith.index_cast %add3A_490 : i32 to index
      %get3A_527 = arith.constant 176 : index
      %get3A_528 = tpu.vector_load %arg7[%get3A_526, %get3A_527] {strides = array<i32>} : memref<16x256xf32, #tpu.memory_space<vmem>>, vector<16xf32>,
      %get3A_529 = arith.index_cast %add3A_490 : i32 to index
      %get3A_530 = arith.constant 192 : index
      %get3A_531 = tpu.vector_load %arg7[%get3A_529, %get3A_530] {strides = array<i32>} : memref<16x256xf32, #tpu.memory_space<vmem>>, vector<16xf32>,
      %get3A_532 = arith.index_cast %add3A_490 : i32 to index
      %get3A_533 = arith.constant 208 : index
      %get3A_534 = tpu.vector_load %arg7[%get3A_532, %get3A_533] {strides = array<i32>} : memref<16x256xf32, #tpu.memory_space<vmem>>, vector<16xf32>,
      %get3A_535 = arith.index_cast %add3A_490 : i32 to index
      %get3A_536 = arith.constant 224 : index
      %get3A_537 = tpu.vector_load %arg7[%get3A_535, %get3A_536] {strides = array<i32>} : memref<16x256xf32, #tpu.memory_space<vmem>>, vector<16xf32>,
      %get3A_538 = arith.index_cast %add3A_490 : i32 to index
      %get3A_539 = arith.constant 240 : index
      %get3A_540 = tpu.vector_load %arg7[%get3A_538, %get3A_539] {strides = array<i32>} : memref<16x256xf32, #tpu.memory_space<vmem>>, vector<16xf32>,
      tpu.vector_store_idx %arg11[%gather3A_492, %add3A_48], %get3A_495 {add = true} : memref<272x128xf32, #tpu.memory_space<vmem>>[vector<16xi32>, vector<16xi32>], vector<16xf32>,
      tpu.vector_store_idx %arg11[%gather3A_492, %add3A_51], %get3A_498 {add = true} : memref<272x128xf32, #tpu.memory_space<vmem>>[vector<16xi32>, vector<16xi32>], vector<16xf32>,
      tpu.vector_store_idx %arg11[%gather3A_492, %add3A_54], %get3A_501 {add = true} : memref<272x128xf32, #tpu.memory_space<vmem>>[vector<16xi32>, vector<16xi32>], vector<16xf32>,
      tpu.vector_store_idx %arg11[%gather3A_492, %add3A_57], %get3A_504 {add = true} : memref<272x128xf32, #tpu.memory_space<vmem>>[vector<16xi32>, vector<16xi32>], vector<16xf32>,
      tpu.vector_store_idx %arg11[%gather3A_492, %add3A_60], %get3A_507 {add = true} : memref<272x128xf32, #tpu.memory_space<vmem>>[vector<16xi32>, vector<16xi32>], vector<16xf32>,
      tpu.vector_store_idx %arg11[%gather3A_492, %add3A_63], %get3A_510 {add = true} : memref<272x128xf32, #tpu.memory_space<vmem>>[vector<16xi32>, vector<16xi32>], vector<16xf32>,
      tpu.vector_store_idx %arg11[%gather3A_492, %add3A_66], %get3A_513 {add = true} : memref<272x128xf32, #tpu.memory_space<vmem>>[vector<16xi32>, vector<16xi32>], vector<16xf32>,
      tpu.vector_store_idx %arg11[%gather3A_492, %add3A_69], %get3A_516 {add = true} : memref<272x128xf32, #tpu.memory_space<vmem>>[vector<16xi32>, vector<16xi32>], vector<16xf32>,
      tpu.vector_store_idx %arg12[%gather3A_492, %add3A_48], %get3A_519 {add = true} : memref<272x128xf32, #tpu.memory_space<vmem>>[vector<16xi32>, vector<16xi32>], vector<16xf32>,
      tpu.vector_store_idx %arg12[%gather3A_492, %add3A_51], %get3A_522 {add = true} : memref<272x128xf32, #tpu.memory_space<vmem>>[vector<16xi32>, vector<16xi32>], vector<16xf32>,
      tpu.vector_store_idx %arg12[%gather3A_492, %add3A_54], %get3A_525 {add = true} : memref<272x128xf32, #tpu.memory_space<vmem>>[vector<16xi32>, vector<16xi32>], vector<16xf32>,
      tpu.vector_store_idx %arg12[%gather3A_492, %add3A_57], %get3A_528 {add = true} : memref<272x128xf32, #tpu.memory_space<vmem>>[vector<16xi32>, vector<16xi32>], vector<16xf32>,
      tpu.vector_store_idx %arg12[%gather3A_492, %add3A_60], %get3A_531 {add = true} : memref<272x128xf32, #tpu.memory_space<vmem>>[vector<16xi32>, vector<16xi32>], vector<16xf32>,
      tpu.vector_store_idx %arg12[%gather3A_492, %add3A_63], %get3A_534 {add = true} : memref<272x128xf32, #tpu.memory_space<vmem>>[vector<16xi32>, vector<16xi32>], vector<16xf32>,
      tpu.vector_store_idx %arg12[%gather3A_492, %add3A_66], %get3A_537 {add = true} : memref<272x128xf32, #tpu.memory_space<vmem>>[vector<16xi32>, vector<16xi32>], vector<16xf32>,
      tpu.vector_store_idx %arg12[%gather3A_492, %add3A_69], %get3A_540 {add = true} : memref<272x128xf32, #tpu.memory_space<vmem>>[vector<16xi32>, vector<16xi32>], vector<16xf32>,
    }
    %scan3A_280 = arith.constant 16 : i32
    %add3A_281 = arith.constant 9 : i32
    %add3A_282 = arith.addi %mul3A_2, %add3A_281 : i32
    %add3A_283 = arith.constant 4 : i32
    %add3A_284 = arith.addi %add3A_282, %add3A_283 : i32
    %min3A_285 = arith.constant 624 : i32
    %min3A_286 = arith.minsi %add3A_284, %min3A_285 : i32
    %mul3A_287 = arith.constant 16 : i32
    %mul3A_288 = arith.muli %min3A_286, %mul3A_287 : i32
    %dma_start3A_289 = arith.constant 0 : i32
    %dma_start3A_290 = tpu.memref_slice %arg2[%mul3A_288, %dma_start3A_289] : memref<10000x256xf32, #tpu.memory_space<hbm>> -> memref<16x256xf32, #tpu.memory_space<hbm>>
    %dma_start3A_291 = arith.constant 0 : i32
    %dma_start3A_292 = tpu.memref_slice %arg2[%mul3A_288, %dma_start3A_291] : memref<10000x256xf32, #tpu.memory_space<hbm>> -> memref<16x256xf32, #tpu.memory_space<hbm>>
    tpu.enqueue_dma source(%dma_start3A_292 : memref<16x256xf32, #tpu.memory_space<hbm>>) target(%arg8 : memref<16x256xf32, #tpu.memory_space<vmem>>) target_semaphore(%arg14 : memref<!tpu.dma_semaphore, #tpu.memory_space<semaphore_mem>>)
    %dma_wait3A_293 = arith.constant 0 : i32
    %dma_wait3A_294 = tpu.memref_slice %arg2[%mul3A_196, %dma_wait3A_293] : memref<10000x256xf32, #tpu.memory_space<hbm>> -> memref<16x256xf32, #tpu.memory_space<hbm>>
    %dma_wait3A_295 = arith.constant 0 : i32
    %dma_wait3A_296 = tpu.memref_slice %arg2[%mul3A_196, %dma_wait3A_295] : memref<10000x256xf32, #tpu.memory_space<hbm>> -> memref<16x256xf32, #tpu.memory_space<hbm>>
    tpu.wait_dma2 semaphore(%arg14 : memref<!tpu.dma_semaphore, #tpu.memory_space<semaphore_mem>>) src(%dma_wait3A_296 : memref<16x256xf32, #tpu.memory_space<hbm>>) dst(%arg8 : memref<16x256xf32, #tpu.memory_space<vmem>>)
    %get3A_297 = arith.constant 144 : index
    %get3A_298 = tpu.vector_load %arg6[%get3A_297] {strides = array<i32>} : memref<320xi32, #tpu.memory_space<vmem>>, vector<16xi32>,
    %scan3A_299 = arith.constant 0 : i32
    %scan3A_300 = arith.constant 16 : i32
    %scan3A_301 = arith.addi %scan3A_299, %scan3A_300 : i32
    %scan3A_302 = arith.constant 1 : i32
    scf.for %scan3A_486 = %scan3A_299 to %scan3A_301 step %scan3A_302  : i32 {
      %mul3A_487 = arith.constant 1 : i32
      %mul3A_488 = arith.muli %scan3A_486, %mul3A_487 : i32
      %add3A_489 = arith.constant 0 : i32
      %add3A_490 = arith.addi %add3A_489, %mul3A_488 : i32
      %broadcast_in_dim3A_491 = vector.broadcast %add3A_490 : i32 to vector<16x1xi32>
      %gather3A = vector.shape_cast %broadcast_in_dim3A_491 : vector<16x1xi32> to vector<16xi32>
      %gather3A_492 = tpu.dynamic_gather %get3A_298[%gather3A] in [0] : vector<16xi32>, vector<16xi32> -> vector<16xi32>
      %get3A_493 = arith.index_cast %add3A_490 : i32 to index
      %get3A_494 = arith.constant 0 : index
      %get3A_495 = tpu.vector_load %arg8[%get3A_493, %get3A_494] {strides = array<i32>} : memref<16x256xf32, #tpu.memory_space<vmem>>, vector<16xf32>,
      %get3A_496 = arith.index_cast %add3A_490 : i32 to index
      %get3A_497 = arith.constant 16 : index
      %get3A_498 = tpu.vector_load %arg8[%get3A_496, %get3A_497] {strides = array<i32>} : memref<16x256xf32, #tpu.memory_space<vmem>>, vector<16xf32>,
      %get3A_499 = arith.index_cast %add3A_490 : i32 to index
      %get3A_500 = arith.constant 32 : index
      %get3A_501 = tpu.vector_load %arg8[%get3A_499, %get3A_500] {strides = array<i32>} : memref<16x256xf32, #tpu.memory_space<vmem>>, vector<16xf32>,
      %get3A_502 = arith.index_cast %add3A_490 : i32 to index
      %get3A_503 = arith.constant 48 : index
      %get3A_504 = tpu.vector_load %arg8[%get3A_502, %get3A_503] {strides = array<i32>} : memref<16x256xf32, #tpu.memory_space<vmem>>, vector<16xf32>,
      %get3A_505 = arith.index_cast %add3A_490 : i32 to index
      %get3A_506 = arith.constant 64 : index
      %get3A_507 = tpu.vector_load %arg8[%get3A_505, %get3A_506] {strides = array<i32>} : memref<16x256xf32, #tpu.memory_space<vmem>>, vector<16xf32>,
      %get3A_508 = arith.index_cast %add3A_490 : i32 to index
      %get3A_509 = arith.constant 80 : index
      %get3A_510 = tpu.vector_load %arg8[%get3A_508, %get3A_509] {strides = array<i32>} : memref<16x256xf32, #tpu.memory_space<vmem>>, vector<16xf32>,
      %get3A_511 = arith.index_cast %add3A_490 : i32 to index
      %get3A_512 = arith.constant 96 : index
      %get3A_513 = tpu.vector_load %arg8[%get3A_511, %get3A_512] {strides = array<i32>} : memref<16x256xf32, #tpu.memory_space<vmem>>, vector<16xf32>,
      %get3A_514 = arith.index_cast %add3A_490 : i32 to index
      %get3A_515 = arith.constant 112 : index
      %get3A_516 = tpu.vector_load %arg8[%get3A_514, %get3A_515] {strides = array<i32>} : memref<16x256xf32, #tpu.memory_space<vmem>>, vector<16xf32>,
      %get3A_517 = arith.index_cast %add3A_490 : i32 to index
      %get3A_518 = arith.constant 128 : index
      %get3A_519 = tpu.vector_load %arg8[%get3A_517, %get3A_518] {strides = array<i32>} : memref<16x256xf32, #tpu.memory_space<vmem>>, vector<16xf32>,
      %get3A_520 = arith.index_cast %add3A_490 : i32 to index
      %get3A_521 = arith.constant 144 : index
      %get3A_522 = tpu.vector_load %arg8[%get3A_520, %get3A_521] {strides = array<i32>} : memref<16x256xf32, #tpu.memory_space<vmem>>, vector<16xf32>,
      %get3A_523 = arith.index_cast %add3A_490 : i32 to index
      %get3A_524 = arith.constant 160 : index
      %get3A_525 = tpu.vector_load %arg8[%get3A_523, %get3A_524] {strides = array<i32>} : memref<16x256xf32, #tpu.memory_space<vmem>>, vector<16xf32>,
      %get3A_526 = arith.index_cast %add3A_490 : i32 to index
      %get3A_527 = arith.constant 176 : index
      %get3A_528 = tpu.vector_load %arg8[%get3A_526, %get3A_527] {strides = array<i32>} : memref<16x256xf32, #tpu.memory_space<vmem>>, vector<16xf32>,
      %get3A_529 = arith.index_cast %add3A_490 : i32 to index
      %get3A_530 = arith.constant 192 : index
      %get3A_531 = tpu.vector_load %arg8[%get3A_529, %get3A_530] {strides = array<i32>} : memref<16x256xf32, #tpu.memory_space<vmem>>, vector<16xf32>,
      %get3A_532 = arith.index_cast %add3A_490 : i32 to index
      %get3A_533 = arith.constant 208 : index
      %get3A_534 = tpu.vector_load %arg8[%get3A_532, %get3A_533] {strides = array<i32>} : memref<16x256xf32, #tpu.memory_space<vmem>>, vector<16xf32>,
      %get3A_535 = arith.index_cast %add3A_490 : i32 to index
      %get3A_536 = arith.constant 224 : index
      %get3A_537 = tpu.vector_load %arg8[%get3A_535, %get3A_536] {strides = array<i32>} : memref<16x256xf32, #tpu.memory_space<vmem>>, vector<16xf32>,
      %get3A_538 = arith.index_cast %add3A_490 : i32 to index
      %get3A_539 = arith.constant 240 : index
      %get3A_540 = tpu.vector_load %arg8[%get3A_538, %get3A_539] {strides = array<i32>} : memref<16x256xf32, #tpu.memory_space<vmem>>, vector<16xf32>,
      tpu.vector_store_idx %arg11[%gather3A_492, %add3A_48], %get3A_495 {add = true} : memref<272x128xf32, #tpu.memory_space<vmem>>[vector<16xi32>, vector<16xi32>], vector<16xf32>,
      tpu.vector_store_idx %arg11[%gather3A_492, %add3A_51], %get3A_498 {add = true} : memref<272x128xf32, #tpu.memory_space<vmem>>[vector<16xi32>, vector<16xi32>], vector<16xf32>,
      tpu.vector_store_idx %arg11[%gather3A_492, %add3A_54], %get3A_501 {add = true} : memref<272x128xf32, #tpu.memory_space<vmem>>[vector<16xi32>, vector<16xi32>], vector<16xf32>,
      tpu.vector_store_idx %arg11[%gather3A_492, %add3A_57], %get3A_504 {add = true} : memref<272x128xf32, #tpu.memory_space<vmem>>[vector<16xi32>, vector<16xi32>], vector<16xf32>,
      tpu.vector_store_idx %arg11[%gather3A_492, %add3A_60], %get3A_507 {add = true} : memref<272x128xf32, #tpu.memory_space<vmem>>[vector<16xi32>, vector<16xi32>], vector<16xf32>,
      tpu.vector_store_idx %arg11[%gather3A_492, %add3A_63], %get3A_510 {add = true} : memref<272x128xf32, #tpu.memory_space<vmem>>[vector<16xi32>, vector<16xi32>], vector<16xf32>,
      tpu.vector_store_idx %arg11[%gather3A_492, %add3A_66], %get3A_513 {add = true} : memref<272x128xf32, #tpu.memory_space<vmem>>[vector<16xi32>, vector<16xi32>], vector<16xf32>,
      tpu.vector_store_idx %arg11[%gather3A_492, %add3A_69], %get3A_516 {add = true} : memref<272x128xf32, #tpu.memory_space<vmem>>[vector<16xi32>, vector<16xi32>], vector<16xf32>,
      tpu.vector_store_idx %arg12[%gather3A_492, %add3A_48], %get3A_519 {add = true} : memref<272x128xf32, #tpu.memory_space<vmem>>[vector<16xi32>, vector<16xi32>], vector<16xf32>,
      tpu.vector_store_idx %arg12[%gather3A_492, %add3A_51], %get3A_522 {add = true} : memref<272x128xf32, #tpu.memory_space<vmem>>[vector<16xi32>, vector<16xi32>], vector<16xf32>,
      tpu.vector_store_idx %arg12[%gather3A_492, %add3A_54], %get3A_525 {add = true} : memref<272x128xf32, #tpu.memory_space<vmem>>[vector<16xi32>, vector<16xi32>], vector<16xf32>,
      tpu.vector_store_idx %arg12[%gather3A_492, %add3A_57], %get3A_528 {add = true} : memref<272x128xf32, #tpu.memory_space<vmem>>[vector<16xi32>, vector<16xi32>], vector<16xf32>,
      tpu.vector_store_idx %arg12[%gather3A_492, %add3A_60], %get3A_531 {add = true} : memref<272x128xf32, #tpu.memory_space<vmem>>[vector<16xi32>, vector<16xi32>], vector<16xf32>,
      tpu.vector_store_idx %arg12[%gather3A_492, %add3A_63], %get3A_534 {add = true} : memref<272x128xf32, #tpu.memory_space<vmem>>[vector<16xi32>, vector<16xi32>], vector<16xf32>,
      tpu.vector_store_idx %arg12[%gather3A_492, %add3A_66], %get3A_537 {add = true} : memref<272x128xf32, #tpu.memory_space<vmem>>[vector<16xi32>, vector<16xi32>], vector<16xf32>,
      tpu.vector_store_idx %arg12[%gather3A_492, %add3A_69], %get3A_540 {add = true} : memref<272x128xf32, #tpu.memory_space<vmem>>[vector<16xi32>, vector<16xi32>], vector<16xf32>,
    }
    %scan3A_303 = arith.constant 16 : i32
    %add3A_304 = arith.constant 10 : i32
    %add3A_305 = arith.addi %mul3A_2, %add3A_304 : i32
    %add3A_306 = arith.constant 4 : i32
    %add3A_307 = arith.addi %add3A_305, %add3A_306 : i32
    %min3A_308 = arith.constant 624 : i32
    %min3A_309 = arith.minsi %add3A_307, %min3A_308 : i32
    %mul3A_310 = arith.constant 16 : i32
    %mul3A_311 = arith.muli %min3A_309, %mul3A_310 : i32
    %dma_start3A_312 = arith.constant 0 : i32
    %dma_start3A_313 = tpu.memref_slice %arg2[%mul3A_311, %dma_start3A_312] : memref<10000x256xf32, #tpu.memory_space<hbm>> -> memref<16x256xf32, #tpu.memory_space<hbm>>
    %dma_start3A_314 = arith.constant 0 : i32
    %dma_start3A_315 = tpu.memref_slice %arg2[%mul3A_311, %dma_start3A_314] : memref<10000x256xf32, #tpu.memory_space<hbm>> -> memref<16x256xf32, #tpu.memory_space<hbm>>
    tpu.enqueue_dma source(%dma_start3A_315 : memref<16x256xf32, #tpu.memory_space<hbm>>) target(%arg9 : memref<16x256xf32, #tpu.memory_space<vmem>>) target_semaphore(%arg15 : memref<!tpu.dma_semaphore, #tpu.memory_space<semaphore_mem>>)
    %dma_wait3A_316 = arith.constant 0 : i32
    %dma_wait3A_317 = tpu.memref_slice %arg2[%mul3A_219, %dma_wait3A_316] : memref<10000x256xf32, #tpu.memory_space<hbm>> -> memref<16x256xf32, #tpu.memory_space<hbm>>
    %dma_wait3A_318 = arith.constant 0 : i32
    %dma_wait3A_319 = tpu.memref_slice %arg2[%mul3A_219, %dma_wait3A_318] : memref<10000x256xf32, #tpu.memory_space<hbm>> -> memref<16x256xf32, #tpu.memory_space<hbm>>
    tpu.wait_dma2 semaphore(%arg15 : memref<!tpu.dma_semaphore, #tpu.memory_space<semaphore_mem>>) src(%dma_wait3A_319 : memref<16x256xf32, #tpu.memory_space<hbm>>) dst(%arg9 : memref<16x256xf32, #tpu.memory_space<vmem>>)
    %get3A_320 = arith.constant 160 : index
    %get3A_321 = tpu.vector_load %arg6[%get3A_320] {strides = array<i32>} : memref<320xi32, #tpu.memory_space<vmem>>, vector<16xi32>,
    %scan3A_322 = arith.constant 0 : i32
    %scan3A_323 = arith.constant 16 : i32
    %scan3A_324 = arith.addi %scan3A_322, %scan3A_323 : i32
    %scan3A_325 = arith.constant 1 : i32
    scf.for %scan3A_486 = %scan3A_322 to %scan3A_324 step %scan3A_325  : i32 {
      %mul3A_487 = arith.constant 1 : i32
      %mul3A_488 = arith.muli %scan3A_486, %mul3A_487 : i32
      %add3A_489 = arith.constant 0 : i32
      %add3A_490 = arith.addi %add3A_489, %mul3A_488 : i32
      %broadcast_in_dim3A_491 = vector.broadcast %add3A_490 : i32 to vector<16x1xi32>
      %gather3A = vector.shape_cast %broadcast_in_dim3A_491 : vector<16x1xi32> to vector<16xi32>
      %gather3A_492 = tpu.dynamic_gather %get3A_321[%gather3A] in [0] : vector<16xi32>, vector<16xi32> -> vector<16xi32>
      %get3A_493 = arith.index_cast %add3A_490 : i32 to index
      %get3A_494 = arith.constant 0 : index
      %get3A_495 = tpu.vector_load %arg9[%get3A_493, %get3A_494] {strides = array<i32>} : memref<16x256xf32, #tpu.memory_space<vmem>>, vector<16xf32>,
      %get3A_496 = arith.index_cast %add3A_490 : i32 to index
      %get3A_497 = arith.constant 16 : index
      %get3A_498 = tpu.vector_load %arg9[%get3A_496, %get3A_497] {strides = array<i32>} : memref<16x256xf32, #tpu.memory_space<vmem>>, vector<16xf32>,
      %get3A_499 = arith.index_cast %add3A_490 : i32 to index
      %get3A_500 = arith.constant 32 : index
      %get3A_501 = tpu.vector_load %arg9[%get3A_499, %get3A_500] {strides = array<i32>} : memref<16x256xf32, #tpu.memory_space<vmem>>, vector<16xf32>,
      %get3A_502 = arith.index_cast %add3A_490 : i32 to index
      %get3A_503 = arith.constant 48 : index
      %get3A_504 = tpu.vector_load %arg9[%get3A_502, %get3A_503] {strides = array<i32>} : memref<16x256xf32, #tpu.memory_space<vmem>>, vector<16xf32>,
      %get3A_505 = arith.index_cast %add3A_490 : i32 to index
      %get3A_506 = arith.constant 64 : index
      %get3A_507 = tpu.vector_load %arg9[%get3A_505, %get3A_506] {strides = array<i32>} : memref<16x256xf32, #tpu.memory_space<vmem>>, vector<16xf32>,
      %get3A_508 = arith.index_cast %add3A_490 : i32 to index
      %get3A_509 = arith.constant 80 : index
      %get3A_510 = tpu.vector_load %arg9[%get3A_508, %get3A_509] {strides = array<i32>} : memref<16x256xf32, #tpu.memory_space<vmem>>, vector<16xf32>,
      %get3A_511 = arith.index_cast %add3A_490 : i32 to index
      %get3A_512 = arith.constant 96 : index
      %get3A_513 = tpu.vector_load %arg9[%get3A_511, %get3A_512] {strides = array<i32>} : memref<16x256xf32, #tpu.memory_space<vmem>>, vector<16xf32>,
      %get3A_514 = arith.index_cast %add3A_490 : i32 to index
      %get3A_515 = arith.constant 112 : index
      %get3A_516 = tpu.vector_load %arg9[%get3A_514, %get3A_515] {strides = array<i32>} : memref<16x256xf32, #tpu.memory_space<vmem>>, vector<16xf32>,
      %get3A_517 = arith.index_cast %add3A_490 : i32 to index
      %get3A_518 = arith.constant 128 : index
      %get3A_519 = tpu.vector_load %arg9[%get3A_517, %get3A_518] {strides = array<i32>} : memref<16x256xf32, #tpu.memory_space<vmem>>, vector<16xf32>,
      %get3A_520 = arith.index_cast %add3A_490 : i32 to index
      %get3A_521 = arith.constant 144 : index
      %get3A_522 = tpu.vector_load %arg9[%get3A_520, %get3A_521] {strides = array<i32>} : memref<16x256xf32, #tpu.memory_space<vmem>>, vector<16xf32>,
      %get3A_523 = arith.index_cast %add3A_490 : i32 to index
      %get3A_524 = arith.constant 160 : index
      %get3A_525 = tpu.vector_load %arg9[%get3A_523, %get3A_524] {strides = array<i32>} : memref<16x256xf32, #tpu.memory_space<vmem>>, vector<16xf32>,
      %get3A_526 = arith.index_cast %add3A_490 : i32 to index
      %get3A_527 = arith.constant 176 : index
      %get3A_528 = tpu.vector_load %arg9[%get3A_526, %get3A_527] {strides = array<i32>} : memref<16x256xf32, #tpu.memory_space<vmem>>, vector<16xf32>,
      %get3A_529 = arith.index_cast %add3A_490 : i32 to index
      %get3A_530 = arith.constant 192 : index
      %get3A_531 = tpu.vector_load %arg9[%get3A_529, %get3A_530] {strides = array<i32>} : memref<16x256xf32, #tpu.memory_space<vmem>>, vector<16xf32>,
      %get3A_532 = arith.index_cast %add3A_490 : i32 to index
      %get3A_533 = arith.constant 208 : index
      %get3A_534 = tpu.vector_load %arg9[%get3A_532, %get3A_533] {strides = array<i32>} : memref<16x256xf32, #tpu.memory_space<vmem>>, vector<16xf32>,
      %get3A_535 = arith.index_cast %add3A_490 : i32 to index
      %get3A_536 = arith.constant 224 : index
      %get3A_537 = tpu.vector_load %arg9[%get3A_535, %get3A_536] {strides = array<i32>} : memref<16x256xf32, #tpu.memory_space<vmem>>, vector<16xf32>,
      %get3A_538 = arith.index_cast %add3A_490 : i32 to index
      %get3A_539 = arith.constant 240 : index
      %get3A_540 = tpu.vector_load %arg9[%get3A_538, %get3A_539] {strides = array<i32>} : memref<16x256xf32, #tpu.memory_space<vmem>>, vector<16xf32>,
      tpu.vector_store_idx %arg11[%gather3A_492, %add3A_48], %get3A_495 {add = true} : memref<272x128xf32, #tpu.memory_space<vmem>>[vector<16xi32>, vector<16xi32>], vector<16xf32>,
      tpu.vector_store_idx %arg11[%gather3A_492, %add3A_51], %get3A_498 {add = true} : memref<272x128xf32, #tpu.memory_space<vmem>>[vector<16xi32>, vector<16xi32>], vector<16xf32>,
      tpu.vector_store_idx %arg11[%gather3A_492, %add3A_54], %get3A_501 {add = true} : memref<272x128xf32, #tpu.memory_space<vmem>>[vector<16xi32>, vector<16xi32>], vector<16xf32>,
      tpu.vector_store_idx %arg11[%gather3A_492, %add3A_57], %get3A_504 {add = true} : memref<272x128xf32, #tpu.memory_space<vmem>>[vector<16xi32>, vector<16xi32>], vector<16xf32>,
      tpu.vector_store_idx %arg11[%gather3A_492, %add3A_60], %get3A_507 {add = true} : memref<272x128xf32, #tpu.memory_space<vmem>>[vector<16xi32>, vector<16xi32>], vector<16xf32>,
      tpu.vector_store_idx %arg11[%gather3A_492, %add3A_63], %get3A_510 {add = true} : memref<272x128xf32, #tpu.memory_space<vmem>>[vector<16xi32>, vector<16xi32>], vector<16xf32>,
      tpu.vector_store_idx %arg11[%gather3A_492, %add3A_66], %get3A_513 {add = true} : memref<272x128xf32, #tpu.memory_space<vmem>>[vector<16xi32>, vector<16xi32>], vector<16xf32>,
      tpu.vector_store_idx %arg11[%gather3A_492, %add3A_69], %get3A_516 {add = true} : memref<272x128xf32, #tpu.memory_space<vmem>>[vector<16xi32>, vector<16xi32>], vector<16xf32>,
      tpu.vector_store_idx %arg12[%gather3A_492, %add3A_48], %get3A_519 {add = true} : memref<272x128xf32, #tpu.memory_space<vmem>>[vector<16xi32>, vector<16xi32>], vector<16xf32>,
      tpu.vector_store_idx %arg12[%gather3A_492, %add3A_51], %get3A_522 {add = true} : memref<272x128xf32, #tpu.memory_space<vmem>>[vector<16xi32>, vector<16xi32>], vector<16xf32>,
      tpu.vector_store_idx %arg12[%gather3A_492, %add3A_54], %get3A_525 {add = true} : memref<272x128xf32, #tpu.memory_space<vmem>>[vector<16xi32>, vector<16xi32>], vector<16xf32>,
      tpu.vector_store_idx %arg12[%gather3A_492, %add3A_57], %get3A_528 {add = true} : memref<272x128xf32, #tpu.memory_space<vmem>>[vector<16xi32>, vector<16xi32>], vector<16xf32>,
      tpu.vector_store_idx %arg12[%gather3A_492, %add3A_60], %get3A_531 {add = true} : memref<272x128xf32, #tpu.memory_space<vmem>>[vector<16xi32>, vector<16xi32>], vector<16xf32>,
      tpu.vector_store_idx %arg12[%gather3A_492, %add3A_63], %get3A_534 {add = true} : memref<272x128xf32, #tpu.memory_space<vmem>>[vector<16xi32>, vector<16xi32>], vector<16xf32>,
      tpu.vector_store_idx %arg12[%gather3A_492, %add3A_66], %get3A_537 {add = true} : memref<272x128xf32, #tpu.memory_space<vmem>>[vector<16xi32>, vector<16xi32>], vector<16xf32>,
      tpu.vector_store_idx %arg12[%gather3A_492, %add3A_69], %get3A_540 {add = true} : memref<272x128xf32, #tpu.memory_space<vmem>>[vector<16xi32>, vector<16xi32>], vector<16xf32>,
    }
    %scan3A_326 = arith.constant 16 : i32
    %add3A_327 = arith.constant 11 : i32
    %add3A_328 = arith.addi %mul3A_2, %add3A_327 : i32
    %add3A_329 = arith.constant 4 : i32
    %add3A_330 = arith.addi %add3A_328, %add3A_329 : i32
    %min3A_331 = arith.constant 624 : i32
    %min3A_332 = arith.minsi %add3A_330, %min3A_331 : i32
    %mul3A_333 = arith.constant 16 : i32
    %mul3A_334 = arith.muli %min3A_332, %mul3A_333 : i32
    %dma_start3A_335 = arith.constant 0 : i32
    %dma_start3A_336 = tpu.memref_slice %arg2[%mul3A_334, %dma_start3A_335] : memref<10000x256xf32, #tpu.memory_space<hbm>> -> memref<16x256xf32, #tpu.memory_space<hbm>>
    %dma_start3A_337 = arith.constant 0 : i32
    %dma_start3A_338 = tpu.memref_slice %arg2[%mul3A_334, %dma_start3A_337] : memref<10000x256xf32, #tpu.memory_space<hbm>> -> memref<16x256xf32, #tpu.memory_space<hbm>>
    tpu.enqueue_dma source(%dma_start3A_338 : memref<16x256xf32, #tpu.memory_space<hbm>>) target(%arg10 : memref<16x256xf32, #tpu.memory_space<vmem>>) target_semaphore(%arg16 : memref<!tpu.dma_semaphore, #tpu.memory_space<semaphore_mem>>)
    %dma_wait3A_339 = arith.constant 0 : i32
    %dma_wait3A_340 = tpu.memref_slice %arg2[%mul3A_242, %dma_wait3A_339] : memref<10000x256xf32, #tpu.memory_space<hbm>> -> memref<16x256xf32, #tpu.memory_space<hbm>>
    %dma_wait3A_341 = arith.constant 0 : i32
    %dma_wait3A_342 = tpu.memref_slice %arg2[%mul3A_242, %dma_wait3A_341] : memref<10000x256xf32, #tpu.memory_space<hbm>> -> memref<16x256xf32, #tpu.memory_space<hbm>>
    tpu.wait_dma2 semaphore(%arg16 : memref<!tpu.dma_semaphore, #tpu.memory_space<semaphore_mem>>) src(%dma_wait3A_342 : memref<16x256xf32, #tpu.memory_space<hbm>>) dst(%arg10 : memref<16x256xf32, #tpu.memory_space<vmem>>)
    %get3A_343 = arith.constant 176 : index
    %get3A_344 = tpu.vector_load %arg6[%get3A_343] {strides = array<i32>} : memref<320xi32, #tpu.memory_space<vmem>>, vector<16xi32>,
    %scan3A_345 = arith.constant 0 : i32
    %scan3A_346 = arith.constant 16 : i32
    %scan3A_347 = arith.addi %scan3A_345, %scan3A_346 : i32
    %scan3A_348 = arith.constant 1 : i32
    scf.for %scan3A_486 = %scan3A_345 to %scan3A_347 step %scan3A_348  : i32 {
      %mul3A_487 = arith.constant 1 : i32
      %mul3A_488 = arith.muli %scan3A_486, %mul3A_487 : i32
      %add3A_489 = arith.constant 0 : i32
      %add3A_490 = arith.addi %add3A_489, %mul3A_488 : i32
      %broadcast_in_dim3A_491 = vector.broadcast %add3A_490 : i32 to vector<16x1xi32>
      %gather3A = vector.shape_cast %broadcast_in_dim3A_491 : vector<16x1xi32> to vector<16xi32>
      %gather3A_492 = tpu.dynamic_gather %get3A_344[%gather3A] in [0] : vector<16xi32>, vector<16xi32> -> vector<16xi32>
      %get3A_493 = arith.index_cast %add3A_490 : i32 to index
      %get3A_494 = arith.constant 0 : index
      %get3A_495 = tpu.vector_load %arg10[%get3A_493, %get3A_494] {strides = array<i32>} : memref<16x256xf32, #tpu.memory_space<vmem>>, vector<16xf32>,
      %get3A_496 = arith.index_cast %add3A_490 : i32 to index
      %get3A_497 = arith.constant 16 : index
      %get3A_498 = tpu.vector_load %arg10[%get3A_496, %get3A_497] {strides = array<i32>} : memref<16x256xf32, #tpu.memory_space<vmem>>, vector<16xf32>,
      %get3A_499 = arith.index_cast %add3A_490 : i32 to index
      %get3A_500 = arith.constant 32 : index
      %get3A_501 = tpu.vector_load %arg10[%get3A_499, %get3A_500] {strides = array<i32>} : memref<16x256xf32, #tpu.memory_space<vmem>>, vector<16xf32>,
      %get3A_502 = arith.index_cast %add3A_490 : i32 to index
      %get3A_503 = arith.constant 48 : index
      %get3A_504 = tpu.vector_load %arg10[%get3A_502, %get3A_503] {strides = array<i32>} : memref<16x256xf32, #tpu.memory_space<vmem>>, vector<16xf32>,
      %get3A_505 = arith.index_cast %add3A_490 : i32 to index
      %get3A_506 = arith.constant 64 : index
      %get3A_507 = tpu.vector_load %arg10[%get3A_505, %get3A_506] {strides = array<i32>} : memref<16x256xf32, #tpu.memory_space<vmem>>, vector<16xf32>,
      %get3A_508 = arith.index_cast %add3A_490 : i32 to index
      %get3A_509 = arith.constant 80 : index
      %get3A_510 = tpu.vector_load %arg10[%get3A_508, %get3A_509] {strides = array<i32>} : memref<16x256xf32, #tpu.memory_space<vmem>>, vector<16xf32>,
      %get3A_511 = arith.index_cast %add3A_490 : i32 to index
      %get3A_512 = arith.constant 96 : index
      %get3A_513 = tpu.vector_load %arg10[%get3A_511, %get3A_512] {strides = array<i32>} : memref<16x256xf32, #tpu.memory_space<vmem>>, vector<16xf32>,
      %get3A_514 = arith.index_cast %add3A_490 : i32 to index
      %get3A_515 = arith.constant 112 : index
      %get3A_516 = tpu.vector_load %arg10[%get3A_514, %get3A_515] {strides = array<i32>} : memref<16x256xf32, #tpu.memory_space<vmem>>, vector<16xf32>,
      %get3A_517 = arith.index_cast %add3A_490 : i32 to index
      %get3A_518 = arith.constant 128 : index
      %get3A_519 = tpu.vector_load %arg10[%get3A_517, %get3A_518] {strides = array<i32>} : memref<16x256xf32, #tpu.memory_space<vmem>>, vector<16xf32>,
      %get3A_520 = arith.index_cast %add3A_490 : i32 to index
      %get3A_521 = arith.constant 144 : index
      %get3A_522 = tpu.vector_load %arg10[%get3A_520, %get3A_521] {strides = array<i32>} : memref<16x256xf32, #tpu.memory_space<vmem>>, vector<16xf32>,
      %get3A_523 = arith.index_cast %add3A_490 : i32 to index
      %get3A_524 = arith.constant 160 : index
      %get3A_525 = tpu.vector_load %arg10[%get3A_523, %get3A_524] {strides = array<i32>} : memref<16x256xf32, #tpu.memory_space<vmem>>, vector<16xf32>,
      %get3A_526 = arith.index_cast %add3A_490 : i32 to index
      %get3A_527 = arith.constant 176 : index
      %get3A_528 = tpu.vector_load %arg10[%get3A_526, %get3A_527] {strides = array<i32>} : memref<16x256xf32, #tpu.memory_space<vmem>>, vector<16xf32>,
      %get3A_529 = arith.index_cast %add3A_490 : i32 to index
      %get3A_530 = arith.constant 192 : index
      %get3A_531 = tpu.vector_load %arg10[%get3A_529, %get3A_530] {strides = array<i32>} : memref<16x256xf32, #tpu.memory_space<vmem>>, vector<16xf32>,
      %get3A_532 = arith.index_cast %add3A_490 : i32 to index
      %get3A_533 = arith.constant 208 : index
      %get3A_534 = tpu.vector_load %arg10[%get3A_532, %get3A_533] {strides = array<i32>} : memref<16x256xf32, #tpu.memory_space<vmem>>, vector<16xf32>,
      %get3A_535 = arith.index_cast %add3A_490 : i32 to index
      %get3A_536 = arith.constant 224 : index
      %get3A_537 = tpu.vector_load %arg10[%get3A_535, %get3A_536] {strides = array<i32>} : memref<16x256xf32, #tpu.memory_space<vmem>>, vector<16xf32>,
      %get3A_538 = arith.index_cast %add3A_490 : i32 to index
      %get3A_539 = arith.constant 240 : index
      %get3A_540 = tpu.vector_load %arg10[%get3A_538, %get3A_539] {strides = array<i32>} : memref<16x256xf32, #tpu.memory_space<vmem>>, vector<16xf32>,
      tpu.vector_store_idx %arg11[%gather3A_492, %add3A_48], %get3A_495 {add = true} : memref<272x128xf32, #tpu.memory_space<vmem>>[vector<16xi32>, vector<16xi32>], vector<16xf32>,
      tpu.vector_store_idx %arg11[%gather3A_492, %add3A_51], %get3A_498 {add = true} : memref<272x128xf32, #tpu.memory_space<vmem>>[vector<16xi32>, vector<16xi32>], vector<16xf32>,
      tpu.vector_store_idx %arg11[%gather3A_492, %add3A_54], %get3A_501 {add = true} : memref<272x128xf32, #tpu.memory_space<vmem>>[vector<16xi32>, vector<16xi32>], vector<16xf32>,
      tpu.vector_store_idx %arg11[%gather3A_492, %add3A_57], %get3A_504 {add = true} : memref<272x128xf32, #tpu.memory_space<vmem>>[vector<16xi32>, vector<16xi32>], vector<16xf32>,
      tpu.vector_store_idx %arg11[%gather3A_492, %add3A_60], %get3A_507 {add = true} : memref<272x128xf32, #tpu.memory_space<vmem>>[vector<16xi32>, vector<16xi32>], vector<16xf32>,
      tpu.vector_store_idx %arg11[%gather3A_492, %add3A_63], %get3A_510 {add = true} : memref<272x128xf32, #tpu.memory_space<vmem>>[vector<16xi32>, vector<16xi32>], vector<16xf32>,
      tpu.vector_store_idx %arg11[%gather3A_492, %add3A_66], %get3A_513 {add = true} : memref<272x128xf32, #tpu.memory_space<vmem>>[vector<16xi32>, vector<16xi32>], vector<16xf32>,
      tpu.vector_store_idx %arg11[%gather3A_492, %add3A_69], %get3A_516 {add = true} : memref<272x128xf32, #tpu.memory_space<vmem>>[vector<16xi32>, vector<16xi32>], vector<16xf32>,
      tpu.vector_store_idx %arg12[%gather3A_492, %add3A_48], %get3A_519 {add = true} : memref<272x128xf32, #tpu.memory_space<vmem>>[vector<16xi32>, vector<16xi32>], vector<16xf32>,
      tpu.vector_store_idx %arg12[%gather3A_492, %add3A_51], %get3A_522 {add = true} : memref<272x128xf32, #tpu.memory_space<vmem>>[vector<16xi32>, vector<16xi32>], vector<16xf32>,
      tpu.vector_store_idx %arg12[%gather3A_492, %add3A_54], %get3A_525 {add = true} : memref<272x128xf32, #tpu.memory_space<vmem>>[vector<16xi32>, vector<16xi32>], vector<16xf32>,
      tpu.vector_store_idx %arg12[%gather3A_492, %add3A_57], %get3A_528 {add = true} : memref<272x128xf32, #tpu.memory_space<vmem>>[vector<16xi32>, vector<16xi32>], vector<16xf32>,
      tpu.vector_store_idx %arg12[%gather3A_492, %add3A_60], %get3A_531 {add = true} : memref<272x128xf32, #tpu.memory_space<vmem>>[vector<16xi32>, vector<16xi32>], vector<16xf32>,
      tpu.vector_store_idx %arg12[%gather3A_492, %add3A_63], %get3A_534 {add = true} : memref<272x128xf32, #tpu.memory_space<vmem>>[vector<16xi32>, vector<16xi32>], vector<16xf32>,
      tpu.vector_store_idx %arg12[%gather3A_492, %add3A_66], %get3A_537 {add = true} : memref<272x128xf32, #tpu.memory_space<vmem>>[vector<16xi32>, vector<16xi32>], vector<16xf32>,
      tpu.vector_store_idx %arg12[%gather3A_492, %add3A_69], %get3A_540 {add = true} : memref<272x128xf32, #tpu.memory_space<vmem>>[vector<16xi32>, vector<16xi32>], vector<16xf32>,
    }
    %scan3A_349 = arith.constant 16 : i32
    %add3A_350 = arith.constant 12 : i32
    %add3A_351 = arith.addi %mul3A_2, %add3A_350 : i32
    %add3A_352 = arith.constant 4 : i32
    %add3A_353 = arith.addi %add3A_351, %add3A_352 : i32
    %min3A_354 = arith.constant 624 : i32
    %min3A_355 = arith.minsi %add3A_353, %min3A_354 : i32
    %mul3A_356 = arith.constant 16 : i32
    %mul3A_357 = arith.muli %min3A_355, %mul3A_356 : i32
    %dma_start3A_358 = arith.constant 0 : i32
    %dma_start3A_359 = tpu.memref_slice %arg2[%mul3A_357, %dma_start3A_358] : memref<10000x256xf32, #tpu.memory_space<hbm>> -> memref<16x256xf32, #tpu.memory_space<hbm>>
    %dma_start3A_360 = arith.constant 0 : i32
    %dma_start3A_361 = tpu.memref_slice %arg2[%mul3A_357, %dma_start3A_360] : memref<10000x256xf32, #tpu.memory_space<hbm>> -> memref<16x256xf32, #tpu.memory_space<hbm>>
    tpu.enqueue_dma source(%dma_start3A_361 : memref<16x256xf32, #tpu.memory_space<hbm>>) target(%arg7 : memref<16x256xf32, #tpu.memory_space<vmem>>) target_semaphore(%arg13 : memref<!tpu.dma_semaphore, #tpu.memory_space<semaphore_mem>>)
    %dma_wait3A_362 = arith.constant 0 : i32
    %dma_wait3A_363 = tpu.memref_slice %arg2[%mul3A_265, %dma_wait3A_362] : memref<10000x256xf32, #tpu.memory_space<hbm>> -> memref<16x256xf32, #tpu.memory_space<hbm>>
    %dma_wait3A_364 = arith.constant 0 : i32
    %dma_wait3A_365 = tpu.memref_slice %arg2[%mul3A_265, %dma_wait3A_364] : memref<10000x256xf32, #tpu.memory_space<hbm>> -> memref<16x256xf32, #tpu.memory_space<hbm>>
    tpu.wait_dma2 semaphore(%arg13 : memref<!tpu.dma_semaphore, #tpu.memory_space<semaphore_mem>>) src(%dma_wait3A_365 : memref<16x256xf32, #tpu.memory_space<hbm>>) dst(%arg7 : memref<16x256xf32, #tpu.memory_space<vmem>>)
    %get3A_366 = arith.constant 192 : index
    %get3A_367 = tpu.vector_load %arg6[%get3A_366] {strides = array<i32>} : memref<320xi32, #tpu.memory_space<vmem>>, vector<16xi32>,
    %scan3A_368 = arith.constant 0 : i32
    %scan3A_369 = arith.constant 16 : i32
    %scan3A_370 = arith.addi %scan3A_368, %scan3A_369 : i32
    %scan3A_371 = arith.constant 1 : i32
    scf.for %scan3A_486 = %scan3A_368 to %scan3A_370 step %scan3A_371  : i32 {
      %mul3A_487 = arith.constant 1 : i32
      %mul3A_488 = arith.muli %scan3A_486, %mul3A_487 : i32
      %add3A_489 = arith.constant 0 : i32
      %add3A_490 = arith.addi %add3A_489, %mul3A_488 : i32
      %broadcast_in_dim3A_491 = vector.broadcast %add3A_490 : i32 to vector<16x1xi32>
      %gather3A = vector.shape_cast %broadcast_in_dim3A_491 : vector<16x1xi32> to vector<16xi32>
      %gather3A_492 = tpu.dynamic_gather %get3A_367[%gather3A] in [0] : vector<16xi32>, vector<16xi32> -> vector<16xi32>
      %get3A_493 = arith.index_cast %add3A_490 : i32 to index
      %get3A_494 = arith.constant 0 : index
      %get3A_495 = tpu.vector_load %arg7[%get3A_493, %get3A_494] {strides = array<i32>} : memref<16x256xf32, #tpu.memory_space<vmem>>, vector<16xf32>,
      %get3A_496 = arith.index_cast %add3A_490 : i32 to index
      %get3A_497 = arith.constant 16 : index
      %get3A_498 = tpu.vector_load %arg7[%get3A_496, %get3A_497] {strides = array<i32>} : memref<16x256xf32, #tpu.memory_space<vmem>>, vector<16xf32>,
      %get3A_499 = arith.index_cast %add3A_490 : i32 to index
      %get3A_500 = arith.constant 32 : index
      %get3A_501 = tpu.vector_load %arg7[%get3A_499, %get3A_500] {strides = array<i32>} : memref<16x256xf32, #tpu.memory_space<vmem>>, vector<16xf32>,
      %get3A_502 = arith.index_cast %add3A_490 : i32 to index
      %get3A_503 = arith.constant 48 : index
      %get3A_504 = tpu.vector_load %arg7[%get3A_502, %get3A_503] {strides = array<i32>} : memref<16x256xf32, #tpu.memory_space<vmem>>, vector<16xf32>,
      %get3A_505 = arith.index_cast %add3A_490 : i32 to index
      %get3A_506 = arith.constant 64 : index
      %get3A_507 = tpu.vector_load %arg7[%get3A_505, %get3A_506] {strides = array<i32>} : memref<16x256xf32, #tpu.memory_space<vmem>>, vector<16xf32>,
      %get3A_508 = arith.index_cast %add3A_490 : i32 to index
      %get3A_509 = arith.constant 80 : index
      %get3A_510 = tpu.vector_load %arg7[%get3A_508, %get3A_509] {strides = array<i32>} : memref<16x256xf32, #tpu.memory_space<vmem>>, vector<16xf32>,
      %get3A_511 = arith.index_cast %add3A_490 : i32 to index
      %get3A_512 = arith.constant 96 : index
      %get3A_513 = tpu.vector_load %arg7[%get3A_511, %get3A_512] {strides = array<i32>} : memref<16x256xf32, #tpu.memory_space<vmem>>, vector<16xf32>,
      %get3A_514 = arith.index_cast %add3A_490 : i32 to index
      %get3A_515 = arith.constant 112 : index
      %get3A_516 = tpu.vector_load %arg7[%get3A_514, %get3A_515] {strides = array<i32>} : memref<16x256xf32, #tpu.memory_space<vmem>>, vector<16xf32>,
      %get3A_517 = arith.index_cast %add3A_490 : i32 to index
      %get3A_518 = arith.constant 128 : index
      %get3A_519 = tpu.vector_load %arg7[%get3A_517, %get3A_518] {strides = array<i32>} : memref<16x256xf32, #tpu.memory_space<vmem>>, vector<16xf32>,
      %get3A_520 = arith.index_cast %add3A_490 : i32 to index
      %get3A_521 = arith.constant 144 : index
      %get3A_522 = tpu.vector_load %arg7[%get3A_520, %get3A_521] {strides = array<i32>} : memref<16x256xf32, #tpu.memory_space<vmem>>, vector<16xf32>,
      %get3A_523 = arith.index_cast %add3A_490 : i32 to index
      %get3A_524 = arith.constant 160 : index
      %get3A_525 = tpu.vector_load %arg7[%get3A_523, %get3A_524] {strides = array<i32>} : memref<16x256xf32, #tpu.memory_space<vmem>>, vector<16xf32>,
      %get3A_526 = arith.index_cast %add3A_490 : i32 to index
      %get3A_527 = arith.constant 176 : index
      %get3A_528 = tpu.vector_load %arg7[%get3A_526, %get3A_527] {strides = array<i32>} : memref<16x256xf32, #tpu.memory_space<vmem>>, vector<16xf32>,
      %get3A_529 = arith.index_cast %add3A_490 : i32 to index
      %get3A_530 = arith.constant 192 : index
      %get3A_531 = tpu.vector_load %arg7[%get3A_529, %get3A_530] {strides = array<i32>} : memref<16x256xf32, #tpu.memory_space<vmem>>, vector<16xf32>,
      %get3A_532 = arith.index_cast %add3A_490 : i32 to index
      %get3A_533 = arith.constant 208 : index
      %get3A_534 = tpu.vector_load %arg7[%get3A_532, %get3A_533] {strides = array<i32>} : memref<16x256xf32, #tpu.memory_space<vmem>>, vector<16xf32>,
      %get3A_535 = arith.index_cast %add3A_490 : i32 to index
      %get3A_536 = arith.constant 224 : index
      %get3A_537 = tpu.vector_load %arg7[%get3A_535, %get3A_536] {strides = array<i32>} : memref<16x256xf32, #tpu.memory_space<vmem>>, vector<16xf32>,
      %get3A_538 = arith.index_cast %add3A_490 : i32 to index
      %get3A_539 = arith.constant 240 : index
      %get3A_540 = tpu.vector_load %arg7[%get3A_538, %get3A_539] {strides = array<i32>} : memref<16x256xf32, #tpu.memory_space<vmem>>, vector<16xf32>,
      tpu.vector_store_idx %arg11[%gather3A_492, %add3A_48], %get3A_495 {add = true} : memref<272x128xf32, #tpu.memory_space<vmem>>[vector<16xi32>, vector<16xi32>], vector<16xf32>,
      tpu.vector_store_idx %arg11[%gather3A_492, %add3A_51], %get3A_498 {add = true} : memref<272x128xf32, #tpu.memory_space<vmem>>[vector<16xi32>, vector<16xi32>], vector<16xf32>,
      tpu.vector_store_idx %arg11[%gather3A_492, %add3A_54], %get3A_501 {add = true} : memref<272x128xf32, #tpu.memory_space<vmem>>[vector<16xi32>, vector<16xi32>], vector<16xf32>,
      tpu.vector_store_idx %arg11[%gather3A_492, %add3A_57], %get3A_504 {add = true} : memref<272x128xf32, #tpu.memory_space<vmem>>[vector<16xi32>, vector<16xi32>], vector<16xf32>,
      tpu.vector_store_idx %arg11[%gather3A_492, %add3A_60], %get3A_507 {add = true} : memref<272x128xf32, #tpu.memory_space<vmem>>[vector<16xi32>, vector<16xi32>], vector<16xf32>,
      tpu.vector_store_idx %arg11[%gather3A_492, %add3A_63], %get3A_510 {add = true} : memref<272x128xf32, #tpu.memory_space<vmem>>[vector<16xi32>, vector<16xi32>], vector<16xf32>,
      tpu.vector_store_idx %arg11[%gather3A_492, %add3A_66], %get3A_513 {add = true} : memref<272x128xf32, #tpu.memory_space<vmem>>[vector<16xi32>, vector<16xi32>], vector<16xf32>,
      tpu.vector_store_idx %arg11[%gather3A_492, %add3A_69], %get3A_516 {add = true} : memref<272x128xf32, #tpu.memory_space<vmem>>[vector<16xi32>, vector<16xi32>], vector<16xf32>,
      tpu.vector_store_idx %arg12[%gather3A_492, %add3A_48], %get3A_519 {add = true} : memref<272x128xf32, #tpu.memory_space<vmem>>[vector<16xi32>, vector<16xi32>], vector<16xf32>,
      tpu.vector_store_idx %arg12[%gather3A_492, %add3A_51], %get3A_522 {add = true} : memref<272x128xf32, #tpu.memory_space<vmem>>[vector<16xi32>, vector<16xi32>], vector<16xf32>,
      tpu.vector_store_idx %arg12[%gather3A_492, %add3A_54], %get3A_525 {add = true} : memref<272x128xf32, #tpu.memory_space<vmem>>[vector<16xi32>, vector<16xi32>], vector<16xf32>,
      tpu.vector_store_idx %arg12[%gather3A_492, %add3A_57], %get3A_528 {add = true} : memref<272x128xf32, #tpu.memory_space<vmem>>[vector<16xi32>, vector<16xi32>], vector<16xf32>,
      tpu.vector_store_idx %arg12[%gather3A_492, %add3A_60], %get3A_531 {add = true} : memref<272x128xf32, #tpu.memory_space<vmem>>[vector<16xi32>, vector<16xi32>], vector<16xf32>,
      tpu.vector_store_idx %arg12[%gather3A_492, %add3A_63], %get3A_534 {add = true} : memref<272x128xf32, #tpu.memory_space<vmem>>[vector<16xi32>, vector<16xi32>], vector<16xf32>,
      tpu.vector_store_idx %arg12[%gather3A_492, %add3A_66], %get3A_537 {add = true} : memref<272x128xf32, #tpu.memory_space<vmem>>[vector<16xi32>, vector<16xi32>], vector<16xf32>,
      tpu.vector_store_idx %arg12[%gather3A_492, %add3A_69], %get3A_540 {add = true} : memref<272x128xf32, #tpu.memory_space<vmem>>[vector<16xi32>, vector<16xi32>], vector<16xf32>,
    }
    %scan3A_372 = arith.constant 16 : i32
    %add3A_373 = arith.constant 13 : i32
    %add3A_374 = arith.addi %mul3A_2, %add3A_373 : i32
    %add3A_375 = arith.constant 4 : i32
    %add3A_376 = arith.addi %add3A_374, %add3A_375 : i32
    %min3A_377 = arith.constant 624 : i32
    %min3A_378 = arith.minsi %add3A_376, %min3A_377 : i32
    %mul3A_379 = arith.constant 16 : i32
    %mul3A_380 = arith.muli %min3A_378, %mul3A_379 : i32
    %dma_start3A_381 = arith.constant 0 : i32
    %dma_start3A_382 = tpu.memref_slice %arg2[%mul3A_380, %dma_start3A_381] : memref<10000x256xf32, #tpu.memory_space<hbm>> -> memref<16x256xf32, #tpu.memory_space<hbm>>
    %dma_start3A_383 = arith.constant 0 : i32
    %dma_start3A_384 = tpu.memref_slice %arg2[%mul3A_380, %dma_start3A_383] : memref<10000x256xf32, #tpu.memory_space<hbm>> -> memref<16x256xf32, #tpu.memory_space<hbm>>
    tpu.enqueue_dma source(%dma_start3A_384 : memref<16x256xf32, #tpu.memory_space<hbm>>) target(%arg8 : memref<16x256xf32, #tpu.memory_space<vmem>>) target_semaphore(%arg14 : memref<!tpu.dma_semaphore, #tpu.memory_space<semaphore_mem>>)
    %dma_wait3A_385 = arith.constant 0 : i32
    %dma_wait3A_386 = tpu.memref_slice %arg2[%mul3A_288, %dma_wait3A_385] : memref<10000x256xf32, #tpu.memory_space<hbm>> -> memref<16x256xf32, #tpu.memory_space<hbm>>
    %dma_wait3A_387 = arith.constant 0 : i32
    %dma_wait3A_388 = tpu.memref_slice %arg2[%mul3A_288, %dma_wait3A_387] : memref<10000x256xf32, #tpu.memory_space<hbm>> -> memref<16x256xf32, #tpu.memory_space<hbm>>
    tpu.wait_dma2 semaphore(%arg14 : memref<!tpu.dma_semaphore, #tpu.memory_space<semaphore_mem>>) src(%dma_wait3A_388 : memref<16x256xf32, #tpu.memory_space<hbm>>) dst(%arg8 : memref<16x256xf32, #tpu.memory_space<vmem>>)
    %get3A_389 = arith.constant 208 : index
    %get3A_390 = tpu.vector_load %arg6[%get3A_389] {strides = array<i32>} : memref<320xi32, #tpu.memory_space<vmem>>, vector<16xi32>,
    %scan3A_391 = arith.constant 0 : i32
    %scan3A_392 = arith.constant 16 : i32
    %scan3A_393 = arith.addi %scan3A_391, %scan3A_392 : i32
    %scan3A_394 = arith.constant 1 : i32
    scf.for %scan3A_486 = %scan3A_391 to %scan3A_393 step %scan3A_394  : i32 {
      %mul3A_487 = arith.constant 1 : i32
      %mul3A_488 = arith.muli %scan3A_486, %mul3A_487 : i32
      %add3A_489 = arith.constant 0 : i32
      %add3A_490 = arith.addi %add3A_489, %mul3A_488 : i32
      %broadcast_in_dim3A_491 = vector.broadcast %add3A_490 : i32 to vector<16x1xi32>
      %gather3A = vector.shape_cast %broadcast_in_dim3A_491 : vector<16x1xi32> to vector<16xi32>
      %gather3A_492 = tpu.dynamic_gather %get3A_390[%gather3A] in [0] : vector<16xi32>, vector<16xi32> -> vector<16xi32>
      %get3A_493 = arith.index_cast %add3A_490 : i32 to index
      %get3A_494 = arith.constant 0 : index
      %get3A_495 = tpu.vector_load %arg8[%get3A_493, %get3A_494] {strides = array<i32>} : memref<16x256xf32, #tpu.memory_space<vmem>>, vector<16xf32>,
      %get3A_496 = arith.index_cast %add3A_490 : i32 to index
      %get3A_497 = arith.constant 16 : index
      %get3A_498 = tpu.vector_load %arg8[%get3A_496, %get3A_497] {strides = array<i32>} : memref<16x256xf32, #tpu.memory_space<vmem>>, vector<16xf32>,
      %get3A_499 = arith.index_cast %add3A_490 : i32 to index
      %get3A_500 = arith.constant 32 : index
      %get3A_501 = tpu.vector_load %arg8[%get3A_499, %get3A_500] {strides = array<i32>} : memref<16x256xf32, #tpu.memory_space<vmem>>, vector<16xf32>,
      %get3A_502 = arith.index_cast %add3A_490 : i32 to index
      %get3A_503 = arith.constant 48 : index
      %get3A_504 = tpu.vector_load %arg8[%get3A_502, %get3A_503] {strides = array<i32>} : memref<16x256xf32, #tpu.memory_space<vmem>>, vector<16xf32>,
      %get3A_505 = arith.index_cast %add3A_490 : i32 to index
      %get3A_506 = arith.constant 64 : index
      %get3A_507 = tpu.vector_load %arg8[%get3A_505, %get3A_506] {strides = array<i32>} : memref<16x256xf32, #tpu.memory_space<vmem>>, vector<16xf32>,
      %get3A_508 = arith.index_cast %add3A_490 : i32 to index
      %get3A_509 = arith.constant 80 : index
      %get3A_510 = tpu.vector_load %arg8[%get3A_508, %get3A_509] {strides = array<i32>} : memref<16x256xf32, #tpu.memory_space<vmem>>, vector<16xf32>,
      %get3A_511 = arith.index_cast %add3A_490 : i32 to index
      %get3A_512 = arith.constant 96 : index
      %get3A_513 = tpu.vector_load %arg8[%get3A_511, %get3A_512] {strides = array<i32>} : memref<16x256xf32, #tpu.memory_space<vmem>>, vector<16xf32>,
      %get3A_514 = arith.index_cast %add3A_490 : i32 to index
      %get3A_515 = arith.constant 112 : index
      %get3A_516 = tpu.vector_load %arg8[%get3A_514, %get3A_515] {strides = array<i32>} : memref<16x256xf32, #tpu.memory_space<vmem>>, vector<16xf32>,
      %get3A_517 = arith.index_cast %add3A_490 : i32 to index
      %get3A_518 = arith.constant 128 : index
      %get3A_519 = tpu.vector_load %arg8[%get3A_517, %get3A_518] {strides = array<i32>} : memref<16x256xf32, #tpu.memory_space<vmem>>, vector<16xf32>,
      %get3A_520 = arith.index_cast %add3A_490 : i32 to index
      %get3A_521 = arith.constant 144 : index
      %get3A_522 = tpu.vector_load %arg8[%get3A_520, %get3A_521] {strides = array<i32>} : memref<16x256xf32, #tpu.memory_space<vmem>>, vector<16xf32>,
      %get3A_523 = arith.index_cast %add3A_490 : i32 to index
      %get3A_524 = arith.constant 160 : index
      %get3A_525 = tpu.vector_load %arg8[%get3A_523, %get3A_524] {strides = array<i32>} : memref<16x256xf32, #tpu.memory_space<vmem>>, vector<16xf32>,
      %get3A_526 = arith.index_cast %add3A_490 : i32 to index
      %get3A_527 = arith.constant 176 : index
      %get3A_528 = tpu.vector_load %arg8[%get3A_526, %get3A_527] {strides = array<i32>} : memref<16x256xf32, #tpu.memory_space<vmem>>, vector<16xf32>,
      %get3A_529 = arith.index_cast %add3A_490 : i32 to index
      %get3A_530 = arith.constant 192 : index
      %get3A_531 = tpu.vector_load %arg8[%get3A_529, %get3A_530] {strides = array<i32>} : memref<16x256xf32, #tpu.memory_space<vmem>>, vector<16xf32>,
      %get3A_532 = arith.index_cast %add3A_490 : i32 to index
      %get3A_533 = arith.constant 208 : index
      %get3A_534 = tpu.vector_load %arg8[%get3A_532, %get3A_533] {strides = array<i32>} : memref<16x256xf32, #tpu.memory_space<vmem>>, vector<16xf32>,
      %get3A_535 = arith.index_cast %add3A_490 : i32 to index
      %get3A_536 = arith.constant 224 : index
      %get3A_537 = tpu.vector_load %arg8[%get3A_535, %get3A_536] {strides = array<i32>} : memref<16x256xf32, #tpu.memory_space<vmem>>, vector<16xf32>,
      %get3A_538 = arith.index_cast %add3A_490 : i32 to index
      %get3A_539 = arith.constant 240 : index
      %get3A_540 = tpu.vector_load %arg8[%get3A_538, %get3A_539] {strides = array<i32>} : memref<16x256xf32, #tpu.memory_space<vmem>>, vector<16xf32>,
      tpu.vector_store_idx %arg11[%gather3A_492, %add3A_48], %get3A_495 {add = true} : memref<272x128xf32, #tpu.memory_space<vmem>>[vector<16xi32>, vector<16xi32>], vector<16xf32>,
      tpu.vector_store_idx %arg11[%gather3A_492, %add3A_51], %get3A_498 {add = true} : memref<272x128xf32, #tpu.memory_space<vmem>>[vector<16xi32>, vector<16xi32>], vector<16xf32>,
      tpu.vector_store_idx %arg11[%gather3A_492, %add3A_54], %get3A_501 {add = true} : memref<272x128xf32, #tpu.memory_space<vmem>>[vector<16xi32>, vector<16xi32>], vector<16xf32>,
      tpu.vector_store_idx %arg11[%gather3A_492, %add3A_57], %get3A_504 {add = true} : memref<272x128xf32, #tpu.memory_space<vmem>>[vector<16xi32>, vector<16xi32>], vector<16xf32>,
      tpu.vector_store_idx %arg11[%gather3A_492, %add3A_60], %get3A_507 {add = true} : memref<272x128xf32, #tpu.memory_space<vmem>>[vector<16xi32>, vector<16xi32>], vector<16xf32>,
      tpu.vector_store_idx %arg11[%gather3A_492, %add3A_63], %get3A_510 {add = true} : memref<272x128xf32, #tpu.memory_space<vmem>>[vector<16xi32>, vector<16xi32>], vector<16xf32>,
      tpu.vector_store_idx %arg11[%gather3A_492, %add3A_66], %get3A_513 {add = true} : memref<272x128xf32, #tpu.memory_space<vmem>>[vector<16xi32>, vector<16xi32>], vector<16xf32>,
      tpu.vector_store_idx %arg11[%gather3A_492, %add3A_69], %get3A_516 {add = true} : memref<272x128xf32, #tpu.memory_space<vmem>>[vector<16xi32>, vector<16xi32>], vector<16xf32>,
      tpu.vector_store_idx %arg12[%gather3A_492, %add3A_48], %get3A_519 {add = true} : memref<272x128xf32, #tpu.memory_space<vmem>>[vector<16xi32>, vector<16xi32>], vector<16xf32>,
      tpu.vector_store_idx %arg12[%gather3A_492, %add3A_51], %get3A_522 {add = true} : memref<272x128xf32, #tpu.memory_space<vmem>>[vector<16xi32>, vector<16xi32>], vector<16xf32>,
      tpu.vector_store_idx %arg12[%gather3A_492, %add3A_54], %get3A_525 {add = true} : memref<272x128xf32, #tpu.memory_space<vmem>>[vector<16xi32>, vector<16xi32>], vector<16xf32>,
      tpu.vector_store_idx %arg12[%gather3A_492, %add3A_57], %get3A_528 {add = true} : memref<272x128xf32, #tpu.memory_space<vmem>>[vector<16xi32>, vector<16xi32>], vector<16xf32>,
      tpu.vector_store_idx %arg12[%gather3A_492, %add3A_60], %get3A_531 {add = true} : memref<272x128xf32, #tpu.memory_space<vmem>>[vector<16xi32>, vector<16xi32>], vector<16xf32>,
      tpu.vector_store_idx %arg12[%gather3A_492, %add3A_63], %get3A_534 {add = true} : memref<272x128xf32, #tpu.memory_space<vmem>>[vector<16xi32>, vector<16xi32>], vector<16xf32>,
      tpu.vector_store_idx %arg12[%gather3A_492, %add3A_66], %get3A_537 {add = true} : memref<272x128xf32, #tpu.memory_space<vmem>>[vector<16xi32>, vector<16xi32>], vector<16xf32>,
      tpu.vector_store_idx %arg12[%gather3A_492, %add3A_69], %get3A_540 {add = true} : memref<272x128xf32, #tpu.memory_space<vmem>>[vector<16xi32>, vector<16xi32>], vector<16xf32>,
    }
    %scan3A_395 = arith.constant 16 : i32
    %add3A_396 = arith.constant 14 : i32
    %add3A_397 = arith.addi %mul3A_2, %add3A_396 : i32
    %add3A_398 = arith.constant 4 : i32
    %add3A_399 = arith.addi %add3A_397, %add3A_398 : i32
    %min3A_400 = arith.constant 624 : i32
    %min3A_401 = arith.minsi %add3A_399, %min3A_400 : i32
    %mul3A_402 = arith.constant 16 : i32
    %mul3A_403 = arith.muli %min3A_401, %mul3A_402 : i32
    %dma_start3A_404 = arith.constant 0 : i32
    %dma_start3A_405 = tpu.memref_slice %arg2[%mul3A_403, %dma_start3A_404] : memref<10000x256xf32, #tpu.memory_space<hbm>> -> memref<16x256xf32, #tpu.memory_space<hbm>>
    %dma_start3A_406 = arith.constant 0 : i32
    %dma_start3A_407 = tpu.memref_slice %arg2[%mul3A_403, %dma_start3A_406] : memref<10000x256xf32, #tpu.memory_space<hbm>> -> memref<16x256xf32, #tpu.memory_space<hbm>>
    tpu.enqueue_dma source(%dma_start3A_407 : memref<16x256xf32, #tpu.memory_space<hbm>>) target(%arg9 : memref<16x256xf32, #tpu.memory_space<vmem>>) target_semaphore(%arg15 : memref<!tpu.dma_semaphore, #tpu.memory_space<semaphore_mem>>)
    %dma_wait3A_408 = arith.constant 0 : i32
    %dma_wait3A_409 = tpu.memref_slice %arg2[%mul3A_311, %dma_wait3A_408] : memref<10000x256xf32, #tpu.memory_space<hbm>> -> memref<16x256xf32, #tpu.memory_space<hbm>>
    %dma_wait3A_410 = arith.constant 0 : i32
    %dma_wait3A_411 = tpu.memref_slice %arg2[%mul3A_311, %dma_wait3A_410] : memref<10000x256xf32, #tpu.memory_space<hbm>> -> memref<16x256xf32, #tpu.memory_space<hbm>>
    tpu.wait_dma2 semaphore(%arg15 : memref<!tpu.dma_semaphore, #tpu.memory_space<semaphore_mem>>) src(%dma_wait3A_411 : memref<16x256xf32, #tpu.memory_space<hbm>>) dst(%arg9 : memref<16x256xf32, #tpu.memory_space<vmem>>)
    %get3A_412 = arith.constant 224 : index
    %get3A_413 = tpu.vector_load %arg6[%get3A_412] {strides = array<i32>} : memref<320xi32, #tpu.memory_space<vmem>>, vector<16xi32>,
    %scan3A_414 = arith.constant 0 : i32
    %scan3A_415 = arith.constant 16 : i32
    %scan3A_416 = arith.addi %scan3A_414, %scan3A_415 : i32
    %scan3A_417 = arith.constant 1 : i32
    scf.for %scan3A_486 = %scan3A_414 to %scan3A_416 step %scan3A_417  : i32 {
      %mul3A_487 = arith.constant 1 : i32
      %mul3A_488 = arith.muli %scan3A_486, %mul3A_487 : i32
      %add3A_489 = arith.constant 0 : i32
      %add3A_490 = arith.addi %add3A_489, %mul3A_488 : i32
      %broadcast_in_dim3A_491 = vector.broadcast %add3A_490 : i32 to vector<16x1xi32>
      %gather3A = vector.shape_cast %broadcast_in_dim3A_491 : vector<16x1xi32> to vector<16xi32>
      %gather3A_492 = tpu.dynamic_gather %get3A_413[%gather3A] in [0] : vector<16xi32>, vector<16xi32> -> vector<16xi32>
      %get3A_493 = arith.index_cast %add3A_490 : i32 to index
      %get3A_494 = arith.constant 0 : index
      %get3A_495 = tpu.vector_load %arg9[%get3A_493, %get3A_494] {strides = array<i32>} : memref<16x256xf32, #tpu.memory_space<vmem>>, vector<16xf32>,
      %get3A_496 = arith.index_cast %add3A_490 : i32 to index
      %get3A_497 = arith.constant 16 : index
      %get3A_498 = tpu.vector_load %arg9[%get3A_496, %get3A_497] {strides = array<i32>} : memref<16x256xf32, #tpu.memory_space<vmem>>, vector<16xf32>,
      %get3A_499 = arith.index_cast %add3A_490 : i32 to index
      %get3A_500 = arith.constant 32 : index
      %get3A_501 = tpu.vector_load %arg9[%get3A_499, %get3A_500] {strides = array<i32>} : memref<16x256xf32, #tpu.memory_space<vmem>>, vector<16xf32>,
      %get3A_502 = arith.index_cast %add3A_490 : i32 to index
      %get3A_503 = arith.constant 48 : index
      %get3A_504 = tpu.vector_load %arg9[%get3A_502, %get3A_503] {strides = array<i32>} : memref<16x256xf32, #tpu.memory_space<vmem>>, vector<16xf32>,
      %get3A_505 = arith.index_cast %add3A_490 : i32 to index
      %get3A_506 = arith.constant 64 : index
      %get3A_507 = tpu.vector_load %arg9[%get3A_505, %get3A_506] {strides = array<i32>} : memref<16x256xf32, #tpu.memory_space<vmem>>, vector<16xf32>,
      %get3A_508 = arith.index_cast %add3A_490 : i32 to index
      %get3A_509 = arith.constant 80 : index
      %get3A_510 = tpu.vector_load %arg9[%get3A_508, %get3A_509] {strides = array<i32>} : memref<16x256xf32, #tpu.memory_space<vmem>>, vector<16xf32>,
      %get3A_511 = arith.index_cast %add3A_490 : i32 to index
      %get3A_512 = arith.constant 96 : index
      %get3A_513 = tpu.vector_load %arg9[%get3A_511, %get3A_512] {strides = array<i32>} : memref<16x256xf32, #tpu.memory_space<vmem>>, vector<16xf32>,
      %get3A_514 = arith.index_cast %add3A_490 : i32 to index
      %get3A_515 = arith.constant 112 : index
      %get3A_516 = tpu.vector_load %arg9[%get3A_514, %get3A_515] {strides = array<i32>} : memref<16x256xf32, #tpu.memory_space<vmem>>, vector<16xf32>,
      %get3A_517 = arith.index_cast %add3A_490 : i32 to index
      %get3A_518 = arith.constant 128 : index
      %get3A_519 = tpu.vector_load %arg9[%get3A_517, %get3A_518] {strides = array<i32>} : memref<16x256xf32, #tpu.memory_space<vmem>>, vector<16xf32>,
      %get3A_520 = arith.index_cast %add3A_490 : i32 to index
      %get3A_521 = arith.constant 144 : index
      %get3A_522 = tpu.vector_load %arg9[%get3A_520, %get3A_521] {strides = array<i32>} : memref<16x256xf32, #tpu.memory_space<vmem>>, vector<16xf32>,
      %get3A_523 = arith.index_cast %add3A_490 : i32 to index
      %get3A_524 = arith.constant 160 : index
      %get3A_525 = tpu.vector_load %arg9[%get3A_523, %get3A_524] {strides = array<i32>} : memref<16x256xf32, #tpu.memory_space<vmem>>, vector<16xf32>,
      %get3A_526 = arith.index_cast %add3A_490 : i32 to index
      %get3A_527 = arith.constant 176 : index
      %get3A_528 = tpu.vector_load %arg9[%get3A_526, %get3A_527] {strides = array<i32>} : memref<16x256xf32, #tpu.memory_space<vmem>>, vector<16xf32>,
      %get3A_529 = arith.index_cast %add3A_490 : i32 to index
      %get3A_530 = arith.constant 192 : index
      %get3A_531 = tpu.vector_load %arg9[%get3A_529, %get3A_530] {strides = array<i32>} : memref<16x256xf32, #tpu.memory_space<vmem>>, vector<16xf32>,
      %get3A_532 = arith.index_cast %add3A_490 : i32 to index
      %get3A_533 = arith.constant 208 : index
      %get3A_534 = tpu.vector_load %arg9[%get3A_532, %get3A_533] {strides = array<i32>} : memref<16x256xf32, #tpu.memory_space<vmem>>, vector<16xf32>,
      %get3A_535 = arith.index_cast %add3A_490 : i32 to index
      %get3A_536 = arith.constant 224 : index
      %get3A_537 = tpu.vector_load %arg9[%get3A_535, %get3A_536] {strides = array<i32>} : memref<16x256xf32, #tpu.memory_space<vmem>>, vector<16xf32>,
      %get3A_538 = arith.index_cast %add3A_490 : i32 to index
      %get3A_539 = arith.constant 240 : index
      %get3A_540 = tpu.vector_load %arg9[%get3A_538, %get3A_539] {strides = array<i32>} : memref<16x256xf32, #tpu.memory_space<vmem>>, vector<16xf32>,
      tpu.vector_store_idx %arg11[%gather3A_492, %add3A_48], %get3A_495 {add = true} : memref<272x128xf32, #tpu.memory_space<vmem>>[vector<16xi32>, vector<16xi32>], vector<16xf32>,
      tpu.vector_store_idx %arg11[%gather3A_492, %add3A_51], %get3A_498 {add = true} : memref<272x128xf32, #tpu.memory_space<vmem>>[vector<16xi32>, vector<16xi32>], vector<16xf32>,
      tpu.vector_store_idx %arg11[%gather3A_492, %add3A_54], %get3A_501 {add = true} : memref<272x128xf32, #tpu.memory_space<vmem>>[vector<16xi32>, vector<16xi32>], vector<16xf32>,
      tpu.vector_store_idx %arg11[%gather3A_492, %add3A_57], %get3A_504 {add = true} : memref<272x128xf32, #tpu.memory_space<vmem>>[vector<16xi32>, vector<16xi32>], vector<16xf32>,
      tpu.vector_store_idx %arg11[%gather3A_492, %add3A_60], %get3A_507 {add = true} : memref<272x128xf32, #tpu.memory_space<vmem>>[vector<16xi32>, vector<16xi32>], vector<16xf32>,
      tpu.vector_store_idx %arg11[%gather3A_492, %add3A_63], %get3A_510 {add = true} : memref<272x128xf32, #tpu.memory_space<vmem>>[vector<16xi32>, vector<16xi32>], vector<16xf32>,
      tpu.vector_store_idx %arg11[%gather3A_492, %add3A_66], %get3A_513 {add = true} : memref<272x128xf32, #tpu.memory_space<vmem>>[vector<16xi32>, vector<16xi32>], vector<16xf32>,
      tpu.vector_store_idx %arg11[%gather3A_492, %add3A_69], %get3A_516 {add = true} : memref<272x128xf32, #tpu.memory_space<vmem>>[vector<16xi32>, vector<16xi32>], vector<16xf32>,
      tpu.vector_store_idx %arg12[%gather3A_492, %add3A_48], %get3A_519 {add = true} : memref<272x128xf32, #tpu.memory_space<vmem>>[vector<16xi32>, vector<16xi32>], vector<16xf32>,
      tpu.vector_store_idx %arg12[%gather3A_492, %add3A_51], %get3A_522 {add = true} : memref<272x128xf32, #tpu.memory_space<vmem>>[vector<16xi32>, vector<16xi32>], vector<16xf32>,
      tpu.vector_store_idx %arg12[%gather3A_492, %add3A_54], %get3A_525 {add = true} : memref<272x128xf32, #tpu.memory_space<vmem>>[vector<16xi32>, vector<16xi32>], vector<16xf32>,
      tpu.vector_store_idx %arg12[%gather3A_492, %add3A_57], %get3A_528 {add = true} : memref<272x128xf32, #tpu.memory_space<vmem>>[vector<16xi32>, vector<16xi32>], vector<16xf32>,
      tpu.vector_store_idx %arg12[%gather3A_492, %add3A_60], %get3A_531 {add = true} : memref<272x128xf32, #tpu.memory_space<vmem>>[vector<16xi32>, vector<16xi32>], vector<16xf32>,
      tpu.vector_store_idx %arg12[%gather3A_492, %add3A_63], %get3A_534 {add = true} : memref<272x128xf32, #tpu.memory_space<vmem>>[vector<16xi32>, vector<16xi32>], vector<16xf32>,
      tpu.vector_store_idx %arg12[%gather3A_492, %add3A_66], %get3A_537 {add = true} : memref<272x128xf32, #tpu.memory_space<vmem>>[vector<16xi32>, vector<16xi32>], vector<16xf32>,
      tpu.vector_store_idx %arg12[%gather3A_492, %add3A_69], %get3A_540 {add = true} : memref<272x128xf32, #tpu.memory_space<vmem>>[vector<16xi32>, vector<16xi32>], vector<16xf32>,
    }
    %scan3A_418 = arith.constant 16 : i32
    %add3A_419 = arith.constant 15 : i32
    %add3A_420 = arith.addi %mul3A_2, %add3A_419 : i32
    %add3A_421 = arith.constant 4 : i32
    %add3A_422 = arith.addi %add3A_420, %add3A_421 : i32
    %min3A_423 = arith.constant 624 : i32
    %min3A_424 = arith.minsi %add3A_422, %min3A_423 : i32
    %mul3A_425 = arith.constant 16 : i32
    %mul3A_426 = arith.muli %min3A_424, %mul3A_425 : i32
    %dma_start3A_427 = arith.constant 0 : i32
    %dma_start3A_428 = tpu.memref_slice %arg2[%mul3A_426, %dma_start3A_427] : memref<10000x256xf32, #tpu.memory_space<hbm>> -> memref<16x256xf32, #tpu.memory_space<hbm>>
    %dma_start3A_429 = arith.constant 0 : i32
    %dma_start3A_430 = tpu.memref_slice %arg2[%mul3A_426, %dma_start3A_429] : memref<10000x256xf32, #tpu.memory_space<hbm>> -> memref<16x256xf32, #tpu.memory_space<hbm>>
    tpu.enqueue_dma source(%dma_start3A_430 : memref<16x256xf32, #tpu.memory_space<hbm>>) target(%arg10 : memref<16x256xf32, #tpu.memory_space<vmem>>) target_semaphore(%arg16 : memref<!tpu.dma_semaphore, #tpu.memory_space<semaphore_mem>>)
    %dma_wait3A_431 = arith.constant 0 : i32
    %dma_wait3A_432 = tpu.memref_slice %arg2[%mul3A_334, %dma_wait3A_431] : memref<10000x256xf32, #tpu.memory_space<hbm>> -> memref<16x256xf32, #tpu.memory_space<hbm>>
    %dma_wait3A_433 = arith.constant 0 : i32
    %dma_wait3A_434 = tpu.memref_slice %arg2[%mul3A_334, %dma_wait3A_433] : memref<10000x256xf32, #tpu.memory_space<hbm>> -> memref<16x256xf32, #tpu.memory_space<hbm>>
    tpu.wait_dma2 semaphore(%arg16 : memref<!tpu.dma_semaphore, #tpu.memory_space<semaphore_mem>>) src(%dma_wait3A_434 : memref<16x256xf32, #tpu.memory_space<hbm>>) dst(%arg10 : memref<16x256xf32, #tpu.memory_space<vmem>>)
    %get3A_435 = arith.constant 240 : index
    %get3A_436 = tpu.vector_load %arg6[%get3A_435] {strides = array<i32>} : memref<320xi32, #tpu.memory_space<vmem>>, vector<16xi32>,
    %scan3A_437 = arith.constant 0 : i32
    %scan3A_438 = arith.constant 16 : i32
    %scan3A_439 = arith.addi %scan3A_437, %scan3A_438 : i32
    %scan3A_440 = arith.constant 1 : i32
    scf.for %scan3A_486 = %scan3A_437 to %scan3A_439 step %scan3A_440  : i32 {
      %mul3A_487 = arith.constant 1 : i32
      %mul3A_488 = arith.muli %scan3A_486, %mul3A_487 : i32
      %add3A_489 = arith.constant 0 : i32
      %add3A_490 = arith.addi %add3A_489, %mul3A_488 : i32
      %broadcast_in_dim3A_491 = vector.broadcast %add3A_490 : i32 to vector<16x1xi32>
      %gather3A = vector.shape_cast %broadcast_in_dim3A_491 : vector<16x1xi32> to vector<16xi32>
      %gather3A_492 = tpu.dynamic_gather %get3A_436[%gather3A] in [0] : vector<16xi32>, vector<16xi32> -> vector<16xi32>
      %get3A_493 = arith.index_cast %add3A_490 : i32 to index
      %get3A_494 = arith.constant 0 : index
      %get3A_495 = tpu.vector_load %arg10[%get3A_493, %get3A_494] {strides = array<i32>} : memref<16x256xf32, #tpu.memory_space<vmem>>, vector<16xf32>,
      %get3A_496 = arith.index_cast %add3A_490 : i32 to index
      %get3A_497 = arith.constant 16 : index
      %get3A_498 = tpu.vector_load %arg10[%get3A_496, %get3A_497] {strides = array<i32>} : memref<16x256xf32, #tpu.memory_space<vmem>>, vector<16xf32>,
      %get3A_499 = arith.index_cast %add3A_490 : i32 to index
      %get3A_500 = arith.constant 32 : index
      %get3A_501 = tpu.vector_load %arg10[%get3A_499, %get3A_500] {strides = array<i32>} : memref<16x256xf32, #tpu.memory_space<vmem>>, vector<16xf32>,
      %get3A_502 = arith.index_cast %add3A_490 : i32 to index
      %get3A_503 = arith.constant 48 : index
      %get3A_504 = tpu.vector_load %arg10[%get3A_502, %get3A_503] {strides = array<i32>} : memref<16x256xf32, #tpu.memory_space<vmem>>, vector<16xf32>,
      %get3A_505 = arith.index_cast %add3A_490 : i32 to index
      %get3A_506 = arith.constant 64 : index
      %get3A_507 = tpu.vector_load %arg10[%get3A_505, %get3A_506] {strides = array<i32>} : memref<16x256xf32, #tpu.memory_space<vmem>>, vector<16xf32>,
      %get3A_508 = arith.index_cast %add3A_490 : i32 to index
      %get3A_509 = arith.constant 80 : index
      %get3A_510 = tpu.vector_load %arg10[%get3A_508, %get3A_509] {strides = array<i32>} : memref<16x256xf32, #tpu.memory_space<vmem>>, vector<16xf32>,
      %get3A_511 = arith.index_cast %add3A_490 : i32 to index
      %get3A_512 = arith.constant 96 : index
      %get3A_513 = tpu.vector_load %arg10[%get3A_511, %get3A_512] {strides = array<i32>} : memref<16x256xf32, #tpu.memory_space<vmem>>, vector<16xf32>,
      %get3A_514 = arith.index_cast %add3A_490 : i32 to index
      %get3A_515 = arith.constant 112 : index
      %get3A_516 = tpu.vector_load %arg10[%get3A_514, %get3A_515] {strides = array<i32>} : memref<16x256xf32, #tpu.memory_space<vmem>>, vector<16xf32>,
      %get3A_517 = arith.index_cast %add3A_490 : i32 to index
      %get3A_518 = arith.constant 128 : index
      %get3A_519 = tpu.vector_load %arg10[%get3A_517, %get3A_518] {strides = array<i32>} : memref<16x256xf32, #tpu.memory_space<vmem>>, vector<16xf32>,
      %get3A_520 = arith.index_cast %add3A_490 : i32 to index
      %get3A_521 = arith.constant 144 : index
      %get3A_522 = tpu.vector_load %arg10[%get3A_520, %get3A_521] {strides = array<i32>} : memref<16x256xf32, #tpu.memory_space<vmem>>, vector<16xf32>,
      %get3A_523 = arith.index_cast %add3A_490 : i32 to index
      %get3A_524 = arith.constant 160 : index
      %get3A_525 = tpu.vector_load %arg10[%get3A_523, %get3A_524] {strides = array<i32>} : memref<16x256xf32, #tpu.memory_space<vmem>>, vector<16xf32>,
      %get3A_526 = arith.index_cast %add3A_490 : i32 to index
      %get3A_527 = arith.constant 176 : index
      %get3A_528 = tpu.vector_load %arg10[%get3A_526, %get3A_527] {strides = array<i32>} : memref<16x256xf32, #tpu.memory_space<vmem>>, vector<16xf32>,
      %get3A_529 = arith.index_cast %add3A_490 : i32 to index
      %get3A_530 = arith.constant 192 : index
      %get3A_531 = tpu.vector_load %arg10[%get3A_529, %get3A_530] {strides = array<i32>} : memref<16x256xf32, #tpu.memory_space<vmem>>, vector<16xf32>,
      %get3A_532 = arith.index_cast %add3A_490 : i32 to index
      %get3A_533 = arith.constant 208 : index
      %get3A_534 = tpu.vector_load %arg10[%get3A_532, %get3A_533] {strides = array<i32>} : memref<16x256xf32, #tpu.memory_space<vmem>>, vector<16xf32>,
      %get3A_535 = arith.index_cast %add3A_490 : i32 to index
      %get3A_536 = arith.constant 224 : index
      %get3A_537 = tpu.vector_load %arg10[%get3A_535, %get3A_536] {strides = array<i32>} : memref<16x256xf32, #tpu.memory_space<vmem>>, vector<16xf32>,
      %get3A_538 = arith.index_cast %add3A_490 : i32 to index
      %get3A_539 = arith.constant 240 : index
      %get3A_540 = tpu.vector_load %arg10[%get3A_538, %get3A_539] {strides = array<i32>} : memref<16x256xf32, #tpu.memory_space<vmem>>, vector<16xf32>,
      tpu.vector_store_idx %arg11[%gather3A_492, %add3A_48], %get3A_495 {add = true} : memref<272x128xf32, #tpu.memory_space<vmem>>[vector<16xi32>, vector<16xi32>], vector<16xf32>,
      tpu.vector_store_idx %arg11[%gather3A_492, %add3A_51], %get3A_498 {add = true} : memref<272x128xf32, #tpu.memory_space<vmem>>[vector<16xi32>, vector<16xi32>], vector<16xf32>,
      tpu.vector_store_idx %arg11[%gather3A_492, %add3A_54], %get3A_501 {add = true} : memref<272x128xf32, #tpu.memory_space<vmem>>[vector<16xi32>, vector<16xi32>], vector<16xf32>,
      tpu.vector_store_idx %arg11[%gather3A_492, %add3A_57], %get3A_504 {add = true} : memref<272x128xf32, #tpu.memory_space<vmem>>[vector<16xi32>, vector<16xi32>], vector<16xf32>,
      tpu.vector_store_idx %arg11[%gather3A_492, %add3A_60], %get3A_507 {add = true} : memref<272x128xf32, #tpu.memory_space<vmem>>[vector<16xi32>, vector<16xi32>], vector<16xf32>,
      tpu.vector_store_idx %arg11[%gather3A_492, %add3A_63], %get3A_510 {add = true} : memref<272x128xf32, #tpu.memory_space<vmem>>[vector<16xi32>, vector<16xi32>], vector<16xf32>,
      tpu.vector_store_idx %arg11[%gather3A_492, %add3A_66], %get3A_513 {add = true} : memref<272x128xf32, #tpu.memory_space<vmem>>[vector<16xi32>, vector<16xi32>], vector<16xf32>,
      tpu.vector_store_idx %arg11[%gather3A_492, %add3A_69], %get3A_516 {add = true} : memref<272x128xf32, #tpu.memory_space<vmem>>[vector<16xi32>, vector<16xi32>], vector<16xf32>,
      tpu.vector_store_idx %arg12[%gather3A_492, %add3A_48], %get3A_519 {add = true} : memref<272x128xf32, #tpu.memory_space<vmem>>[vector<16xi32>, vector<16xi32>], vector<16xf32>,
      tpu.vector_store_idx %arg12[%gather3A_492, %add3A_51], %get3A_522 {add = true} : memref<272x128xf32, #tpu.memory_space<vmem>>[vector<16xi32>, vector<16xi32>], vector<16xf32>,
      tpu.vector_store_idx %arg12[%gather3A_492, %add3A_54], %get3A_525 {add = true} : memref<272x128xf32, #tpu.memory_space<vmem>>[vector<16xi32>, vector<16xi32>], vector<16xf32>,
      tpu.vector_store_idx %arg12[%gather3A_492, %add3A_57], %get3A_528 {add = true} : memref<272x128xf32, #tpu.memory_space<vmem>>[vector<16xi32>, vector<16xi32>], vector<16xf32>,
      tpu.vector_store_idx %arg12[%gather3A_492, %add3A_60], %get3A_531 {add = true} : memref<272x128xf32, #tpu.memory_space<vmem>>[vector<16xi32>, vector<16xi32>], vector<16xf32>,
      tpu.vector_store_idx %arg12[%gather3A_492, %add3A_63], %get3A_534 {add = true} : memref<272x128xf32, #tpu.memory_space<vmem>>[vector<16xi32>, vector<16xi32>], vector<16xf32>,
      tpu.vector_store_idx %arg12[%gather3A_492, %add3A_66], %get3A_537 {add = true} : memref<272x128xf32, #tpu.memory_space<vmem>>[vector<16xi32>, vector<16xi32>], vector<16xf32>,
      tpu.vector_store_idx %arg12[%gather3A_492, %add3A_69], %get3A_540 {add = true} : memref<272x128xf32, #tpu.memory_space<vmem>>[vector<16xi32>, vector<16xi32>], vector<16xf32>,
    }
    %scan3A_441 = arith.constant 16 : i32
    %dma_wait3A_442 = arith.constant 0 : i32
    %dma_wait3A_443 = tpu.memref_slice %arg2[%mul3A_357, %dma_wait3A_442] : memref<10000x256xf32, #tpu.memory_space<hbm>> -> memref<16x256xf32, #tpu.memory_space<hbm>>
    %dma_wait3A_444 = arith.constant 0 : i32
    %dma_wait3A_445 = tpu.memref_slice %arg2[%mul3A_357, %dma_wait3A_444] : memref<10000x256xf32, #tpu.memory_space<hbm>> -> memref<16x256xf32, #tpu.memory_space<hbm>>
    tpu.wait_dma2 semaphore(%arg13 : memref<!tpu.dma_semaphore, #tpu.memory_space<semaphore_mem>>) src(%dma_wait3A_445 : memref<16x256xf32, #tpu.memory_space<hbm>>) dst(%arg7 : memref<16x256xf32, #tpu.memory_space<vmem>>)
    %get3A_446 = arith.constant 256 : index
    %get3A_447 = tpu.vector_load %arg6[%get3A_446] {strides = array<i32>} : memref<320xi32, #tpu.memory_space<vmem>>, vector<16xi32>,
    %scan3A_448 = arith.constant 0 : i32
    %scan3A_449 = arith.constant 16 : i32
    %scan3A_450 = arith.addi %scan3A_448, %scan3A_449 : i32
    %scan3A_451 = arith.constant 1 : i32
    scf.for %scan3A_486 = %scan3A_448 to %scan3A_450 step %scan3A_451  : i32 {
      %mul3A_487 = arith.constant 1 : i32
      %mul3A_488 = arith.muli %scan3A_486, %mul3A_487 : i32
      %add3A_489 = arith.constant 0 : i32
      %add3A_490 = arith.addi %add3A_489, %mul3A_488 : i32
      %broadcast_in_dim3A_491 = vector.broadcast %add3A_490 : i32 to vector<16x1xi32>
      %gather3A = vector.shape_cast %broadcast_in_dim3A_491 : vector<16x1xi32> to vector<16xi32>
      %gather3A_492 = tpu.dynamic_gather %get3A_447[%gather3A] in [0] : vector<16xi32>, vector<16xi32> -> vector<16xi32>
      %get3A_493 = arith.index_cast %add3A_490 : i32 to index
      %get3A_494 = arith.constant 0 : index
      %get3A_495 = tpu.vector_load %arg7[%get3A_493, %get3A_494] {strides = array<i32>} : memref<16x256xf32, #tpu.memory_space<vmem>>, vector<16xf32>,
      %get3A_496 = arith.index_cast %add3A_490 : i32 to index
      %get3A_497 = arith.constant 16 : index
      %get3A_498 = tpu.vector_load %arg7[%get3A_496, %get3A_497] {strides = array<i32>} : memref<16x256xf32, #tpu.memory_space<vmem>>, vector<16xf32>,
      %get3A_499 = arith.index_cast %add3A_490 : i32 to index
      %get3A_500 = arith.constant 32 : index
      %get3A_501 = tpu.vector_load %arg7[%get3A_499, %get3A_500] {strides = array<i32>} : memref<16x256xf32, #tpu.memory_space<vmem>>, vector<16xf32>,
      %get3A_502 = arith.index_cast %add3A_490 : i32 to index
      %get3A_503 = arith.constant 48 : index
      %get3A_504 = tpu.vector_load %arg7[%get3A_502, %get3A_503] {strides = array<i32>} : memref<16x256xf32, #tpu.memory_space<vmem>>, vector<16xf32>,
      %get3A_505 = arith.index_cast %add3A_490 : i32 to index
      %get3A_506 = arith.constant 64 : index
      %get3A_507 = tpu.vector_load %arg7[%get3A_505, %get3A_506] {strides = array<i32>} : memref<16x256xf32, #tpu.memory_space<vmem>>, vector<16xf32>,
      %get3A_508 = arith.index_cast %add3A_490 : i32 to index
      %get3A_509 = arith.constant 80 : index
      %get3A_510 = tpu.vector_load %arg7[%get3A_508, %get3A_509] {strides = array<i32>} : memref<16x256xf32, #tpu.memory_space<vmem>>, vector<16xf32>,
      %get3A_511 = arith.index_cast %add3A_490 : i32 to index
      %get3A_512 = arith.constant 96 : index
      %get3A_513 = tpu.vector_load %arg7[%get3A_511, %get3A_512] {strides = array<i32>} : memref<16x256xf32, #tpu.memory_space<vmem>>, vector<16xf32>,
      %get3A_514 = arith.index_cast %add3A_490 : i32 to index
      %get3A_515 = arith.constant 112 : index
      %get3A_516 = tpu.vector_load %arg7[%get3A_514, %get3A_515] {strides = array<i32>} : memref<16x256xf32, #tpu.memory_space<vmem>>, vector<16xf32>,
      %get3A_517 = arith.index_cast %add3A_490 : i32 to index
      %get3A_518 = arith.constant 128 : index
      %get3A_519 = tpu.vector_load %arg7[%get3A_517, %get3A_518] {strides = array<i32>} : memref<16x256xf32, #tpu.memory_space<vmem>>, vector<16xf32>,
      %get3A_520 = arith.index_cast %add3A_490 : i32 to index
      %get3A_521 = arith.constant 144 : index
      %get3A_522 = tpu.vector_load %arg7[%get3A_520, %get3A_521] {strides = array<i32>} : memref<16x256xf32, #tpu.memory_space<vmem>>, vector<16xf32>,
      %get3A_523 = arith.index_cast %add3A_490 : i32 to index
      %get3A_524 = arith.constant 160 : index
      %get3A_525 = tpu.vector_load %arg7[%get3A_523, %get3A_524] {strides = array<i32>} : memref<16x256xf32, #tpu.memory_space<vmem>>, vector<16xf32>,
      %get3A_526 = arith.index_cast %add3A_490 : i32 to index
      %get3A_527 = arith.constant 176 : index
      %get3A_528 = tpu.vector_load %arg7[%get3A_526, %get3A_527] {strides = array<i32>} : memref<16x256xf32, #tpu.memory_space<vmem>>, vector<16xf32>,
      %get3A_529 = arith.index_cast %add3A_490 : i32 to index
      %get3A_530 = arith.constant 192 : index
      %get3A_531 = tpu.vector_load %arg7[%get3A_529, %get3A_530] {strides = array<i32>} : memref<16x256xf32, #tpu.memory_space<vmem>>, vector<16xf32>,
      %get3A_532 = arith.index_cast %add3A_490 : i32 to index
      %get3A_533 = arith.constant 208 : index
      %get3A_534 = tpu.vector_load %arg7[%get3A_532, %get3A_533] {strides = array<i32>} : memref<16x256xf32, #tpu.memory_space<vmem>>, vector<16xf32>,
      %get3A_535 = arith.index_cast %add3A_490 : i32 to index
      %get3A_536 = arith.constant 224 : index
      %get3A_537 = tpu.vector_load %arg7[%get3A_535, %get3A_536] {strides = array<i32>} : memref<16x256xf32, #tpu.memory_space<vmem>>, vector<16xf32>,
      %get3A_538 = arith.index_cast %add3A_490 : i32 to index
      %get3A_539 = arith.constant 240 : index
      %get3A_540 = tpu.vector_load %arg7[%get3A_538, %get3A_539] {strides = array<i32>} : memref<16x256xf32, #tpu.memory_space<vmem>>, vector<16xf32>,
      tpu.vector_store_idx %arg11[%gather3A_492, %add3A_48], %get3A_495 {add = true} : memref<272x128xf32, #tpu.memory_space<vmem>>[vector<16xi32>, vector<16xi32>], vector<16xf32>,
      tpu.vector_store_idx %arg11[%gather3A_492, %add3A_51], %get3A_498 {add = true} : memref<272x128xf32, #tpu.memory_space<vmem>>[vector<16xi32>, vector<16xi32>], vector<16xf32>,
      tpu.vector_store_idx %arg11[%gather3A_492, %add3A_54], %get3A_501 {add = true} : memref<272x128xf32, #tpu.memory_space<vmem>>[vector<16xi32>, vector<16xi32>], vector<16xf32>,
      tpu.vector_store_idx %arg11[%gather3A_492, %add3A_57], %get3A_504 {add = true} : memref<272x128xf32, #tpu.memory_space<vmem>>[vector<16xi32>, vector<16xi32>], vector<16xf32>,
      tpu.vector_store_idx %arg11[%gather3A_492, %add3A_60], %get3A_507 {add = true} : memref<272x128xf32, #tpu.memory_space<vmem>>[vector<16xi32>, vector<16xi32>], vector<16xf32>,
      tpu.vector_store_idx %arg11[%gather3A_492, %add3A_63], %get3A_510 {add = true} : memref<272x128xf32, #tpu.memory_space<vmem>>[vector<16xi32>, vector<16xi32>], vector<16xf32>,
      tpu.vector_store_idx %arg11[%gather3A_492, %add3A_66], %get3A_513 {add = true} : memref<272x128xf32, #tpu.memory_space<vmem>>[vector<16xi32>, vector<16xi32>], vector<16xf32>,
      tpu.vector_store_idx %arg11[%gather3A_492, %add3A_69], %get3A_516 {add = true} : memref<272x128xf32, #tpu.memory_space<vmem>>[vector<16xi32>, vector<16xi32>], vector<16xf32>,
      tpu.vector_store_idx %arg12[%gather3A_492, %add3A_48], %get3A_519 {add = true} : memref<272x128xf32, #tpu.memory_space<vmem>>[vector<16xi32>, vector<16xi32>], vector<16xf32>,
      tpu.vector_store_idx %arg12[%gather3A_492, %add3A_51], %get3A_522 {add = true} : memref<272x128xf32, #tpu.memory_space<vmem>>[vector<16xi32>, vector<16xi32>], vector<16xf32>,
      tpu.vector_store_idx %arg12[%gather3A_492, %add3A_54], %get3A_525 {add = true} : memref<272x128xf32, #tpu.memory_space<vmem>>[vector<16xi32>, vector<16xi32>], vector<16xf32>,
      tpu.vector_store_idx %arg12[%gather3A_492, %add3A_57], %get3A_528 {add = true} : memref<272x128xf32, #tpu.memory_space<vmem>>[vector<16xi32>, vector<16xi32>], vector<16xf32>,
      tpu.vector_store_idx %arg12[%gather3A_492, %add3A_60], %get3A_531 {add = true} : memref<272x128xf32, #tpu.memory_space<vmem>>[vector<16xi32>, vector<16xi32>], vector<16xf32>,
      tpu.vector_store_idx %arg12[%gather3A_492, %add3A_63], %get3A_534 {add = true} : memref<272x128xf32, #tpu.memory_space<vmem>>[vector<16xi32>, vector<16xi32>], vector<16xf32>,
      tpu.vector_store_idx %arg12[%gather3A_492, %add3A_66], %get3A_537 {add = true} : memref<272x128xf32, #tpu.memory_space<vmem>>[vector<16xi32>, vector<16xi32>], vector<16xf32>,
      tpu.vector_store_idx %arg12[%gather3A_492, %add3A_69], %get3A_540 {add = true} : memref<272x128xf32, #tpu.memory_space<vmem>>[vector<16xi32>, vector<16xi32>], vector<16xf32>,
    }
    %scan3A_452 = arith.constant 16 : i32
    %dma_wait3A_453 = arith.constant 0 : i32
    %dma_wait3A_454 = tpu.memref_slice %arg2[%mul3A_380, %dma_wait3A_453] : memref<10000x256xf32, #tpu.memory_space<hbm>> -> memref<16x256xf32, #tpu.memory_space<hbm>>
    %dma_wait3A_455 = arith.constant 0 : i32
    %dma_wait3A_456 = tpu.memref_slice %arg2[%mul3A_380, %dma_wait3A_455] : memref<10000x256xf32, #tpu.memory_space<hbm>> -> memref<16x256xf32, #tpu.memory_space<hbm>>
    tpu.wait_dma2 semaphore(%arg14 : memref<!tpu.dma_semaphore, #tpu.memory_space<semaphore_mem>>) src(%dma_wait3A_456 : memref<16x256xf32, #tpu.memory_space<hbm>>) dst(%arg8 : memref<16x256xf32, #tpu.memory_space<vmem>>)
    %get3A_457 = arith.constant 272 : index
    %get3A_458 = tpu.vector_load %arg6[%get3A_457] {strides = array<i32>} : memref<320xi32, #tpu.memory_space<vmem>>, vector<16xi32>,
    %scan3A_459 = arith.constant 0 : i32
    %scan3A_460 = arith.constant 16 : i32
    %scan3A_461 = arith.addi %scan3A_459, %scan3A_460 : i32
    %scan3A_462 = arith.constant 1 : i32
    scf.for %scan3A_486 = %scan3A_459 to %scan3A_461 step %scan3A_462  : i32 {
      %mul3A_487 = arith.constant 1 : i32
      %mul3A_488 = arith.muli %scan3A_486, %mul3A_487 : i32
      %add3A_489 = arith.constant 0 : i32
      %add3A_490 = arith.addi %add3A_489, %mul3A_488 : i32
      %broadcast_in_dim3A_491 = vector.broadcast %add3A_490 : i32 to vector<16x1xi32>
      %gather3A = vector.shape_cast %broadcast_in_dim3A_491 : vector<16x1xi32> to vector<16xi32>
      %gather3A_492 = tpu.dynamic_gather %get3A_458[%gather3A] in [0] : vector<16xi32>, vector<16xi32> -> vector<16xi32>
      %get3A_493 = arith.index_cast %add3A_490 : i32 to index
      %get3A_494 = arith.constant 0 : index
      %get3A_495 = tpu.vector_load %arg8[%get3A_493, %get3A_494] {strides = array<i32>} : memref<16x256xf32, #tpu.memory_space<vmem>>, vector<16xf32>,
      %get3A_496 = arith.index_cast %add3A_490 : i32 to index
      %get3A_497 = arith.constant 16 : index
      %get3A_498 = tpu.vector_load %arg8[%get3A_496, %get3A_497] {strides = array<i32>} : memref<16x256xf32, #tpu.memory_space<vmem>>, vector<16xf32>,
      %get3A_499 = arith.index_cast %add3A_490 : i32 to index
      %get3A_500 = arith.constant 32 : index
      %get3A_501 = tpu.vector_load %arg8[%get3A_499, %get3A_500] {strides = array<i32>} : memref<16x256xf32, #tpu.memory_space<vmem>>, vector<16xf32>,
      %get3A_502 = arith.index_cast %add3A_490 : i32 to index
      %get3A_503 = arith.constant 48 : index
      %get3A_504 = tpu.vector_load %arg8[%get3A_502, %get3A_503] {strides = array<i32>} : memref<16x256xf32, #tpu.memory_space<vmem>>, vector<16xf32>,
      %get3A_505 = arith.index_cast %add3A_490 : i32 to index
      %get3A_506 = arith.constant 64 : index
      %get3A_507 = tpu.vector_load %arg8[%get3A_505, %get3A_506] {strides = array<i32>} : memref<16x256xf32, #tpu.memory_space<vmem>>, vector<16xf32>,
      %get3A_508 = arith.index_cast %add3A_490 : i32 to index
      %get3A_509 = arith.constant 80 : index
      %get3A_510 = tpu.vector_load %arg8[%get3A_508, %get3A_509] {strides = array<i32>} : memref<16x256xf32, #tpu.memory_space<vmem>>, vector<16xf32>,
      %get3A_511 = arith.index_cast %add3A_490 : i32 to index
      %get3A_512 = arith.constant 96 : index
      %get3A_513 = tpu.vector_load %arg8[%get3A_511, %get3A_512] {strides = array<i32>} : memref<16x256xf32, #tpu.memory_space<vmem>>, vector<16xf32>,
      %get3A_514 = arith.index_cast %add3A_490 : i32 to index
      %get3A_515 = arith.constant 112 : index
      %get3A_516 = tpu.vector_load %arg8[%get3A_514, %get3A_515] {strides = array<i32>} : memref<16x256xf32, #tpu.memory_space<vmem>>, vector<16xf32>,
      %get3A_517 = arith.index_cast %add3A_490 : i32 to index
      %get3A_518 = arith.constant 128 : index
      %get3A_519 = tpu.vector_load %arg8[%get3A_517, %get3A_518] {strides = array<i32>} : memref<16x256xf32, #tpu.memory_space<vmem>>, vector<16xf32>,
      %get3A_520 = arith.index_cast %add3A_490 : i32 to index
      %get3A_521 = arith.constant 144 : index
      %get3A_522 = tpu.vector_load %arg8[%get3A_520, %get3A_521] {strides = array<i32>} : memref<16x256xf32, #tpu.memory_space<vmem>>, vector<16xf32>,
      %get3A_523 = arith.index_cast %add3A_490 : i32 to index
      %get3A_524 = arith.constant 160 : index
      %get3A_525 = tpu.vector_load %arg8[%get3A_523, %get3A_524] {strides = array<i32>} : memref<16x256xf32, #tpu.memory_space<vmem>>, vector<16xf32>,
      %get3A_526 = arith.index_cast %add3A_490 : i32 to index
      %get3A_527 = arith.constant 176 : index
      %get3A_528 = tpu.vector_load %arg8[%get3A_526, %get3A_527] {strides = array<i32>} : memref<16x256xf32, #tpu.memory_space<vmem>>, vector<16xf32>,
      %get3A_529 = arith.index_cast %add3A_490 : i32 to index
      %get3A_530 = arith.constant 192 : index
      %get3A_531 = tpu.vector_load %arg8[%get3A_529, %get3A_530] {strides = array<i32>} : memref<16x256xf32, #tpu.memory_space<vmem>>, vector<16xf32>,
      %get3A_532 = arith.index_cast %add3A_490 : i32 to index
      %get3A_533 = arith.constant 208 : index
      %get3A_534 = tpu.vector_load %arg8[%get3A_532, %get3A_533] {strides = array<i32>} : memref<16x256xf32, #tpu.memory_space<vmem>>, vector<16xf32>,
      %get3A_535 = arith.index_cast %add3A_490 : i32 to index
      %get3A_536 = arith.constant 224 : index
      %get3A_537 = tpu.vector_load %arg8[%get3A_535, %get3A_536] {strides = array<i32>} : memref<16x256xf32, #tpu.memory_space<vmem>>, vector<16xf32>,
      %get3A_538 = arith.index_cast %add3A_490 : i32 to index
      %get3A_539 = arith.constant 240 : index
      %get3A_540 = tpu.vector_load %arg8[%get3A_538, %get3A_539] {strides = array<i32>} : memref<16x256xf32, #tpu.memory_space<vmem>>, vector<16xf32>,
      tpu.vector_store_idx %arg11[%gather3A_492, %add3A_48], %get3A_495 {add = true} : memref<272x128xf32, #tpu.memory_space<vmem>>[vector<16xi32>, vector<16xi32>], vector<16xf32>,
      tpu.vector_store_idx %arg11[%gather3A_492, %add3A_51], %get3A_498 {add = true} : memref<272x128xf32, #tpu.memory_space<vmem>>[vector<16xi32>, vector<16xi32>], vector<16xf32>,
      tpu.vector_store_idx %arg11[%gather3A_492, %add3A_54], %get3A_501 {add = true} : memref<272x128xf32, #tpu.memory_space<vmem>>[vector<16xi32>, vector<16xi32>], vector<16xf32>,
      tpu.vector_store_idx %arg11[%gather3A_492, %add3A_57], %get3A_504 {add = true} : memref<272x128xf32, #tpu.memory_space<vmem>>[vector<16xi32>, vector<16xi32>], vector<16xf32>,
      tpu.vector_store_idx %arg11[%gather3A_492, %add3A_60], %get3A_507 {add = true} : memref<272x128xf32, #tpu.memory_space<vmem>>[vector<16xi32>, vector<16xi32>], vector<16xf32>,
      tpu.vector_store_idx %arg11[%gather3A_492, %add3A_63], %get3A_510 {add = true} : memref<272x128xf32, #tpu.memory_space<vmem>>[vector<16xi32>, vector<16xi32>], vector<16xf32>,
      tpu.vector_store_idx %arg11[%gather3A_492, %add3A_66], %get3A_513 {add = true} : memref<272x128xf32, #tpu.memory_space<vmem>>[vector<16xi32>, vector<16xi32>], vector<16xf32>,
      tpu.vector_store_idx %arg11[%gather3A_492, %add3A_69], %get3A_516 {add = true} : memref<272x128xf32, #tpu.memory_space<vmem>>[vector<16xi32>, vector<16xi32>], vector<16xf32>,
      tpu.vector_store_idx %arg12[%gather3A_492, %add3A_48], %get3A_519 {add = true} : memref<272x128xf32, #tpu.memory_space<vmem>>[vector<16xi32>, vector<16xi32>], vector<16xf32>,
      tpu.vector_store_idx %arg12[%gather3A_492, %add3A_51], %get3A_522 {add = true} : memref<272x128xf32, #tpu.memory_space<vmem>>[vector<16xi32>, vector<16xi32>], vector<16xf32>,
      tpu.vector_store_idx %arg12[%gather3A_492, %add3A_54], %get3A_525 {add = true} : memref<272x128xf32, #tpu.memory_space<vmem>>[vector<16xi32>, vector<16xi32>], vector<16xf32>,
      tpu.vector_store_idx %arg12[%gather3A_492, %add3A_57], %get3A_528 {add = true} : memref<272x128xf32, #tpu.memory_space<vmem>>[vector<16xi32>, vector<16xi32>], vector<16xf32>,
      tpu.vector_store_idx %arg12[%gather3A_492, %add3A_60], %get3A_531 {add = true} : memref<272x128xf32, #tpu.memory_space<vmem>>[vector<16xi32>, vector<16xi32>], vector<16xf32>,
      tpu.vector_store_idx %arg12[%gather3A_492, %add3A_63], %get3A_534 {add = true} : memref<272x128xf32, #tpu.memory_space<vmem>>[vector<16xi32>, vector<16xi32>], vector<16xf32>,
      tpu.vector_store_idx %arg12[%gather3A_492, %add3A_66], %get3A_537 {add = true} : memref<272x128xf32, #tpu.memory_space<vmem>>[vector<16xi32>, vector<16xi32>], vector<16xf32>,
      tpu.vector_store_idx %arg12[%gather3A_492, %add3A_69], %get3A_540 {add = true} : memref<272x128xf32, #tpu.memory_space<vmem>>[vector<16xi32>, vector<16xi32>], vector<16xf32>,
    }
    %scan3A_463 = arith.constant 16 : i32
    %dma_wait3A_464 = arith.constant 0 : i32
    %dma_wait3A_465 = tpu.memref_slice %arg2[%mul3A_403, %dma_wait3A_464] : memref<10000x256xf32, #tpu.memory_space<hbm>> -> memref<16x256xf32, #tpu.memory_space<hbm>>
    %dma_wait3A_466 = arith.constant 0 : i32
    %dma_wait3A_467 = tpu.memref_slice %arg2[%mul3A_403, %dma_wait3A_466] : memref<10000x256xf32, #tpu.memory_space<hbm>> -> memref<16x256xf32, #tpu.memory_space<hbm>>
    tpu.wait_dma2 semaphore(%arg15 : memref<!tpu.dma_semaphore, #tpu.memory_space<semaphore_mem>>) src(%dma_wait3A_467 : memref<16x256xf32, #tpu.memory_space<hbm>>) dst(%arg9 : memref<16x256xf32, #tpu.memory_space<vmem>>)
    %get3A_468 = arith.constant 288 : index
    %get3A_469 = tpu.vector_load %arg6[%get3A_468] {strides = array<i32>} : memref<320xi32, #tpu.memory_space<vmem>>, vector<16xi32>,
    %scan3A_470 = arith.constant 0 : i32
    %scan3A_471 = arith.constant 16 : i32
    %scan3A_472 = arith.addi %scan3A_470, %scan3A_471 : i32
    %scan3A_473 = arith.constant 1 : i32
    scf.for %scan3A_486 = %scan3A_470 to %scan3A_472 step %scan3A_473  : i32 {
      %mul3A_487 = arith.constant 1 : i32
      %mul3A_488 = arith.muli %scan3A_486, %mul3A_487 : i32
      %add3A_489 = arith.constant 0 : i32
      %add3A_490 = arith.addi %add3A_489, %mul3A_488 : i32
      %broadcast_in_dim3A_491 = vector.broadcast %add3A_490 : i32 to vector<16x1xi32>
      %gather3A = vector.shape_cast %broadcast_in_dim3A_491 : vector<16x1xi32> to vector<16xi32>
      %gather3A_492 = tpu.dynamic_gather %get3A_469[%gather3A] in [0] : vector<16xi32>, vector<16xi32> -> vector<16xi32>
      %get3A_493 = arith.index_cast %add3A_490 : i32 to index
      %get3A_494 = arith.constant 0 : index
      %get3A_495 = tpu.vector_load %arg9[%get3A_493, %get3A_494] {strides = array<i32>} : memref<16x256xf32, #tpu.memory_space<vmem>>, vector<16xf32>,
      %get3A_496 = arith.index_cast %add3A_490 : i32 to index
      %get3A_497 = arith.constant 16 : index
      %get3A_498 = tpu.vector_load %arg9[%get3A_496, %get3A_497] {strides = array<i32>} : memref<16x256xf32, #tpu.memory_space<vmem>>, vector<16xf32>,
      %get3A_499 = arith.index_cast %add3A_490 : i32 to index
      %get3A_500 = arith.constant 32 : index
      %get3A_501 = tpu.vector_load %arg9[%get3A_499, %get3A_500] {strides = array<i32>} : memref<16x256xf32, #tpu.memory_space<vmem>>, vector<16xf32>,
      %get3A_502 = arith.index_cast %add3A_490 : i32 to index
      %get3A_503 = arith.constant 48 : index
      %get3A_504 = tpu.vector_load %arg9[%get3A_502, %get3A_503] {strides = array<i32>} : memref<16x256xf32, #tpu.memory_space<vmem>>, vector<16xf32>,
      %get3A_505 = arith.index_cast %add3A_490 : i32 to index
      %get3A_506 = arith.constant 64 : index
      %get3A_507 = tpu.vector_load %arg9[%get3A_505, %get3A_506] {strides = array<i32>} : memref<16x256xf32, #tpu.memory_space<vmem>>, vector<16xf32>,
      %get3A_508 = arith.index_cast %add3A_490 : i32 to index
      %get3A_509 = arith.constant 80 : index
      %get3A_510 = tpu.vector_load %arg9[%get3A_508, %get3A_509] {strides = array<i32>} : memref<16x256xf32, #tpu.memory_space<vmem>>, vector<16xf32>,
      %get3A_511 = arith.index_cast %add3A_490 : i32 to index
      %get3A_512 = arith.constant 96 : index
      %get3A_513 = tpu.vector_load %arg9[%get3A_511, %get3A_512] {strides = array<i32>} : memref<16x256xf32, #tpu.memory_space<vmem>>, vector<16xf32>,
      %get3A_514 = arith.index_cast %add3A_490 : i32 to index
      %get3A_515 = arith.constant 112 : index
      %get3A_516 = tpu.vector_load %arg9[%get3A_514, %get3A_515] {strides = array<i32>} : memref<16x256xf32, #tpu.memory_space<vmem>>, vector<16xf32>,
      %get3A_517 = arith.index_cast %add3A_490 : i32 to index
      %get3A_518 = arith.constant 128 : index
      %get3A_519 = tpu.vector_load %arg9[%get3A_517, %get3A_518] {strides = array<i32>} : memref<16x256xf32, #tpu.memory_space<vmem>>, vector<16xf32>,
      %get3A_520 = arith.index_cast %add3A_490 : i32 to index
      %get3A_521 = arith.constant 144 : index
      %get3A_522 = tpu.vector_load %arg9[%get3A_520, %get3A_521] {strides = array<i32>} : memref<16x256xf32, #tpu.memory_space<vmem>>, vector<16xf32>,
      %get3A_523 = arith.index_cast %add3A_490 : i32 to index
      %get3A_524 = arith.constant 160 : index
      %get3A_525 = tpu.vector_load %arg9[%get3A_523, %get3A_524] {strides = array<i32>} : memref<16x256xf32, #tpu.memory_space<vmem>>, vector<16xf32>,
      %get3A_526 = arith.index_cast %add3A_490 : i32 to index
      %get3A_527 = arith.constant 176 : index
      %get3A_528 = tpu.vector_load %arg9[%get3A_526, %get3A_527] {strides = array<i32>} : memref<16x256xf32, #tpu.memory_space<vmem>>, vector<16xf32>,
      %get3A_529 = arith.index_cast %add3A_490 : i32 to index
      %get3A_530 = arith.constant 192 : index
      %get3A_531 = tpu.vector_load %arg9[%get3A_529, %get3A_530] {strides = array<i32>} : memref<16x256xf32, #tpu.memory_space<vmem>>, vector<16xf32>,
      %get3A_532 = arith.index_cast %add3A_490 : i32 to index
      %get3A_533 = arith.constant 208 : index
      %get3A_534 = tpu.vector_load %arg9[%get3A_532, %get3A_533] {strides = array<i32>} : memref<16x256xf32, #tpu.memory_space<vmem>>, vector<16xf32>,
      %get3A_535 = arith.index_cast %add3A_490 : i32 to index
      %get3A_536 = arith.constant 224 : index
      %get3A_537 = tpu.vector_load %arg9[%get3A_535, %get3A_536] {strides = array<i32>} : memref<16x256xf32, #tpu.memory_space<vmem>>, vector<16xf32>,
      %get3A_538 = arith.index_cast %add3A_490 : i32 to index
      %get3A_539 = arith.constant 240 : index
      %get3A_540 = tpu.vector_load %arg9[%get3A_538, %get3A_539] {strides = array<i32>} : memref<16x256xf32, #tpu.memory_space<vmem>>, vector<16xf32>,
      tpu.vector_store_idx %arg11[%gather3A_492, %add3A_48], %get3A_495 {add = true} : memref<272x128xf32, #tpu.memory_space<vmem>>[vector<16xi32>, vector<16xi32>], vector<16xf32>,
      tpu.vector_store_idx %arg11[%gather3A_492, %add3A_51], %get3A_498 {add = true} : memref<272x128xf32, #tpu.memory_space<vmem>>[vector<16xi32>, vector<16xi32>], vector<16xf32>,
      tpu.vector_store_idx %arg11[%gather3A_492, %add3A_54], %get3A_501 {add = true} : memref<272x128xf32, #tpu.memory_space<vmem>>[vector<16xi32>, vector<16xi32>], vector<16xf32>,
      tpu.vector_store_idx %arg11[%gather3A_492, %add3A_57], %get3A_504 {add = true} : memref<272x128xf32, #tpu.memory_space<vmem>>[vector<16xi32>, vector<16xi32>], vector<16xf32>,
      tpu.vector_store_idx %arg11[%gather3A_492, %add3A_60], %get3A_507 {add = true} : memref<272x128xf32, #tpu.memory_space<vmem>>[vector<16xi32>, vector<16xi32>], vector<16xf32>,
      tpu.vector_store_idx %arg11[%gather3A_492, %add3A_63], %get3A_510 {add = true} : memref<272x128xf32, #tpu.memory_space<vmem>>[vector<16xi32>, vector<16xi32>], vector<16xf32>,
      tpu.vector_store_idx %arg11[%gather3A_492, %add3A_66], %get3A_513 {add = true} : memref<272x128xf32, #tpu.memory_space<vmem>>[vector<16xi32>, vector<16xi32>], vector<16xf32>,
      tpu.vector_store_idx %arg11[%gather3A_492, %add3A_69], %get3A_516 {add = true} : memref<272x128xf32, #tpu.memory_space<vmem>>[vector<16xi32>, vector<16xi32>], vector<16xf32>,
      tpu.vector_store_idx %arg12[%gather3A_492, %add3A_48], %get3A_519 {add = true} : memref<272x128xf32, #tpu.memory_space<vmem>>[vector<16xi32>, vector<16xi32>], vector<16xf32>,
      tpu.vector_store_idx %arg12[%gather3A_492, %add3A_51], %get3A_522 {add = true} : memref<272x128xf32, #tpu.memory_space<vmem>>[vector<16xi32>, vector<16xi32>], vector<16xf32>,
      tpu.vector_store_idx %arg12[%gather3A_492, %add3A_54], %get3A_525 {add = true} : memref<272x128xf32, #tpu.memory_space<vmem>>[vector<16xi32>, vector<16xi32>], vector<16xf32>,
      tpu.vector_store_idx %arg12[%gather3A_492, %add3A_57], %get3A_528 {add = true} : memref<272x128xf32, #tpu.memory_space<vmem>>[vector<16xi32>, vector<16xi32>], vector<16xf32>,
      tpu.vector_store_idx %arg12[%gather3A_492, %add3A_60], %get3A_531 {add = true} : memref<272x128xf32, #tpu.memory_space<vmem>>[vector<16xi32>, vector<16xi32>], vector<16xf32>,
      tpu.vector_store_idx %arg12[%gather3A_492, %add3A_63], %get3A_534 {add = true} : memref<272x128xf32, #tpu.memory_space<vmem>>[vector<16xi32>, vector<16xi32>], vector<16xf32>,
      tpu.vector_store_idx %arg12[%gather3A_492, %add3A_66], %get3A_537 {add = true} : memref<272x128xf32, #tpu.memory_space<vmem>>[vector<16xi32>, vector<16xi32>], vector<16xf32>,
      tpu.vector_store_idx %arg12[%gather3A_492, %add3A_69], %get3A_540 {add = true} : memref<272x128xf32, #tpu.memory_space<vmem>>[vector<16xi32>, vector<16xi32>], vector<16xf32>,
    }
    %scan3A_474 = arith.constant 16 : i32
    %dma_wait3A_475 = arith.constant 0 : i32
    %dma_wait3A_476 = tpu.memref_slice %arg2[%mul3A_426, %dma_wait3A_475] : memref<10000x256xf32, #tpu.memory_space<hbm>> -> memref<16x256xf32, #tpu.memory_space<hbm>>
    %dma_wait3A_477 = arith.constant 0 : i32
    %dma_wait3A_478 = tpu.memref_slice %arg2[%mul3A_426, %dma_wait3A_477] : memref<10000x256xf32, #tpu.memory_space<hbm>> -> memref<16x256xf32, #tpu.memory_space<hbm>>
    tpu.wait_dma2 semaphore(%arg16 : memref<!tpu.dma_semaphore, #tpu.memory_space<semaphore_mem>>) src(%dma_wait3A_478 : memref<16x256xf32, #tpu.memory_space<hbm>>) dst(%arg10 : memref<16x256xf32, #tpu.memory_space<vmem>>)
    %get3A_479 = arith.constant 304 : index
    %get3A_480 = tpu.vector_load %arg6[%get3A_479] {strides = array<i32>} : memref<320xi32, #tpu.memory_space<vmem>>, vector<16xi32>,
    %scan3A_481 = arith.constant 0 : i32
    %scan3A_482 = arith.constant 16 : i32
    %scan3A_483 = arith.addi %scan3A_481, %scan3A_482 : i32
    %scan3A_484 = arith.constant 1 : i32
    scf.for %scan3A_486 = %scan3A_481 to %scan3A_483 step %scan3A_484  : i32 {
      %mul3A_487 = arith.constant 1 : i32
      %mul3A_488 = arith.muli %scan3A_486, %mul3A_487 : i32
      %add3A_489 = arith.constant 0 : i32
      %add3A_490 = arith.addi %add3A_489, %mul3A_488 : i32
      %broadcast_in_dim3A_491 = vector.broadcast %add3A_490 : i32 to vector<16x1xi32>
      %gather3A = vector.shape_cast %broadcast_in_dim3A_491 : vector<16x1xi32> to vector<16xi32>
      %gather3A_492 = tpu.dynamic_gather %get3A_480[%gather3A] in [0] : vector<16xi32>, vector<16xi32> -> vector<16xi32>
      %get3A_493 = arith.index_cast %add3A_490 : i32 to index
      %get3A_494 = arith.constant 0 : index
      %get3A_495 = tpu.vector_load %arg10[%get3A_493, %get3A_494] {strides = array<i32>} : memref<16x256xf32, #tpu.memory_space<vmem>>, vector<16xf32>,
      %get3A_496 = arith.index_cast %add3A_490 : i32 to index
      %get3A_497 = arith.constant 16 : index
      %get3A_498 = tpu.vector_load %arg10[%get3A_496, %get3A_497] {strides = array<i32>} : memref<16x256xf32, #tpu.memory_space<vmem>>, vector<16xf32>,
      %get3A_499 = arith.index_cast %add3A_490 : i32 to index
      %get3A_500 = arith.constant 32 : index
      %get3A_501 = tpu.vector_load %arg10[%get3A_499, %get3A_500] {strides = array<i32>} : memref<16x256xf32, #tpu.memory_space<vmem>>, vector<16xf32>,
      %get3A_502 = arith.index_cast %add3A_490 : i32 to index
      %get3A_503 = arith.constant 48 : index
      %get3A_504 = tpu.vector_load %arg10[%get3A_502, %get3A_503] {strides = array<i32>} : memref<16x256xf32, #tpu.memory_space<vmem>>, vector<16xf32>,
      %get3A_505 = arith.index_cast %add3A_490 : i32 to index
      %get3A_506 = arith.constant 64 : index
      %get3A_507 = tpu.vector_load %arg10[%get3A_505, %get3A_506] {strides = array<i32>} : memref<16x256xf32, #tpu.memory_space<vmem>>, vector<16xf32>,
      %get3A_508 = arith.index_cast %add3A_490 : i32 to index
      %get3A_509 = arith.constant 80 : index
      %get3A_510 = tpu.vector_load %arg10[%get3A_508, %get3A_509] {strides = array<i32>} : memref<16x256xf32, #tpu.memory_space<vmem>>, vector<16xf32>,
      %get3A_511 = arith.index_cast %add3A_490 : i32 to index
      %get3A_512 = arith.constant 96 : index
      %get3A_513 = tpu.vector_load %arg10[%get3A_511, %get3A_512] {strides = array<i32>} : memref<16x256xf32, #tpu.memory_space<vmem>>, vector<16xf32>,
      %get3A_514 = arith.index_cast %add3A_490 : i32 to index
      %get3A_515 = arith.constant 112 : index
      %get3A_516 = tpu.vector_load %arg10[%get3A_514, %get3A_515] {strides = array<i32>} : memref<16x256xf32, #tpu.memory_space<vmem>>, vector<16xf32>,
      %get3A_517 = arith.index_cast %add3A_490 : i32 to index
      %get3A_518 = arith.constant 128 : index
      %get3A_519 = tpu.vector_load %arg10[%get3A_517, %get3A_518] {strides = array<i32>} : memref<16x256xf32, #tpu.memory_space<vmem>>, vector<16xf32>,
      %get3A_520 = arith.index_cast %add3A_490 : i32 to index
      %get3A_521 = arith.constant 144 : index
      %get3A_522 = tpu.vector_load %arg10[%get3A_520, %get3A_521] {strides = array<i32>} : memref<16x256xf32, #tpu.memory_space<vmem>>, vector<16xf32>,
      %get3A_523 = arith.index_cast %add3A_490 : i32 to index
      %get3A_524 = arith.constant 160 : index
      %get3A_525 = tpu.vector_load %arg10[%get3A_523, %get3A_524] {strides = array<i32>} : memref<16x256xf32, #tpu.memory_space<vmem>>, vector<16xf32>,
      %get3A_526 = arith.index_cast %add3A_490 : i32 to index
      %get3A_527 = arith.constant 176 : index
      %get3A_528 = tpu.vector_load %arg10[%get3A_526, %get3A_527] {strides = array<i32>} : memref<16x256xf32, #tpu.memory_space<vmem>>, vector<16xf32>,
      %get3A_529 = arith.index_cast %add3A_490 : i32 to index
      %get3A_530 = arith.constant 192 : index
      %get3A_531 = tpu.vector_load %arg10[%get3A_529, %get3A_530] {strides = array<i32>} : memref<16x256xf32, #tpu.memory_space<vmem>>, vector<16xf32>,
      %get3A_532 = arith.index_cast %add3A_490 : i32 to index
      %get3A_533 = arith.constant 208 : index
      %get3A_534 = tpu.vector_load %arg10[%get3A_532, %get3A_533] {strides = array<i32>} : memref<16x256xf32, #tpu.memory_space<vmem>>, vector<16xf32>,
      %get3A_535 = arith.index_cast %add3A_490 : i32 to index
      %get3A_536 = arith.constant 224 : index
      %get3A_537 = tpu.vector_load %arg10[%get3A_535, %get3A_536] {strides = array<i32>} : memref<16x256xf32, #tpu.memory_space<vmem>>, vector<16xf32>,
      %get3A_538 = arith.index_cast %add3A_490 : i32 to index
      %get3A_539 = arith.constant 240 : index
      %get3A_540 = tpu.vector_load %arg10[%get3A_538, %get3A_539] {strides = array<i32>} : memref<16x256xf32, #tpu.memory_space<vmem>>, vector<16xf32>,
      tpu.vector_store_idx %arg11[%gather3A_492, %add3A_48], %get3A_495 {add = true} : memref<272x128xf32, #tpu.memory_space<vmem>>[vector<16xi32>, vector<16xi32>], vector<16xf32>,
      tpu.vector_store_idx %arg11[%gather3A_492, %add3A_51], %get3A_498 {add = true} : memref<272x128xf32, #tpu.memory_space<vmem>>[vector<16xi32>, vector<16xi32>], vector<16xf32>,
      tpu.vector_store_idx %arg11[%gather3A_492, %add3A_54], %get3A_501 {add = true} : memref<272x128xf32, #tpu.memory_space<vmem>>[vector<16xi32>, vector<16xi32>], vector<16xf32>,
      tpu.vector_store_idx %arg11[%gather3A_492, %add3A_57], %get3A_504 {add = true} : memref<272x128xf32, #tpu.memory_space<vmem>>[vector<16xi32>, vector<16xi32>], vector<16xf32>,
      tpu.vector_store_idx %arg11[%gather3A_492, %add3A_60], %get3A_507 {add = true} : memref<272x128xf32, #tpu.memory_space<vmem>>[vector<16xi32>, vector<16xi32>], vector<16xf32>,
      tpu.vector_store_idx %arg11[%gather3A_492, %add3A_63], %get3A_510 {add = true} : memref<272x128xf32, #tpu.memory_space<vmem>>[vector<16xi32>, vector<16xi32>], vector<16xf32>,
      tpu.vector_store_idx %arg11[%gather3A_492, %add3A_66], %get3A_513 {add = true} : memref<272x128xf32, #tpu.memory_space<vmem>>[vector<16xi32>, vector<16xi32>], vector<16xf32>,
      tpu.vector_store_idx %arg11[%gather3A_492, %add3A_69], %get3A_516 {add = true} : memref<272x128xf32, #tpu.memory_space<vmem>>[vector<16xi32>, vector<16xi32>], vector<16xf32>,
      tpu.vector_store_idx %arg12[%gather3A_492, %add3A_48], %get3A_519 {add = true} : memref<272x128xf32, #tpu.memory_space<vmem>>[vector<16xi32>, vector<16xi32>], vector<16xf32>,
      tpu.vector_store_idx %arg12[%gather3A_492, %add3A_51], %get3A_522 {add = true} : memref<272x128xf32, #tpu.memory_space<vmem>>[vector<16xi32>, vector<16xi32>], vector<16xf32>,
      tpu.vector_store_idx %arg12[%gather3A_492, %add3A_54], %get3A_525 {add = true} : memref<272x128xf32, #tpu.memory_space<vmem>>[vector<16xi32>, vector<16xi32>], vector<16xf32>,
      tpu.vector_store_idx %arg12[%gather3A_492, %add3A_57], %get3A_528 {add = true} : memref<272x128xf32, #tpu.memory_space<vmem>>[vector<16xi32>, vector<16xi32>], vector<16xf32>,
      tpu.vector_store_idx %arg12[%gather3A_492, %add3A_60], %get3A_531 {add = true} : memref<272x128xf32, #tpu.memory_space<vmem>>[vector<16xi32>, vector<16xi32>], vector<16xf32>,
      tpu.vector_store_idx %arg12[%gather3A_492, %add3A_63], %get3A_534 {add = true} : memref<272x128xf32, #tpu.memory_space<vmem>>[vector<16xi32>, vector<16xi32>], vector<16xf32>,
      tpu.vector_store_idx %arg12[%gather3A_492, %add3A_66], %get3A_537 {add = true} : memref<272x128xf32, #tpu.memory_space<vmem>>[vector<16xi32>, vector<16xi32>], vector<16xf32>,
      tpu.vector_store_idx %arg12[%gather3A_492, %add3A_69], %get3A_540 {add = true} : memref<272x128xf32, #tpu.memory_space<vmem>>[vector<16xi32>, vector<16xi32>], vector<16xf32>,
    }
    %scan3A_485 = arith.constant 16 : i32
    "tpu.region"() ({
      %run_scoped3A = tpu.sem_alloc : memref<!tpu.dma_semaphore, #tpu.memory_space<semaphore_mem>>
      %dma_start3A_486 = arith.constant 0 : i32
      %dma_start3A_487 = arith.constant 0 : i32
      %dma_start3A_488 = tpu.memref_slice %arg4[%add3A, %dma_start3A_486, %dma_start3A_487] : memref<32x272x128xf32, #tpu.memory_space<hbm>> -> memref<1x272x128xf32, #tpu.memory_space<hbm>>
      %dma_start3A_489 = tpu.memref_squeeze %dma_start3A_488 : memref<1x272x128xf32, #tpu.memory_space<hbm>> -> memref<272x128xf32, #tpu.memory_space<hbm>>
      %dma_start3A_490 = arith.constant 0 : i32
      %dma_start3A_491 = arith.constant 0 : i32
      %dma_start3A_492 = tpu.memref_slice %arg4[%add3A, %dma_start3A_490, %dma_start3A_491] : memref<32x272x128xf32, #tpu.memory_space<hbm>> -> memref<1x272x128xf32, #tpu.memory_space<hbm>>
      %dma_start3A_493 = tpu.memref_squeeze %dma_start3A_492 : memref<1x272x128xf32, #tpu.memory_space<hbm>> -> memref<272x128xf32, #tpu.memory_space<hbm>>
      tpu.enqueue_dma source(%arg11 : memref<272x128xf32, #tpu.memory_space<vmem>>) target(%dma_start3A_493 : memref<272x128xf32, #tpu.memory_space<hbm>>) target_semaphore(%run_scoped3A : memref<!tpu.dma_semaphore, #tpu.memory_space<semaphore_mem>>)
      %dma_wait3A_494 = arith.constant 0 : i32
      %dma_wait3A_495 = arith.constant 0 : i32
      %dma_wait3A_496 = tpu.memref_slice %arg4[%add3A, %dma_wait3A_494, %dma_wait3A_495] : memref<32x272x128xf32, #tpu.memory_space<hbm>> -> memref<1x272x128xf32, #tpu.memory_space<hbm>>
      %dma_wait3A_497 = tpu.memref_squeeze %dma_wait3A_496 : memref<1x272x128xf32, #tpu.memory_space<hbm>> -> memref<272x128xf32, #tpu.memory_space<hbm>>
      %dma_wait3A_498 = arith.constant 0 : i32
      %dma_wait3A_499 = arith.constant 0 : i32
      %dma_wait3A_500 = tpu.memref_slice %arg4[%add3A, %dma_wait3A_498, %dma_wait3A_499] : memref<32x272x128xf32, #tpu.memory_space<hbm>> -> memref<1x272x128xf32, #tpu.memory_space<hbm>>
      %dma_wait3A_501 = tpu.memref_squeeze %dma_wait3A_500 : memref<1x272x128xf32, #tpu.memory_space<hbm>> -> memref<272x128xf32, #tpu.memory_space<hbm>>
      tpu.wait_dma2 semaphore(%run_scoped3A : memref<!tpu.dma_semaphore, #tpu.memory_space<semaphore_mem>>) src(%arg11 : memref<272x128xf32, #tpu.memory_space<vmem>>) dst(%dma_wait3A_501 : memref<272x128xf32, #tpu.memory_space<hbm>>)
      tpu.yield
    }) : () -> ()
    "tpu.region"() ({
      %run_scoped3A = tpu.sem_alloc : memref<!tpu.dma_semaphore, #tpu.memory_space<semaphore_mem>>
      %dma_start3A_486 = arith.constant 0 : i32
      %dma_start3A_487 = arith.constant 0 : i32
      %dma_start3A_488 = tpu.memref_slice %arg5[%add3A, %dma_start3A_486, %dma_start3A_487] : memref<32x272x128xf32, #tpu.memory_space<hbm>> -> memref<1x272x128xf32, #tpu.memory_space<hbm>>
      %dma_start3A_489 = tpu.memref_squeeze %dma_start3A_488 : memref<1x272x128xf32, #tpu.memory_space<hbm>> -> memref<272x128xf32, #tpu.memory_space<hbm>>
      %dma_start3A_490 = arith.constant 0 : i32
      %dma_start3A_491 = arith.constant 0 : i32
      %dma_start3A_492 = tpu.memref_slice %arg5[%add3A, %dma_start3A_490, %dma_start3A_491] : memref<32x272x128xf32, #tpu.memory_space<hbm>> -> memref<1x272x128xf32, #tpu.memory_space<hbm>>
      %dma_start3A_493 = tpu.memref_squeeze %dma_start3A_492 : memref<1x272x128xf32, #tpu.memory_space<hbm>> -> memref<272x128xf32, #tpu.memory_space<hbm>>
      tpu.enqueue_dma source(%arg12 : memref<272x128xf32, #tpu.memory_space<vmem>>) target(%dma_start3A_493 : memref<272x128xf32, #tpu.memory_space<hbm>>) target_semaphore(%run_scoped3A : memref<!tpu.dma_semaphore, #tpu.memory_space<semaphore_mem>>)
      %dma_wait3A_494 = arith.constant 0 : i32
      %dma_wait3A_495 = arith.constant 0 : i32
      %dma_wait3A_496 = tpu.memref_slice %arg5[%add3A, %dma_wait3A_494, %dma_wait3A_495] : memref<32x272x128xf32, #tpu.memory_space<hbm>> -> memref<1x272x128xf32, #tpu.memory_space<hbm>>
      %dma_wait3A_497 = tpu.memref_squeeze %dma_wait3A_496 : memref<1x272x128xf32, #tpu.memory_space<hbm>> -> memref<272x128xf32, #tpu.memory_space<hbm>>
      %dma_wait3A_498 = arith.constant 0 : i32
      %dma_wait3A_499 = arith.constant 0 : i32
      %dma_wait3A_500 = tpu.memref_slice %arg5[%add3A, %dma_wait3A_498, %dma_wait3A_499] : memref<32x272x128xf32, #tpu.memory_space<hbm>> -> memref<1x272x128xf32, #tpu.memory_space<hbm>>
      %dma_wait3A_501 = tpu.memref_squeeze %dma_wait3A_500 : memref<1x272x128xf32, #tpu.memory_space<hbm>> -> memref<272x128xf32, #tpu.memory_space<hbm>>
      tpu.wait_dma2 semaphore(%run_scoped3A : memref<!tpu.dma_semaphore, #tpu.memory_space<semaphore_mem>>) src(%arg12 : memref<272x128xf32, #tpu.memory_space<vmem>>) dst(%dma_wait3A_501 : memref<272x128xf32, #tpu.memory_space<hbm>>)
      tpu.yield
    }) : () -> ()
    return
  }
}

module attributes {stable_mosaic.version = 14 : i64} {
  func.func @_pre_body(%arg0: memref<1x10240xf32, #tpu.memory_space<vmem>>, %arg1: memref<256x128xf32, #tpu.memory_space<vmem>>, %arg2: memref<2048x384xf32, #tpu.memory_space<vmem>>, %arg3: memref<1x2048xf32, #tpu.memory_space<vmem>>, %arg4: memref<256x2048xf32, #tpu.memory_space<vmem>>, %arg5: memref<256x1xf32, #tpu.memory_space<vmem>>) attributes {dimension_semantics = [], scalar_prefetch = 0 : i64, scratch_operands = 0 : i64, tpu.core_type = #tpu.core_type<tc>} {
    %iota3A = tpu.iota {dimensions = array<i32: 0>} : vector<256x1xi32>
    %convert_element_type3A = arith.sitofp %iota3A : vector<256x1xi32> to vector<256x1xf32>
    %get3A = arith.constant 0 : index
    %get3A_0 = arith.constant 0 : index
    %get3A_1 = vector.load %arg0[%get3A, %get3A_0] : memref<1x10240xf32, #tpu.memory_space<vmem>>, vector<1x10240xf32>
    %eq3A = vector.broadcast %get3A_1 : vector<1x10240xf32> to vector<256x10240xf32>
    %eq3A_2 = vector.broadcast %convert_element_type3A : vector<256x1xf32> to vector<256x10240xf32>
    %eq3A_3 = arith.cmpf oeq, %eq3A, %eq3A_2 : vector<256x10240xf32>
    %jit3A = arith.constant 1.000000e+00 : f32
    %jit3A_4 = arith.constant 0.000000e+00 : f32
    %broadcast_in_dim3A = vector.broadcast %jit3A : f32 to vector<256x10240xf32>
    %broadcast_in_dim3A_5 = vector.broadcast %jit3A_4 : f32 to vector<256x10240xf32>
    %select_n3A = arith.select %eq3A_3, %broadcast_in_dim3A, %broadcast_in_dim3A_5 : vector<256x10240xi1>, vector<256x10240xf32>
    %reduce_sum3A = arith.constant dense<0.000000e+00> : vector<256xf32>
    %reduce_sum3A_6 = vector.multi_reduction <add>, %select_n3A, %reduce_sum3A [1] : vector<256x10240xf32> to vector<256xf32>
    %broadcast_in_dim3A_7 = vector.shape_cast %reduce_sum3A_6 : vector<256xf32> to vector<256x1xf32>
    %max3A = arith.constant 1.000000e+00 : f32
    %max3A_8 = vector.broadcast %max3A : f32 to vector<256x1xf32>
    %max3A_9 = arith.maximumf %broadcast_in_dim3A_7, %max3A_8 : vector<256x1xf32>
    %div3A = arith.constant 1.000000e+00 : f32
    %div3A_10 = vector.broadcast %div3A : f32 to vector<256x1xf32>
    %div3A_11 = arith.divf %div3A_10, %max3A_9 : vector<256x1xf32>
    %swap3A = arith.constant 0 : index
    %swap3A_12 = arith.constant 0 : index
    %swap3A_13 = vector.load %arg5[%swap3A, %swap3A_12] : memref<256x1xf32, #tpu.memory_space<vmem>>, vector<256x1xf32>
    tpu.vector_store %arg5[%swap3A, %swap3A_12], %div3A_11 {strides = array<i32>} : memref<256x1xf32, #tpu.memory_space<vmem>>, vector<256x1xf32>,
    %get3A_14 = arith.constant 0 : index
    %get3A_15 = arith.constant 0 : index
    %get3A_16 = vector.load %arg1[%get3A_14, %get3A_15] : memref<256x128xf32, #tpu.memory_space<vmem>>, vector<256x128xf32>
    %get3A_17 = arith.constant 0 : index
    %get3A_18 = arith.constant 0 : index
    %get3A_19 = vector.load %arg2[%get3A_17, %get3A_18] : memref<2048x384xf32, #tpu.memory_space<vmem>>, vector<2048x128xf32>
    %convert_element_type3A_20 = arith.truncf %get3A_16 : vector<256x128xf32> to vector<256x128xbf16>
    %convert_element_type3A_21 = arith.truncf %get3A_19 : vector<2048x128xf32> to vector<2048x128xbf16>
    %dot_general3A = arith.constant dense<0.000000e+00> : vector<256x2048xf32>
    %dot_general3A_22 = tpu.matmul %convert_element_type3A_20, %convert_element_type3A_21, %dot_general3A {dimension_numbers = #tpu.dot_dimension_numbers<[1], [1], [0], [0], [0, 0, 1, 0], [], []>, transpose_lhs_hint = false} : vector<256x128xbf16>, vector<2048x128xbf16>, vector<256x2048xf32> -> vector<256x2048xf32>
    %get3A_23 = arith.constant 0 : index
    %get3A_24 = arith.constant 0 : index
    %get3A_25 = vector.load %arg3[%get3A_23, %get3A_24] : memref<1x2048xf32, #tpu.memory_space<vmem>>, vector<1x2048xf32>
    %add3A = vector.broadcast %get3A_25 : vector<1x2048xf32> to vector<256x2048xf32>
    %add3A_26 = arith.addf %dot_general3A_22, %add3A : vector<256x2048xf32>
    %swap3A_27 = arith.constant 0 : index
    %swap3A_28 = arith.constant 0 : index
    %swap3A_29 = vector.load %arg4[%swap3A_27, %swap3A_28] : memref<256x2048xf32, #tpu.memory_space<vmem>>, vector<256x2048xf32>
    tpu.vector_store %arg4[%swap3A_27, %swap3A_28], %add3A_26 {strides = array<i32>} : memref<256x2048xf32, #tpu.memory_space<vmem>>, vector<256x2048xf32>,
    return
  }
}

module attributes {stable_mosaic.version = 14 : i64} {
  func.func @_mlp_body(%arg0: memref<32x272x128xf32, #tpu.memory_space<vmem>>, %arg1: memref<32x272x128xf32, #tpu.memory_space<vmem>>, %arg2: memref<256x1xf32, #tpu.memory_space<vmem>>, %arg3: memref<256x2048xf32, #tpu.memory_space<vmem>>, %arg4: memref<2048x384xf32, #tpu.memory_space<vmem>>, %arg5: memref<512x2048xf32, #tpu.memory_space<vmem>>, %arg6: memref<1x512xf32, #tpu.memory_space<vmem>>, %arg7: memref<256x512xf32, #tpu.memory_space<vmem>>) attributes {dimension_semantics = [], scalar_prefetch = 0 : i64, scratch_operands = 0 : i64, tpu.core_type = #tpu.core_type<tc>} {
    %get3A = arith.constant 0 : index
    %get3A_0 = arith.constant 0 : index
    %get3A_1 = arith.constant 0 : index
    %get3A_2 = vector.load %arg0[%get3A, %get3A_0, %get3A_1] : memref<32x272x128xf32, #tpu.memory_space<vmem>>, vector<32x272x128xf32>
    %reduce_sum3A = arith.constant dense<0.000000e+00> : vector<272x128xf32>
    %reduce_sum3A_3 = vector.multi_reduction <add>, %get3A_2, %reduce_sum3A [0] : vector<32x272x128xf32> to vector<272x128xf32>
    %slice3A = vector.extract_strided_slice %reduce_sum3A_3 {offsets = [0, 0], sizes = [256, 128], strides = [1, 1]} : vector<272x128xf32> to vector<256x128xf32>
    %get3A_4 = arith.constant 0 : index
    %get3A_5 = arith.constant 0 : index
    %get3A_6 = arith.constant 0 : index
    %get3A_7 = vector.load %arg1[%get3A_4, %get3A_5, %get3A_6] : memref<32x272x128xf32, #tpu.memory_space<vmem>>, vector<32x272x128xf32>
    %reduce_sum3A_8 = arith.constant dense<0.000000e+00> : vector<272x128xf32>
    %reduce_sum3A_9 = vector.multi_reduction <add>, %get3A_7, %reduce_sum3A_8 [0] : vector<32x272x128xf32> to vector<272x128xf32>
    %slice3A_10 = vector.extract_strided_slice %reduce_sum3A_9 {offsets = [0, 0], sizes = [256, 128], strides = [1, 1]} : vector<272x128xf32> to vector<256x128xf32>
    %get3A_11 = arith.constant 0 : index
    %get3A_12 = arith.constant 0 : index
    %get3A_13 = vector.load %arg2[%get3A_11, %get3A_12] : memref<256x1xf32, #tpu.memory_space<vmem>>, vector<256x1xf32>
    %get3A_14 = arith.constant 0 : index
    %get3A_15 = arith.constant 0 : index
    %get3A_16 = vector.load %arg3[%get3A_14, %get3A_15] : memref<256x2048xf32, #tpu.memory_space<vmem>>, vector<256x2048xf32>
    %mul3A = vector.broadcast %get3A_13 : vector<256x1xf32> to vector<256x128xf32>
    %mul3A_17 = arith.mulf %slice3A, %mul3A : vector<256x128xf32>
    %get3A_18 = arith.constant 0 : index
    %get3A_19 = arith.constant 128 : index
    %get3A_20 = vector.load %arg4[%get3A_18, %get3A_19] : memref<2048x384xf32, #tpu.memory_space<vmem>>, vector<2048x128xf32>
    %convert_element_type3A = arith.truncf %mul3A_17 : vector<256x128xf32> to vector<256x128xbf16>
    %convert_element_type3A_21 = arith.truncf %get3A_20 : vector<2048x128xf32> to vector<2048x128xbf16>
    %dot_general3A = arith.constant dense<0.000000e+00> : vector<256x2048xf32>
    %dot_general3A_22 = tpu.matmul %convert_element_type3A, %convert_element_type3A_21, %dot_general3A {dimension_numbers = #tpu.dot_dimension_numbers<[1], [1], [0], [0], [0, 0, 1, 0], [], []>, transpose_lhs_hint = false} : vector<256x128xbf16>, vector<2048x128xbf16>, vector<256x2048xf32> -> vector<256x2048xf32>
    %add3A = arith.addf %get3A_16, %dot_general3A_22 : vector<256x2048xf32>
    %mul3A_23 = vector.broadcast %get3A_13 : vector<256x1xf32> to vector<256x128xf32>
    %mul3A_24 = arith.mulf %slice3A_10, %mul3A_23 : vector<256x128xf32>
    %get3A_25 = arith.constant 0 : index
    %get3A_26 = arith.constant 256 : index
    %get3A_27 = vector.load %arg4[%get3A_25, %get3A_26] : memref<2048x384xf32, #tpu.memory_space<vmem>>, vector<2048x128xf32>
    %convert_element_type3A_28 = arith.truncf %mul3A_24 : vector<256x128xf32> to vector<256x128xbf16>
    %convert_element_type3A_29 = arith.truncf %get3A_27 : vector<2048x128xf32> to vector<2048x128xbf16>
    %dot_general3A_30 = arith.constant dense<0.000000e+00> : vector<256x2048xf32>
    %dot_general3A_31 = tpu.matmul %convert_element_type3A_28, %convert_element_type3A_29, %dot_general3A_30 {dimension_numbers = #tpu.dot_dimension_numbers<[1], [1], [0], [0], [0, 0, 1, 0], [], []>, transpose_lhs_hint = false} : vector<256x128xbf16>, vector<2048x128xbf16>, vector<256x2048xf32> -> vector<256x2048xf32>
    %add3A_32 = arith.addf %add3A, %dot_general3A_31 : vector<256x2048xf32>
    %max3A = arith.constant 0.000000e+00 : f32
    %max3A_33 = vector.broadcast %max3A : f32 to vector<256x2048xf32>
    %max3A_34 = arith.maximumf %add3A_32, %max3A_33 : vector<256x2048xf32>
    %get3A_35 = arith.constant 0 : index
    %get3A_36 = arith.constant 0 : index
    %get3A_37 = vector.load %arg5[%get3A_35, %get3A_36] : memref<512x2048xf32, #tpu.memory_space<vmem>>, vector<512x2048xf32>
    %convert_element_type3A_38 = arith.truncf %max3A_34 : vector<256x2048xf32> to vector<256x2048xbf16>
    %convert_element_type3A_39 = arith.truncf %get3A_37 : vector<512x2048xf32> to vector<512x2048xbf16>
    %dot_general3A_40 = arith.constant dense<0.000000e+00> : vector<256x512xf32>
    %dot_general3A_41 = tpu.matmul %convert_element_type3A_38, %convert_element_type3A_39, %dot_general3A_40 {dimension_numbers = #tpu.dot_dimension_numbers<[1], [1], [0], [0], [0, 0, 1, 0], [], []>, transpose_lhs_hint = false} : vector<256x2048xbf16>, vector<512x2048xbf16>, vector<256x512xf32> -> vector<256x512xf32>
    %get3A_42 = arith.constant 0 : index
    %get3A_43 = arith.constant 0 : index
    %get3A_44 = vector.load %arg6[%get3A_42, %get3A_43] : memref<1x512xf32, #tpu.memory_space<vmem>>, vector<1x512xf32>
    %add3A_45 = vector.broadcast %get3A_44 : vector<1x512xf32> to vector<256x512xf32>
    %add3A_46 = arith.addf %dot_general3A_41, %add3A_45 : vector<256x512xf32>
    %swap3A = arith.constant 0 : index
    %swap3A_47 = arith.constant 0 : index
    %swap3A_48 = vector.load %arg7[%swap3A, %swap3A_47] : memref<256x512xf32, #tpu.memory_space<vmem>>, vector<256x512xf32>
    tpu.vector_store %arg7[%swap3A, %swap3A_47], %add3A_46 {strides = array<i32>} : memref<256x512xf32, #tpu.memory_space<vmem>>, vector<256x512xf32>,
    return
  }
}

</mosaic_0001>

<sc_bundles>
// kernel: kernel.5.cloned.1.call-start
scs
__scs_entry_jumppad:
0x0: {  	(pc) =	sbr.rel $0x88, $3  }
0x1: {  	(tag) =	ssettag $0x0;
	lr =	simm.s32 $0x1  }
0x2: {  	[smem:$0x3F9A] =	sst lr;
	_ =	strace $0xD0000000  }
0x3: {  	_ = 	snop  }
0x4: {  	_ = 	snop  }
0x5: {  	_ = 	snop  }
0x6: {  	_ = 	snop  }
0x7: {  	_ = 	snop  }
__scs_overlays_trampoline_lowered:
0x8: {  	[smem:$0x3FA9] =	sst s0  }
0x9: {  	[smem:$0x3FAA] =	sst s1  }
0xa: {  	[smem:$0x3FAB] =	sst s2  }
0xb: {  	[smem:$0x3FAC] =	sst s3  }
0xc: {  	[smem:$0x3FAD] =	sst s4  }
0xd: {  	[smem:$0x3FAE] =	sst s5  }
0xe: {  	[smem:$0x3FAF] =	sst s6  }
0xf: {  	[smem:$0x3FB0] =	sst s7  }
0x10: {  	[smem:$0x3FB1] =	sst s8  }
0x11: {  	[smem:$0x3FB2] =	sst s9;
	s0 =	simm.s32 @!p0 $0x0  }
0x12: {  	s1 =	sld [smem:$0x3F98];
	s0 =	simm.s32 @p0 $0x1  }
0x13: {  	[smem:$0x3FB3] =	sst s0;
	s0 =	simm.s32 @!p1 $0x0  }
0x14: {  	s2 =	sld [smem:$0x3F97];
	s0 =	simm.s32 @p1 $0x1  }
0x15: {  	[smem:$0x3FB4] =	sst s0;
	s0 =	simm.s32 @!p2 $0x0  }
0x16: {  	s3 =	sld [smem:$0x3FDB];
	s0 =	simm.s32 @p2 $0x1  }
0x17: {  	s4 =	simm.s32 $0x1BF5;
	[smem:$0x3FB6] =	sst s0  }
0x18: {  	s0 =	sld [smem:$0x3F99];
	_ =	swait.ge [sflag:s4], $0x0  }
0x19: {  	s7 =	sld [smem:$0x3F9A]  }
0x1a: {  	s8 =	sadd.s32 $0xFFFFE003, lr  }
0x1b: {  	s9 =	sadd.s32 $0xFFFFFEF7, lr;
	s5 =	simm.s32 $0xFFFFFFFF;
	p2 =	slt.u32 s8, $0xFFFFF086  }
0x1c: {  	p1 =	slt.u32 s9, $0xF7A;
	s5 =	simm.s32 @!p2 $0x0  }
0x1d: {  	s5 =	simm.s32 @p1 $0x1;
	p0 =	seq.s32 s7, s2  }
0x1e: {  	s7 =	smul.u32 @!p0 $0xF7A, s2;
	p2 =	seq.s32 @!p0 s5, $0x0  }
0x1f: {  	s9 =	smul.u32 $0xF7A, s1;
	s8 =	simm.s32 @!p0 $0x1BF5;
	p2 =	por !p2, p0  }
0x20: {  	[sflag:s8] =	ssyncset.s32 @!p0 $0xFFFFF086;
	s6 =	sadd.s32 @!p0 s3, s7;
	s7 =	simm.s32 @!p0 $0x108  }
0x21: {  	s3 =	sadd.s32 s3, s9;
	s6 =	sadd.s32 @!p0 $0x88, s6;
	s7 =	simm.s32 @p2 $0x1082  }
0x22: {  	[simem:s7], [sflag:s8] =	dma.local @!p0 [hbm:s6], $0xF7A  }
0x23: {  	s9 =	sor.u32 $0xD0000000, s2;
	s6 =	simm.s32 $0x108;
	_ =	swait.ge @!p0 [sflag:s8], $0x0  }
0x24: {  	s3 =	sadd.s32 $0x88, s3;
	s6 =	simm.s32 @!p1 $0x1082;
	[sflag:s4] =	ssyncset.s32 $0xFFFFF086  }
0x25: {  	[simem:s6], [sflag:s4] =	dma.local [hbm:s3], $0xF7A  }
0x26: {  	[smem:$0x3F9A] =	sst s1;
	(tag) =	ssettag s2;
	_ =	strace s9  }
0x27: {  	s1 =	sld [smem:$0x3FAA]  }
0x28: {  	s2 =	sld [smem:$0x3FAB]  }
0x29: {  	s4 =	sld [smem:$0x3FAD]  }
0x2a: {  	p0 =	seq.s32 s5, $0x0;
	s5 =	sld [smem:$0x3FAE]  }
0x2b: {  	s6 =	sld [smem:$0x3FAF]  }
0x2c: {  	s7 =	sld [smem:$0x3FB0]  }
0x2d: {  	s3 =	simm.s32 $0x108;
	s8 =	sld [smem:$0x3FB1]  }
0x2e: {  	s3 =	simm.s32 @!p0 $0x1082;
	s9 =	sld [smem:$0x3FB2]  }
0x2f: {  	lr =	sadd.s32 s0, s3;
	s0 =	sld [smem:$0x3FA9]  }
0x30: {  	s3 =	sld [smem:$0x3FAC]  }
0x31: {  	[smem:$0x3FB5] =	sst s10  }
0x32: {  	s10 =	sld [smem:$0x3FB3];
	_ =	sdelay $0x3  }
0x33: {  	p0 =	seq.s32 s10, $0x1;
	s10 =	sld [smem:$0x3FB5];
	_ =	sdelay $0x3  }
0x34: {  	[smem:$0x3FB5] =	sst s10  }
0x35: {  	s10 =	sld [smem:$0x3FB4];
	_ =	sdelay $0x3  }
0x36: {  	p1 =	seq.s32 s10, $0x1;
	s10 =	sld [smem:$0x3FB5];
	_ =	sdelay $0x3  }
0x37: {  	[smem:$0x3FB5] =	sst s10  }
0x38: {  	s10 =	sld [smem:$0x3FB6]  }
0x39: {  	_ = 	snop;
	(pc) =	sbr.ind lr, $3  }
0x3a: {  	_ = 	snop  }
0x3b: {  	_ = 	snop  }
0x3c: {  	p2 =	seq.s32 s10, $0x1;
	s10 =	sld [smem:$0x3FB5]  }
0x3d: {  	_ =	shalt  }
0x3e: {  	_ =	shalt  }
0x3f: {  	_ =	shalt  }
0x40: {  	_ =	shalt  }
0x41: {  	_ =	shalt  }
0x42: {  	_ =	shalt  }
0x43: {  	_ =	shalt  }
0x44: {  	_ =	shalt  }
0x45: {  	_ =	shalt  }
0x46: {  	_ =	shalt  }
0x47: {  	_ =	shalt  }
0x48: {  	_ =	shalt  }
0x49: {  	_ =	shalt  }
0x4a: {  	_ =	shalt  }
0x4b: {  	_ =	shalt  }
0x4c: {  	_ =	shalt  }
0x4d: {  	_ =	shalt  }
0x4e: {  	_ =	shalt  }
0x4f: {  	_ =	shalt  }
0x50: {  	_ =	shalt  }
0x51: {  	_ =	shalt  }
0x52: {  	_ =	shalt  }
0x53: {  	_ =	shalt  }
0x54: {  	_ =	shalt  }
0x55: {  	_ =	shalt  }
0x56: {  	_ =	shalt  }
0x57: {  	_ =	shalt  }
0x58: {  	_ =	shalt  }
0x59: {  	_ =	shalt  }
0x5a: {  	_ =	shalt  }
0x5b: {  	_ =	shalt  }
0x5c: {  	_ =	shalt  }
0x5d: {  	_ =	shalt  }
0x5e: {  	_ =	shalt  }
0x5f: {  	_ =	shalt  }
0x60: {  	_ =	shalt  }
0x61: {  	_ =	shalt  }
0x62: {  	_ =	shalt  }
0x63: {  	_ =	shalt  }
0x64: {  	_ =	shalt  }
0x65: {  	_ =	shalt  }
0x66: {  	_ =	shalt  }
0x67: {  	_ =	shalt  }
0x68: {  	_ =	shalt  }
0x69: {  	_ =	shalt  }
0x6a: {  	_ =	shalt  }
0x6b: {  	_ =	shalt  }
0x6c: {  	_ =	shalt  }
0x6d: {  	_ =	shalt  }
0x6e: {  	_ =	shalt  }
0x6f: {  	_ =	shalt  }
0x70: {  	_ =	shalt  }
0x71: {  	_ =	shalt  }
0x72: {  	_ =	shalt  }
0x73: {  	_ =	shalt  }
0x74: {  	_ =	shalt  }
0x75: {  	_ =	shalt  }
0x76: {  	_ =	shalt  }
0x77: {  	_ =	shalt  }
0x78: {  	_ =	shalt  }
0x79: {  	_ =	shalt  }
0x7a: {  	_ =	shalt  }
0x7b: {  	_ =	shalt  }
0x7c: {  	_ =	shalt  }
0x7d: {  	_ =	shalt  }
0x7e: {  	_ =	shalt  }
0x7f: {  	_ =	shalt  }
0x80: {  	_ =	shalt  }
0x81: {  	_ =	shalt  }
0x82: {  	_ =	shalt  }
0x83: {  	_ =	shalt  }
0x84: {  	_ =	shalt  }
0x85: {  	_ =	shalt  }
0x86: {  	_ =	shalt  }
0x87: {  	_ =	shalt  }
.Lfunc_end0:
.L_simem_size_0:
called_computation_lowered:
.L_overlay_start_0:
0x88: {  	s2 =	sld [smem:$0x3FD9]  }
0x89: {  	s3 =	sld [smem:$0x3FFE];
	_ =	sdelay $0x1  }
0x8a: {  	s1 =	srdreg.scid  }
0x8b: {  	s0 =	sand.u32 $0x1, s1  }
0x8c: {  	s17 =	sshll.u32 s0, $0xA;
	s2 =	sadd.s32 s3, s2  }
0x8d: {  	s2 =	sadd.s32 s2, s17  }
0x8e: {  	[smem:$0x3FC1] =	sst s2  }
0x8f: {  	_ = 	snop  }
0x90: {  	s2 =	sld [smem:$0x3FC9]  }
0x91: {  	s18 =	sld [smem:$0x3FD0];
	(tm) =	ssettm $0x1  }
0x92: {  	s4 =	sld [smem:$0x3FFB];
	_ =	sdelay $0x3  }
0x93: {  	_ =	strace s4  }
0x94: {  	s4 =	sld [smem:$0x3FFC];
	_ =	sdelay $0x3  }
0x95: {  	_ =	strace s4  }
0x96: {  	s4 =	sld [smem:$0x3FFD];
	_ =	sdelay $0x3  }
0x97: {  	_ =	strace s4  }
0x98: {  	_ =	strace $0x8FFFFFFF  }
0x99: {  	s19 =	sld [smem:$0x3FDB];
	_ =	sdelay $0x1  }
0x9a: {  	s5 =	simm.s32 $_scs_section_size  }
0x9b: {  	s6 =	simm.s32 $_size__tile_overlayer_lowered;
	s7 =	simm.s32 $_tile_overlayer_lowered  }
0x9c: {  	s22 =	simm.s32 $0x1BFF;
	s21 =	sshll.u32 s7, $0x1;
	s4 =	sadd.s32 s5, s19  }
0x9d: {  	s8 =	simm.s32 $0x0;
	s20 =	sshll.u32 s6, $0x1;
	s6 =	sadd.s32 s21, s4  }
0x9e: {  	[timem:s8], [sflag:s22] =	dma.local [hbm:s6], s20  }
0x9f: {  	_ =	swait.ge [sflag:s22], s20  }
0xa0: {  	s5 =	ssub.s32 $0x0, s20;
	[sflag:s22] =	ssyncset.done $0x0  }
0xa1: {  	[sflag:s22] =	ssyncadd.s32 s5;
	_ =	sdelay $0x1  }
0xa2: {  	s23 =	simm.s32 $0x1B8B  }
0xa3: {  	_ =	swait.ge [sflag:s23], $0x1  }
0xa4: {  	[sflag:s23] =	ssyncset.done $0x0  }
0xa5: {  	s25 =	simm.s32 $0x1B8E;
	s24 =	sld [smem:$0x3FFE];
	[sflag:s23] =	ssyncadd.s32 $0xFFFFFFFF  }
0xa6: {  	s26 =	simm.s32 $execute0_lowered;
	[smem:$0x3FD2] =	sst s25  }
0xa7: {  	s6 =	sshll.u32 s26, $0x1;
	_ =	strace $0x80000046;
	[dreg:$0x1] =	wrdreg $0xFFFFFFFF  }
0xa8: {  	s28 =	simm.s32 $_size_execute0_lowered;
	s4 =	sadd.s32 s4, s6;
	[dreg:$0x0] =	wrdreg $0x0  }
0xa9: {  	s6 =	sshll.u32 s28, $0x1;
	[dreg:$0x2] =	wrdreg s4  }
0xaa: {  	[dreg:$0x3] =	wrdreg s6  }
0xab: {  	[dreg:$0x4] =	wrdreg $0xC0  }
0xac: {  	_ =	task [dreg:s8], $0x5FFFF  }
0xad: {  	[dreg:$0x1] =	wrdreg $0xFFFFFFFF  }
0xae: {  	[dreg:$0x0] =	wrdreg $0x60  }
0xaf: {  	[dreg:$0x2] =	wrdreg s2  }
0xb0: {  	[dreg:$0x3] =	wrdreg s18  }
0xb1: {  	[dreg:$0x4] =	wrdreg s24  }
0xb2: {  	[dreg:$0x5] =	wrdreg $0x9  }
0xb3: {  	_ =	task.clear_ibuf [dreg:s8], $0x6FFFF;
	_ =	strace $0x90000046  }
0xb4: {  	s29 =	simm.s32 $0x9;
	_ =	strace $0x80000048  }
0xb5: {  	_ =	swait.ge [sflag:s29], $0x1  }
0xb6: {  	[sflag:s29] =	ssyncadd.s32 $0xFFFFFFFF  }
0xb7: {  	_ =	strace $0x90000048  }
0xb8: {  	_ =	sfence  }
0xb9: {  	s30 =	sld [smem:$0x0];
	_ =	sdelay $0x2  }
0xba: {  	s31 =	sshll.u32 s1, $0xD;
	s1 =	sshrl.u32 s1, $0x2  }
0xbb: {  	s3 =	sand.u32 $0x4000, s31;
	s1 =	sadd.s32 s1, s30  }
0xbc: {  	s0 =	sor.u32 s3, s0;
	s1 =	sshll.u32 s1, $0x11  }
0xbd: {  	s0 =	sor.u32 s1, s0  }
0xbe: {  	s0 =	sadd.s32 $0x8F2B, s0  }
0xbf: {  	[sflag:s0] =	ssyncadd.remote.s32 $0x1  }
0xc0: {  	_ =	sfence.sel $0xFFFF  }
0xc1: {  	[dreg:$0x0] =	wrdreg $0xFFFFFFFF;
	(pc) =	sbr.abs _section_cstart, $3  }
0xc2: {  	[dreg:$0x1] =	wrdreg $0xFFFFFFFF  }
0xc3: {  	_ =	task.clear_ibuf [dreg:s8], $0x2FFFF;
	_ =	strace $0x9FFFFFFF  }
0xc4: {  	(tm) =	ssettm $0x7FFFFFFF  }
0xc5: {  	_ =	shalt  }
tec
execute0_lowered:
.L_overlay_start_1:
0x0: {  	(tag) =	ssettag $0x1  }
0x1: {  	s1 =	srdreg.scid  }
0x2: {  	s0 =	rddreg [dreg:$0x0];
	s1 =	sand.u32 $0x1, s1  }
0x3: {  	s4 =	rddreg [dreg:$0x1];
	s5 =	stileid.u32;
	s2 =	sshll.u32 s1, $0x4  }
0x4: {  	s3 =	rddreg [dreg:$0x2];
	s28 =	simm.s32 $0x180;
	s5 =	sor.u32 s5, s2  }
0x5: {  	s29 =	simm.s32 $0x1180;
	s30 =	simm.s32 $0x2180;
	s6 =	smul.u32 $0x1100, s5  }
0x6: {  	s31 =	simm.s32 $0x3180;
	s2 =	simm.s32 $0x0;
	s7 =	smul.u32 $0x28, s5  }
0x7: {  	s8 =	ssub.s32 $0x2, s1;
	[smem:$0x7FF] =	sst s2;
	s9 =	smul.u32 $0x2800, s5  }
0x8: {  	s15 =	sshrl.u32 s8, $0x1;
	s5 =	smul.u32 $0x14, s5;
	_ =	strace $0x80000047  }
0x9: {  	s1 =	sadd.s32 s6, s3;
	s3 =	ssub.s32 s8, s15;
	s4 =	sadd.s32 s4, s7  }
0xa: {  	s18 =	smin.u32 s5, $0x26B;
	s20 =	smin.u32 s5, $0x26A;
	s21 =	smin.u32 s5, $0x269  }
0xb: {  	s24 =	smin.u32 s5, $0x268;
	s25 =	smin.u32 s5, $0x267;
	s26 =	smin.u32 s5, $0x266  }
0xc: {  	s11 =	smin.u32 s5, $0x265;
	s12 =	smin.u32 s5, $0x264;
	s13 =	smin.u32 s5, $0x263  }
0xd: {  	[dreg:$0x4] =	wrdreg s4;
	s4 =	sadd.s32 s0, s9;
	s6 =	sshll.u32 s18, $0x9  }
0xe: {  	s7 =	sshll.u32 s20, $0x9;
	s8 =	sshll.u32 s21, $0x9;
	s20 =	smin.u32 s5, $0x260  }
0xf: {  	s16 =	sadd.s32 $0x200, s4;
	s17 =	sadd.s32 $0x400, s4;
	s19 =	sadd.s32 $0x600, s4  }
0x10: {  	s6 =	sadd.s32 $0xA00, s6;
	s7 =	sadd.s32 s7, s0;
	[dreg:$0x5] =	wrdreg s16  }
0x11: {  	s23 =	sadd.s32 s8, s0;
	s8 =	sshll.u32 s26, $0x9;
	[dreg:$0x6] =	wrdreg s17  }
0x12: {  	s26 =	smin.u32 s5, $0x25E;
	[dreg:$0x7] =	wrdreg s19;
	s6 =	sand.u32 $0xFFA00, s6  }
0x13: {  	s22 =	sadd.s32 $0xC00, s7;
	s7 =	sshll.u32 s25, $0x9;
	s9 =	sadd.s32 s8, s0  }
0x14: {  	s8 =	sshll.u32 s13, $0x9;
	s17 =	smin.u32 s5, $0x262;
	s19 =	smin.u32 s5, $0x261  }
0x15: {  	s6 =	sadd.s32 s0, s6;
	[dreg:$0x9] =	wrdreg s22;
	s7 =	sadd.s32 $0x1200, s7  }
0x16: {  	s10 =	sadd.s32 $0x1400, s9;
	s15 =	sadd.s32 $0x1A00, s8;
	s18 =	sshll.u32 s17, $0x9  }
0x17: {  	s22 =	sshll.u32 s20, $0x9;
	s8 =	simm.s32 $0x4;
	s9 =	simm.s32 $0x6  }
0x18: {  	[dreg:$0x8] =	wrdreg s6;
	s6 =	sadd.s32 $0xE00, s23;
	s7 =	sand.u32 $0xFFA00, s7  }
0x19: {  	[dreg:$0xd] =	wrdreg s10;
	s16 =	sand.u32 $0xFFA00, s15;
	s23 =	sadd.s32 s22, s0  }
0x1a: {  	s10 =	simm.s32 $0x0;
	[dreg:$0xa] =	wrdreg s6;
	s6 =	sshll.u32 s24, $0x9  }
0x1b: {  	s16 =	sadd.s32 s0, s16;
	s24 =	smin.u32 s5, $0x25F;
	s6 =	sadd.s32 s6, s0  }
0x1c: {  	s5 =	smin.u32 s5, $0x25D;
	s25 =	sshll.u32 s24, $0x9;
	s6 =	sadd.s32 $0x1000, s6  }
0x1d: {  	s5 =	sshll.u32 s5, $0x9;
	[dreg:$0xb] =	wrdreg s6;
	s6 =	sadd.s32 s0, s7  }
0x1e: {  	s24 =	sadd.s32 $0x23A00, s1;
	s7 =	sshll.u32 s12, $0x9;
	[dreg:$0xc] =	wrdreg s6  }
0x1f: {  	s6 =	sshll.u32 s11, $0x9;
	s14 =	sadd.s32 s7, s0;
	s7 =	sshll.u32 s19, $0x9  }
0x20: {  	s19 =	sadd.s32 $0x2000, s23;
	s23 =	sadd.s32 $0x1A00, s1;
	s6 =	sadd.s32 s6, s0  }
0x21: {  	s1 =	simm.s32 $0x5;
	s21 =	sadd.s32 s7, s0;
	s6 =	sadd.s32 $0x1600, s6  }
0x22: {  	s7 =	sshll.u32 s26, $0x9;
	[dreg:$0xe] =	wrdreg s6;
	s6 =	sadd.s32 $0x1800, s14  }
0x23: {  	s26 =	sadd.s32 $0x800, s4;
	s7 =	sadd.s32 s7, s0;
	[dreg:$0xf] =	wrdreg s6  }
0x24: {  	s6 =	sadd.s32 s18, s0;
	s18 =	sadd.s32 $0x1E00, s21;
	s21 =	sadd.s32 $0x2400, s7  }
0x25: {  	v0 =	vlaneseq.u32;
	s7 =	simm.s32 $0x3;
	s17 =	sadd.s32 $0x1C00, s6;
	s6 =	sadd.s32 $0x2200, s25  }
0x26: {  	v1 =	vimm.f32 $0.0e+00;
	v2 =	vor.u32 $0x10, v0;
	s25 =	smax.u32 s3, $0x1;
	s3 =	simm.s32 $0x4180;
	s6 =	sand.u32 $0xFFA00, s6  }
0x27: {  	v3 =	vor.u32 $0x20, v0;
	v4 =	vor.u32 $0x30, v0;
	v5 =	vor.u32 $0x40, v0;
	s20 =	sadd.s32 s0, s6;
	s0 =	sadd.s32 s5, s0;
	s5 =	simm.s32 $0xC980  }
0x28: {  	v6 =	vor.u32 $0x50, v0;
	v7 =	vor.u32 $0x60, v0;
	v8 =	vor.u32 $0x70, v0;
	s6 =	simm.s32 $0x2;
	s22 =	sadd.s32 $0x2600, s0;
	s0 =	simm.s32 $0x1  }
.LBB2_1:
0x29: {  	s11 =	rddreg [dreg:$0x4]  }
0x2a: {  	[tilespmem:s2], [sflag:$0x5] =	stream.linear.gather [hbm4b:s11+s2], $0x140, $0x38;
	[tilespmem:$0x15180] =	vst v63  }
0x2b: {  	_ = 	snop  }
0x2c: {  	[tilespmem:s28], [sflag:$0x1] =	stream.linear.gather [hbm4b:s4+s2], $0x1000, $0x38;
	[tilespmem:$0x15180] =	vst v63  }
0x2d: {  	s13 =	rddreg [dreg:$0x5]  }
0x2e: {  	[tilespmem:s29], [sflag:$0x2] =	stream.linear.gather [hbm4b:s13+s2], $0x1000, $0x38;
	[tilespmem:$0x15180] =	vst v63  }
0x2f: {  	s14 =	rddreg [dreg:$0x6]  }
0x30: {  	[tilespmem:s30], [sflag:$0x3] =	stream.linear.gather [hbm4b:s14+s2], $0x1000, $0x38;
	[tilespmem:$0x15180] =	vst v63  }
0x31: {  	s15 =	rddreg [dreg:$0x7];
	s12 =	simm.s32 $0x200;
	s11 =	simm.s32 $0x0  }
0x32: {  	[tilespmem:s31], [sflag:$0x4] =	stream.linear.gather [hbm4b:s15+s2], $0x1000, $0x38;
	[tilespmem:$0x15180] =	vst v63  }
.LBB2_2:
0x33: {  	p0 =	sne.s32 s12, $0x21E00;
	[tilespmem:s11+$0xC9F0] =	vst v1  }
0x34: {  	[tilespmem:s11+$0x4180] =	vst v1  }
0x35: {  	[tilespmem:s11+$0xC980] =	vst v1  }
0x36: {  	[tilespmem:s11+$0x4190] =	vst v1  }
0x37: {  	[tilespmem:s11+$0xC990] =	vst v1  }
0x38: {  	[tilespmem:s11+$0x41A0] =	vst v1  }
0x39: {  	[tilespmem:s11+$0xC9A0] =	vst v1  }
0x3a: {  	[tilespmem:s11+$0x41B0] =	vst v1  }
0x3b: {  	[tilespmem:s11+$0xC9B0] =	vst v1  }
0x3c: {  	[tilespmem:s11+$0x41C0] =	vst v1  }
0x3d: {  	[tilespmem:s11+$0xC9C0] =	vst v1  }
.Ltmp0:
0x3e: {  	[tilespmem:s11+$0x41D0] =	vst v1;
	(pc) =	sbr.rel @p0 .LBB2_2-.Ltmp0, $4  }
0x3f: {  	[tilespmem:s11+$0xC9D0] =	vst v1  }
0x40: {  	[tilespmem:s11+$0x41E0] =	vst v1  }
0x41: {  	[tilespmem:s11+$0xC9E0] =	vst v1  }
0x42: {  	[tilespmem:s11+$0x41F0] =	vst v1;
	s11 =	sshra.s32 s12, $0x2;
	s12 =	sadd.s32 $0x200, s12  }
0x43: {  	[tilespmem:s11+$0xC9F0] =	vst v1  }
0x44: {  	[tilespmem:s11+$0x4180] =	vst v1  }
0x45: {  	[tilespmem:s11+$0xC980] =	vst v1  }
0x46: {  	[tilespmem:s11+$0x4190] =	vst v1  }
0x47: {  	[tilespmem:s11+$0xC990] =	vst v1  }
0x48: {  	[tilespmem:s11+$0x41A0] =	vst v1  }
0x49: {  	[tilespmem:s11+$0xC9A0] =	vst v1  }
0x4a: {  	[tilespmem:s11+$0x41B0] =	vst v1  }
0x4b: {  	[tilespmem:s11+$0xC9B0] =	vst v1  }
0x4c: {  	[tilespmem:s11+$0x41C0] =	vst v1  }
0x4d: {  	[tilespmem:s11+$0xC9C0] =	vst v1  }
0x4e: {  	[tilespmem:s11+$0x41D0] =	vst v1  }
0x4f: {  	[tilespmem:s11+$0xC9D0] =	vst v1  }
0x50: {  	[tilespmem:s11+$0x41E0] =	vst v1  }
0x51: {  	[tilespmem:s11+$0xC9E0] =	vst v1  }
0x52: {  	[tilespmem:s11+$0x41F0] =	vst v1  }
0x53: {  	_ =	swait.ge [sflag:s1], $0x140  }
0x54: {  	[sflag:s1] =	ssyncset.done $0x0  }
0x55: {  	s11 =	simm.s32 $0x0;
	[sflag:s1] =	ssyncadd.s32 $0xFFFFFEC0  }
0x56: {  	[tilespmem:s28], [sflag:$0x1] =	stream.linear.gather [hbm4b:s26+s11], $0x1000, $0x38;
	[tilespmem:$0x15180] =	vst v63  }
0x57: {  	_ =	swait.ge [sflag:s0], $0x1000  }
0x58: {  	[sflag:s0] =	ssyncset.done $0x0  }
0x59: {  	s12 =	sand.u32 $0x800, s11;
	s13 =	sand.u32 $0x380, s11;
	[sflag:s0] =	ssyncadd.s32 $0xFFFFF000  }
0x5a: {  	s12 =	sor.u32 s13, s12;
	v9 =	vld [tilespmem:$0x0]  }
0x5b: {  	v18 =	vld [tilespmem:s12+$0x1E0]  }
0x5c: {  	v10 =	vld [tilespmem:s12+$0x5F0]  }
0x5d: {  	v12 =	vld [tilespmem:s12+$0x5C0]  }
0x5e: {  	v11 =	vld [tilespmem:s12+$0x5E0]  }
0x5f: {  	v19 =	vld [tilespmem:s12+$0x5B0]  }
0x60: {  	v20 =	vld [tilespmem:s12+$0x5A0]  }
0x61: {  	v21 =	vld [tilespmem:s12+$0x590]  }
0x62: {  	v13 =	vmov s11;
	v22 =	vld [tilespmem:s12+$0x1F0]  }
0x63: {  	v23 =	vld [tilespmem:s12+$0x1B0];
	v13 =	vperm.xlane v9, v13  }
0x64: {  	v16 =	vld [tilespmem:s12+$0x190]  }
0x65: {  	v25 =	vld [tilespmem:s12+$0x1A0];
	v24 =	vshll.u32 v13, $0x7  }
0x66: {  	v15 =	vld [tilespmem:s12+$0x180];
	v26 =	vor.u32 v0, v24  }
0x67: {  	v28 =	vld [tilespmem:s12+$0x1D0];
	v27 =	vor.u32 v2, v24  }
0x68: {  	v30 =	vld [tilespmem:s12+$0x580];
	v29 =	vor.u32 v3, v24  }
0x69: {  	v32 =	vld [tilespmem:s12+$0x1C0];
	v31 =	vor.u32 v4, v24  }
0x6a: {  	v13 =	vld [tilespmem:s12+$0x5D0];
	v17 =	vor.u32 v5, v24  }
0x6b: {  	v14 =	vor.u32 v6, v24;
	[tilespmem:v26+s3+$0x0] =	vst.idx.add.f32.msk $0xffff, v15  }
0x6c: {  	v15 =	vor.u32 v7, v24;
	[tilespmem:v27+s3+$0x0] =	vst.idx.add.f32.msk $0xffff, v16  }
0x6d: {  	v16 =	vor.u32 v8, v24;
	[tilespmem:v29+s3+$0x0] =	vst.idx.add.f32.msk $0xffff, v25  }
0x6e: {  	[tilespmem:v31+s3+$0x0] =	vst.idx.add.f32.msk $0xffff, v23  }
0x6f: {  	[tilespmem:v17+s3+$0x0] =	vst.idx.add.f32.msk $0xffff, v32  }
0x70: {  	[tilespmem:v14+s3+$0x0] =	vst.idx.add.f32.msk $0xffff, v28  }
0x71: {  	[tilespmem:v15+s3+$0x0] =	vst.idx.add.f32.msk $0xffff, v18  }
0x72: {  	[tilespmem:v16+s3+$0x0] =	vst.idx.add.f32.msk $0xffff, v22  }
0x73: {  	[tilespmem:v26+s5+$0x0] =	vst.idx.add.f32.msk $0xffff, v30  }
0x74: {  	[tilespmem:v27+s5+$0x0] =	vst.idx.add.f32.msk $0xffff, v21  }
0x75: {  	[tilespmem:v29+s5+$0x0] =	vst.idx.add.f32.msk $0xffff, v20  }
0x76: {  	s13 =	simm.s32 $0x1;
	s12 =	simm.s32 $0x0;
	[tilespmem:v31+s5+$0x0] =	vst.idx.add.f32.msk $0xffff, v19  }
.LBB2_4:
0x77: {  	s14 =	smov.u32 s13  }
0x78: {  	v18 =	vmov s13;
	[tilespmem:v17+s5+$0x0] =	vst.idx.add.f32.msk $0xffff, v12;
	s11 =	sadd.s32 $0x80, s11;
	s12 =	sadd.s32 $0x100, s12;
	s14 =	sadd.s32 $0x1, s13  }
0x79: {  	p0 =	sne.s32 s13, $0xF;
	v12 =	vperm.xlane v9, v18;
	[tilespmem:v14+s5+$0x0] =	vst.idx.add.f32.msk $0xffff, v13  }
0x7a: {  	s13 =	sand.u32 $0x800, s12;
	s15 =	sand.u32 $0x380, s11;
	[tilespmem:v15+s5+$0x0] =	vst.idx.add.f32.msk $0xffff, v11  }
0x7b: {  	s13 =	sor.u32 s15, s13;
	v18 =	vshll.u32 v12, $0x7;
	[tilespmem:v16+s5+$0x0] =	vst.idx.add.f32.msk $0xffff, v10  }
0x7c: {  	v20 =	vor.u32 v0, v18;
	v19 =	vld [tilespmem:s13+$0x1E0]  }
0x7d: {  	v21 =	vor.u32 v2, v18;
	v10 =	vld [tilespmem:s13+$0x5F0]  }
0x7e: {  	v12 =	vld [tilespmem:s13+$0x5C0]  }
0x7f: {  	v11 =	vld [tilespmem:s13+$0x5E0]  }
0x80: {  	v22 =	vld [tilespmem:s13+$0x5B0]  }
0x81: {  	v23 =	vld [tilespmem:s13+$0x5A0]  }
0x82: {  	v24 =	vld [tilespmem:s13+$0x590]  }
0x83: {  	v25 =	vld [tilespmem:s13+$0x1F0]  }
0x84: {  	v26 =	vld [tilespmem:s13+$0x1B0]  }
0x85: {  	v16 =	vld [tilespmem:s13+$0x190]  }
0x86: {  	v27 =	vld [tilespmem:s13+$0x1A0]  }
0x87: {  	v15 =	vld [tilespmem:s13+$0x180]  }
0x88: {  	v29 =	vor.u32 v3, v18;
	v28 =	vld [tilespmem:s13+$0x1D0]  }
0x89: {  	v31 =	vor.u32 v4, v18;
	v30 =	vld [tilespmem:s13+$0x580]  }
0x8a: {  	v17 =	vor.u32 v5, v18;
	v13 =	vld [tilespmem:s13+$0x5D0]  }
0x8b: {  	v14 =	vor.u32 v6, v18;
	v32 =	vld [tilespmem:s13+$0x1C0]  }
0x8c: {  	[tilespmem:v20+s3+$0x0] =	vst.idx.add.f32.msk $0xffff, v15;
	v15 =	vor.u32 v7, v18  }
0x8d: {  	[tilespmem:v21+s3+$0x0] =	vst.idx.add.f32.msk $0xffff, v16;
	v16 =	vor.u32 v8, v18  }
0x8e: {  	[tilespmem:v29+s3+$0x0] =	vst.idx.add.f32.msk $0xffff, v27  }
0x8f: {  	[tilespmem:v31+s3+$0x0] =	vst.idx.add.f32.msk $0xffff, v26  }
0x90: {  	[tilespmem:v17+s3+$0x0] =	vst.idx.add.f32.msk $0xffff, v32  }
0x91: {  	[tilespmem:v14+s3+$0x0] =	vst.idx.add.f32.msk $0xffff, v28  }
0x92: {  	[tilespmem:v15+s3+$0x0] =	vst.idx.add.f32.msk $0xffff, v19  }
.Ltmp1:
0x93: {  	[tilespmem:v16+s3+$0x0] =	vst.idx.add.f32.msk $0xffff, v25;
	(pc) =	sbr.rel @p0 .LBB2_4-.Ltmp1, $4  }
0x94: {  	[tilespmem:v20+s5+$0x0] =	vst.idx.add.f32.msk $0xffff, v30  }
0x95: {  	[tilespmem:v21+s5+$0x0] =	vst.idx.add.f32.msk $0xffff, v24  }
0x96: {  	[tilespmem:v29+s5+$0x0] =	vst.idx.add.f32.msk $0xffff, v23  }
0x97: {  	s13 =	smov.u32 s14;
	[tilespmem:v31+s5+$0x0] =	vst.idx.add.f32.msk $0xffff, v22  }
0x98: {  	_ =	sdelay $0x3  }
0x99: {  	[tilespmem:v17+s5+$0x0] =	vst.idx.add.f32.msk $0xffff, v12  }
0x9a: {  	[tilespmem:v14+s5+$0x0] =	vst.idx.add.f32.msk $0xffff, v13  }
0x9b: {  	[tilespmem:v15+s5+$0x0] =	vst.idx.add.f32.msk $0xffff, v11  }
0x9c: {  	s11 =	simm.s32 $0x0;
	s12 =	rddreg [dreg:$0x8];
	[tilespmem:v16+s5+$0x0] =	vst.idx.add.f32.msk $0xffff, v10  }
0x9d: {  	[tilespmem:s29], [sflag:$0x2] =	stream.linear.gather [hbm4b:s12+s11], $0x1000, $0x38;
	[tilespmem:$0x15180] =	vst v63  }
0x9e: {  	_ =	swait.ge [sflag:s6], $0x1000  }
0x9f: {  	[sflag:s6] =	ssyncset.done $0x0  }
0xa0: {  	s15 =	sand.u32 $0x800, s11;
	s13 =	sand.u32 $0x380, s11;
	[sflag:s6] =	ssyncadd.s32 $0xFFFFF000  }
0xa1: {  	s12 =	sor.u32 s13, s15;
	v9 =	vld [tilespmem:$0x10]  }
0xa2: {  	v18 =	vld [tilespmem:s12+$0x11E0]  }
0xa3: {  	v10 =	vld [tilespmem:s12+$0x15F0]  }
0xa4: {  	v12 =	vld [tilespmem:s12+$0x15C0]  }
0xa5: {  	v11 =	vld [tilespmem:s12+$0x15E0]  }
0xa6: {  	v19 =	vld [tilespmem:s12+$0x15B0]  }
0xa7: {  	v20 =	vld [tilespmem:s12+$0x15A0]  }
0xa8: {  	v21 =	vld [tilespmem:s12+$0x1590]  }
0xa9: {  	v13 =	vmov s11;
	v22 =	vld [tilespmem:s12+$0x11F0]  }
0xaa: {  	v23 =	vld [tilespmem:s12+$0x11B0];
	v13 =	vperm.xlane v9, v13  }
0xab: {  	v16 =	vld [tilespmem:s12+$0x1190]  }
0xac: {  	v25 =	vld [tilespmem:s12+$0x11A0];
	v24 =	vshll.u32 v13, $0x7  }
0xad: {  	v15 =	vld [tilespmem:s12+$0x1180];
	v26 =	vor.u32 v0, v24  }
0xae: {  	v28 =	vld [tilespmem:s12+$0x11D0];
	v27 =	vor.u32 v2, v24  }
0xaf: {  	v30 =	vld [tilespmem:s12+$0x1580];
	v29 =	vor.u32 v3, v24  }
0xb0: {  	v32 =	vld [tilespmem:s12+$0x11C0];
	v31 =	vor.u32 v4, v24  }
0xb1: {  	v13 =	vld [tilespmem:s12+$0x15D0];
	v17 =	vor.u32 v5, v24  }
0xb2: {  	v14 =	vor.u32 v6, v24;
	[tilespmem:v26+s3+$0x0] =	vst.idx.add.f32.msk $0xffff, v15  }
0xb3: {  	v15 =	vor.u32 v7, v24;
	[tilespmem:v27+s3+$0x0] =	vst.idx.add.f32.msk $0xffff, v16  }
0xb4: {  	v16 =	vor.u32 v8, v24;
	[tilespmem:v29+s3+$0x0] =	vst.idx.add.f32.msk $0xffff, v25  }
0xb5: {  	[tilespmem:v31+s3+$0x0] =	vst.idx.add.f32.msk $0xffff, v23  }
0xb6: {  	[tilespmem:v17+s3+$0x0] =	vst.idx.add.f32.msk $0xffff, v32  }
0xb7: {  	[tilespmem:v14+s3+$0x0] =	vst.idx.add.f32.msk $0xffff, v28  }
0xb8: {  	[tilespmem:v15+s3+$0x0] =	vst.idx.add.f32.msk $0xffff, v18  }
0xb9: {  	[tilespmem:v16+s3+$0x0] =	vst.idx.add.f32.msk $0xffff, v22  }
0xba: {  	[tilespmem:v26+s5+$0x0] =	vst.idx.add.f32.msk $0xffff, v30  }
0xbb: {  	[tilespmem:v27+s5+$0x0] =	vst.idx.add.f32.msk $0xffff, v21  }
0xbc: {  	[tilespmem:v29+s5+$0x0] =	vst.idx.add.f32.msk $0xffff, v20  }
0xbd: {  	s14 =	simm.s32 $0x1;
	s12 =	simm.s32 $0x0;
	[tilespmem:v31+s5+$0x0] =	vst.idx.add.f32.msk $0xffff, v19  }
.LBB2_6:
0xbe: {  	s13 =	smov.u32 s14  }
0xbf: {  	v18 =	vmov s14;
	[tilespmem:v17+s5+$0x0] =	vst.idx.add.f32.msk $0xffff, v12;
	s11 =	sadd.s32 $0x80, s11;
	s12 =	sadd.s32 $0x100, s12;
	s13 =	sadd.s32 $0x1, s14  }
0xc0: {  	p0 =	sne.s32 s14, $0xF;
	v12 =	vperm.xlane v9, v18;
	[tilespmem:v14+s5+$0x0] =	vst.idx.add.f32.msk $0xffff, v13  }
0xc1: {  	s14 =	sand.u32 $0x800, s12;
	s15 =	sand.u32 $0x380, s11;
	[tilespmem:v15+s5+$0x0] =	vst.idx.add.f32.msk $0xffff, v11  }
0xc2: {  	s14 =	sor.u32 s15, s14;
	v18 =	vshll.u32 v12, $0x7;
	[tilespmem:v16+s5+$0x0] =	vst.idx.add.f32.msk $0xffff, v10  }
0xc3: {  	v20 =	vor.u32 v0, v18;
	v19 =	vld [tilespmem:s14+$0x11E0]  }
0xc4: {  	v21 =	vor.u32 v2, v18;
	v10 =	vld [tilespmem:s14+$0x15F0]  }
0xc5: {  	v12 =	vld [tilespmem:s14+$0x15C0]  }
0xc6: {  	v11 =	vld [tilespmem:s14+$0x15E0]  }
0xc7: {  	v22 =	vld [tilespmem:s14+$0x15B0]  }
0xc8: {  	v23 =	vld [tilespmem:s14+$0x15A0]  }
0xc9: {  	v24 =	vld [tilespmem:s14+$0x1590]  }
0xca: {  	v25 =	vld [tilespmem:s14+$0x11F0]  }
0xcb: {  	v26 =	vld [tilespmem:s14+$0x11B0]  }
0xcc: {  	v16 =	vld [tilespmem:s14+$0x1190]  }
0xcd: {  	v27 =	vld [tilespmem:s14+$0x11A0]  }
0xce: {  	v15 =	vld [tilespmem:s14+$0x1180]  }
0xcf: {  	v29 =	vor.u32 v3, v18;
	v28 =	vld [tilespmem:s14+$0x11D0]  }
0xd0: {  	v31 =	vor.u32 v4, v18;
	v30 =	vld [tilespmem:s14+$0x1580]  }
0xd1: {  	v17 =	vor.u32 v5, v18;
	v13 =	vld [tilespmem:s14+$0x15D0]  }
0xd2: {  	v14 =	vor.u32 v6, v18;
	v32 =	vld [tilespmem:s14+$0x11C0]  }
0xd3: {  	[tilespmem:v20+s3+$0x0] =	vst.idx.add.f32.msk $0xffff, v15;
	v15 =	vor.u32 v7, v18  }
0xd4: {  	[tilespmem:v21+s3+$0x0] =	vst.idx.add.f32.msk $0xffff, v16;
	v16 =	vor.u32 v8, v18  }
0xd5: {  	[tilespmem:v29+s3+$0x0] =	vst.idx.add.f32.msk $0xffff, v27  }
0xd6: {  	[tilespmem:v31+s3+$0x0] =	vst.idx.add.f32.msk $0xffff, v26  }
0xd7: {  	[tilespmem:v17+s3+$0x0] =	vst.idx.add.f32.msk $0xffff, v32  }
0xd8: {  	[tilespmem:v14+s3+$0x0] =	vst.idx.add.f32.msk $0xffff, v28  }
0xd9: {  	[tilespmem:v15+s3+$0x0] =	vst.idx.add.f32.msk $0xffff, v19  }
.Ltmp2:
0xda: {  	[tilespmem:v16+s3+$0x0] =	vst.idx.add.f32.msk $0xffff, v25;
	(pc) =	sbr.rel @p0 .LBB2_6-.Ltmp2, $4  }
0xdb: {  	[tilespmem:v20+s5+$0x0] =	vst.idx.add.f32.msk $0xffff, v30  }
0xdc: {  	[tilespmem:v21+s5+$0x0] =	vst.idx.add.f32.msk $0xffff, v24  }
0xdd: {  	[tilespmem:v29+s5+$0x0] =	vst.idx.add.f32.msk $0xffff, v23  }
0xde: {  	s14 =	smov.u32 s13;
	[tilespmem:v31+s5+$0x0] =	vst.idx.add.f32.msk $0xffff, v22  }
0xdf: {  	_ =	sdelay $0x3  }
0xe0: {  	[tilespmem:v17+s5+$0x0] =	vst.idx.add.f32.msk $0xffff, v12  }
0xe1: {  	[tilespmem:v14+s5+$0x0] =	vst.idx.add.f32.msk $0xffff, v13  }
0xe2: {  	[tilespmem:v15+s5+$0x0] =	vst.idx.add.f32.msk $0xffff, v11  }
0xe3: {  	s11 =	simm.s32 $0x0;
	s12 =	rddreg [dreg:$0x9];
	[tilespmem:v16+s5+$0x0] =	vst.idx.add.f32.msk $0xffff, v10  }
0xe4: {  	[tilespmem:s30], [sflag:$0x3] =	stream.linear.gather [hbm4b:s12+s11], $0x1000, $0x38;
	[tilespmem:$0x15180] =	vst v63  }
0xe5: {  	_ =	swait.ge [sflag:s7], $0x1000  }
0xe6: {  	[sflag:s7] =	ssyncset.done $0x0  }
0xe7: {  	s15 =	sand.u32 $0x800, s11;
	s13 =	sand.u32 $0x380, s11;
	[sflag:s7] =	ssyncadd.s32 $0xFFFFF000  }
0xe8: {  	s12 =	sor.u32 s13, s15;
	v9 =	vld [tilespmem:$0x20]  }
0xe9: {  	v18 =	vld [tilespmem:s12+$0x21E0]  }
0xea: {  	v10 =	vld [tilespmem:s12+$0x25F0]  }
0xeb: {  	v12 =	vld [tilespmem:s12+$0x25C0]  }
0xec: {  	v11 =	vld [tilespmem:s12+$0x25E0]  }
0xed: {  	v19 =	vld [tilespmem:s12+$0x25B0]  }
0xee: {  	v20 =	vld [tilespmem:s12+$0x25A0]  }
0xef: {  	v21 =	vld [tilespmem:s12+$0x2590]  }
0xf0: {  	v13 =	vmov s11;
	v22 =	vld [tilespmem:s12+$0x21F0]  }
0xf1: {  	v23 =	vld [tilespmem:s12+$0x21B0];
	v13 =	vperm.xlane v9, v13  }
0xf2: {  	v16 =	vld [tilespmem:s12+$0x2190]  }
0xf3: {  	v25 =	vld [tilespmem:s12+$0x21A0];
	v24 =	vshll.u32 v13, $0x7  }
0xf4: {  	v15 =	vld [tilespmem:s12+$0x2180];
	v26 =	vor.u32 v0, v24  }
0xf5: {  	v28 =	vld [tilespmem:s12+$0x21D0];
	v27 =	vor.u32 v2, v24  }
0xf6: {  	v30 =	vld [tilespmem:s12+$0x2580];
	v29 =	vor.u32 v3, v24  }
0xf7: {  	v32 =	vld [tilespmem:s12+$0x21C0];
	v31 =	vor.u32 v4, v24  }
0xf8: {  	v13 =	vld [tilespmem:s12+$0x25D0];
	v17 =	vor.u32 v5, v24  }
0xf9: {  	v14 =	vor.u32 v6, v24;
	[tilespmem:v26+s3+$0x0] =	vst.idx.add.f32.msk $0xffff, v15  }
0xfa: {  	v15 =	vor.u32 v7, v24;
	[tilespmem:v27+s3+$0x0] =	vst.idx.add.f32.msk $0xffff, v16  }
0xfb: {  	v16 =	vor.u32 v8, v24;
	[tilespmem:v29+s3+$0x0] =	vst.idx.add.f32.msk $0xffff, v25  }
0xfc: {  	[tilespmem:v31+s3+$0x0] =	vst.idx.add.f32.msk $0xffff, v23  }
0xfd: {  	[tilespmem:v17+s3+$0x0] =	vst.idx.add.f32.msk $0xffff, v32  }
0xfe: {  	[tilespmem:v14+s3+$0x0] =	vst.idx.add.f32.msk $0xffff, v28  }
0xff: {  	[tilespmem:v15+s3+$0x0] =	vst.idx.add.f32.msk $0xffff, v18  }
0x100: {  	[tilespmem:v16+s3+$0x0] =	vst.idx.add.f32.msk $0xffff, v22  }
0x101: {  	[tilespmem:v26+s5+$0x0] =	vst.idx.add.f32.msk $0xffff, v30  }
0x102: {  	[tilespmem:v27+s5+$0x0] =	vst.idx.add.f32.msk $0xffff, v21  }
0x103: {  	[tilespmem:v29+s5+$0x0] =	vst.idx.add.f32.msk $0xffff, v20  }
0x104: {  	s14 =	simm.s32 $0x1;
	s12 =	simm.s32 $0x0;
	[tilespmem:v31+s5+$0x0] =	vst.idx.add.f32.msk $0xffff, v19  }
.LBB2_8:
0x105: {  	s13 =	smov.u32 s14  }
0x106: {  	v18 =	vmov s14;
	[tilespmem:v17+s5+$0x0] =	vst.idx.add.f32.msk $0xffff, v12;
	s11 =	sadd.s32 $0x80, s11;
	s12 =	sadd.s32 $0x100, s12;
	s13 =	sadd.s32 $0x1, s14  }
0x107: {  	p0 =	sne.s32 s14, $0xF;
	v12 =	vperm.xlane v9, v18;
	[tilespmem:v14+s5+$0x0] =	vst.idx.add.f32.msk $0xffff, v13  }
0x108: {  	s14 =	sand.u32 $0x800, s12;
	s15 =	sand.u32 $0x380, s11;
	[tilespmem:v15+s5+$0x0] =	vst.idx.add.f32.msk $0xffff, v11  }
0x109: {  	s14 =	sor.u32 s15, s14;
	v18 =	vshll.u32 v12, $0x7;
	[tilespmem:v16+s5+$0x0] =	vst.idx.add.f32.msk $0xffff, v10  }
0x10a: {  	v20 =	vor.u32 v0, v18;
	v19 =	vld [tilespmem:s14+$0x21E0]  }
0x10b: {  	v21 =	vor.u32 v2, v18;
	v10 =	vld [tilespmem:s14+$0x25F0]  }
0x10c: {  	v12 =	vld [tilespmem:s14+$0x25C0]  }
0x10d: {  	v11 =	vld [tilespmem:s14+$0x25E0]  }
0x10e: {  	v22 =	vld [tilespmem:s14+$0x25B0]  }
0x10f: {  	v23 =	vld [tilespmem:s14+$0x25A0]  }
0x110: {  	v24 =	vld [tilespmem:s14+$0x2590]  }
0x111: {  	v25 =	vld [tilespmem:s14+$0x21F0]  }
0x112: {  	v26 =	vld [tilespmem:s14+$0x21B0]  }
0x113: {  	v16 =	vld [tilespmem:s14+$0x2190]  }
0x114: {  	v27 =	vld [tilespmem:s14+$0x21A0]  }
0x115: {  	v15 =	vld [tilespmem:s14+$0x2180]  }
0x116: {  	v29 =	vor.u32 v3, v18;
	v28 =	vld [tilespmem:s14+$0x21D0]  }
0x117: {  	v31 =	vor.u32 v4, v18;
	v30 =	vld [tilespmem:s14+$0x2580]  }
0x118: {  	v17 =	vor.u32 v5, v18;
	v13 =	vld [tilespmem:s14+$0x25D0]  }
0x119: {  	v14 =	vor.u32 v6, v18;
	v32 =	vld [tilespmem:s14+$0x21C0]  }
0x11a: {  	[tilespmem:v20+s3+$0x0] =	vst.idx.add.f32.msk $0xffff, v15;
	v15 =	vor.u32 v7, v18  }
0x11b: {  	[tilespmem:v21+s3+$0x0] =	vst.idx.add.f32.msk $0xffff, v16;
	v16 =	vor.u32 v8, v18  }
0x11c: {  	[tilespmem:v29+s3+$0x0] =	vst.idx.add.f32.msk $0xffff, v27  }
0x11d: {  	[tilespmem:v31+s3+$0x0] =	vst.idx.add.f32.msk $0xffff, v26  }
0x11e: {  	[tilespmem:v17+s3+$0x0] =	vst.idx.add.f32.msk $0xffff, v32  }
0x11f: {  	[tilespmem:v14+s3+$0x0] =	vst.idx.add.f32.msk $0xffff, v28  }
0x120: {  	[tilespmem:v15+s3+$0x0] =	vst.idx.add.f32.msk $0xffff, v19  }
.Ltmp3:
0x121: {  	[tilespmem:v16+s3+$0x0] =	vst.idx.add.f32.msk $0xffff, v25;
	(pc) =	sbr.rel @p0 .LBB2_8-.Ltmp3, $4  }
0x122: {  	[tilespmem:v20+s5+$0x0] =	vst.idx.add.f32.msk $0xffff, v30  }
0x123: {  	[tilespmem:v21+s5+$0x0] =	vst.idx.add.f32.msk $0xffff, v24  }
0x124: {  	[tilespmem:v29+s5+$0x0] =	vst.idx.add.f32.msk $0xffff, v23  }
0x125: {  	s14 =	smov.u32 s13;
	[tilespmem:v31+s5+$0x0] =	vst.idx.add.f32.msk $0xffff, v22  }
0x126: {  	_ =	sdelay $0x3  }
0x127: {  	[tilespmem:v17+s5+$0x0] =	vst.idx.add.f32.msk $0xffff, v12  }
0x128: {  	[tilespmem:v14+s5+$0x0] =	vst.idx.add.f32.msk $0xffff, v13  }
0x129: {  	[tilespmem:v15+s5+$0x0] =	vst.idx.add.f32.msk $0xffff, v11  }
0x12a: {  	s11 =	simm.s32 $0x0;
	s12 =	rddreg [dreg:$0xa];
	[tilespmem:v16+s5+$0x0] =	vst.idx.add.f32.msk $0xffff, v10  }
0x12b: {  	[tilespmem:s31], [sflag:$0x4] =	stream.linear.gather [hbm4b:s12+s11], $0x1000, $0x38;
	[tilespmem:$0x15180] =	vst v63  }
0x12c: {  	_ =	swait.ge [sflag:s8], $0x1000  }
0x12d: {  	[sflag:s8] =	ssyncset.done $0x0  }
0x12e: {  	s15 =	sand.u32 $0x800, s11;
	s13 =	sand.u32 $0x380, s11;
	[sflag:s8] =	ssyncadd.s32 $0xFFFFF000  }
0x12f: {  	s12 =	sor.u32 s13, s15;
	v9 =	vld [tilespmem:$0x30]  }
0x130: {  	v18 =	vld [tilespmem:s12+$0x31E0]  }
0x131: {  	v10 =	vld [tilespmem:s12+$0x35F0]  }
0x132: {  	v12 =	vld [tilespmem:s12+$0x35C0]  }
0x133: {  	v11 =	vld [tilespmem:s12+$0x35E0]  }
0x134: {  	v19 =	vld [tilespmem:s12+$0x35B0]  }
0x135: {  	v20 =	vld [tilespmem:s12+$0x35A0]  }
0x136: {  	v21 =	vld [tilespmem:s12+$0x3590]  }
0x137: {  	v13 =	vmov s11;
	v22 =	vld [tilespmem:s12+$0x31F0]  }
0x138: {  	v23 =	vld [tilespmem:s12+$0x31B0];
	v13 =	vperm.xlane v9, v13  }
0x139: {  	v16 =	vld [tilespmem:s12+$0x3190]  }
0x13a: {  	v25 =	vld [tilespmem:s12+$0x31A0];
	v24 =	vshll.u32 v13, $0x7  }
0x13b: {  	v15 =	vld [tilespmem:s12+$0x3180];
	v26 =	vor.u32 v0, v24  }
0x13c: {  	v28 =	vld [tilespmem:s12+$0x31D0];
	v27 =	vor.u32 v2, v24  }
0x13d: {  	v30 =	vld [tilespmem:s12+$0x3580];
	v29 =	vor.u32 v3, v24  }
0x13e: {  	v32 =	vld [tilespmem:s12+$0x31C0];
	v31 =	vor.u32 v4, v24  }
0x13f: {  	v13 =	vld [tilespmem:s12+$0x35D0];
	v17 =	vor.u32 v5, v24  }
0x140: {  	v14 =	vor.u32 v6, v24;
	[tilespmem:v26+s3+$0x0] =	vst.idx.add.f32.msk $0xffff, v15  }
0x141: {  	v15 =	vor.u32 v7, v24;
	[tilespmem:v27+s3+$0x0] =	vst.idx.add.f32.msk $0xffff, v16  }
0x142: {  	v16 =	vor.u32 v8, v24;
	[tilespmem:v29+s3+$0x0] =	vst.idx.add.f32.msk $0xffff, v25  }
0x143: {  	[tilespmem:v31+s3+$0x0] =	vst.idx.add.f32.msk $0xffff, v23  }
0x144: {  	[tilespmem:v17+s3+$0x0] =	vst.idx.add.f32.msk $0xffff, v32  }
0x145: {  	[tilespmem:v14+s3+$0x0] =	vst.idx.add.f32.msk $0xffff, v28  }
0x146: {  	[tilespmem:v15+s3+$0x0] =	vst.idx.add.f32.msk $0xffff, v18  }
0x147: {  	[tilespmem:v16+s3+$0x0] =	vst.idx.add.f32.msk $0xffff, v22  }
0x148: {  	[tilespmem:v26+s5+$0x0] =	vst.idx.add.f32.msk $0xffff, v30  }
0x149: {  	[tilespmem:v27+s5+$0x0] =	vst.idx.add.f32.msk $0xffff, v21  }
0x14a: {  	[tilespmem:v29+s5+$0x0] =	vst.idx.add.f32.msk $0xffff, v20  }
0x14b: {  	s14 =	simm.s32 $0x1;
	s12 =	simm.s32 $0x0;
	[tilespmem:v31+s5+$0x0] =	vst.idx.add.f32.msk $0xffff, v19  }
.LBB2_10:
0x14c: {  	s13 =	smov.u32 s14  }
0x14d: {  	v18 =	vmov s14;
	[tilespmem:v17+s5+$0x0] =	vst.idx.add.f32.msk $0xffff, v12;
	s11 =	sadd.s32 $0x80, s11;
	s12 =	sadd.s32 $0x100, s12;
	s13 =	sadd.s32 $0x1, s14  }
0x14e: {  	p0 =	sne.s32 s14, $0xF;
	v12 =	vperm.xlane v9, v18;
	[tilespmem:v14+s5+$0x0] =	vst.idx.add.f32.msk $0xffff, v13  }
0x14f: {  	s14 =	sand.u32 $0x800, s12;
	s15 =	sand.u32 $0x380, s11;
	[tilespmem:v15+s5+$0x0] =	vst.idx.add.f32.msk $0xffff, v11  }
0x150: {  	s14 =	sor.u32 s15, s14;
	v18 =	vshll.u32 v12, $0x7;
	[tilespmem:v16+s5+$0x0] =	vst.idx.add.f32.msk $0xffff, v10  }
0x151: {  	v20 =	vor.u32 v0, v18;
	v19 =	vld [tilespmem:s14+$0x31E0]  }
0x152: {  	v21 =	vor.u32 v2, v18;
	v10 =	vld [tilespmem:s14+$0x35F0]  }
0x153: {  	v12 =	vld [tilespmem:s14+$0x35C0]  }
0x154: {  	v11 =	vld [tilespmem:s14+$0x35E0]  }
0x155: {  	v22 =	vld [tilespmem:s14+$0x35B0]  }
0x156: {  	v23 =	vld [tilespmem:s14+$0x35A0]  }
0x157: {  	v24 =	vld [tilespmem:s14+$0x3590]  }
0x158: {  	v25 =	vld [tilespmem:s14+$0x31F0]  }
0x159: {  	v26 =	vld [tilespmem:s14+$0x31B0]  }
0x15a: {  	v16 =	vld [tilespmem:s14+$0x3190]  }
0x15b: {  	v27 =	vld [tilespmem:s14+$0x31A0]  }
0x15c: {  	v15 =	vld [tilespmem:s14+$0x3180]  }
0x15d: {  	v29 =	vor.u32 v3, v18;
	v28 =	vld [tilespmem:s14+$0x31D0]  }
0x15e: {  	v31 =	vor.u32 v4, v18;
	v30 =	vld [tilespmem:s14+$0x3580]  }
0x15f: {  	v17 =	vor.u32 v5, v18;
	v13 =	vld [tilespmem:s14+$0x35D0]  }
0x160: {  	v14 =	vor.u32 v6, v18;
	v32 =	vld [tilespmem:s14+$0x31C0]  }
0x161: {  	[tilespmem:v20+s3+$0x0] =	vst.idx.add.f32.msk $0xffff, v15;
	v15 =	vor.u32 v7, v18  }
0x162: {  	[tilespmem:v21+s3+$0x0] =	vst.idx.add.f32.msk $0xffff, v16;
	v16 =	vor.u32 v8, v18  }
0x163: {  	[tilespmem:v29+s3+$0x0] =	vst.idx.add.f32.msk $0xffff, v27  }
0x164: {  	[tilespmem:v31+s3+$0x0] =	vst.idx.add.f32.msk $0xffff, v26  }
0x165: {  	[tilespmem:v17+s3+$0x0] =	vst.idx.add.f32.msk $0xffff, v32  }
0x166: {  	[tilespmem:v14+s3+$0x0] =	vst.idx.add.f32.msk $0xffff, v28  }
0x167: {  	[tilespmem:v15+s3+$0x0] =	vst.idx.add.f32.msk $0xffff, v19  }
.Ltmp4:
0x168: {  	[tilespmem:v16+s3+$0x0] =	vst.idx.add.f32.msk $0xffff, v25;
	(pc) =	sbr.rel @p0 .LBB2_10-.Ltmp4, $4  }
0x169: {  	[tilespmem:v20+s5+$0x0] =	vst.idx.add.f32.msk $0xffff, v30  }
0x16a: {  	[tilespmem:v21+s5+$0x0] =	vst.idx.add.f32.msk $0xffff, v24  }
0x16b: {  	[tilespmem:v29+s5+$0x0] =	vst.idx.add.f32.msk $0xffff, v23  }
0x16c: {  	s14 =	smov.u32 s13;
	[tilespmem:v31+s5+$0x0] =	vst.idx.add.f32.msk $0xffff, v22  }
0x16d: {  	_ =	sdelay $0x3  }
0x16e: {  	[tilespmem:v17+s5+$0x0] =	vst.idx.add.f32.msk $0xffff, v12  }
0x16f: {  	[tilespmem:v14+s5+$0x0] =	vst.idx.add.f32.msk $0xffff, v13  }
0x170: {  	[tilespmem:v15+s5+$0x0] =	vst.idx.add.f32.msk $0xffff, v11  }
0x171: {  	s11 =	simm.s32 $0x0;
	s12 =	rddreg [dreg:$0xb];
	[tilespmem:v16+s5+$0x0] =	vst.idx.add.f32.msk $0xffff, v10  }
0x172: {  	[tilespmem:s28], [sflag:$0x1] =	stream.linear.gather [hbm4b:s12+s11], $0x1000, $0x38;
	[tilespmem:$0x15180] =	vst v63  }
0x173: {  	_ =	swait.ge [sflag:s0], $0x1000  }
0x174: {  	[sflag:s0] =	ssyncset.done $0x0  }
0x175: {  	s15 =	sand.u32 $0x800, s11;
	s13 =	sand.u32 $0x380, s11;
	[sflag:s0] =	ssyncadd.s32 $0xFFFFF000  }
0x176: {  	s12 =	sor.u32 s13, s15;
	v9 =	vld [tilespmem:$0x40]  }
0x177: {  	v18 =	vld [tilespmem:s12+$0x1E0]  }
0x178: {  	v10 =	vld [tilespmem:s12+$0x5F0]  }
0x179: {  	v12 =	vld [tilespmem:s12+$0x5C0]  }
0x17a: {  	v11 =	vld [tilespmem:s12+$0x5E0]  }
0x17b: {  	v19 =	vld [tilespmem:s12+$0x5B0]  }
0x17c: {  	v20 =	vld [tilespmem:s12+$0x5A0]  }
0x17d: {  	v21 =	vld [tilespmem:s12+$0x590]  }
0x17e: {  	v13 =	vmov s11;
	v22 =	vld [tilespmem:s12+$0x1F0]  }
0x17f: {  	v23 =	vld [tilespmem:s12+$0x1B0];
	v13 =	vperm.xlane v9, v13  }
0x180: {  	v16 =	vld [tilespmem:s12+$0x190]  }
0x181: {  	v25 =	vld [tilespmem:s12+$0x1A0];
	v24 =	vshll.u32 v13, $0x7  }
0x182: {  	v15 =	vld [tilespmem:s12+$0x180];
	v26 =	vor.u32 v0, v24  }
0x183: {  	v28 =	vld [tilespmem:s12+$0x1D0];
	v27 =	vor.u32 v2, v24  }
0x184: {  	v30 =	vld [tilespmem:s12+$0x580];
	v29 =	vor.u32 v3, v24  }
0x185: {  	v32 =	vld [tilespmem:s12+$0x1C0];
	v31 =	vor.u32 v4, v24  }
0x186: {  	v13 =	vld [tilespmem:s12+$0x5D0];
	v17 =	vor.u32 v5, v24  }
0x187: {  	v14 =	vor.u32 v6, v24;
	[tilespmem:v26+s3+$0x0] =	vst.idx.add.f32.msk $0xffff, v15  }
0x188: {  	v15 =	vor.u32 v7, v24;
	[tilespmem:v27+s3+$0x0] =	vst.idx.add.f32.msk $0xffff, v16  }
0x189: {  	v16 =	vor.u32 v8, v24;
	[tilespmem:v29+s3+$0x0] =	vst.idx.add.f32.msk $0xffff, v25  }
0x18a: {  	[tilespmem:v31+s3+$0x0] =	vst.idx.add.f32.msk $0xffff, v23  }
0x18b: {  	[tilespmem:v17+s3+$0x0] =	vst.idx.add.f32.msk $0xffff, v32  }
0x18c: {  	[tilespmem:v14+s3+$0x0] =	vst.idx.add.f32.msk $0xffff, v28  }
0x18d: {  	[tilespmem:v15+s3+$0x0] =	vst.idx.add.f32.msk $0xffff, v18  }
0x18e: {  	[tilespmem:v16+s3+$0x0] =	vst.idx.add.f32.msk $0xffff, v22  }
0x18f: {  	[tilespmem:v26+s5+$0x0] =	vst.idx.add.f32.msk $0xffff, v30  }
0x190: {  	[tilespmem:v27+s5+$0x0] =	vst.idx.add.f32.msk $0xffff, v21  }
0x191: {  	[tilespmem:v29+s5+$0x0] =	vst.idx.add.f32.msk $0xffff, v20  }
0x192: {  	s14 =	simm.s32 $0x1;
	s12 =	simm.s32 $0x0;
	[tilespmem:v31+s5+$0x0] =	vst.idx.add.f32.msk $0xffff, v19  }
.LBB2_12:
0x193: {  	s13 =	smov.u32 s14  }
0x194: {  	v18 =	vmov s14;
	[tilespmem:v17+s5+$0x0] =	vst.idx.add.f32.msk $0xffff, v12;
	s11 =	sadd.s32 $0x80, s11;
	s12 =	sadd.s32 $0x100, s12;
	s13 =	sadd.s32 $0x1, s14  }
0x195: {  	p0 =	sne.s32 s14, $0xF;
	v12 =	vperm.xlane v9, v18;
	[tilespmem:v14+s5+$0x0] =	vst.idx.add.f32.msk $0xffff, v13  }
0x196: {  	s14 =	sand.u32 $0x800, s12;
	s15 =	sand.u32 $0x380, s11;
	[tilespmem:v15+s5+$0x0] =	vst.idx.add.f32.msk $0xffff, v11  }
0x197: {  	s14 =	sor.u32 s15, s14;
	v18 =	vshll.u32 v12, $0x7;
	[tilespmem:v16+s5+$0x0] =	vst.idx.add.f32.msk $0xffff, v10  }
0x198: {  	v20 =	vor.u32 v0, v18;
	v19 =	vld [tilespmem:s14+$0x1E0]  }
0x199: {  	v21 =	vor.u32 v2, v18;
	v10 =	vld [tilespmem:s14+$0x5F0]  }
0x19a: {  	v12 =	vld [tilespmem:s14+$0x5C0]  }
0x19b: {  	v11 =	vld [tilespmem:s14+$0x5E0]  }
0x19c: {  	v22 =	vld [tilespmem:s14+$0x5B0]  }
0x19d: {  	v23 =	vld [tilespmem:s14+$0x5A0]  }
0x19e: {  	v24 =	vld [tilespmem:s14+$0x590]  }
0x19f: {  	v25 =	vld [tilespmem:s14+$0x1F0]  }
0x1a0: {  	v26 =	vld [tilespmem:s14+$0x1B0]  }
0x1a1: {  	v16 =	vld [tilespmem:s14+$0x190]  }
0x1a2: {  	v27 =	vld [tilespmem:s14+$0x1A0]  }
0x1a3: {  	v15 =	vld [tilespmem:s14+$0x180]  }
0x1a4: {  	v29 =	vor.u32 v3, v18;
	v28 =	vld [tilespmem:s14+$0x1D0]  }
0x1a5: {  	v31 =	vor.u32 v4, v18;
	v30 =	vld [tilespmem:s14+$0x580]  }
0x1a6: {  	v17 =	vor.u32 v5, v18;
	v13 =	vld [tilespmem:s14+$0x5D0]  }
0x1a7: {  	v14 =	vor.u32 v6, v18;
	v32 =	vld [tilespmem:s14+$0x1C0]  }
0x1a8: {  	[tilespmem:v20+s3+$0x0] =	vst.idx.add.f32.msk $0xffff, v15;
	v15 =	vor.u32 v7, v18  }
0x1a9: {  	[tilespmem:v21+s3+$0x0] =	vst.idx.add.f32.msk $0xffff, v16;
	v16 =	vor.u32 v8, v18  }
0x1aa: {  	[tilespmem:v29+s3+$0x0] =	vst.idx.add.f32.msk $0xffff, v27  }
0x1ab: {  	[tilespmem:v31+s3+$0x0] =	vst.idx.add.f32.msk $0xffff, v26  }
0x1ac: {  	[tilespmem:v17+s3+$0x0] =	vst.idx.add.f32.msk $0xffff, v32  }
0x1ad: {  	[tilespmem:v14+s3+$0x0] =	vst.idx.add.f32.msk $0xffff, v28  }
0x1ae: {  	[tilespmem:v15+s3+$0x0] =	vst.idx.add.f32.msk $0xffff, v19  }
.Ltmp5:
0x1af: {  	[tilespmem:v16+s3+$0x0] =	vst.idx.add.f32.msk $0xffff, v25;
	(pc) =	sbr.rel @p0 .LBB2_12-.Ltmp5, $4  }
0x1b0: {  	[tilespmem:v20+s5+$0x0] =	vst.idx.add.f32.msk $0xffff, v30  }
0x1b1: {  	[tilespmem:v21+s5+$0x0] =	vst.idx.add.f32.msk $0xffff, v24  }
0x1b2: {  	[tilespmem:v29+s5+$0x0] =	vst.idx.add.f32.msk $0xffff, v23  }
0x1b3: {  	s14 =	smov.u32 s13;
	[tilespmem:v31+s5+$0x0] =	vst.idx.add.f32.msk $0xffff, v22  }
0x1b4: {  	_ =	sdelay $0x3  }
0x1b5: {  	[tilespmem:v17+s5+$0x0] =	vst.idx.add.f32.msk $0xffff, v12  }
0x1b6: {  	[tilespmem:v14+s5+$0x0] =	vst.idx.add.f32.msk $0xffff, v13  }
0x1b7: {  	[tilespmem:v15+s5+$0x0] =	vst.idx.add.f32.msk $0xffff, v11  }
0x1b8: {  	s11 =	simm.s32 $0x0;
	s12 =	rddreg [dreg:$0xc];
	[tilespmem:v16+s5+$0x0] =	vst.idx.add.f32.msk $0xffff, v10  }
0x1b9: {  	[tilespmem:s29], [sflag:$0x2] =	stream.linear.gather [hbm4b:s12+s11], $0x1000, $0x38;
	[tilespmem:$0x15180] =	vst v63  }
0x1ba: {  	_ =	swait.ge [sflag:s6], $0x1000  }
0x1bb: {  	[sflag:s6] =	ssyncset.done $0x0  }
0x1bc: {  	s15 =	sand.u32 $0x800, s11;
	s13 =	sand.u32 $0x380, s11;
	[sflag:s6] =	ssyncadd.s32 $0xFFFFF000  }
0x1bd: {  	s12 =	sor.u32 s13, s15;
	v9 =	vld [tilespmem:$0x50]  }
0x1be: {  	v18 =	vld [tilespmem:s12+$0x11E0]  }
0x1bf: {  	v10 =	vld [tilespmem:s12+$0x15F0]  }
0x1c0: {  	v12 =	vld [tilespmem:s12+$0x15C0]  }
0x1c1: {  	v11 =	vld [tilespmem:s12+$0x15E0]  }
0x1c2: {  	v19 =	vld [tilespmem:s12+$0x15B0]  }
0x1c3: {  	v20 =	vld [tilespmem:s12+$0x15A0]  }
0x1c4: {  	v21 =	vld [tilespmem:s12+$0x1590]  }
0x1c5: {  	v13 =	vmov s11;
	v22 =	vld [tilespmem:s12+$0x11F0]  }
0x1c6: {  	v23 =	vld [tilespmem:s12+$0x11B0];
	v13 =	vperm.xlane v9, v13  }
0x1c7: {  	v16 =	vld [tilespmem:s12+$0x1190]  }
0x1c8: {  	v25 =	vld [tilespmem:s12+$0x11A0];
	v24 =	vshll.u32 v13, $0x7  }
0x1c9: {  	v15 =	vld [tilespmem:s12+$0x1180];
	v26 =	vor.u32 v0, v24  }
0x1ca: {  	v28 =	vld [tilespmem:s12+$0x11D0];
	v27 =	vor.u32 v2, v24  }
0x1cb: {  	v30 =	vld [tilespmem:s12+$0x1580];
	v29 =	vor.u32 v3, v24  }
0x1cc: {  	v32 =	vld [tilespmem:s12+$0x11C0];
	v31 =	vor.u32 v4, v24  }
0x1cd: {  	v13 =	vld [tilespmem:s12+$0x15D0];
	v17 =	vor.u32 v5, v24  }
0x1ce: {  	v14 =	vor.u32 v6, v24;
	[tilespmem:v26+s3+$0x0] =	vst.idx.add.f32.msk $0xffff, v15  }
0x1cf: {  	v15 =	vor.u32 v7, v24;
	[tilespmem:v27+s3+$0x0] =	vst.idx.add.f32.msk $0xffff, v16  }
0x1d0: {  	v16 =	vor.u32 v8, v24;
	[tilespmem:v29+s3+$0x0] =	vst.idx.add.f32.msk $0xffff, v25  }
0x1d1: {  	[tilespmem:v31+s3+$0x0] =	vst.idx.add.f32.msk $0xffff, v23  }
0x1d2: {  	[tilespmem:v17+s3+$0x0] =	vst.idx.add.f32.msk $0xffff, v32  }
0x1d3: {  	[tilespmem:v14+s3+$0x0] =	vst.idx.add.f32.msk $0xffff, v28  }
0x1d4: {  	[tilespmem:v15+s3+$0x0] =	vst.idx.add.f32.msk $0xffff, v18  }
0x1d5: {  	[tilespmem:v16+s3+$0x0] =	vst.idx.add.f32.msk $0xffff, v22  }
0x1d6: {  	[tilespmem:v26+s5+$0x0] =	vst.idx.add.f32.msk $0xffff, v30  }
0x1d7: {  	[tilespmem:v27+s5+$0x0] =	vst.idx.add.f32.msk $0xffff, v21  }
0x1d8: {  	[tilespmem:v29+s5+$0x0] =	vst.idx.add.f32.msk $0xffff, v20  }
0x1d9: {  	s14 =	simm.s32 $0x1;
	s12 =	simm.s32 $0x0;
	[tilespmem:v31+s5+$0x0] =	vst.idx.add.f32.msk $0xffff, v19  }
.LBB2_14:
0x1da: {  	s13 =	smov.u32 s14  }
0x1db: {  	v18 =	vmov s14;
	[tilespmem:v17+s5+$0x0] =	vst.idx.add.f32.msk $0xffff, v12;
	s11 =	sadd.s32 $0x80, s11;
	s12 =	sadd.s32 $0x100, s12;
	s13 =	sadd.s32 $0x1, s14  }
0x1dc: {  	p0 =	sne.s32 s14, $0xF;
	v12 =	vperm.xlane v9, v18;
	[tilespmem:v14+s5+$0x0] =	vst.idx.add.f32.msk $0xffff, v13  }
0x1dd: {  	s14 =	sand.u32 $0x800, s12;
	s15 =	sand.u32 $0x380, s11;
	[tilespmem:v15+s5+$0x0] =	vst.idx.add.f32.msk $0xffff, v11  }
0x1de: {  	s14 =	sor.u32 s15, s14;
	v18 =	vshll.u32 v12, $0x7;
	[tilespmem:v16+s5+$0x0] =	vst.idx.add.f32.msk $0xffff, v10  }
0x1df: {  	v20 =	vor.u32 v0, v18;
	v19 =	vld [tilespmem:s14+$0x11E0]  }
0x1e0: {  	v21 =	vor.u32 v2, v18;
	v10 =	vld [tilespmem:s14+$0x15F0]  }
0x1e1: {  	v12 =	vld [tilespmem:s14+$0x15C0]  }
0x1e2: {  	v11 =	vld [tilespmem:s14+$0x15E0]  }
0x1e3: {  	v22 =	vld [tilespmem:s14+$0x15B0]  }
0x1e4: {  	v23 =	vld [tilespmem:s14+$0x15A0]  }
0x1e5: {  	v24 =	vld [tilespmem:s14+$0x1590]  }
0x1e6: {  	v25 =	vld [tilespmem:s14+$0x11F0]  }
0x1e7: {  	v26 =	vld [tilespmem:s14+$0x11B0]  }
0x1e8: {  	v16 =	vld [tilespmem:s14+$0x1190]  }
0x1e9: {  	v27 =	vld [tilespmem:s14+$0x11A0]  }
0x1ea: {  	v15 =	vld [tilespmem:s14+$0x1180]  }
0x1eb: {  	v29 =	vor.u32 v3, v18;
	v28 =	vld [tilespmem:s14+$0x11D0]  }
0x1ec: {  	v31 =	vor.u32 v4, v18;
	v30 =	vld [tilespmem:s14+$0x1580]  }
0x1ed: {  	v17 =	vor.u32 v5, v18;
	v13 =	vld [tilespmem:s14+$0x15D0]  }
0x1ee: {  	v14 =	vor.u32 v6, v18;
	v32 =	vld [tilespmem:s14+$0x11C0]  }
0x1ef: {  	[tilespmem:v20+s3+$0x0] =	vst.idx.add.f32.msk $0xffff, v15;
	v15 =	vor.u32 v7, v18  }
0x1f0: {  	[tilespmem:v21+s3+$0x0] =	vst.idx.add.f32.msk $0xffff, v16;
	v16 =	vor.u32 v8, v18  }
0x1f1: {  	[tilespmem:v29+s3+$0x0] =	vst.idx.add.f32.msk $0xffff, v27  }
0x1f2: {  	[tilespmem:v31+s3+$0x0] =	vst.idx.add.f32.msk $0xffff, v26  }
0x1f3: {  	[tilespmem:v17+s3+$0x0] =	vst.idx.add.f32.msk $0xffff, v32  }
0x1f4: {  	[tilespmem:v14+s3+$0x0] =	vst.idx.add.f32.msk $0xffff, v28  }
0x1f5: {  	[tilespmem:v15+s3+$0x0] =	vst.idx.add.f32.msk $0xffff, v19  }
.Ltmp6:
0x1f6: {  	[tilespmem:v16+s3+$0x0] =	vst.idx.add.f32.msk $0xffff, v25;
	(pc) =	sbr.rel @p0 .LBB2_14-.Ltmp6, $4  }
0x1f7: {  	[tilespmem:v20+s5+$0x0] =	vst.idx.add.f32.msk $0xffff, v30  }
0x1f8: {  	[tilespmem:v21+s5+$0x0] =	vst.idx.add.f32.msk $0xffff, v24  }
0x1f9: {  	[tilespmem:v29+s5+$0x0] =	vst.idx.add.f32.msk $0xffff, v23  }
0x1fa: {  	s14 =	smov.u32 s13;
	[tilespmem:v31+s5+$0x0] =	vst.idx.add.f32.msk $0xffff, v22  }
0x1fb: {  	_ =	sdelay $0x3  }
0x1fc: {  	[tilespmem:v17+s5+$0x0] =	vst.idx.add.f32.msk $0xffff, v12  }
0x1fd: {  	[tilespmem:v14+s5+$0x0] =	vst.idx.add.f32.msk $0xffff, v13  }
0x1fe: {  	[tilespmem:v15+s5+$0x0] =	vst.idx.add.f32.msk $0xffff, v11  }
0x1ff: {  	s11 =	simm.s32 $0x0;
	s12 =	rddreg [dreg:$0xd];
	[tilespmem:v16+s5+$0x0] =	vst.idx.add.f32.msk $0xffff, v10  }
0x200: {  	[tilespmem:s30], [sflag:$0x3] =	stream.linear.gather [hbm4b:s12+s11], $0x1000, $0x38;
	[tilespmem:$0x15180] =	vst v63  }
0x201: {  	_ =	swait.ge [sflag:s7], $0x1000  }
0x202: {  	[sflag:s7] =	ssyncset.done $0x0  }
0x203: {  	s15 =	sand.u32 $0x800, s11;
	s13 =	sand.u32 $0x380, s11;
	[sflag:s7] =	ssyncadd.s32 $0xFFFFF000  }
0x204: {  	s12 =	sor.u32 s13, s15;
	v9 =	vld [tilespmem:$0x60]  }
0x205: {  	v18 =	vld [tilespmem:s12+$0x21E0]  }
0x206: {  	v10 =	vld [tilespmem:s12+$0x25F0]  }
0x207: {  	v12 =	vld [tilespmem:s12+$0x25C0]  }
0x208: {  	v11 =	vld [tilespmem:s12+$0x25E0]  }
0x209: {  	v19 =	vld [tilespmem:s12+$0x25B0]  }
0x20a: {  	v20 =	vld [tilespmem:s12+$0x25A0]  }
0x20b: {  	v21 =	vld [tilespmem:s12+$0x2590]  }
0x20c: {  	v13 =	vmov s11;
	v22 =	vld [tilespmem:s12+$0x21F0]  }
0x20d: {  	v23 =	vld [tilespmem:s12+$0x21B0];
	v13 =	vperm.xlane v9, v13  }
0x20e: {  	v16 =	vld [tilespmem:s12+$0x2190]  }
0x20f: {  	v25 =	vld [tilespmem:s12+$0x21A0];
	v24 =	vshll.u32 v13, $0x7  }
0x210: {  	v15 =	vld [tilespmem:s12+$0x2180];
	v26 =	vor.u32 v0, v24  }
0x211: {  	v28 =	vld [tilespmem:s12+$0x21D0];
	v27 =	vor.u32 v2, v24  }
0x212: {  	v30 =	vld [tilespmem:s12+$0x2580];
	v29 =	vor.u32 v3, v24  }
0x213: {  	v32 =	vld [tilespmem:s12+$0x21C0];
	v31 =	vor.u32 v4, v24  }
0x214: {  	v13 =	vld [tilespmem:s12+$0x25D0];
	v17 =	vor.u32 v5, v24  }
0x215: {  	v14 =	vor.u32 v6, v24;
	[tilespmem:v26+s3+$0x0] =	vst.idx.add.f32.msk $0xffff, v15  }
0x216: {  	v15 =	vor.u32 v7, v24;
	[tilespmem:v27+s3+$0x0] =	vst.idx.add.f32.msk $0xffff, v16  }
0x217: {  	v16 =	vor.u32 v8, v24;
	[tilespmem:v29+s3+$0x0] =	vst.idx.add.f32.msk $0xffff, v25  }
0x218: {  	[tilespmem:v31+s3+$0x0] =	vst.idx.add.f32.msk $0xffff, v23  }
0x219: {  	[tilespmem:v17+s3+$0x0] =	vst.idx.add.f32.msk $0xffff, v32  }
0x21a: {  	[tilespmem:v14+s3+$0x0] =	vst.idx.add.f32.msk $0xffff, v28  }
0x21b: {  	[tilespmem:v15+s3+$0x0] =	vst.idx.add.f32.msk $0xffff, v18  }
0x21c: {  	[tilespmem:v16+s3+$0x0] =	vst.idx.add.f32.msk $0xffff, v22  }
0x21d: {  	[tilespmem:v26+s5+$0x0] =	vst.idx.add.f32.msk $0xffff, v30  }
0x21e: {  	[tilespmem:v27+s5+$0x0] =	vst.idx.add.f32.msk $0xffff, v21  }
0x21f: {  	[tilespmem:v29+s5+$0x0] =	vst.idx.add.f32.msk $0xffff, v20  }
0x220: {  	s14 =	simm.s32 $0x1;
	s12 =	simm.s32 $0x0;
	[tilespmem:v31+s5+$0x0] =	vst.idx.add.f32.msk $0xffff, v19  }
.LBB2_16:
0x221: {  	s13 =	smov.u32 s14  }
0x222: {  	v18 =	vmov s14;
	[tilespmem:v17+s5+$0x0] =	vst.idx.add.f32.msk $0xffff, v12;
	s11 =	sadd.s32 $0x80, s11;
	s12 =	sadd.s32 $0x100, s12;
	s13 =	sadd.s32 $0x1, s14  }
0x223: {  	p0 =	sne.s32 s14, $0xF;
	v12 =	vperm.xlane v9, v18;
	[tilespmem:v14+s5+$0x0] =	vst.idx.add.f32.msk $0xffff, v13  }
0x224: {  	s14 =	sand.u32 $0x800, s12;
	s15 =	sand.u32 $0x380, s11;
	[tilespmem:v15+s5+$0x0] =	vst.idx.add.f32.msk $0xffff, v11  }
0x225: {  	s14 =	sor.u32 s15, s14;
	v18 =	vshll.u32 v12, $0x7;
	[tilespmem:v16+s5+$0x0] =	vst.idx.add.f32.msk $0xffff, v10  }
0x226: {  	v20 =	vor.u32 v0, v18;
	v19 =	vld [tilespmem:s14+$0x21E0]  }
0x227: {  	v21 =	vor.u32 v2, v18;
	v10 =	vld [tilespmem:s14+$0x25F0]  }
0x228: {  	v12 =	vld [tilespmem:s14+$0x25C0]  }
0x229: {  	v11 =	vld [tilespmem:s14+$0x25E0]  }
0x22a: {  	v22 =	vld [tilespmem:s14+$0x25B0]  }
0x22b: {  	v23 =	vld [tilespmem:s14+$0x25A0]  }
0x22c: {  	v24 =	vld [tilespmem:s14+$0x2590]  }
0x22d: {  	v25 =	vld [tilespmem:s14+$0x21F0]  }
0x22e: {  	v26 =	vld [tilespmem:s14+$0x21B0]  }
0x22f: {  	v16 =	vld [tilespmem:s14+$0x2190]  }
0x230: {  	v27 =	vld [tilespmem:s14+$0x21A0]  }
0x231: {  	v15 =	vld [tilespmem:s14+$0x2180]  }
0x232: {  	v29 =	vor.u32 v3, v18;
	v28 =	vld [tilespmem:s14+$0x21D0]  }
0x233: {  	v31 =	vor.u32 v4, v18;
	v30 =	vld [tilespmem:s14+$0x2580]  }
0x234: {  	v17 =	vor.u32 v5, v18;
	v13 =	vld [tilespmem:s14+$0x25D0]  }
0x235: {  	v14 =	vor.u32 v6, v18;
	v32 =	vld [tilespmem:s14+$0x21C0]  }
0x236: {  	[tilespmem:v20+s3+$0x0] =	vst.idx.add.f32.msk $0xffff, v15;
	v15 =	vor.u32 v7, v18  }
0x237: {  	[tilespmem:v21+s3+$0x0] =	vst.idx.add.f32.msk $0xffff, v16;
	v16 =	vor.u32 v8, v18  }
0x238: {  	[tilespmem:v29+s3+$0x0] =	vst.idx.add.f32.msk $0xffff, v27  }
0x239: {  	[tilespmem:v31+s3+$0x0] =	vst.idx.add.f32.msk $0xffff, v26  }
0x23a: {  	[tilespmem:v17+s3+$0x0] =	vst.idx.add.f32.msk $0xffff, v32  }
0x23b: {  	[tilespmem:v14+s3+$0x0] =	vst.idx.add.f32.msk $0xffff, v28  }
0x23c: {  	[tilespmem:v15+s3+$0x0] =	vst.idx.add.f32.msk $0xffff, v19  }
.Ltmp7:
0x23d: {  	[tilespmem:v16+s3+$0x0] =	vst.idx.add.f32.msk $0xffff, v25;
	(pc) =	sbr.rel @p0 .LBB2_16-.Ltmp7, $4  }
0x23e: {  	[tilespmem:v20+s5+$0x0] =	vst.idx.add.f32.msk $0xffff, v30  }
0x23f: {  	[tilespmem:v21+s5+$0x0] =	vst.idx.add.f32.msk $0xffff, v24  }
0x240: {  	[tilespmem:v29+s5+$0x0] =	vst.idx.add.f32.msk $0xffff, v23  }
0x241: {  	s14 =	smov.u32 s13;
	[tilespmem:v31+s5+$0x0] =	vst.idx.add.f32.msk $0xffff, v22  }
0x242: {  	_ =	sdelay $0x3  }
0x243: {  	[tilespmem:v17+s5+$0x0] =	vst.idx.add.f32.msk $0xffff, v12  }
0x244: {  	[tilespmem:v14+s5+$0x0] =	vst.idx.add.f32.msk $0xffff, v13  }
0x245: {  	[tilespmem:v15+s5+$0x0] =	vst.idx.add.f32.msk $0xffff, v11  }
0x246: {  	s11 =	simm.s32 $0x0;
	s12 =	rddreg [dreg:$0xe];
	[tilespmem:v16+s5+$0x0] =	vst.idx.add.f32.msk $0xffff, v10  }
0x247: {  	[tilespmem:s31], [sflag:$0x4] =	stream.linear.gather [hbm4b:s12+s11], $0x1000, $0x38;
	[tilespmem:$0x15180] =	vst v63  }
0x248: {  	_ =	swait.ge [sflag:s8], $0x1000  }
0x249: {  	[sflag:s8] =	ssyncset.done $0x0  }
0x24a: {  	s15 =	sand.u32 $0x800, s11;
	s13 =	sand.u32 $0x380, s11;
	[sflag:s8] =	ssyncadd.s32 $0xFFFFF000  }
0x24b: {  	s12 =	sor.u32 s13, s15;
	v9 =	vld [tilespmem:$0x70]  }
0x24c: {  	v18 =	vld [tilespmem:s12+$0x31E0]  }
0x24d: {  	v10 =	vld [tilespmem:s12+$0x35F0]  }
0x24e: {  	v12 =	vld [tilespmem:s12+$0x35C0]  }
0x24f: {  	v11 =	vld [tilespmem:s12+$0x35E0]  }
0x250: {  	v19 =	vld [tilespmem:s12+$0x35B0]  }
0x251: {  	v20 =	vld [tilespmem:s12+$0x35A0]  }
0x252: {  	v21 =	vld [tilespmem:s12+$0x3590]  }
0x253: {  	v13 =	vmov s11;
	v22 =	vld [tilespmem:s12+$0x31F0]  }
0x254: {  	v23 =	vld [tilespmem:s12+$0x31B0];
	v13 =	vperm.xlane v9, v13  }
0x255: {  	v16 =	vld [tilespmem:s12+$0x3190]  }
0x256: {  	v25 =	vld [tilespmem:s12+$0x31A0];
	v24 =	vshll.u32 v13, $0x7  }
0x257: {  	v15 =	vld [tilespmem:s12+$0x3180];
	v26 =	vor.u32 v0, v24  }
0x258: {  	v28 =	vld [tilespmem:s12+$0x31D0];
	v27 =	vor.u32 v2, v24  }
0x259: {  	v30 =	vld [tilespmem:s12+$0x3580];
	v29 =	vor.u32 v3, v24  }
0x25a: {  	v32 =	vld [tilespmem:s12+$0x31C0];
	v31 =	vor.u32 v4, v24  }
0x25b: {  	v13 =	vld [tilespmem:s12+$0x35D0];
	v17 =	vor.u32 v5, v24  }
0x25c: {  	v14 =	vor.u32 v6, v24;
	[tilespmem:v26+s3+$0x0] =	vst.idx.add.f32.msk $0xffff, v15  }
0x25d: {  	v15 =	vor.u32 v7, v24;
	[tilespmem:v27+s3+$0x0] =	vst.idx.add.f32.msk $0xffff, v16  }
0x25e: {  	v16 =	vor.u32 v8, v24;
	[tilespmem:v29+s3+$0x0] =	vst.idx.add.f32.msk $0xffff, v25  }
0x25f: {  	[tilespmem:v31+s3+$0x0] =	vst.idx.add.f32.msk $0xffff, v23  }
0x260: {  	[tilespmem:v17+s3+$0x0] =	vst.idx.add.f32.msk $0xffff, v32  }
0x261: {  	[tilespmem:v14+s3+$0x0] =	vst.idx.add.f32.msk $0xffff, v28  }
0x262: {  	[tilespmem:v15+s3+$0x0] =	vst.idx.add.f32.msk $0xffff, v18  }
0x263: {  	[tilespmem:v16+s3+$0x0] =	vst.idx.add.f32.msk $0xffff, v22  }
0x264: {  	[tilespmem:v26+s5+$0x0] =	vst.idx.add.f32.msk $0xffff, v30  }
0x265: {  	[tilespmem:v27+s5+$0x0] =	vst.idx.add.f32.msk $0xffff, v21  }
0x266: {  	[tilespmem:v29+s5+$0x0] =	vst.idx.add.f32.msk $0xffff, v20  }
0x267: {  	s14 =	simm.s32 $0x1;
	s12 =	simm.s32 $0x0;
	[tilespmem:v31+s5+$0x0] =	vst.idx.add.f32.msk $0xffff, v19  }
.LBB2_18:
0x268: {  	s13 =	smov.u32 s14  }
0x269: {  	v18 =	vmov s14;
	[tilespmem:v17+s5+$0x0] =	vst.idx.add.f32.msk $0xffff, v12;
	s11 =	sadd.s32 $0x80, s11;
	s12 =	sadd.s32 $0x100, s12;
	s13 =	sadd.s32 $0x1, s14  }
0x26a: {  	p0 =	sne.s32 s14, $0xF;
	v12 =	vperm.xlane v9, v18;
	[tilespmem:v14+s5+$0x0] =	vst.idx.add.f32.msk $0xffff, v13  }
0x26b: {  	s14 =	sand.u32 $0x800, s12;
	s15 =	sand.u32 $0x380, s11;
	[tilespmem:v15+s5+$0x0] =	vst.idx.add.f32.msk $0xffff, v11  }
0x26c: {  	s14 =	sor.u32 s15, s14;
	v18 =	vshll.u32 v12, $0x7;
	[tilespmem:v16+s5+$0x0] =	vst.idx.add.f32.msk $0xffff, v10  }
0x26d: {  	v20 =	vor.u32 v0, v18;
	v19 =	vld [tilespmem:s14+$0x31E0]  }
0x26e: {  	v21 =	vor.u32 v2, v18;
	v10 =	vld [tilespmem:s14+$0x35F0]  }
0x26f: {  	v12 =	vld [tilespmem:s14+$0x35C0]  }
0x270: {  	v11 =	vld [tilespmem:s14+$0x35E0]  }
0x271: {  	v22 =	vld [tilespmem:s14+$0x35B0]  }
0x272: {  	v23 =	vld [tilespmem:s14+$0x35A0]  }
0x273: {  	v24 =	vld [tilespmem:s14+$0x3590]  }
0x274: {  	v25 =	vld [tilespmem:s14+$0x31F0]  }
0x275: {  	v26 =	vld [tilespmem:s14+$0x31B0]  }
0x276: {  	v16 =	vld [tilespmem:s14+$0x3190]  }
0x277: {  	v27 =	vld [tilespmem:s14+$0x31A0]  }
0x278: {  	v15 =	vld [tilespmem:s14+$0x3180]  }
0x279: {  	v29 =	vor.u32 v3, v18;
	v28 =	vld [tilespmem:s14+$0x31D0]  }
0x27a: {  	v31 =	vor.u32 v4, v18;
	v30 =	vld [tilespmem:s14+$0x3580]  }
0x27b: {  	v17 =	vor.u32 v5, v18;
	v13 =	vld [tilespmem:s14+$0x35D0]  }
0x27c: {  	v14 =	vor.u32 v6, v18;
	v32 =	vld [tilespmem:s14+$0x31C0]  }
0x27d: {  	[tilespmem:v20+s3+$0x0] =	vst.idx.add.f32.msk $0xffff, v15;
	v15 =	vor.u32 v7, v18  }
0x27e: {  	[tilespmem:v21+s3+$0x0] =	vst.idx.add.f32.msk $0xffff, v16;
	v16 =	vor.u32 v8, v18  }
0x27f: {  	[tilespmem:v29+s3+$0x0] =	vst.idx.add.f32.msk $0xffff, v27  }
0x280: {  	[tilespmem:v31+s3+$0x0] =	vst.idx.add.f32.msk $0xffff, v26  }
0x281: {  	[tilespmem:v17+s3+$0x0] =	vst.idx.add.f32.msk $0xffff, v32  }
0x282: {  	[tilespmem:v14+s3+$0x0] =	vst.idx.add.f32.msk $0xffff, v28  }
0x283: {  	[tilespmem:v15+s3+$0x0] =	vst.idx.add.f32.msk $0xffff, v19  }
.Ltmp8:
0x284: {  	[tilespmem:v16+s3+$0x0] =	vst.idx.add.f32.msk $0xffff, v25;
	(pc) =	sbr.rel @p0 .LBB2_18-.Ltmp8, $4  }
0x285: {  	[tilespmem:v20+s5+$0x0] =	vst.idx.add.f32.msk $0xffff, v30  }
0x286: {  	[tilespmem:v21+s5+$0x0] =	vst.idx.add.f32.msk $0xffff, v24  }
0x287: {  	[tilespmem:v29+s5+$0x0] =	vst.idx.add.f32.msk $0xffff, v23  }
0x288: {  	s14 =	smov.u32 s13;
	[tilespmem:v31+s5+$0x0] =	vst.idx.add.f32.msk $0xffff, v22  }
0x289: {  	_ =	sdelay $0x3  }
0x28a: {  	[tilespmem:v17+s5+$0x0] =	vst.idx.add.f32.msk $0xffff, v12  }
0x28b: {  	[tilespmem:v14+s5+$0x0] =	vst.idx.add.f32.msk $0xffff, v13  }
0x28c: {  	[tilespmem:v15+s5+$0x0] =	vst.idx.add.f32.msk $0xffff, v11  }
0x28d: {  	s11 =	simm.s32 $0x0;
	s12 =	rddreg [dreg:$0xf];
	[tilespmem:v16+s5+$0x0] =	vst.idx.add.f32.msk $0xffff, v10  }
0x28e: {  	[tilespmem:s28], [sflag:$0x1] =	stream.linear.gather [hbm4b:s12+s11], $0x1000, $0x38;
	[tilespmem:$0x15180] =	vst v63  }
0x28f: {  	_ =	swait.ge [sflag:s0], $0x1000  }
0x290: {  	[sflag:s0] =	ssyncset.done $0x0  }
0x291: {  	s15 =	sand.u32 $0x800, s11;
	s13 =	sand.u32 $0x380, s11;
	[sflag:s0] =	ssyncadd.s32 $0xFFFFF000  }
0x292: {  	s12 =	sor.u32 s13, s15;
	v9 =	vld [tilespmem:$0x80]  }
0x293: {  	v18 =	vld [tilespmem:s12+$0x1E0]  }
0x294: {  	v10 =	vld [tilespmem:s12+$0x5F0]  }
0x295: {  	v12 =	vld [tilespmem:s12+$0x5C0]  }
0x296: {  	v11 =	vld [tilespmem:s12+$0x5E0]  }
0x297: {  	v19 =	vld [tilespmem:s12+$0x5B0]  }
0x298: {  	v20 =	vld [tilespmem:s12+$0x5A0]  }
0x299: {  	v21 =	vld [tilespmem:s12+$0x590]  }
0x29a: {  	v13 =	vmov s11;
	v22 =	vld [tilespmem:s12+$0x1F0]  }
0x29b: {  	v23 =	vld [tilespmem:s12+$0x1B0];
	v13 =	vperm.xlane v9, v13  }
0x29c: {  	v16 =	vld [tilespmem:s12+$0x190]  }
0x29d: {  	v25 =	vld [tilespmem:s12+$0x1A0];
	v24 =	vshll.u32 v13, $0x7  }
0x29e: {  	v15 =	vld [tilespmem:s12+$0x180];
	v26 =	vor.u32 v0, v24  }
0x29f: {  	v28 =	vld [tilespmem:s12+$0x1D0];
	v27 =	vor.u32 v2, v24  }
0x2a0: {  	v30 =	vld [tilespmem:s12+$0x580];
	v29 =	vor.u32 v3, v24  }
0x2a1: {  	v32 =	vld [tilespmem:s12+$0x1C0];
	v31 =	vor.u32 v4, v24  }
0x2a2: {  	v13 =	vld [tilespmem:s12+$0x5D0];
	v17 =	vor.u32 v5, v24  }
0x2a3: {  	v14 =	vor.u32 v6, v24;
	[tilespmem:v26+s3+$0x0] =	vst.idx.add.f32.msk $0xffff, v15  }
0x2a4: {  	v15 =	vor.u32 v7, v24;
	[tilespmem:v27+s3+$0x0] =	vst.idx.add.f32.msk $0xffff, v16  }
0x2a5: {  	v16 =	vor.u32 v8, v24;
	[tilespmem:v29+s3+$0x0] =	vst.idx.add.f32.msk $0xffff, v25  }
0x2a6: {  	[tilespmem:v31+s3+$0x0] =	vst.idx.add.f32.msk $0xffff, v23  }
0x2a7: {  	[tilespmem:v17+s3+$0x0] =	vst.idx.add.f32.msk $0xffff, v32  }
0x2a8: {  	[tilespmem:v14+s3+$0x0] =	vst.idx.add.f32.msk $0xffff, v28  }
0x2a9: {  	[tilespmem:v15+s3+$0x0] =	vst.idx.add.f32.msk $0xffff, v18  }
0x2aa: {  	[tilespmem:v16+s3+$0x0] =	vst.idx.add.f32.msk $0xffff, v22  }
0x2ab: {  	[tilespmem:v26+s5+$0x0] =	vst.idx.add.f32.msk $0xffff, v30  }
0x2ac: {  	[tilespmem:v27+s5+$0x0] =	vst.idx.add.f32.msk $0xffff, v21  }
0x2ad: {  	[tilespmem:v29+s5+$0x0] =	vst.idx.add.f32.msk $0xffff, v20  }
0x2ae: {  	s14 =	simm.s32 $0x1;
	s12 =	simm.s32 $0x0;
	[tilespmem:v31+s5+$0x0] =	vst.idx.add.f32.msk $0xffff, v19  }
.LBB2_20:
0x2af: {  	s13 =	smov.u32 s14  }
0x2b0: {  	v18 =	vmov s14;
	[tilespmem:v17+s5+$0x0] =	vst.idx.add.f32.msk $0xffff, v12;
	s11 =	sadd.s32 $0x80, s11;
	s12 =	sadd.s32 $0x100, s12;
	s13 =	sadd.s32 $0x1, s14  }
0x2b1: {  	p0 =	sne.s32 s14, $0xF;
	v12 =	vperm.xlane v9, v18;
	[tilespmem:v14+s5+$0x0] =	vst.idx.add.f32.msk $0xffff, v13  }
0x2b2: {  	s14 =	sand.u32 $0x800, s12;
	s15 =	sand.u32 $0x380, s11;
	[tilespmem:v15+s5+$0x0] =	vst.idx.add.f32.msk $0xffff, v11  }
0x2b3: {  	s14 =	sor.u32 s15, s14;
	v18 =	vshll.u32 v12, $0x7;
	[tilespmem:v16+s5+$0x0] =	vst.idx.add.f32.msk $0xffff, v10  }
0x2b4: {  	v20 =	vor.u32 v0, v18;
	v19 =	vld [tilespmem:s14+$0x1E0]  }
0x2b5: {  	v21 =	vor.u32 v2, v18;
	v10 =	vld [tilespmem:s14+$0x5F0]  }
0x2b6: {  	v12 =	vld [tilespmem:s14+$0x5C0]  }
0x2b7: {  	v11 =	vld [tilespmem:s14+$0x5E0]  }
0x2b8: {  	v22 =	vld [tilespmem:s14+$0x5B0]  }
0x2b9: {  	v23 =	vld [tilespmem:s14+$0x5A0]  }
0x2ba: {  	v24 =	vld [tilespmem:s14+$0x590]  }
0x2bb: {  	v25 =	vld [tilespmem:s14+$0x1F0]  }
0x2bc: {  	v26 =	vld [tilespmem:s14+$0x1B0]  }
0x2bd: {  	v16 =	vld [tilespmem:s14+$0x190]  }
0x2be: {  	v27 =	vld [tilespmem:s14+$0x1A0]  }
0x2bf: {  	v15 =	vld [tilespmem:s14+$0x180]  }
0x2c0: {  	v29 =	vor.u32 v3, v18;
	v28 =	vld [tilespmem:s14+$0x1D0]  }
0x2c1: {  	v31 =	vor.u32 v4, v18;
	v30 =	vld [tilespmem:s14+$0x580]  }
0x2c2: {  	v17 =	vor.u32 v5, v18;
	v13 =	vld [tilespmem:s14+$0x5D0]  }
0x2c3: {  	v14 =	vor.u32 v6, v18;
	v32 =	vld [tilespmem:s14+$0x1C0]  }
0x2c4: {  	[tilespmem:v20+s3+$0x0] =	vst.idx.add.f32.msk $0xffff, v15;
	v15 =	vor.u32 v7, v18  }
0x2c5: {  	[tilespmem:v21+s3+$0x0] =	vst.idx.add.f32.msk $0xffff, v16;
	v16 =	vor.u32 v8, v18  }
0x2c6: {  	[tilespmem:v29+s3+$0x0] =	vst.idx.add.f32.msk $0xffff, v27  }
0x2c7: {  	[tilespmem:v31+s3+$0x0] =	vst.idx.add.f32.msk $0xffff, v26  }
0x2c8: {  	[tilespmem:v17+s3+$0x0] =	vst.idx.add.f32.msk $0xffff, v32  }
0x2c9: {  	[tilespmem:v14+s3+$0x0] =	vst.idx.add.f32.msk $0xffff, v28  }
0x2ca: {  	[tilespmem:v15+s3+$0x0] =	vst.idx.add.f32.msk $0xffff, v19  }
.Ltmp9:
0x2cb: {  	[tilespmem:v16+s3+$0x0] =	vst.idx.add.f32.msk $0xffff, v25;
	(pc) =	sbr.rel @p0 .LBB2_20-.Ltmp9, $4  }
0x2cc: {  	[tilespmem:v20+s5+$0x0] =	vst.idx.add.f32.msk $0xffff, v30  }
0x2cd: {  	[tilespmem:v21+s5+$0x0] =	vst.idx.add.f32.msk $0xffff, v24  }
0x2ce: {  	[tilespmem:v29+s5+$0x0] =	vst.idx.add.f32.msk $0xffff, v23  }
0x2cf: {  	s14 =	smov.u32 s13;
	[tilespmem:v31+s5+$0x0] =	vst.idx.add.f32.msk $0xffff, v22  }
0x2d0: {  	_ =	sdelay $0x3  }
0x2d1: {  	[tilespmem:v17+s5+$0x0] =	vst.idx.add.f32.msk $0xffff, v12  }
0x2d2: {  	[tilespmem:v14+s5+$0x0] =	vst.idx.add.f32.msk $0xffff, v13  }
0x2d3: {  	[tilespmem:v15+s5+$0x0] =	vst.idx.add.f32.msk $0xffff, v11  }
0x2d4: {  	s11 =	simm.s32 $0x0;
	[tilespmem:v16+s5+$0x0] =	vst.idx.add.f32.msk $0xffff, v10  }
0x2d5: {  	[tilespmem:s29], [sflag:$0x2] =	stream.linear.gather [hbm4b:s16+s11], $0x1000, $0x38;
	[tilespmem:$0x15180] =	vst v63  }
0x2d6: {  	_ =	swait.ge [sflag:s6], $0x1000  }
0x2d7: {  	[sflag:s6] =	ssyncset.done $0x0  }
0x2d8: {  	s12 =	sand.u32 $0x800, s11;
	s13 =	sand.u32 $0x380, s11;
	[sflag:s6] =	ssyncadd.s32 $0xFFFFF000  }
0x2d9: {  	s12 =	sor.u32 s13, s12;
	v9 =	vld [tilespmem:$0x90]  }
0x2da: {  	v18 =	vld [tilespmem:s12+$0x11E0]  }
0x2db: {  	v10 =	vld [tilespmem:s12+$0x15F0]  }
0x2dc: {  	v12 =	vld [tilespmem:s12+$0x15C0]  }
0x2dd: {  	v11 =	vld [tilespmem:s12+$0x15E0]  }
0x2de: {  	v19 =	vld [tilespmem:s12+$0x15B0]  }
0x2df: {  	v20 =	vld [tilespmem:s12+$0x15A0]  }
0x2e0: {  	v21 =	vld [tilespmem:s12+$0x1590]  }
0x2e1: {  	v13 =	vmov s11;
	v22 =	vld [tilespmem:s12+$0x11F0]  }
0x2e2: {  	v23 =	vld [tilespmem:s12+$0x11B0];
	v13 =	vperm.xlane v9, v13  }
0x2e3: {  	v16 =	vld [tilespmem:s12+$0x1190]  }
0x2e4: {  	v25 =	vld [tilespmem:s12+$0x11A0];
	v24 =	vshll.u32 v13, $0x7  }
0x2e5: {  	v15 =	vld [tilespmem:s12+$0x1180];
	v26 =	vor.u32 v0, v24  }
0x2e6: {  	v28 =	vld [tilespmem:s12+$0x11D0];
	v27 =	vor.u32 v2, v24  }
0x2e7: {  	v30 =	vld [tilespmem:s12+$0x1580];
	v29 =	vor.u32 v3, v24  }
0x2e8: {  	v32 =	vld [tilespmem:s12+$0x11C0];
	v31 =	vor.u32 v4, v24  }
0x2e9: {  	v13 =	vld [tilespmem:s12+$0x15D0];
	v17 =	vor.u32 v5, v24  }
0x2ea: {  	v14 =	vor.u32 v6, v24;
	[tilespmem:v26+s3+$0x0] =	vst.idx.add.f32.msk $0xffff, v15  }
0x2eb: {  	v15 =	vor.u32 v7, v24;
	[tilespmem:v27+s3+$0x0] =	vst.idx.add.f32.msk $0xffff, v16  }
0x2ec: {  	v16 =	vor.u32 v8, v24;
	[tilespmem:v29+s3+$0x0] =	vst.idx.add.f32.msk $0xffff, v25  }
0x2ed: {  	[tilespmem:v31+s3+$0x0] =	vst.idx.add.f32.msk $0xffff, v23  }
0x2ee: {  	[tilespmem:v17+s3+$0x0] =	vst.idx.add.f32.msk $0xffff, v32  }
0x2ef: {  	[tilespmem:v14+s3+$0x0] =	vst.idx.add.f32.msk $0xffff, v28  }
0x2f0: {  	[tilespmem:v15+s3+$0x0] =	vst.idx.add.f32.msk $0xffff, v18  }
0x2f1: {  	[tilespmem:v16+s3+$0x0] =	vst.idx.add.f32.msk $0xffff, v22  }
0x2f2: {  	[tilespmem:v26+s5+$0x0] =	vst.idx.add.f32.msk $0xffff, v30  }
0x2f3: {  	[tilespmem:v27+s5+$0x0] =	vst.idx.add.f32.msk $0xffff, v21  }
0x2f4: {  	[tilespmem:v29+s5+$0x0] =	vst.idx.add.f32.msk $0xffff, v20  }
0x2f5: {  	s14 =	simm.s32 $0x1;
	s12 =	simm.s32 $0x0;
	[tilespmem:v31+s5+$0x0] =	vst.idx.add.f32.msk $0xffff, v19  }
.LBB2_22:
0x2f6: {  	s13 =	smov.u32 s14  }
0x2f7: {  	v18 =	vmov s14;
	[tilespmem:v17+s5+$0x0] =	vst.idx.add.f32.msk $0xffff, v12;
	s11 =	sadd.s32 $0x80, s11;
	s12 =	sadd.s32 $0x100, s12;
	s13 =	sadd.s32 $0x1, s14  }
0x2f8: {  	p0 =	sne.s32 s14, $0xF;
	v12 =	vperm.xlane v9, v18;
	[tilespmem:v14+s5+$0x0] =	vst.idx.add.f32.msk $0xffff, v13  }
0x2f9: {  	s14 =	sand.u32 $0x800, s12;
	s15 =	sand.u32 $0x380, s11;
	[tilespmem:v15+s5+$0x0] =	vst.idx.add.f32.msk $0xffff, v11  }
0x2fa: {  	s14 =	sor.u32 s15, s14;
	v18 =	vshll.u32 v12, $0x7;
	[tilespmem:v16+s5+$0x0] =	vst.idx.add.f32.msk $0xffff, v10  }
0x2fb: {  	v20 =	vor.u32 v0, v18;
	v19 =	vld [tilespmem:s14+$0x11E0]  }
0x2fc: {  	v21 =	vor.u32 v2, v18;
	v10 =	vld [tilespmem:s14+$0x15F0]  }
0x2fd: {  	v12 =	vld [tilespmem:s14+$0x15C0]  }
0x2fe: {  	v11 =	vld [tilespmem:s14+$0x15E0]  }
0x2ff: {  	v22 =	vld [tilespmem:s14+$0x15B0]  }
0x300: {  	v23 =	vld [tilespmem:s14+$0x15A0]  }
0x301: {  	v24 =	vld [tilespmem:s14+$0x1590]  }
0x302: {  	v25 =	vld [tilespmem:s14+$0x11F0]  }
0x303: {  	v26 =	vld [tilespmem:s14+$0x11B0]  }
0x304: {  	v16 =	vld [tilespmem:s14+$0x1190]  }
0x305: {  	v27 =	vld [tilespmem:s14+$0x11A0]  }
0x306: {  	v15 =	vld [tilespmem:s14+$0x1180]  }
0x307: {  	v29 =	vor.u32 v3, v18;
	v28 =	vld [tilespmem:s14+$0x11D0]  }
0x308: {  	v31 =	vor.u32 v4, v18;
	v30 =	vld [tilespmem:s14+$0x1580]  }
0x309: {  	v17 =	vor.u32 v5, v18;
	v13 =	vld [tilespmem:s14+$0x15D0]  }
0x30a: {  	v14 =	vor.u32 v6, v18;
	v32 =	vld [tilespmem:s14+$0x11C0]  }
0x30b: {  	[tilespmem:v20+s3+$0x0] =	vst.idx.add.f32.msk $0xffff, v15;
	v15 =	vor.u32 v7, v18  }
0x30c: {  	[tilespmem:v21+s3+$0x0] =	vst.idx.add.f32.msk $0xffff, v16;
	v16 =	vor.u32 v8, v18  }
0x30d: {  	[tilespmem:v29+s3+$0x0] =	vst.idx.add.f32.msk $0xffff, v27  }
0x30e: {  	[tilespmem:v31+s3+$0x0] =	vst.idx.add.f32.msk $0xffff, v26  }
0x30f: {  	[tilespmem:v17+s3+$0x0] =	vst.idx.add.f32.msk $0xffff, v32  }
0x310: {  	[tilespmem:v14+s3+$0x0] =	vst.idx.add.f32.msk $0xffff, v28  }
0x311: {  	[tilespmem:v15+s3+$0x0] =	vst.idx.add.f32.msk $0xffff, v19  }
.Ltmp10:
0x312: {  	[tilespmem:v16+s3+$0x0] =	vst.idx.add.f32.msk $0xffff, v25;
	(pc) =	sbr.rel @p0 .LBB2_22-.Ltmp10, $4  }
0x313: {  	[tilespmem:v20+s5+$0x0] =	vst.idx.add.f32.msk $0xffff, v30  }
0x314: {  	[tilespmem:v21+s5+$0x0] =	vst.idx.add.f32.msk $0xffff, v24  }
0x315: {  	[tilespmem:v29+s5+$0x0] =	vst.idx.add.f32.msk $0xffff, v23  }
0x316: {  	s14 =	smov.u32 s13;
	[tilespmem:v31+s5+$0x0] =	vst.idx.add.f32.msk $0xffff, v22  }
0x317: {  	_ =	sdelay $0x3  }
0x318: {  	[tilespmem:v17+s5+$0x0] =	vst.idx.add.f32.msk $0xffff, v12  }
0x319: {  	[tilespmem:v14+s5+$0x0] =	vst.idx.add.f32.msk $0xffff, v13  }
0x31a: {  	[tilespmem:v15+s5+$0x0] =	vst.idx.add.f32.msk $0xffff, v11  }
0x31b: {  	s11 =	simm.s32 $0x0;
	[tilespmem:v16+s5+$0x0] =	vst.idx.add.f32.msk $0xffff, v10  }
0x31c: {  	[tilespmem:s30], [sflag:$0x3] =	stream.linear.gather [hbm4b:s17+s11], $0x1000, $0x38;
	[tilespmem:$0x15180] =	vst v63  }
0x31d: {  	_ =	swait.ge [sflag:s7], $0x1000  }
0x31e: {  	[sflag:s7] =	ssyncset.done $0x0  }
0x31f: {  	s12 =	sand.u32 $0x800, s11;
	s13 =	sand.u32 $0x380, s11;
	[sflag:s7] =	ssyncadd.s32 $0xFFFFF000  }
0x320: {  	s12 =	sor.u32 s13, s12;
	v9 =	vld [tilespmem:$0xA0]  }
0x321: {  	v18 =	vld [tilespmem:s12+$0x21E0]  }
0x322: {  	v10 =	vld [tilespmem:s12+$0x25F0]  }
0x323: {  	v12 =	vld [tilespmem:s12+$0x25C0]  }
0x324: {  	v11 =	vld [tilespmem:s12+$0x25E0]  }
0x325: {  	v19 =	vld [tilespmem:s12+$0x25B0]  }
0x326: {  	v20 =	vld [tilespmem:s12+$0x25A0]  }
0x327: {  	v21 =	vld [tilespmem:s12+$0x2590]  }
0x328: {  	v13 =	vmov s11;
	v22 =	vld [tilespmem:s12+$0x21F0]  }
0x329: {  	v23 =	vld [tilespmem:s12+$0x21B0];
	v13 =	vperm.xlane v9, v13  }
0x32a: {  	v16 =	vld [tilespmem:s12+$0x2190]  }
0x32b: {  	v25 =	vld [tilespmem:s12+$0x21A0];
	v24 =	vshll.u32 v13, $0x7  }
0x32c: {  	v15 =	vld [tilespmem:s12+$0x2180];
	v26 =	vor.u32 v0, v24  }
0x32d: {  	v28 =	vld [tilespmem:s12+$0x21D0];
	v27 =	vor.u32 v2, v24  }
0x32e: {  	v30 =	vld [tilespmem:s12+$0x2580];
	v29 =	vor.u32 v3, v24  }
0x32f: {  	v32 =	vld [tilespmem:s12+$0x21C0];
	v31 =	vor.u32 v4, v24  }
0x330: {  	v13 =	vld [tilespmem:s12+$0x25D0];
	v17 =	vor.u32 v5, v24  }
0x331: {  	v14 =	vor.u32 v6, v24;
	[tilespmem:v26+s3+$0x0] =	vst.idx.add.f32.msk $0xffff, v15  }
0x332: {  	v15 =	vor.u32 v7, v24;
	[tilespmem:v27+s3+$0x0] =	vst.idx.add.f32.msk $0xffff, v16  }
0x333: {  	v16 =	vor.u32 v8, v24;
	[tilespmem:v29+s3+$0x0] =	vst.idx.add.f32.msk $0xffff, v25  }
0x334: {  	[tilespmem:v31+s3+$0x0] =	vst.idx.add.f32.msk $0xffff, v23  }
0x335: {  	[tilespmem:v17+s3+$0x0] =	vst.idx.add.f32.msk $0xffff, v32  }
0x336: {  	[tilespmem:v14+s3+$0x0] =	vst.idx.add.f32.msk $0xffff, v28  }
0x337: {  	[tilespmem:v15+s3+$0x0] =	vst.idx.add.f32.msk $0xffff, v18  }
0x338: {  	[tilespmem:v16+s3+$0x0] =	vst.idx.add.f32.msk $0xffff, v22  }
0x339: {  	[tilespmem:v26+s5+$0x0] =	vst.idx.add.f32.msk $0xffff, v30  }
0x33a: {  	[tilespmem:v27+s5+$0x0] =	vst.idx.add.f32.msk $0xffff, v21  }
0x33b: {  	[tilespmem:v29+s5+$0x0] =	vst.idx.add.f32.msk $0xffff, v20  }
0x33c: {  	s14 =	simm.s32 $0x1;
	s12 =	simm.s32 $0x0;
	[tilespmem:v31+s5+$0x0] =	vst.idx.add.f32.msk $0xffff, v19  }
.LBB2_24:
0x33d: {  	s13 =	smov.u32 s14  }
0x33e: {  	v18 =	vmov s14;
	[tilespmem:v17+s5+$0x0] =	vst.idx.add.f32.msk $0xffff, v12;
	s11 =	sadd.s32 $0x80, s11;
	s12 =	sadd.s32 $0x100, s12;
	s13 =	sadd.s32 $0x1, s14  }
0x33f: {  	p0 =	sne.s32 s14, $0xF;
	v12 =	vperm.xlane v9, v18;
	[tilespmem:v14+s5+$0x0] =	vst.idx.add.f32.msk $0xffff, v13  }
0x340: {  	s14 =	sand.u32 $0x800, s12;
	s15 =	sand.u32 $0x380, s11;
	[tilespmem:v15+s5+$0x0] =	vst.idx.add.f32.msk $0xffff, v11  }
0x341: {  	s14 =	sor.u32 s15, s14;
	v18 =	vshll.u32 v12, $0x7;
	[tilespmem:v16+s5+$0x0] =	vst.idx.add.f32.msk $0xffff, v10  }
0x342: {  	v20 =	vor.u32 v0, v18;
	v19 =	vld [tilespmem:s14+$0x21E0]  }
0x343: {  	v21 =	vor.u32 v2, v18;
	v10 =	vld [tilespmem:s14+$0x25F0]  }
0x344: {  	v12 =	vld [tilespmem:s14+$0x25C0]  }
0x345: {  	v11 =	vld [tilespmem:s14+$0x25E0]  }
0x346: {  	v22 =	vld [tilespmem:s14+$0x25B0]  }
0x347: {  	v23 =	vld [tilespmem:s14+$0x25A0]  }
0x348: {  	v24 =	vld [tilespmem:s14+$0x2590]  }
0x349: {  	v25 =	vld [tilespmem:s14+$0x21F0]  }
0x34a: {  	v26 =	vld [tilespmem:s14+$0x21B0]  }
0x34b: {  	v16 =	vld [tilespmem:s14+$0x2190]  }
0x34c: {  	v27 =	vld [tilespmem:s14+$0x21A0]  }
0x34d: {  	v15 =	vld [tilespmem:s14+$0x2180]  }
0x34e: {  	v29 =	vor.u32 v3, v18;
	v28 =	vld [tilespmem:s14+$0x21D0]  }
0x34f: {  	v31 =	vor.u32 v4, v18;
	v30 =	vld [tilespmem:s14+$0x2580]  }
0x350: {  	v17 =	vor.u32 v5, v18;
	v13 =	vld [tilespmem:s14+$0x25D0]  }
0x351: {  	v14 =	vor.u32 v6, v18;
	v32 =	vld [tilespmem:s14+$0x21C0]  }
0x352: {  	[tilespmem:v20+s3+$0x0] =	vst.idx.add.f32.msk $0xffff, v15;
	v15 =	vor.u32 v7, v18  }
0x353: {  	[tilespmem:v21+s3+$0x0] =	vst.idx.add.f32.msk $0xffff, v16;
	v16 =	vor.u32 v8, v18  }
0x354: {  	[tilespmem:v29+s3+$0x0] =	vst.idx.add.f32.msk $0xffff, v27  }
0x355: {  	[tilespmem:v31+s3+$0x0] =	vst.idx.add.f32.msk $0xffff, v26  }
0x356: {  	[tilespmem:v17+s3+$0x0] =	vst.idx.add.f32.msk $0xffff, v32  }
0x357: {  	[tilespmem:v14+s3+$0x0] =	vst.idx.add.f32.msk $0xffff, v28  }
0x358: {  	[tilespmem:v15+s3+$0x0] =	vst.idx.add.f32.msk $0xffff, v19  }
.Ltmp11:
0x359: {  	[tilespmem:v16+s3+$0x0] =	vst.idx.add.f32.msk $0xffff, v25;
	(pc) =	sbr.rel @p0 .LBB2_24-.Ltmp11, $4  }
0x35a: {  	[tilespmem:v20+s5+$0x0] =	vst.idx.add.f32.msk $0xffff, v30  }
0x35b: {  	[tilespmem:v21+s5+$0x0] =	vst.idx.add.f32.msk $0xffff, v24  }
0x35c: {  	[tilespmem:v29+s5+$0x0] =	vst.idx.add.f32.msk $0xffff, v23  }
0x35d: {  	s14 =	smov.u32 s13;
	[tilespmem:v31+s5+$0x0] =	vst.idx.add.f32.msk $0xffff, v22  }
0x35e: {  	_ =	sdelay $0x3  }
0x35f: {  	[tilespmem:v17+s5+$0x0] =	vst.idx.add.f32.msk $0xffff, v12  }
0x360: {  	[tilespmem:v14+s5+$0x0] =	vst.idx.add.f32.msk $0xffff, v13  }
0x361: {  	[tilespmem:v15+s5+$0x0] =	vst.idx.add.f32.msk $0xffff, v11  }
0x362: {  	s11 =	simm.s32 $0x0;
	[tilespmem:v16+s5+$0x0] =	vst.idx.add.f32.msk $0xffff, v10  }
0x363: {  	[tilespmem:s31], [sflag:$0x4] =	stream.linear.gather [hbm4b:s18+s11], $0x1000, $0x38;
	[tilespmem:$0x15180] =	vst v63  }
0x364: {  	_ =	swait.ge [sflag:s8], $0x1000  }
0x365: {  	[sflag:s8] =	ssyncset.done $0x0  }
0x366: {  	s12 =	sand.u32 $0x800, s11;
	s13 =	sand.u32 $0x380, s11;
	[sflag:s8] =	ssyncadd.s32 $0xFFFFF000  }
0x367: {  	s12 =	sor.u32 s13, s12;
	v9 =	vld [tilespmem:$0xB0]  }
0x368: {  	v18 =	vld [tilespmem:s12+$0x31E0]  }
0x369: {  	v10 =	vld [tilespmem:s12+$0x35F0]  }
0x36a: {  	v12 =	vld [tilespmem:s12+$0x35C0]  }
0x36b: {  	v11 =	vld [tilespmem:s12+$0x35E0]  }
0x36c: {  	v19 =	vld [tilespmem:s12+$0x35B0]  }
0x36d: {  	v20 =	vld [tilespmem:s12+$0x35A0]  }
0x36e: {  	v21 =	vld [tilespmem:s12+$0x3590]  }
0x36f: {  	v13 =	vmov s11;
	v22 =	vld [tilespmem:s12+$0x31F0]  }
0x370: {  	v23 =	vld [tilespmem:s12+$0x31B0];
	v13 =	vperm.xlane v9, v13  }
0x371: {  	v16 =	vld [tilespmem:s12+$0x3190]  }
0x372: {  	v25 =	vld [tilespmem:s12+$0x31A0];
	v24 =	vshll.u32 v13, $0x7  }
0x373: {  	v15 =	vld [tilespmem:s12+$0x3180];
	v26 =	vor.u32 v0, v24  }
0x374: {  	v28 =	vld [tilespmem:s12+$0x31D0];
	v27 =	vor.u32 v2, v24  }
0x375: {  	v30 =	vld [tilespmem:s12+$0x3580];
	v29 =	vor.u32 v3, v24  }
0x376: {  	v32 =	vld [tilespmem:s12+$0x31C0];
	v31 =	vor.u32 v4, v24  }
0x377: {  	v13 =	vld [tilespmem:s12+$0x35D0];
	v17 =	vor.u32 v5, v24  }
0x378: {  	v14 =	vor.u32 v6, v24;
	[tilespmem:v26+s3+$0x0] =	vst.idx.add.f32.msk $0xffff, v15  }
0x379: {  	v15 =	vor.u32 v7, v24;
	[tilespmem:v27+s3+$0x0] =	vst.idx.add.f32.msk $0xffff, v16  }
0x37a: {  	v16 =	vor.u32 v8, v24;
	[tilespmem:v29+s3+$0x0] =	vst.idx.add.f32.msk $0xffff, v25  }
0x37b: {  	[tilespmem:v31+s3+$0x0] =	vst.idx.add.f32.msk $0xffff, v23  }
0x37c: {  	[tilespmem:v17+s3+$0x0] =	vst.idx.add.f32.msk $0xffff, v32  }
0x37d: {  	[tilespmem:v14+s3+$0x0] =	vst.idx.add.f32.msk $0xffff, v28  }
0x37e: {  	[tilespmem:v15+s3+$0x0] =	vst.idx.add.f32.msk $0xffff, v18  }
0x37f: {  	[tilespmem:v16+s3+$0x0] =	vst.idx.add.f32.msk $0xffff, v22  }
0x380: {  	[tilespmem:v26+s5+$0x0] =	vst.idx.add.f32.msk $0xffff, v30  }
0x381: {  	[tilespmem:v27+s5+$0x0] =	vst.idx.add.f32.msk $0xffff, v21  }
0x382: {  	[tilespmem:v29+s5+$0x0] =	vst.idx.add.f32.msk $0xffff, v20  }
0x383: {  	s14 =	simm.s32 $0x1;
	s12 =	simm.s32 $0x0;
	[tilespmem:v31+s5+$0x0] =	vst.idx.add.f32.msk $0xffff, v19  }
.LBB2_26:
0x384: {  	s13 =	smov.u32 s14  }
0x385: {  	v18 =	vmov s14;
	[tilespmem:v17+s5+$0x0] =	vst.idx.add.f32.msk $0xffff, v12;
	s11 =	sadd.s32 $0x80, s11;
	s12 =	sadd.s32 $0x100, s12;
	s13 =	sadd.s32 $0x1, s14  }
0x386: {  	p0 =	sne.s32 s14, $0xF;
	v12 =	vperm.xlane v9, v18;
	[tilespmem:v14+s5+$0x0] =	vst.idx.add.f32.msk $0xffff, v13  }
0x387: {  	s14 =	sand.u32 $0x800, s12;
	s15 =	sand.u32 $0x380, s11;
	[tilespmem:v15+s5+$0x0] =	vst.idx.add.f32.msk $0xffff, v11  }
0x388: {  	s14 =	sor.u32 s15, s14;
	v18 =	vshll.u32 v12, $0x7;
	[tilespmem:v16+s5+$0x0] =	vst.idx.add.f32.msk $0xffff, v10  }
0x389: {  	v20 =	vor.u32 v0, v18;
	v19 =	vld [tilespmem:s14+$0x31E0]  }
0x38a: {  	v21 =	vor.u32 v2, v18;
	v10 =	vld [tilespmem:s14+$0x35F0]  }
0x38b: {  	v12 =	vld [tilespmem:s14+$0x35C0]  }
0x38c: {  	v11 =	vld [tilespmem:s14+$0x35E0]  }
0x38d: {  	v22 =	vld [tilespmem:s14+$0x35B0]  }
0x38e: {  	v23 =	vld [tilespmem:s14+$0x35A0]  }
0x38f: {  	v24 =	vld [tilespmem:s14+$0x3590]  }
0x390: {  	v25 =	vld [tilespmem:s14+$0x31F0]  }
0x391: {  	v26 =	vld [tilespmem:s14+$0x31B0]  }
0x392: {  	v16 =	vld [tilespmem:s14+$0x3190]  }
0x393: {  	v27 =	vld [tilespmem:s14+$0x31A0]  }
0x394: {  	v15 =	vld [tilespmem:s14+$0x3180]  }
0x395: {  	v29 =	vor.u32 v3, v18;
	v28 =	vld [tilespmem:s14+$0x31D0]  }
0x396: {  	v31 =	vor.u32 v4, v18;
	v30 =	vld [tilespmem:s14+$0x3580]  }
0x397: {  	v17 =	vor.u32 v5, v18;
	v13 =	vld [tilespmem:s14+$0x35D0]  }
0x398: {  	v14 =	vor.u32 v6, v18;
	v32 =	vld [tilespmem:s14+$0x31C0]  }
0x399: {  	[tilespmem:v20+s3+$0x0] =	vst.idx.add.f32.msk $0xffff, v15;
	v15 =	vor.u32 v7, v18  }
0x39a: {  	[tilespmem:v21+s3+$0x0] =	vst.idx.add.f32.msk $0xffff, v16;
	v16 =	vor.u32 v8, v18  }
0x39b: {  	[tilespmem:v29+s3+$0x0] =	vst.idx.add.f32.msk $0xffff, v27  }
0x39c: {  	[tilespmem:v31+s3+$0x0] =	vst.idx.add.f32.msk $0xffff, v26  }
0x39d: {  	[tilespmem:v17+s3+$0x0] =	vst.idx.add.f32.msk $0xffff, v32  }
0x39e: {  	[tilespmem:v14+s3+$0x0] =	vst.idx.add.f32.msk $0xffff, v28  }
0x39f: {  	[tilespmem:v15+s3+$0x0] =	vst.idx.add.f32.msk $0xffff, v19  }
.Ltmp12:
0x3a0: {  	[tilespmem:v16+s3+$0x0] =	vst.idx.add.f32.msk $0xffff, v25;
	(pc) =	sbr.rel @p0 .LBB2_26-.Ltmp12, $4  }
0x3a1: {  	[tilespmem:v20+s5+$0x0] =	vst.idx.add.f32.msk $0xffff, v30  }
0x3a2: {  	[tilespmem:v21+s5+$0x0] =	vst.idx.add.f32.msk $0xffff, v24  }
0x3a3: {  	[tilespmem:v29+s5+$0x0] =	vst.idx.add.f32.msk $0xffff, v23  }
0x3a4: {  	s14 =	smov.u32 s13;
	[tilespmem:v31+s5+$0x0] =	vst.idx.add.f32.msk $0xffff, v22  }
0x3a5: {  	_ =	sdelay $0x3  }
0x3a6: {  	[tilespmem:v17+s5+$0x0] =	vst.idx.add.f32.msk $0xffff, v12  }
0x3a7: {  	[tilespmem:v14+s5+$0x0] =	vst.idx.add.f32.msk $0xffff, v13  }
0x3a8: {  	[tilespmem:v15+s5+$0x0] =	vst.idx.add.f32.msk $0xffff, v11  }
0x3a9: {  	s11 =	simm.s32 $0x0;
	[tilespmem:v16+s5+$0x0] =	vst.idx.add.f32.msk $0xffff, v10  }
0x3aa: {  	[tilespmem:s28], [sflag:$0x1] =	stream.linear.gather [hbm4b:s19+s11], $0x1000, $0x38;
	[tilespmem:$0x15180] =	vst v63  }
0x3ab: {  	_ =	swait.ge [sflag:s0], $0x1000  }
0x3ac: {  	[sflag:s0] =	ssyncset.done $0x0  }
0x3ad: {  	s12 =	sand.u32 $0x800, s11;
	s13 =	sand.u32 $0x380, s11;
	[sflag:s0] =	ssyncadd.s32 $0xFFFFF000  }
0x3ae: {  	s12 =	sor.u32 s13, s12;
	v9 =	vld [tilespmem:$0xC0]  }
0x3af: {  	v18 =	vld [tilespmem:s12+$0x1E0]  }
0x3b0: {  	v10 =	vld [tilespmem:s12+$0x5F0]  }
0x3b1: {  	v12 =	vld [tilespmem:s12+$0x5C0]  }
0x3b2: {  	v11 =	vld [tilespmem:s12+$0x5E0]  }
0x3b3: {  	v19 =	vld [tilespmem:s12+$0x5B0]  }
0x3b4: {  	v20 =	vld [tilespmem:s12+$0x5A0]  }
0x3b5: {  	v21 =	vld [tilespmem:s12+$0x590]  }
0x3b6: {  	v13 =	vmov s11;
	v22 =	vld [tilespmem:s12+$0x1F0]  }
0x3b7: {  	v23 =	vld [tilespmem:s12+$0x1B0];
	v13 =	vperm.xlane v9, v13  }
0x3b8: {  	v16 =	vld [tilespmem:s12+$0x190]  }
0x3b9: {  	v25 =	vld [tilespmem:s12+$0x1A0];
	v24 =	vshll.u32 v13, $0x7  }
0x3ba: {  	v15 =	vld [tilespmem:s12+$0x180];
	v26 =	vor.u32 v0, v24  }
0x3bb: {  	v28 =	vld [tilespmem:s12+$0x1D0];
	v27 =	vor.u32 v2, v24  }
0x3bc: {  	v30 =	vld [tilespmem:s12+$0x580];
	v29 =	vor.u32 v3, v24  }
0x3bd: {  	v32 =	vld [tilespmem:s12+$0x1C0];
	v31 =	vor.u32 v4, v24  }
0x3be: {  	v13 =	vld [tilespmem:s12+$0x5D0];
	v17 =	vor.u32 v5, v24  }
0x3bf: {  	v14 =	vor.u32 v6, v24;
	[tilespmem:v26+s3+$0x0] =	vst.idx.add.f32.msk $0xffff, v15  }
0x3c0: {  	v15 =	vor.u32 v7, v24;
	[tilespmem:v27+s3+$0x0] =	vst.idx.add.f32.msk $0xffff, v16  }
0x3c1: {  	v16 =	vor.u32 v8, v24;
	[tilespmem:v29+s3+$0x0] =	vst.idx.add.f32.msk $0xffff, v25  }
0x3c2: {  	[tilespmem:v31+s3+$0x0] =	vst.idx.add.f32.msk $0xffff, v23  }
0x3c3: {  	[tilespmem:v17+s3+$0x0] =	vst.idx.add.f32.msk $0xffff, v32  }
0x3c4: {  	[tilespmem:v14+s3+$0x0] =	vst.idx.add.f32.msk $0xffff, v28  }
0x3c5: {  	[tilespmem:v15+s3+$0x0] =	vst.idx.add.f32.msk $0xffff, v18  }
0x3c6: {  	[tilespmem:v16+s3+$0x0] =	vst.idx.add.f32.msk $0xffff, v22  }
0x3c7: {  	[tilespmem:v26+s5+$0x0] =	vst.idx.add.f32.msk $0xffff, v30  }
0x3c8: {  	[tilespmem:v27+s5+$0x0] =	vst.idx.add.f32.msk $0xffff, v21  }
0x3c9: {  	[tilespmem:v29+s5+$0x0] =	vst.idx.add.f32.msk $0xffff, v20  }
0x3ca: {  	s14 =	simm.s32 $0x1;
	s12 =	simm.s32 $0x0;
	[tilespmem:v31+s5+$0x0] =	vst.idx.add.f32.msk $0xffff, v19  }
.LBB2_28:
0x3cb: {  	s13 =	smov.u32 s14  }
0x3cc: {  	v18 =	vmov s14;
	[tilespmem:v17+s5+$0x0] =	vst.idx.add.f32.msk $0xffff, v12;
	s11 =	sadd.s32 $0x80, s11;
	s12 =	sadd.s32 $0x100, s12;
	s13 =	sadd.s32 $0x1, s14  }
0x3cd: {  	p0 =	sne.s32 s14, $0xF;
	v12 =	vperm.xlane v9, v18;
	[tilespmem:v14+s5+$0x0] =	vst.idx.add.f32.msk $0xffff, v13  }
0x3ce: {  	s14 =	sand.u32 $0x800, s12;
	s15 =	sand.u32 $0x380, s11;
	[tilespmem:v15+s5+$0x0] =	vst.idx.add.f32.msk $0xffff, v11  }
0x3cf: {  	s14 =	sor.u32 s15, s14;
	v18 =	vshll.u32 v12, $0x7;
	[tilespmem:v16+s5+$0x0] =	vst.idx.add.f32.msk $0xffff, v10  }
0x3d0: {  	v20 =	vor.u32 v0, v18;
	v19 =	vld [tilespmem:s14+$0x1E0]  }
0x3d1: {  	v21 =	vor.u32 v2, v18;
	v10 =	vld [tilespmem:s14+$0x5F0]  }
0x3d2: {  	v12 =	vld [tilespmem:s14+$0x5C0]  }
0x3d3: {  	v11 =	vld [tilespmem:s14+$0x5E0]  }
0x3d4: {  	v22 =	vld [tilespmem:s14+$0x5B0]  }
0x3d5: {  	v23 =	vld [tilespmem:s14+$0x5A0]  }
0x3d6: {  	v24 =	vld [tilespmem:s14+$0x590]  }
0x3d7: {  	v25 =	vld [tilespmem:s14+$0x1F0]  }
0x3d8: {  	v26 =	vld [tilespmem:s14+$0x1B0]  }
0x3d9: {  	v16 =	vld [tilespmem:s14+$0x190]  }
0x3da: {  	v27 =	vld [tilespmem:s14+$0x1A0]  }
0x3db: {  	v15 =	vld [tilespmem:s14+$0x180]  }
0x3dc: {  	v29 =	vor.u32 v3, v18;
	v28 =	vld [tilespmem:s14+$0x1D0]  }
0x3dd: {  	v31 =	vor.u32 v4, v18;
	v30 =	vld [tilespmem:s14+$0x580]  }
0x3de: {  	v17 =	vor.u32 v5, v18;
	v13 =	vld [tilespmem:s14+$0x5D0]  }
0x3df: {  	v14 =	vor.u32 v6, v18;
	v32 =	vld [tilespmem:s14+$0x1C0]  }
0x3e0: {  	[tilespmem:v20+s3+$0x0] =	vst.idx.add.f32.msk $0xffff, v15;
	v15 =	vor.u32 v7, v18  }
0x3e1: {  	[tilespmem:v21+s3+$0x0] =	vst.idx.add.f32.msk $0xffff, v16;
	v16 =	vor.u32 v8, v18  }
0x3e2: {  	[tilespmem:v29+s3+$0x0] =	vst.idx.add.f32.msk $0xffff, v27  }
0x3e3: {  	[tilespmem:v31+s3+$0x0] =	vst.idx.add.f32.msk $0xffff, v26  }
0x3e4: {  	[tilespmem:v17+s3+$0x0] =	vst.idx.add.f32.msk $0xffff, v32  }
0x3e5: {  	[tilespmem:v14+s3+$0x0] =	vst.idx.add.f32.msk $0xffff, v28  }
0x3e6: {  	[tilespmem:v15+s3+$0x0] =	vst.idx.add.f32.msk $0xffff, v19  }
.Ltmp13:
0x3e7: {  	[tilespmem:v16+s3+$0x0] =	vst.idx.add.f32.msk $0xffff, v25;
	(pc) =	sbr.rel @p0 .LBB2_28-.Ltmp13, $4  }
0x3e8: {  	[tilespmem:v20+s5+$0x0] =	vst.idx.add.f32.msk $0xffff, v30  }
0x3e9: {  	[tilespmem:v21+s5+$0x0] =	vst.idx.add.f32.msk $0xffff, v24  }
0x3ea: {  	[tilespmem:v29+s5+$0x0] =	vst.idx.add.f32.msk $0xffff, v23  }
0x3eb: {  	s14 =	smov.u32 s13;
	[tilespmem:v31+s5+$0x0] =	vst.idx.add.f32.msk $0xffff, v22  }
0x3ec: {  	_ =	sdelay $0x3  }
0x3ed: {  	[tilespmem:v17+s5+$0x0] =	vst.idx.add.f32.msk $0xffff, v12  }
0x3ee: {  	[tilespmem:v14+s5+$0x0] =	vst.idx.add.f32.msk $0xffff, v13  }
0x3ef: {  	[tilespmem:v15+s5+$0x0] =	vst.idx.add.f32.msk $0xffff, v11  }
0x3f0: {  	s11 =	simm.s32 $0x0;
	[tilespmem:v16+s5+$0x0] =	vst.idx.add.f32.msk $0xffff, v10  }
0x3f1: {  	[tilespmem:s29], [sflag:$0x2] =	stream.linear.gather [hbm4b:s20+s11], $0x1000, $0x38;
	[tilespmem:$0x15180] =	vst v63  }
0x3f2: {  	_ =	swait.ge [sflag:s6], $0x1000  }
0x3f3: {  	[sflag:s6] =	ssyncset.done $0x0  }
0x3f4: {  	s12 =	sand.u32 $0x800, s11;
	s13 =	sand.u32 $0x380, s11;
	[sflag:s6] =	ssyncadd.s32 $0xFFFFF000  }
0x3f5: {  	s12 =	sor.u32 s13, s12;
	v9 =	vld [tilespmem:$0xD0]  }
0x3f6: {  	v18 =	vld [tilespmem:s12+$0x11E0]  }
0x3f7: {  	v10 =	vld [tilespmem:s12+$0x15F0]  }
0x3f8: {  	v12 =	vld [tilespmem:s12+$0x15C0]  }
0x3f9: {  	v11 =	vld [tilespmem:s12+$0x15E0]  }
0x3fa: {  	v19 =	vld [tilespmem:s12+$0x15B0]  }
0x3fb: {  	v20 =	vld [tilespmem:s12+$0x15A0]  }
0x3fc: {  	v21 =	vld [tilespmem:s12+$0x1590]  }
0x3fd: {  	v13 =	vmov s11;
	v22 =	vld [tilespmem:s12+$0x11F0]  }
0x3fe: {  	v23 =	vld [tilespmem:s12+$0x11B0];
	v13 =	vperm.xlane v9, v13  }
0x3ff: {  	v16 =	vld [tilespmem:s12+$0x1190]  }
0x400: {  	v25 =	vld [tilespmem:s12+$0x11A0];
	v24 =	vshll.u32 v13, $0x7  }
0x401: {  	v15 =	vld [tilespmem:s12+$0x1180];
	v26 =	vor.u32 v0, v24  }
0x402: {  	v28 =	vld [tilespmem:s12+$0x11D0];
	v27 =	vor.u32 v2, v24  }
0x403: {  	v30 =	vld [tilespmem:s12+$0x1580];
	v29 =	vor.u32 v3, v24  }
0x404: {  	v32 =	vld [tilespmem:s12+$0x11C0];
	v31 =	vor.u32 v4, v24  }
0x405: {  	v13 =	vld [tilespmem:s12+$0x15D0];
	v17 =	vor.u32 v5, v24  }
0x406: {  	v14 =	vor.u32 v6, v24;
	[tilespmem:v26+s3+$0x0] =	vst.idx.add.f32.msk $0xffff, v15  }
0x407: {  	v15 =	vor.u32 v7, v24;
	[tilespmem:v27+s3+$0x0] =	vst.idx.add.f32.msk $0xffff, v16  }
0x408: {  	v16 =	vor.u32 v8, v24;
	[tilespmem:v29+s3+$0x0] =	vst.idx.add.f32.msk $0xffff, v25  }
0x409: {  	[tilespmem:v31+s3+$0x0] =	vst.idx.add.f32.msk $0xffff, v23  }
0x40a: {  	[tilespmem:v17+s3+$0x0] =	vst.idx.add.f32.msk $0xffff, v32  }
0x40b: {  	[tilespmem:v14+s3+$0x0] =	vst.idx.add.f32.msk $0xffff, v28  }
0x40c: {  	[tilespmem:v15+s3+$0x0] =	vst.idx.add.f32.msk $0xffff, v18  }
0x40d: {  	[tilespmem:v16+s3+$0x0] =	vst.idx.add.f32.msk $0xffff, v22  }
0x40e: {  	[tilespmem:v26+s5+$0x0] =	vst.idx.add.f32.msk $0xffff, v30  }
0x40f: {  	[tilespmem:v27+s5+$0x0] =	vst.idx.add.f32.msk $0xffff, v21  }
0x410: {  	[tilespmem:v29+s5+$0x0] =	vst.idx.add.f32.msk $0xffff, v20  }
0x411: {  	s14 =	simm.s32 $0x1;
	s12 =	simm.s32 $0x0;
	[tilespmem:v31+s5+$0x0] =	vst.idx.add.f32.msk $0xffff, v19  }
.LBB2_30:
0x412: {  	s13 =	smov.u32 s14  }
0x413: {  	v18 =	vmov s14;
	[tilespmem:v17+s5+$0x0] =	vst.idx.add.f32.msk $0xffff, v12;
	s11 =	sadd.s32 $0x80, s11;
	s12 =	sadd.s32 $0x100, s12;
	s13 =	sadd.s32 $0x1, s14  }
0x414: {  	p0 =	sne.s32 s14, $0xF;
	v12 =	vperm.xlane v9, v18;
	[tilespmem:v14+s5+$0x0] =	vst.idx.add.f32.msk $0xffff, v13  }
0x415: {  	s14 =	sand.u32 $0x800, s12;
	s15 =	sand.u32 $0x380, s11;
	[tilespmem:v15+s5+$0x0] =	vst.idx.add.f32.msk $0xffff, v11  }
0x416: {  	s14 =	sor.u32 s15, s14;
	v18 =	vshll.u32 v12, $0x7;
	[tilespmem:v16+s5+$0x0] =	vst.idx.add.f32.msk $0xffff, v10  }
0x417: {  	v20 =	vor.u32 v0, v18;
	v19 =	vld [tilespmem:s14+$0x11E0]  }
0x418: {  	v21 =	vor.u32 v2, v18;
	v10 =	vld [tilespmem:s14+$0x15F0]  }
0x419: {  	v12 =	vld [tilespmem:s14+$0x15C0]  }
0x41a: {  	v11 =	vld [tilespmem:s14+$0x15E0]  }
0x41b: {  	v22 =	vld [tilespmem:s14+$0x15B0]  }
0x41c: {  	v23 =	vld [tilespmem:s14+$0x15A0]  }
0x41d: {  	v24 =	vld [tilespmem:s14+$0x1590]  }
0x41e: {  	v25 =	vld [tilespmem:s14+$0x11F0]  }
0x41f: {  	v26 =	vld [tilespmem:s14+$0x11B0]  }
0x420: {  	v16 =	vld [tilespmem:s14+$0x1190]  }
0x421: {  	v27 =	vld [tilespmem:s14+$0x11A0]  }
0x422: {  	v15 =	vld [tilespmem:s14+$0x1180]  }
0x423: {  	v29 =	vor.u32 v3, v18;
	v28 =	vld [tilespmem:s14+$0x11D0]  }
0x424: {  	v31 =	vor.u32 v4, v18;
	v30 =	vld [tilespmem:s14+$0x1580]  }
0x425: {  	v17 =	vor.u32 v5, v18;
	v13 =	vld [tilespmem:s14+$0x15D0]  }
0x426: {  	v14 =	vor.u32 v6, v18;
	v32 =	vld [tilespmem:s14+$0x11C0]  }
0x427: {  	[tilespmem:v20+s3+$0x0] =	vst.idx.add.f32.msk $0xffff, v15;
	v15 =	vor.u32 v7, v18  }
0x428: {  	[tilespmem:v21+s3+$0x0] =	vst.idx.add.f32.msk $0xffff, v16;
	v16 =	vor.u32 v8, v18  }
0x429: {  	[tilespmem:v29+s3+$0x0] =	vst.idx.add.f32.msk $0xffff, v27  }
0x42a: {  	[tilespmem:v31+s3+$0x0] =	vst.idx.add.f32.msk $0xffff, v26  }
0x42b: {  	[tilespmem:v17+s3+$0x0] =	vst.idx.add.f32.msk $0xffff, v32  }
0x42c: {  	[tilespmem:v14+s3+$0x0] =	vst.idx.add.f32.msk $0xffff, v28  }
0x42d: {  	[tilespmem:v15+s3+$0x0] =	vst.idx.add.f32.msk $0xffff, v19  }
.Ltmp14:
0x42e: {  	[tilespmem:v16+s3+$0x0] =	vst.idx.add.f32.msk $0xffff, v25;
	(pc) =	sbr.rel @p0 .LBB2_30-.Ltmp14, $4  }
0x42f: {  	[tilespmem:v20+s5+$0x0] =	vst.idx.add.f32.msk $0xffff, v30  }
0x430: {  	[tilespmem:v21+s5+$0x0] =	vst.idx.add.f32.msk $0xffff, v24  }
0x431: {  	[tilespmem:v29+s5+$0x0] =	vst.idx.add.f32.msk $0xffff, v23  }
0x432: {  	s14 =	smov.u32 s13;
	[tilespmem:v31+s5+$0x0] =	vst.idx.add.f32.msk $0xffff, v22  }
0x433: {  	_ =	sdelay $0x3  }
0x434: {  	[tilespmem:v17+s5+$0x0] =	vst.idx.add.f32.msk $0xffff, v12  }
0x435: {  	[tilespmem:v14+s5+$0x0] =	vst.idx.add.f32.msk $0xffff, v13  }
0x436: {  	[tilespmem:v15+s5+$0x0] =	vst.idx.add.f32.msk $0xffff, v11  }
0x437: {  	s11 =	simm.s32 $0x0;
	[tilespmem:v16+s5+$0x0] =	vst.idx.add.f32.msk $0xffff, v10  }
0x438: {  	[tilespmem:s30], [sflag:$0x3] =	stream.linear.gather [hbm4b:s21+s11], $0x1000, $0x38;
	[tilespmem:$0x15180] =	vst v63  }
0x439: {  	_ =	swait.ge [sflag:s7], $0x1000  }
0x43a: {  	[sflag:s7] =	ssyncset.done $0x0  }
0x43b: {  	s12 =	sand.u32 $0x800, s11;
	s13 =	sand.u32 $0x380, s11;
	[sflag:s7] =	ssyncadd.s32 $0xFFFFF000  }
0x43c: {  	s12 =	sor.u32 s13, s12;
	v9 =	vld [tilespmem:$0xE0]  }
0x43d: {  	v18 =	vld [tilespmem:s12+$0x21E0]  }
0x43e: {  	v10 =	vld [tilespmem:s12+$0x25F0]  }
0x43f: {  	v12 =	vld [tilespmem:s12+$0x25C0]  }
0x440: {  	v11 =	vld [tilespmem:s12+$0x25E0]  }
0x441: {  	v19 =	vld [tilespmem:s12+$0x25B0]  }
0x442: {  	v20 =	vld [tilespmem:s12+$0x25A0]  }
0x443: {  	v21 =	vld [tilespmem:s12+$0x2590]  }
0x444: {  	v13 =	vmov s11;
	v22 =	vld [tilespmem:s12+$0x21F0]  }
0x445: {  	v23 =	vld [tilespmem:s12+$0x21B0];
	v13 =	vperm.xlane v9, v13  }
0x446: {  	v16 =	vld [tilespmem:s12+$0x2190]  }
0x447: {  	v25 =	vld [tilespmem:s12+$0x21A0];
	v24 =	vshll.u32 v13, $0x7  }
0x448: {  	v15 =	vld [tilespmem:s12+$0x2180];
	v26 =	vor.u32 v0, v24  }
0x449: {  	v28 =	vld [tilespmem:s12+$0x21D0];
	v27 =	vor.u32 v2, v24  }
0x44a: {  	v30 =	vld [tilespmem:s12+$0x2580];
	v29 =	vor.u32 v3, v24  }
0x44b: {  	v32 =	vld [tilespmem:s12+$0x21C0];
	v31 =	vor.u32 v4, v24  }
0x44c: {  	v13 =	vld [tilespmem:s12+$0x25D0];
	v17 =	vor.u32 v5, v24  }
0x44d: {  	v14 =	vor.u32 v6, v24;
	[tilespmem:v26+s3+$0x0] =	vst.idx.add.f32.msk $0xffff, v15  }
0x44e: {  	v15 =	vor.u32 v7, v24;
	[tilespmem:v27+s3+$0x0] =	vst.idx.add.f32.msk $0xffff, v16  }
0x44f: {  	v16 =	vor.u32 v8, v24;
	[tilespmem:v29+s3+$0x0] =	vst.idx.add.f32.msk $0xffff, v25  }
0x450: {  	[tilespmem:v31+s3+$0x0] =	vst.idx.add.f32.msk $0xffff, v23  }
0x451: {  	[tilespmem:v17+s3+$0x0] =	vst.idx.add.f32.msk $0xffff, v32  }
0x452: {  	[tilespmem:v14+s3+$0x0] =	vst.idx.add.f32.msk $0xffff, v28  }
0x453: {  	[tilespmem:v15+s3+$0x0] =	vst.idx.add.f32.msk $0xffff, v18  }
0x454: {  	[tilespmem:v16+s3+$0x0] =	vst.idx.add.f32.msk $0xffff, v22  }
0x455: {  	[tilespmem:v26+s5+$0x0] =	vst.idx.add.f32.msk $0xffff, v30  }
0x456: {  	[tilespmem:v27+s5+$0x0] =	vst.idx.add.f32.msk $0xffff, v21  }
0x457: {  	[tilespmem:v29+s5+$0x0] =	vst.idx.add.f32.msk $0xffff, v20  }
0x458: {  	s14 =	simm.s32 $0x1;
	s12 =	simm.s32 $0x0;
	[tilespmem:v31+s5+$0x0] =	vst.idx.add.f32.msk $0xffff, v19  }
.LBB2_32:
0x459: {  	s13 =	smov.u32 s14  }
0x45a: {  	v18 =	vmov s14;
	[tilespmem:v17+s5+$0x0] =	vst.idx.add.f32.msk $0xffff, v12;
	s11 =	sadd.s32 $0x80, s11;
	s12 =	sadd.s32 $0x100, s12;
	s13 =	sadd.s32 $0x1, s14  }
0x45b: {  	p0 =	sne.s32 s14, $0xF;
	v12 =	vperm.xlane v9, v18;
	[tilespmem:v14+s5+$0x0] =	vst.idx.add.f32.msk $0xffff, v13  }
0x45c: {  	s14 =	sand.u32 $0x800, s12;
	s15 =	sand.u32 $0x380, s11;
	[tilespmem:v15+s5+$0x0] =	vst.idx.add.f32.msk $0xffff, v11  }
0x45d: {  	s14 =	sor.u32 s15, s14;
	v18 =	vshll.u32 v12, $0x7;
	[tilespmem:v16+s5+$0x0] =	vst.idx.add.f32.msk $0xffff, v10  }
0x45e: {  	v20 =	vor.u32 v0, v18;
	v19 =	vld [tilespmem:s14+$0x21E0]  }
0x45f: {  	v21 =	vor.u32 v2, v18;
	v10 =	vld [tilespmem:s14+$0x25F0]  }
0x460: {  	v12 =	vld [tilespmem:s14+$0x25C0]  }
0x461: {  	v11 =	vld [tilespmem:s14+$0x25E0]  }
0x462: {  	v22 =	vld [tilespmem:s14+$0x25B0]  }
0x463: {  	v23 =	vld [tilespmem:s14+$0x25A0]  }
0x464: {  	v24 =	vld [tilespmem:s14+$0x2590]  }
0x465: {  	v25 =	vld [tilespmem:s14+$0x21F0]  }
0x466: {  	v26 =	vld [tilespmem:s14+$0x21B0]  }
0x467: {  	v16 =	vld [tilespmem:s14+$0x2190]  }
0x468: {  	v27 =	vld [tilespmem:s14+$0x21A0]  }
0x469: {  	v15 =	vld [tilespmem:s14+$0x2180]  }
0x46a: {  	v29 =	vor.u32 v3, v18;
	v28 =	vld [tilespmem:s14+$0x21D0]  }
0x46b: {  	v31 =	vor.u32 v4, v18;
	v30 =	vld [tilespmem:s14+$0x2580]  }
0x46c: {  	v17 =	vor.u32 v5, v18;
	v13 =	vld [tilespmem:s14+$0x25D0]  }
0x46d: {  	v14 =	vor.u32 v6, v18;
	v32 =	vld [tilespmem:s14+$0x21C0]  }
0x46e: {  	[tilespmem:v20+s3+$0x0] =	vst.idx.add.f32.msk $0xffff, v15;
	v15 =	vor.u32 v7, v18  }
0x46f: {  	[tilespmem:v21+s3+$0x0] =	vst.idx.add.f32.msk $0xffff, v16;
	v16 =	vor.u32 v8, v18  }
0x470: {  	[tilespmem:v29+s3+$0x0] =	vst.idx.add.f32.msk $0xffff, v27  }
0x471: {  	[tilespmem:v31+s3+$0x0] =	vst.idx.add.f32.msk $0xffff, v26  }
0x472: {  	[tilespmem:v17+s3+$0x0] =	vst.idx.add.f32.msk $0xffff, v32  }
0x473: {  	[tilespmem:v14+s3+$0x0] =	vst.idx.add.f32.msk $0xffff, v28  }
0x474: {  	[tilespmem:v15+s3+$0x0] =	vst.idx.add.f32.msk $0xffff, v19  }
.Ltmp15:
0x475: {  	[tilespmem:v16+s3+$0x0] =	vst.idx.add.f32.msk $0xffff, v25;
	(pc) =	sbr.rel @p0 .LBB2_32-.Ltmp15, $4  }
0x476: {  	[tilespmem:v20+s5+$0x0] =	vst.idx.add.f32.msk $0xffff, v30  }
0x477: {  	[tilespmem:v21+s5+$0x0] =	vst.idx.add.f32.msk $0xffff, v24  }
0x478: {  	[tilespmem:v29+s5+$0x0] =	vst.idx.add.f32.msk $0xffff, v23  }
0x479: {  	s14 =	smov.u32 s13;
	[tilespmem:v31+s5+$0x0] =	vst.idx.add.f32.msk $0xffff, v22  }
0x47a: {  	_ =	sdelay $0x3  }
0x47b: {  	[tilespmem:v17+s5+$0x0] =	vst.idx.add.f32.msk $0xffff, v12  }
0x47c: {  	[tilespmem:v14+s5+$0x0] =	vst.idx.add.f32.msk $0xffff, v13  }
0x47d: {  	[tilespmem:v15+s5+$0x0] =	vst.idx.add.f32.msk $0xffff, v11  }
0x47e: {  	s11 =	simm.s32 $0x0;
	[tilespmem:v16+s5+$0x0] =	vst.idx.add.f32.msk $0xffff, v10  }
0x47f: {  	[tilespmem:s31], [sflag:$0x4] =	stream.linear.gather [hbm4b:s22+s11], $0x1000, $0x38;
	[tilespmem:$0x15180] =	vst v63  }
0x480: {  	_ =	swait.ge [sflag:s8], $0x1000  }
0x481: {  	[sflag:s8] =	ssyncset.done $0x0  }
0x482: {  	s12 =	sand.u32 $0x800, s11;
	s13 =	sand.u32 $0x380, s11;
	[sflag:s8] =	ssyncadd.s32 $0xFFFFF000  }
0x483: {  	s12 =	sor.u32 s13, s12;
	v9 =	vld [tilespmem:$0xF0]  }
0x484: {  	v18 =	vld [tilespmem:s12+$0x31E0]  }
0x485: {  	v10 =	vld [tilespmem:s12+$0x35F0]  }
0x486: {  	v12 =	vld [tilespmem:s12+$0x35C0]  }
0x487: {  	v11 =	vld [tilespmem:s12+$0x35E0]  }
0x488: {  	v19 =	vld [tilespmem:s12+$0x35B0]  }
0x489: {  	v20 =	vld [tilespmem:s12+$0x35A0]  }
0x48a: {  	v21 =	vld [tilespmem:s12+$0x3590]  }
0x48b: {  	v13 =	vmov s11;
	v22 =	vld [tilespmem:s12+$0x31F0]  }
0x48c: {  	v23 =	vld [tilespmem:s12+$0x31B0];
	v13 =	vperm.xlane v9, v13  }
0x48d: {  	v16 =	vld [tilespmem:s12+$0x3190]  }
0x48e: {  	v25 =	vld [tilespmem:s12+$0x31A0];
	v24 =	vshll.u32 v13, $0x7  }
0x48f: {  	v15 =	vld [tilespmem:s12+$0x3180];
	v26 =	vor.u32 v0, v24  }
0x490: {  	v28 =	vld [tilespmem:s12+$0x31D0];
	v27 =	vor.u32 v2, v24  }
0x491: {  	v30 =	vld [tilespmem:s12+$0x3580];
	v29 =	vor.u32 v3, v24  }
0x492: {  	v32 =	vld [tilespmem:s12+$0x31C0];
	v31 =	vor.u32 v4, v24  }
0x493: {  	v13 =	vld [tilespmem:s12+$0x35D0];
	v17 =	vor.u32 v5, v24  }
0x494: {  	v14 =	vor.u32 v6, v24;
	[tilespmem:v26+s3+$0x0] =	vst.idx.add.f32.msk $0xffff, v15  }
0x495: {  	v15 =	vor.u32 v7, v24;
	[tilespmem:v27+s3+$0x0] =	vst.idx.add.f32.msk $0xffff, v16  }
0x496: {  	v16 =	vor.u32 v8, v24;
	[tilespmem:v29+s3+$0x0] =	vst.idx.add.f32.msk $0xffff, v25  }
0x497: {  	[tilespmem:v31+s3+$0x0] =	vst.idx.add.f32.msk $0xffff, v23  }
0x498: {  	[tilespmem:v17+s3+$0x0] =	vst.idx.add.f32.msk $0xffff, v32  }
0x499: {  	[tilespmem:v14+s3+$0x0] =	vst.idx.add.f32.msk $0xffff, v28  }
0x49a: {  	[tilespmem:v15+s3+$0x0] =	vst.idx.add.f32.msk $0xffff, v18  }
0x49b: {  	[tilespmem:v16+s3+$0x0] =	vst.idx.add.f32.msk $0xffff, v22  }
0x49c: {  	[tilespmem:v26+s5+$0x0] =	vst.idx.add.f32.msk $0xffff, v30  }
0x49d: {  	[tilespmem:v27+s5+$0x0] =	vst.idx.add.f32.msk $0xffff, v21  }
0x49e: {  	[tilespmem:v29+s5+$0x0] =	vst.idx.add.f32.msk $0xffff, v20  }
0x49f: {  	s14 =	simm.s32 $0x1;
	s12 =	simm.s32 $0x0;
	[tilespmem:v31+s5+$0x0] =	vst.idx.add.f32.msk $0xffff, v19  }
.LBB2_34:
0x4a0: {  	s13 =	smov.u32 s14  }
0x4a1: {  	v18 =	vmov s14;
	[tilespmem:v17+s5+$0x0] =	vst.idx.add.f32.msk $0xffff, v12;
	s11 =	sadd.s32 $0x80, s11;
	s12 =	sadd.s32 $0x100, s12;
	s13 =	sadd.s32 $0x1, s14  }
0x4a2: {  	p0 =	sne.s32 s14, $0xF;
	v12 =	vperm.xlane v9, v18;
	[tilespmem:v14+s5+$0x0] =	vst.idx.add.f32.msk $0xffff, v13  }
0x4a3: {  	s14 =	sand.u32 $0x800, s12;
	s15 =	sand.u32 $0x380, s11;
	[tilespmem:v15+s5+$0x0] =	vst.idx.add.f32.msk $0xffff, v11  }
0x4a4: {  	s14 =	sor.u32 s15, s14;
	v18 =	vshll.u32 v12, $0x7;
	[tilespmem:v16+s5+$0x0] =	vst.idx.add.f32.msk $0xffff, v10  }
0x4a5: {  	v20 =	vor.u32 v0, v18;
	v19 =	vld [tilespmem:s14+$0x31E0]  }
0x4a6: {  	v21 =	vor.u32 v2, v18;
	v10 =	vld [tilespmem:s14+$0x35F0]  }
0x4a7: {  	v12 =	vld [tilespmem:s14+$0x35C0]  }
0x4a8: {  	v11 =	vld [tilespmem:s14+$0x35E0]  }
0x4a9: {  	v22 =	vld [tilespmem:s14+$0x35B0]  }
0x4aa: {  	v23 =	vld [tilespmem:s14+$0x35A0]  }
0x4ab: {  	v24 =	vld [tilespmem:s14+$0x3590]  }
0x4ac: {  	v25 =	vld [tilespmem:s14+$0x31F0]  }
0x4ad: {  	v26 =	vld [tilespmem:s14+$0x31B0]  }
0x4ae: {  	v16 =	vld [tilespmem:s14+$0x3190]  }
0x4af: {  	v27 =	vld [tilespmem:s14+$0x31A0]  }
0x4b0: {  	v15 =	vld [tilespmem:s14+$0x3180]  }
0x4b1: {  	v29 =	vor.u32 v3, v18;
	v28 =	vld [tilespmem:s14+$0x31D0]  }
0x4b2: {  	v31 =	vor.u32 v4, v18;
	v30 =	vld [tilespmem:s14+$0x3580]  }
0x4b3: {  	v17 =	vor.u32 v5, v18;
	v13 =	vld [tilespmem:s14+$0x35D0]  }
0x4b4: {  	v14 =	vor.u32 v6, v18;
	v32 =	vld [tilespmem:s14+$0x31C0]  }
0x4b5: {  	[tilespmem:v20+s3+$0x0] =	vst.idx.add.f32.msk $0xffff, v15;
	v15 =	vor.u32 v7, v18  }
0x4b6: {  	[tilespmem:v21+s3+$0x0] =	vst.idx.add.f32.msk $0xffff, v16;
	v16 =	vor.u32 v8, v18  }
0x4b7: {  	[tilespmem:v29+s3+$0x0] =	vst.idx.add.f32.msk $0xffff, v27  }
0x4b8: {  	[tilespmem:v31+s3+$0x0] =	vst.idx.add.f32.msk $0xffff, v26  }
0x4b9: {  	[tilespmem:v17+s3+$0x0] =	vst.idx.add.f32.msk $0xffff, v32  }
0x4ba: {  	[tilespmem:v14+s3+$0x0] =	vst.idx.add.f32.msk $0xffff, v28  }
0x4bb: {  	[tilespmem:v15+s3+$0x0] =	vst.idx.add.f32.msk $0xffff, v19  }
.Ltmp16:
0x4bc: {  	[tilespmem:v16+s3+$0x0] =	vst.idx.add.f32.msk $0xffff, v25;
	(pc) =	sbr.rel @p0 .LBB2_34-.Ltmp16, $4  }
0x4bd: {  	[tilespmem:v20+s5+$0x0] =	vst.idx.add.f32.msk $0xffff, v30  }
0x4be: {  	[tilespmem:v21+s5+$0x0] =	vst.idx.add.f32.msk $0xffff, v24  }
0x4bf: {  	[tilespmem:v29+s5+$0x0] =	vst.idx.add.f32.msk $0xffff, v23  }
0x4c0: {  	s14 =	smov.u32 s13;
	[tilespmem:v31+s5+$0x0] =	vst.idx.add.f32.msk $0xffff, v22  }
0x4c1: {  	_ =	sdelay $0x3  }
0x4c2: {  	[tilespmem:v17+s5+$0x0] =	vst.idx.add.f32.msk $0xffff, v12  }
0x4c3: {  	[tilespmem:v14+s5+$0x0] =	vst.idx.add.f32.msk $0xffff, v13  }
0x4c4: {  	[tilespmem:v15+s5+$0x0] =	vst.idx.add.f32.msk $0xffff, v11  }
0x4c5: {  	[tilespmem:v16+s5+$0x0] =	vst.idx.add.f32.msk $0xffff, v10  }
0x4c6: {  	_ =	swait.ge [sflag:s0], $0x1000  }
0x4c7: {  	s11 =	simm.s32 $0x0;
	[sflag:s0] =	ssyncset.done $0x0  }
0x4c8: {  	s12 =	sand.u32 $0x800, s11;
	s13 =	sand.u32 $0x380, s11;
	[sflag:s0] =	ssyncadd.s32 $0xFFFFF000  }
0x4c9: {  	s12 =	sor.u32 s13, s12;
	v9 =	vld [tilespmem:$0x100]  }
0x4ca: {  	v18 =	vld [tilespmem:s12+$0x1E0]  }
0x4cb: {  	v10 =	vld [tilespmem:s12+$0x5F0]  }
0x4cc: {  	v12 =	vld [tilespmem:s12+$0x5C0]  }
0x4cd: {  	v11 =	vld [tilespmem:s12+$0x5E0]  }
0x4ce: {  	v19 =	vld [tilespmem:s12+$0x5B0]  }
0x4cf: {  	v20 =	vld [tilespmem:s12+$0x5A0]  }
0x4d0: {  	v21 =	vld [tilespmem:s12+$0x590]  }
0x4d1: {  	v13 =	vmov s11;
	v22 =	vld [tilespmem:s12+$0x1F0]  }
0x4d2: {  	v23 =	vld [tilespmem:s12+$0x1B0];
	v13 =	vperm.xlane v9, v13  }
0x4d3: {  	v16 =	vld [tilespmem:s12+$0x190]  }
0x4d4: {  	v25 =	vld [tilespmem:s12+$0x1A0];
	v24 =	vshll.u32 v13, $0x7  }
0x4d5: {  	v15 =	vld [tilespmem:s12+$0x180];
	v26 =	vor.u32 v0, v24  }
0x4d6: {  	v28 =	vld [tilespmem:s12+$0x1D0];
	v27 =	vor.u32 v2, v24  }
0x4d7: {  	v30 =	vld [tilespmem:s12+$0x580];
	v29 =	vor.u32 v3, v24  }
0x4d8: {  	v32 =	vld [tilespmem:s12+$0x1C0];
	v31 =	vor.u32 v4, v24  }
0x4d9: {  	v13 =	vld [tilespmem:s12+$0x5D0];
	v17 =	vor.u32 v5, v24  }
0x4da: {  	v14 =	vor.u32 v6, v24;
	[tilespmem:v26+s3+$0x0] =	vst.idx.add.f32.msk $0xffff, v15  }
0x4db: {  	v15 =	vor.u32 v7, v24;
	[tilespmem:v27+s3+$0x0] =	vst.idx.add.f32.msk $0xffff, v16  }
0x4dc: {  	v16 =	vor.u32 v8, v24;
	[tilespmem:v29+s3+$0x0] =	vst.idx.add.f32.msk $0xffff, v25  }
0x4dd: {  	[tilespmem:v31+s3+$0x0] =	vst.idx.add.f32.msk $0xffff, v23  }
0x4de: {  	[tilespmem:v17+s3+$0x0] =	vst.idx.add.f32.msk $0xffff, v32  }
0x4df: {  	[tilespmem:v14+s3+$0x0] =	vst.idx.add.f32.msk $0xffff, v28  }
0x4e0: {  	[tilespmem:v15+s3+$0x0] =	vst.idx.add.f32.msk $0xffff, v18  }
0x4e1: {  	[tilespmem:v16+s3+$0x0] =	vst.idx.add.f32.msk $0xffff, v22  }
0x4e2: {  	[tilespmem:v26+s5+$0x0] =	vst.idx.add.f32.msk $0xffff, v30  }
0x4e3: {  	[tilespmem:v27+s5+$0x0] =	vst.idx.add.f32.msk $0xffff, v21  }
0x4e4: {  	[tilespmem:v29+s5+$0x0] =	vst.idx.add.f32.msk $0xffff, v20  }
0x4e5: {  	s14 =	simm.s32 $0x1;
	s12 =	simm.s32 $0x0;
	[tilespmem:v31+s5+$0x0] =	vst.idx.add.f32.msk $0xffff, v19  }
.LBB2_36:
0x4e6: {  	s13 =	smov.u32 s14  }
0x4e7: {  	v18 =	vmov s14;
	[tilespmem:v17+s5+$0x0] =	vst.idx.add.f32.msk $0xffff, v12;
	s11 =	sadd.s32 $0x80, s11;
	s12 =	sadd.s32 $0x100, s12;
	s13 =	sadd.s32 $0x1, s14  }
0x4e8: {  	p0 =	sne.s32 s14, $0xF;
	v12 =	vperm.xlane v9, v18;
	[tilespmem:v14+s5+$0x0] =	vst.idx.add.f32.msk $0xffff, v13  }
0x4e9: {  	s14 =	sand.u32 $0x800, s12;
	s15 =	sand.u32 $0x380, s11;
	[tilespmem:v15+s5+$0x0] =	vst.idx.add.f32.msk $0xffff, v11  }
0x4ea: {  	s14 =	sor.u32 s15, s14;
	v18 =	vshll.u32 v12, $0x7;
	[tilespmem:v16+s5+$0x0] =	vst.idx.add.f32.msk $0xffff, v10  }
0x4eb: {  	v20 =	vor.u32 v0, v18;
	v19 =	vld [tilespmem:s14+$0x1E0]  }
0x4ec: {  	v21 =	vor.u32 v2, v18;
	v10 =	vld [tilespmem:s14+$0x5F0]  }
0x4ed: {  	v12 =	vld [tilespmem:s14+$0x5C0]  }
0x4ee: {  	v11 =	vld [tilespmem:s14+$0x5E0]  }
0x4ef: {  	v22 =	vld [tilespmem:s14+$0x5B0]  }
0x4f0: {  	v23 =	vld [tilespmem:s14+$0x5A0]  }
0x4f1: {  	v24 =	vld [tilespmem:s14+$0x590]  }
0x4f2: {  	v25 =	vld [tilespmem:s14+$0x1F0]  }
0x4f3: {  	v26 =	vld [tilespmem:s14+$0x1B0]  }
0x4f4: {  	v16 =	vld [tilespmem:s14+$0x190]  }
0x4f5: {  	v27 =	vld [tilespmem:s14+$0x1A0]  }
0x4f6: {  	v15 =	vld [tilespmem:s14+$0x180]  }
0x4f7: {  	v29 =	vor.u32 v3, v18;
	v28 =	vld [tilespmem:s14+$0x1D0]  }
0x4f8: {  	v31 =	vor.u32 v4, v18;
	v30 =	vld [tilespmem:s14+$0x580]  }
0x4f9: {  	v17 =	vor.u32 v5, v18;
	v13 =	vld [tilespmem:s14+$0x5D0]  }
0x4fa: {  	v14 =	vor.u32 v6, v18;
	v32 =	vld [tilespmem:s14+$0x1C0]  }
0x4fb: {  	[tilespmem:v20+s3+$0x0] =	vst.idx.add.f32.msk $0xffff, v15;
	v15 =	vor.u32 v7, v18  }
0x4fc: {  	[tilespmem:v21+s3+$0x0] =	vst.idx.add.f32.msk $0xffff, v16;
	v16 =	vor.u32 v8, v18  }
0x4fd: {  	[tilespmem:v29+s3+$0x0] =	vst.idx.add.f32.msk $0xffff, v27  }
0x4fe: {  	[tilespmem:v31+s3+$0x0] =	vst.idx.add.f32.msk $0xffff, v26  }
0x4ff: {  	[tilespmem:v17+s3+$0x0] =	vst.idx.add.f32.msk $0xffff, v32  }
0x500: {  	[tilespmem:v14+s3+$0x0] =	vst.idx.add.f32.msk $0xffff, v28  }
0x501: {  	[tilespmem:v15+s3+$0x0] =	vst.idx.add.f32.msk $0xffff, v19  }
.Ltmp17:
0x502: {  	[tilespmem:v16+s3+$0x0] =	vst.idx.add.f32.msk $0xffff, v25;
	(pc) =	sbr.rel @p0 .LBB2_36-.Ltmp17, $4  }
0x503: {  	[tilespmem:v20+s5+$0x0] =	vst.idx.add.f32.msk $0xffff, v30  }
0x504: {  	[tilespmem:v21+s5+$0x0] =	vst.idx.add.f32.msk $0xffff, v24  }
0x505: {  	[tilespmem:v29+s5+$0x0] =	vst.idx.add.f32.msk $0xffff, v23  }
0x506: {  	s14 =	smov.u32 s13;
	[tilespmem:v31+s5+$0x0] =	vst.idx.add.f32.msk $0xffff, v22  }
0x507: {  	_ =	sdelay $0x3  }
0x508: {  	[tilespmem:v17+s5+$0x0] =	vst.idx.add.f32.msk $0xffff, v12  }
0x509: {  	[tilespmem:v14+s5+$0x0] =	vst.idx.add.f32.msk $0xffff, v13  }
0x50a: {  	[tilespmem:v15+s5+$0x0] =	vst.idx.add.f32.msk $0xffff, v11  }
0x50b: {  	[tilespmem:v16+s5+$0x0] =	vst.idx.add.f32.msk $0xffff, v10  }
0x50c: {  	_ =	swait.ge [sflag:s6], $0x1000  }
0x50d: {  	s11 =	simm.s32 $0x0;
	[sflag:s6] =	ssyncset.done $0x0  }
0x50e: {  	s12 =	sand.u32 $0x800, s11;
	s13 =	sand.u32 $0x380, s11;
	[sflag:s6] =	ssyncadd.s32 $0xFFFFF000  }
0x50f: {  	s12 =	sor.u32 s13, s12;
	v9 =	vld [tilespmem:$0x110]  }
0x510: {  	v18 =	vld [tilespmem:s12+$0x11E0]  }
0x511: {  	v10 =	vld [tilespmem:s12+$0x15F0]  }
0x512: {  	v12 =	vld [tilespmem:s12+$0x15C0]  }
0x513: {  	v11 =	vld [tilespmem:s12+$0x15E0]  }
0x514: {  	v19 =	vld [tilespmem:s12+$0x15B0]  }
0x515: {  	v20 =	vld [tilespmem:s12+$0x15A0]  }
0x516: {  	v21 =	vld [tilespmem:s12+$0x1590]  }
0x517: {  	v13 =	vmov s11;
	v22 =	vld [tilespmem:s12+$0x11F0]  }
0x518: {  	v23 =	vld [tilespmem:s12+$0x11B0];
	v13 =	vperm.xlane v9, v13  }
0x519: {  	v16 =	vld [tilespmem:s12+$0x1190]  }
0x51a: {  	v25 =	vld [tilespmem:s12+$0x11A0];
	v24 =	vshll.u32 v13, $0x7  }
0x51b: {  	v15 =	vld [tilespmem:s12+$0x1180];
	v26 =	vor.u32 v0, v24  }
0x51c: {  	v28 =	vld [tilespmem:s12+$0x11D0];
	v27 =	vor.u32 v2, v24  }
0x51d: {  	v30 =	vld [tilespmem:s12+$0x1580];
	v29 =	vor.u32 v3, v24  }
0x51e: {  	v32 =	vld [tilespmem:s12+$0x11C0];
	v31 =	vor.u32 v4, v24  }
0x51f: {  	v13 =	vld [tilespmem:s12+$0x15D0];
	v17 =	vor.u32 v5, v24  }
0x520: {  	v14 =	vor.u32 v6, v24;
	[tilespmem:v26+s3+$0x0] =	vst.idx.add.f32.msk $0xffff, v15  }
0x521: {  	v15 =	vor.u32 v7, v24;
	[tilespmem:v27+s3+$0x0] =	vst.idx.add.f32.msk $0xffff, v16  }
0x522: {  	v16 =	vor.u32 v8, v24;
	[tilespmem:v29+s3+$0x0] =	vst.idx.add.f32.msk $0xffff, v25  }
0x523: {  	[tilespmem:v31+s3+$0x0] =	vst.idx.add.f32.msk $0xffff, v23  }
0x524: {  	[tilespmem:v17+s3+$0x0] =	vst.idx.add.f32.msk $0xffff, v32  }
0x525: {  	[tilespmem:v14+s3+$0x0] =	vst.idx.add.f32.msk $0xffff, v28  }
0x526: {  	[tilespmem:v15+s3+$0x0] =	vst.idx.add.f32.msk $0xffff, v18  }
0x527: {  	[tilespmem:v16+s3+$0x0] =	vst.idx.add.f32.msk $0xffff, v22  }
0x528: {  	[tilespmem:v26+s5+$0x0] =	vst.idx.add.f32.msk $0xffff, v30  }
0x529: {  	[tilespmem:v27+s5+$0x0] =	vst.idx.add.f32.msk $0xffff, v21  }
0x52a: {  	[tilespmem:v29+s5+$0x0] =	vst.idx.add.f32.msk $0xffff, v20  }
0x52b: {  	s14 =	simm.s32 $0x1;
	s12 =	simm.s32 $0x0;
	[tilespmem:v31+s5+$0x0] =	vst.idx.add.f32.msk $0xffff, v19  }
.LBB2_38:
0x52c: {  	s13 =	smov.u32 s14  }
0x52d: {  	v18 =	vmov s14;
	[tilespmem:v17+s5+$0x0] =	vst.idx.add.f32.msk $0xffff, v12;
	s11 =	sadd.s32 $0x80, s11;
	s12 =	sadd.s32 $0x100, s12;
	s13 =	sadd.s32 $0x1, s14  }
0x52e: {  	p0 =	sne.s32 s14, $0xF;
	v12 =	vperm.xlane v9, v18;
	[tilespmem:v14+s5+$0x0] =	vst.idx.add.f32.msk $0xffff, v13  }
0x52f: {  	s14 =	sand.u32 $0x800, s12;
	s15 =	sand.u32 $0x380, s11;
	[tilespmem:v15+s5+$0x0] =	vst.idx.add.f32.msk $0xffff, v11  }
0x530: {  	s14 =	sor.u32 s15, s14;
	v18 =	vshll.u32 v12, $0x7;
	[tilespmem:v16+s5+$0x0] =	vst.idx.add.f32.msk $0xffff, v10  }
0x531: {  	v20 =	vor.u32 v0, v18;
	v19 =	vld [tilespmem:s14+$0x11E0]  }
0x532: {  	v21 =	vor.u32 v2, v18;
	v10 =	vld [tilespmem:s14+$0x15F0]  }
0x533: {  	v12 =	vld [tilespmem:s14+$0x15C0]  }
0x534: {  	v11 =	vld [tilespmem:s14+$0x15E0]  }
0x535: {  	v22 =	vld [tilespmem:s14+$0x15B0]  }
0x536: {  	v23 =	vld [tilespmem:s14+$0x15A0]  }
0x537: {  	v24 =	vld [tilespmem:s14+$0x1590]  }
0x538: {  	v25 =	vld [tilespmem:s14+$0x11F0]  }
0x539: {  	v26 =	vld [tilespmem:s14+$0x11B0]  }
0x53a: {  	v16 =	vld [tilespmem:s14+$0x1190]  }
0x53b: {  	v27 =	vld [tilespmem:s14+$0x11A0]  }
0x53c: {  	v15 =	vld [tilespmem:s14+$0x1180]  }
0x53d: {  	v29 =	vor.u32 v3, v18;
	v28 =	vld [tilespmem:s14+$0x11D0]  }
0x53e: {  	v31 =	vor.u32 v4, v18;
	v30 =	vld [tilespmem:s14+$0x1580]  }
0x53f: {  	v17 =	vor.u32 v5, v18;
	v13 =	vld [tilespmem:s14+$0x15D0]  }
0x540: {  	v14 =	vor.u32 v6, v18;
	v32 =	vld [tilespmem:s14+$0x11C0]  }
0x541: {  	[tilespmem:v20+s3+$0x0] =	vst.idx.add.f32.msk $0xffff, v15;
	v15 =	vor.u32 v7, v18  }
0x542: {  	[tilespmem:v21+s3+$0x0] =	vst.idx.add.f32.msk $0xffff, v16;
	v16 =	vor.u32 v8, v18  }
0x543: {  	[tilespmem:v29+s3+$0x0] =	vst.idx.add.f32.msk $0xffff, v27  }
0x544: {  	[tilespmem:v31+s3+$0x0] =	vst.idx.add.f32.msk $0xffff, v26  }
0x545: {  	[tilespmem:v17+s3+$0x0] =	vst.idx.add.f32.msk $0xffff, v32  }
0x546: {  	[tilespmem:v14+s3+$0x0] =	vst.idx.add.f32.msk $0xffff, v28  }
0x547: {  	[tilespmem:v15+s3+$0x0] =	vst.idx.add.f32.msk $0xffff, v19  }
.Ltmp18:
0x548: {  	[tilespmem:v16+s3+$0x0] =	vst.idx.add.f32.msk $0xffff, v25;
	(pc) =	sbr.rel @p0 .LBB2_38-.Ltmp18, $4  }
0x549: {  	[tilespmem:v20+s5+$0x0] =	vst.idx.add.f32.msk $0xffff, v30  }
0x54a: {  	[tilespmem:v21+s5+$0x0] =	vst.idx.add.f32.msk $0xffff, v24  }
0x54b: {  	[tilespmem:v29+s5+$0x0] =	vst.idx.add.f32.msk $0xffff, v23  }
0x54c: {  	s14 =	smov.u32 s13;
	[tilespmem:v31+s5+$0x0] =	vst.idx.add.f32.msk $0xffff, v22  }
0x54d: {  	_ =	sdelay $0x3  }
0x54e: {  	[tilespmem:v17+s5+$0x0] =	vst.idx.add.f32.msk $0xffff, v12  }
0x54f: {  	[tilespmem:v14+s5+$0x0] =	vst.idx.add.f32.msk $0xffff, v13  }
0x550: {  	[tilespmem:v15+s5+$0x0] =	vst.idx.add.f32.msk $0xffff, v11  }
0x551: {  	[tilespmem:v16+s5+$0x0] =	vst.idx.add.f32.msk $0xffff, v10  }
0x552: {  	_ =	swait.ge [sflag:s7], $0x1000  }
0x553: {  	s11 =	simm.s32 $0x0;
	[sflag:s7] =	ssyncset.done $0x0  }
0x554: {  	s12 =	sand.u32 $0x800, s11;
	s13 =	sand.u32 $0x380, s11;
	[sflag:s7] =	ssyncadd.s32 $0xFFFFF000  }
0x555: {  	s12 =	sor.u32 s13, s12;
	v9 =	vld [tilespmem:$0x120]  }
0x556: {  	v18 =	vld [tilespmem:s12+$0x21E0]  }
0x557: {  	v10 =	vld [tilespmem:s12+$0x25F0]  }
0x558: {  	v12 =	vld [tilespmem:s12+$0x25C0]  }
0x559: {  	v11 =	vld [tilespmem:s12+$0x25E0]  }
0x55a: {  	v19 =	vld [tilespmem:s12+$0x25B0]  }
0x55b: {  	v20 =	vld [tilespmem:s12+$0x25A0]  }
0x55c: {  	v21 =	vld [tilespmem:s12+$0x2590]  }
0x55d: {  	v13 =	vmov s11;
	v22 =	vld [tilespmem:s12+$0x21F0]  }
0x55e: {  	v23 =	vld [tilespmem:s12+$0x21B0];
	v13 =	vperm.xlane v9, v13  }
0x55f: {  	v16 =	vld [tilespmem:s12+$0x2190]  }
0x560: {  	v25 =	vld [tilespmem:s12+$0x21A0];
	v24 =	vshll.u32 v13, $0x7  }
0x561: {  	v15 =	vld [tilespmem:s12+$0x2180];
	v26 =	vor.u32 v0, v24  }
0x562: {  	v28 =	vld [tilespmem:s12+$0x21D0];
	v27 =	vor.u32 v2, v24  }
0x563: {  	v30 =	vld [tilespmem:s12+$0x2580];
	v29 =	vor.u32 v3, v24  }
0x564: {  	v32 =	vld [tilespmem:s12+$0x21C0];
	v31 =	vor.u32 v4, v24  }
0x565: {  	v13 =	vld [tilespmem:s12+$0x25D0];
	v17 =	vor.u32 v5, v24  }
0x566: {  	v14 =	vor.u32 v6, v24;
	[tilespmem:v26+s3+$0x0] =	vst.idx.add.f32.msk $0xffff, v15  }
0x567: {  	v15 =	vor.u32 v7, v24;
	[tilespmem:v27+s3+$0x0] =	vst.idx.add.f32.msk $0xffff, v16  }
0x568: {  	v16 =	vor.u32 v8, v24;
	[tilespmem:v29+s3+$0x0] =	vst.idx.add.f32.msk $0xffff, v25  }
0x569: {  	[tilespmem:v31+s3+$0x0] =	vst.idx.add.f32.msk $0xffff, v23  }
0x56a: {  	[tilespmem:v17+s3+$0x0] =	vst.idx.add.f32.msk $0xffff, v32  }
0x56b: {  	[tilespmem:v14+s3+$0x0] =	vst.idx.add.f32.msk $0xffff, v28  }
0x56c: {  	[tilespmem:v15+s3+$0x0] =	vst.idx.add.f32.msk $0xffff, v18  }
0x56d: {  	[tilespmem:v16+s3+$0x0] =	vst.idx.add.f32.msk $0xffff, v22  }
0x56e: {  	[tilespmem:v26+s5+$0x0] =	vst.idx.add.f32.msk $0xffff, v30  }
0x56f: {  	[tilespmem:v27+s5+$0x0] =	vst.idx.add.f32.msk $0xffff, v21  }
0x570: {  	[tilespmem:v29+s5+$0x0] =	vst.idx.add.f32.msk $0xffff, v20  }
0x571: {  	s14 =	simm.s32 $0x1;
	s12 =	simm.s32 $0x0;
	[tilespmem:v31+s5+$0x0] =	vst.idx.add.f32.msk $0xffff, v19  }
.LBB2_40:
0x572: {  	s13 =	smov.u32 s14  }
0x573: {  	v18 =	vmov s14;
	[tilespmem:v17+s5+$0x0] =	vst.idx.add.f32.msk $0xffff, v12;
	s11 =	sadd.s32 $0x80, s11;
	s12 =	sadd.s32 $0x100, s12;
	s13 =	sadd.s32 $0x1, s14  }
0x574: {  	p0 =	sne.s32 s14, $0xF;
	v12 =	vperm.xlane v9, v18;
	[tilespmem:v14+s5+$0x0] =	vst.idx.add.f32.msk $0xffff, v13  }
0x575: {  	s14 =	sand.u32 $0x800, s12;
	s15 =	sand.u32 $0x380, s11;
	[tilespmem:v15+s5+$0x0] =	vst.idx.add.f32.msk $0xffff, v11  }
0x576: {  	s14 =	sor.u32 s15, s14;
	v18 =	vshll.u32 v12, $0x7;
	[tilespmem:v16+s5+$0x0] =	vst.idx.add.f32.msk $0xffff, v10  }
0x577: {  	v20 =	vor.u32 v0, v18;
	v19 =	vld [tilespmem:s14+$0x21E0]  }
0x578: {  	v21 =	vor.u32 v2, v18;
	v10 =	vld [tilespmem:s14+$0x25F0]  }
0x579: {  	v12 =	vld [tilespmem:s14+$0x25C0]  }
0x57a: {  	v11 =	vld [tilespmem:s14+$0x25E0]  }
0x57b: {  	v22 =	vld [tilespmem:s14+$0x25B0]  }
0x57c: {  	v23 =	vld [tilespmem:s14+$0x25A0]  }
0x57d: {  	v24 =	vld [tilespmem:s14+$0x2590]  }
0x57e: {  	v25 =	vld [tilespmem:s14+$0x21F0]  }
0x57f: {  	v26 =	vld [tilespmem:s14+$0x21B0]  }
0x580: {  	v16 =	vld [tilespmem:s14+$0x2190]  }
0x581: {  	v27 =	vld [tilespmem:s14+$0x21A0]  }
0x582: {  	v15 =	vld [tilespmem:s14+$0x2180]  }
0x583: {  	v29 =	vor.u32 v3, v18;
	v28 =	vld [tilespmem:s14+$0x21D0]  }
0x584: {  	v31 =	vor.u32 v4, v18;
	v30 =	vld [tilespmem:s14+$0x2580]  }
0x585: {  	v17 =	vor.u32 v5, v18;
	v13 =	vld [tilespmem:s14+$0x25D0]  }
0x586: {  	v14 =	vor.u32 v6, v18;
	v32 =	vld [tilespmem:s14+$0x21C0]  }
0x587: {  	[tilespmem:v20+s3+$0x0] =	vst.idx.add.f32.msk $0xffff, v15;
	v15 =	vor.u32 v7, v18  }
0x588: {  	[tilespmem:v21+s3+$0x0] =	vst.idx.add.f32.msk $0xffff, v16;
	v16 =	vor.u32 v8, v18  }
0x589: {  	[tilespmem:v29+s3+$0x0] =	vst.idx.add.f32.msk $0xffff, v27  }
0x58a: {  	[tilespmem:v31+s3+$0x0] =	vst.idx.add.f32.msk $0xffff, v26  }
0x58b: {  	[tilespmem:v17+s3+$0x0] =	vst.idx.add.f32.msk $0xffff, v32  }
0x58c: {  	[tilespmem:v14+s3+$0x0] =	vst.idx.add.f32.msk $0xffff, v28  }
0x58d: {  	[tilespmem:v15+s3+$0x0] =	vst.idx.add.f32.msk $0xffff, v19  }
.Ltmp19:
0x58e: {  	[tilespmem:v16+s3+$0x0] =	vst.idx.add.f32.msk $0xffff, v25;
	(pc) =	sbr.rel @p0 .LBB2_40-.Ltmp19, $4  }
0x58f: {  	[tilespmem:v20+s5+$0x0] =	vst.idx.add.f32.msk $0xffff, v30  }
0x590: {  	[tilespmem:v21+s5+$0x0] =	vst.idx.add.f32.msk $0xffff, v24  }
0x591: {  	[tilespmem:v29+s5+$0x0] =	vst.idx.add.f32.msk $0xffff, v23  }
0x592: {  	s14 =	smov.u32 s13;
	[tilespmem:v31+s5+$0x0] =	vst.idx.add.f32.msk $0xffff, v22  }
0x593: {  	_ =	sdelay $0x3  }
0x594: {  	[tilespmem:v17+s5+$0x0] =	vst.idx.add.f32.msk $0xffff, v12  }
0x595: {  	[tilespmem:v14+s5+$0x0] =	vst.idx.add.f32.msk $0xffff, v13  }
0x596: {  	[tilespmem:v15+s5+$0x0] =	vst.idx.add.f32.msk $0xffff, v11  }
0x597: {  	[tilespmem:v16+s5+$0x0] =	vst.idx.add.f32.msk $0xffff, v10  }
0x598: {  	_ =	swait.ge [sflag:s8], $0x1000  }
0x599: {  	s11 =	simm.s32 $0x0;
	[sflag:s8] =	ssyncset.done $0x0  }
0x59a: {  	s12 =	sand.u32 $0x800, s11;
	s13 =	sand.u32 $0x380, s11;
	[sflag:s8] =	ssyncadd.s32 $0xFFFFF000  }
0x59b: {  	s12 =	sor.u32 s13, s12;
	v9 =	vld [tilespmem:$0x130]  }
0x59c: {  	v18 =	vld [tilespmem:s12+$0x31E0]  }
0x59d: {  	v10 =	vld [tilespmem:s12+$0x35F0]  }
0x59e: {  	v12 =	vld [tilespmem:s12+$0x35C0]  }
0x59f: {  	v11 =	vld [tilespmem:s12+$0x35E0]  }
0x5a0: {  	v19 =	vld [tilespmem:s12+$0x35B0]  }
0x5a1: {  	v20 =	vld [tilespmem:s12+$0x35A0]  }
0x5a2: {  	v21 =	vld [tilespmem:s12+$0x3590]  }
0x5a3: {  	v13 =	vmov s11;
	v22 =	vld [tilespmem:s12+$0x31F0]  }
0x5a4: {  	v23 =	vld [tilespmem:s12+$0x31B0];
	v13 =	vperm.xlane v9, v13  }
0x5a5: {  	v16 =	vld [tilespmem:s12+$0x3190]  }
0x5a6: {  	v25 =	vld [tilespmem:s12+$0x31A0];
	v24 =	vshll.u32 v13, $0x7  }
0x5a7: {  	v15 =	vld [tilespmem:s12+$0x3180];
	v26 =	vor.u32 v0, v24  }
0x5a8: {  	v28 =	vld [tilespmem:s12+$0x31D0];
	v27 =	vor.u32 v2, v24  }
0x5a9: {  	v30 =	vld [tilespmem:s12+$0x3580];
	v29 =	vor.u32 v3, v24  }
0x5aa: {  	v32 =	vld [tilespmem:s12+$0x31C0];
	v31 =	vor.u32 v4, v24  }
0x5ab: {  	v13 =	vld [tilespmem:s12+$0x35D0];
	v17 =	vor.u32 v5, v24  }
0x5ac: {  	v14 =	vor.u32 v6, v24;
	[tilespmem:v26+s3+$0x0] =	vst.idx.add.f32.msk $0xffff, v15  }
0x5ad: {  	v15 =	vor.u32 v7, v24;
	[tilespmem:v27+s3+$0x0] =	vst.idx.add.f32.msk $0xffff, v16  }
0x5ae: {  	v16 =	vor.u32 v8, v24;
	[tilespmem:v29+s3+$0x0] =	vst.idx.add.f32.msk $0xffff, v25  }
0x5af: {  	[tilespmem:v31+s3+$0x0] =	vst.idx.add.f32.msk $0xffff, v23  }
0x5b0: {  	[tilespmem:v17+s3+$0x0] =	vst.idx.add.f32.msk $0xffff, v32  }
0x5b1: {  	[tilespmem:v14+s3+$0x0] =	vst.idx.add.f32.msk $0xffff, v28  }
0x5b2: {  	[tilespmem:v15+s3+$0x0] =	vst.idx.add.f32.msk $0xffff, v18  }
0x5b3: {  	[tilespmem:v16+s3+$0x0] =	vst.idx.add.f32.msk $0xffff, v22  }
0x5b4: {  	[tilespmem:v26+s5+$0x0] =	vst.idx.add.f32.msk $0xffff, v30  }
0x5b5: {  	[tilespmem:v27+s5+$0x0] =	vst.idx.add.f32.msk $0xffff, v21  }
0x5b6: {  	[tilespmem:v29+s5+$0x0] =	vst.idx.add.f32.msk $0xffff, v20  }
0x5b7: {  	s14 =	simm.s32 $0x1;
	s12 =	simm.s32 $0x0;
	[tilespmem:v31+s5+$0x0] =	vst.idx.add.f32.msk $0xffff, v19  }
.LBB2_42:
0x5b8: {  	s13 =	smov.u32 s14  }
0x5b9: {  	v18 =	vmov s14;
	[tilespmem:v17+s5+$0x0] =	vst.idx.add.f32.msk $0xffff, v12;
	s11 =	sadd.s32 $0x80, s11;
	s12 =	sadd.s32 $0x100, s12;
	s13 =	sadd.s32 $0x1, s14  }
0x5ba: {  	p0 =	sne.s32 s14, $0xF;
	v12 =	vperm.xlane v9, v18;
	[tilespmem:v14+s5+$0x0] =	vst.idx.add.f32.msk $0xffff, v13  }
0x5bb: {  	s14 =	sand.u32 $0x800, s12;
	s15 =	sand.u32 $0x380, s11;
	[tilespmem:v15+s5+$0x0] =	vst.idx.add.f32.msk $0xffff, v11  }
0x5bc: {  	s14 =	sor.u32 s15, s14;
	v18 =	vshll.u32 v12, $0x7;
	[tilespmem:v16+s5+$0x0] =	vst.idx.add.f32.msk $0xffff, v10  }
0x5bd: {  	v20 =	vor.u32 v0, v18;
	v19 =	vld [tilespmem:s14+$0x31E0]  }
0x5be: {  	v21 =	vor.u32 v2, v18;
	v10 =	vld [tilespmem:s14+$0x35F0]  }
0x5bf: {  	v12 =	vld [tilespmem:s14+$0x35C0]  }
0x5c0: {  	v11 =	vld [tilespmem:s14+$0x35E0]  }
0x5c1: {  	v22 =	vld [tilespmem:s14+$0x35B0]  }
0x5c2: {  	v23 =	vld [tilespmem:s14+$0x35A0]  }
0x5c3: {  	v24 =	vld [tilespmem:s14+$0x3590]  }
0x5c4: {  	v25 =	vld [tilespmem:s14+$0x31F0]  }
0x5c5: {  	v26 =	vld [tilespmem:s14+$0x31B0]  }
0x5c6: {  	v16 =	vld [tilespmem:s14+$0x3190]  }
0x5c7: {  	v27 =	vld [tilespmem:s14+$0x31A0]  }
0x5c8: {  	v15 =	vld [tilespmem:s14+$0x3180]  }
0x5c9: {  	v29 =	vor.u32 v3, v18;
	v28 =	vld [tilespmem:s14+$0x31D0]  }
0x5ca: {  	v31 =	vor.u32 v4, v18;
	v30 =	vld [tilespmem:s14+$0x3580]  }
0x5cb: {  	v17 =	vor.u32 v5, v18;
	v13 =	vld [tilespmem:s14+$0x35D0]  }
0x5cc: {  	v14 =	vor.u32 v6, v18;
	v32 =	vld [tilespmem:s14+$0x31C0]  }
0x5cd: {  	[tilespmem:v20+s3+$0x0] =	vst.idx.add.f32.msk $0xffff, v15;
	v15 =	vor.u32 v7, v18  }
0x5ce: {  	[tilespmem:v21+s3+$0x0] =	vst.idx.add.f32.msk $0xffff, v16;
	v16 =	vor.u32 v8, v18  }
0x5cf: {  	[tilespmem:v29+s3+$0x0] =	vst.idx.add.f32.msk $0xffff, v27  }
0x5d0: {  	[tilespmem:v31+s3+$0x0] =	vst.idx.add.f32.msk $0xffff, v26  }
0x5d1: {  	[tilespmem:v17+s3+$0x0] =	vst.idx.add.f32.msk $0xffff, v32  }
0x5d2: {  	[tilespmem:v14+s3+$0x0] =	vst.idx.add.f32.msk $0xffff, v28  }
0x5d3: {  	[tilespmem:v15+s3+$0x0] =	vst.idx.add.f32.msk $0xffff, v19  }
.Ltmp20:
0x5d4: {  	[tilespmem:v16+s3+$0x0] =	vst.idx.add.f32.msk $0xffff, v25;
	(pc) =	sbr.rel @p0 .LBB2_42-.Ltmp20, $4  }
0x5d5: {  	[tilespmem:v20+s5+$0x0] =	vst.idx.add.f32.msk $0xffff, v30  }
0x5d6: {  	[tilespmem:v21+s5+$0x0] =	vst.idx.add.f32.msk $0xffff, v24  }
0x5d7: {  	[tilespmem:v29+s5+$0x0] =	vst.idx.add.f32.msk $0xffff, v23  }
0x5d8: {  	s14 =	smov.u32 s13;
	[tilespmem:v31+s5+$0x0] =	vst.idx.add.f32.msk $0xffff, v22  }
0x5d9: {  	_ =	sdelay $0x3  }
0x5da: {  	[tilespmem:v17+s5+$0x0] =	vst.idx.add.f32.msk $0xffff, v12  }
0x5db: {  	[tilespmem:v14+s5+$0x0] =	vst.idx.add.f32.msk $0xffff, v13  }
0x5dc: {  	[tilespmem:v15+s5+$0x0] =	vst.idx.add.f32.msk $0xffff, v11  }
0x5dd: {  	[tilespmem:v16+s5+$0x0] =	vst.idx.add.f32.msk $0xffff, v10  }
0x5de: {  	[hbm4b:s23+s2] =	stream.linear.scatter [tilespmem:s3], [sflag:$0x6], $0x8800, $0x38;
	[tilespmem:$0x15180] =	vst v63  }
0x5df: {  	s10 =	sadd.s32 $0x1, s10;
	_ =	swait.ge [sflag:s9], $0x8800  }
0x5e0: {  	p0 =	sne.s32 s10, s25;
	[sflag:s9] =	ssyncset.done $0x0  }
.Ltmp21:
0x5e1: {  	[sflag:s9] =	ssyncadd.s32 $0xFFFF7800;
	(pc) =	sbr.rel @p0 .LBB2_1-.Ltmp21, $4  }
0x5e2: {  	[hbm4b:s24+s2] =	stream.linear.scatter [tilespmem:s5], [sflag:$0x6], $0x8800, $0x38;
	[tilespmem:$0x15180] =	vst v63  }
0x5e3: {  	_ =	swait.ge [sflag:s9], $0x8800  }
0x5e4: {  	[sflag:s9] =	ssyncset.done $0x0  }
0x5e5: {  	[sflag:s9] =	ssyncadd.s32 $0xFFFF7800  }
0x5e6: {  	_ =	sfence.sel $0x180000  }
0x5e7: {  	[bflag:$0x0] =	sbarrier.arrive $0xFFFF  }
0x5e8: {  	_ =	strace $0x90000047  }
0x5e9: {  	s0 =	stileid.u32;
	[bflag:$0x2] =	sbarrier.arrive $0xFFFF  }
0x5ea: {  	p0 =	sne.s32 s0, $0x0;
	s0 =	rddreg [dreg:$0x3]  }
0x5eb: {  	s0 =	sadd.s32 @!p0 $0x100000, s0  }
0x5ec: {  	[sflag:s0] =	ssyncadd.tile.s32 @!p0 $0x1;
	_ =	shalt  }
.Lfunc_end2:
_tile_overlayer_lowered:
.L_overlay_start_2:
0x5ed: {  	(tag) =	ssettag $0x2  }
0x5ee: {  	s0 =	rddreg [dreg:$0x0];
	s2 =	stileid.u32  }
0x5ef: {  	s1 =	rddreg [dreg:$0x1];
	p0 =	sne.s32 s2, $0x0  }
0x5f0: {  	s3 =	rddreg [dreg:$0x2];
	[bflag:$0x3] =	sbarrier.arrive $0xFFFF;
	s2 =	simm.s32 @!p0 $0x1C06  }
0x5f1: {  	[timem:s3], [sflag:s2] =	dma.local @!p0 [hbm:s0], s1  }
0x5f2: {  	s0 =	simm.s32 @!p0 $0x6  }
0x5f3: {  	_ =	swait.ge @!p0 [sflag:s0], s1  }
0x5f4: {  	s1 =	ssub.s32 @!p0 $0x0, s1;
	[sflag:s0] =	ssyncset.done @!p0 $0x0  }
0x5f5: {  	[sflag:s0] =	ssyncadd.s32 @!p0 s1  }
0x5f6: {  	[bflag:$0x3] =	sbarrier.arrive $0xFFFF  }
0x5f7: {  	_ =	shalt  }

</sc_bundles>
